<compile_context>
chip_gen: v7x
topology: tpu7x:2x2x1
jax: 0.10.2.dev20260603
libtpu: 0.0.44.dev20260713+nightly
codegen_flags: <defaults>
</compile_context>

<pallas_src>
import functools

import jax
import jax.numpy as jnp
from jax import lax
from jax.experimental import pallas as pl
from jax.experimental.pallas import tpu as pltpu
from jax.experimental.pallas import tpu_sc as plsc

_DIM = 4096
_NE = 64
_TOPK = 8
_T = 16384
_BT = 512
_HB = _BT // 2
_CHUNKS = (8192, 8192)

_NC = 2
_NS = 16
_NW = _NC * _NS


def _matmul_body(x_ref, w_ref, o_ref):
    s = lax.dot_general(
        x_ref[...], w_ref[...],
        dimension_numbers=(((1,), (1,)), ((), ())),
        preferred_element_type=jnp.float32,
    )
    o_ref[...] = jnp.concatenate([s[:_HB], s[_HB:]], axis=1)


def _scores_tc(x, weight, rows, row0):
    blk0 = row0 // _BT
    return pl.pallas_call(
        _matmul_body,
        grid=(rows // _BT,),
        in_specs=[
            pl.BlockSpec((_BT, _DIM), lambda i: (blk0 + i, 0)),
            pl.BlockSpec((_NE, _DIM), lambda i: (0, 0)),
        ],
        out_specs=pl.BlockSpec((_HB, 2 * _NE), lambda i: (i, 0)),
        out_shape=jax.ShapeDtypeStruct((rows // 2, 2 * _NE), jnp.float32),
    )(x, weight)


@functools.cache
def _topk_sc(rows):
    pr = rows // 2 // _NW
    if _HB % pr != 0 and pr % _HB != 0:
        pr = _HB
    n_active = rows // 2 // pr
    npass = 1 if pr <= 128 else 2
    pp = pr // npass

    def _topk_body(scores_hbm, wout_hbm, iout_hbm, sbuf, wbuf, ibuf, sem):
        wid = lax.axis_index("s") * _NC + lax.axis_index("c")
        base = wid * pr
        tok0 = (wid * pr // _HB) * _BT + (wid * pr) % _HB

        lanes = lax.iota(jnp.int32, 16)
        in_lo = lanes < 8

        def _merge(ka, va, kb, vb):
            kb_r = lax.rev(kb, (0,))
            vb_r = lax.rev(vb, (0,))
            k = jnp.where(in_lo, ka, kb_r)
            v = jnp.where(in_lo, va, vb_r)
            return plsc.sort_key_val(k, v, descending=True)

        def _top8(p, lane0):
            srt = []
            for j in range(4):
                k = sbuf[p, pl.ds(lane0 + 16 * j, 16)]
                srt.append(
                    plsc.sort_key_val(k, lanes + 16 * j, descending=True))
            k01, v01 = _merge(*srt[0], *srt[1])
            k23, v23 = _merge(*srt[2], *srt[3])
            kf, vf = _merge(k01, v01, k23, v23)
            m = jnp.max(kf)
            e = jnp.exp(kf - m)
            e = jnp.where(in_lo, e, 0.0)
            s = jnp.broadcast_to(jnp.sum(e), (16,))
            return e / s, vf

        @pl.when(wid < n_active)
        def _active():
            for ps in range(npass):
                pltpu.sync_copy(
                    scores_hbm.at[pl.ds(base + ps * pp, pp)], sbuf)

                @plsc.parallel_loop(0, pp, step=1, unroll=8)
                def _rows(p):
                    for lane0, rt in ((0, p), (64, pp + p)):
                        w, v = _top8(p, lane0)
                        rowv = jnp.broadcast_to(rt, (16,))
                        plsc.store_scatter(wbuf, [rowv, lanes], w,
                                           mask=in_lo)
                        plsc.store_scatter(ibuf, [rowv, lanes], v,
                                           mask=in_lo)

                a0 = tok0 + ps * pp
                b0 = a0 + _HB
                hs = [
                    pltpu.async_copy(wbuf.at[pl.ds(0, pp)],
                                     wout_hbm.at[pl.ds(a0, pp)], sem),
                    pltpu.async_copy(wbuf.at[pl.ds(pp, pp)],
                                     wout_hbm.at[pl.ds(b0, pp)], sem),
                    pltpu.async_copy(ibuf.at[pl.ds(0, pp)],
                                     iout_hbm.at[pl.ds(a0, pp)], sem),
                    pltpu.async_copy(ibuf.at[pl.ds(pp, pp)],
                                     iout_hbm.at[pl.ds(b0, pp)], sem),
                ]
                for h in hs:
                    h.wait()

    return pl.kernel(
        _topk_body,
        out_type=(
            jax.ShapeDtypeStruct((rows, _TOPK), jnp.float32),
            jax.ShapeDtypeStruct((rows, _TOPK), jnp.int32),
        ),
        mesh=plsc.VectorSubcoreMesh(core_axis_name="c", subcore_axis_name="s"),
        compiler_params=pltpu.CompilerParams(
            needs_layout_passes=False, use_tc_tiling_on_sc=True),
        scratch_types=[
            pltpu.VMEM((pr // npass, 2 * _NE), jnp.float32),
            pltpu.VMEM((2 * pr // npass, _TOPK), jnp.float32),
            pltpu.VMEM((2 * pr // npass, _TOPK), jnp.int32),
            pltpu.SemaphoreType.DMA,
        ],
    )


def kernel(x, weight):
    outs = []
    row0 = 0
    for crows in _CHUNKS:
        scores = _scores_tc(x, weight, crows, row0)
        outs.append(_topk_sc(crows)(scores))
        row0 += crows
    w8 = jnp.concatenate([o[0] for o in outs], axis=0)
    i8 = jnp.concatenate([o[1] for o in outs], axis=0)
    return (w8, i8)

# --- scband reference (transcript-rebuilt; emitter-appended) ---
"""Pipeline reference for scband-gate-10479720202629 (READ-ONLY COPY).

The authoritative reference and input builder live on the scoring server;
editing this copy changes nothing except your own understanding.
"""

import jax, jax.numpy as jnp
import numpy as np

DIM = 4096
N_EXPERTS = 64
TOPK = 8
ROUTE_SCALE = 1.0
T = 16384


def setup_inputs(seed: int = 0) -> dict:
    key = jax.random.key(seed)
    kx, kw = jax.random.split(key)
    x = jax.random.normal(kx, (T, DIM), dtype=jnp.float32)
    weight = jax.random.normal(kw, (N_EXPERTS, DIM), dtype=jnp.float32) * 0.02
    return {"x": x, "weight": weight}


def reference(x, weight):
    # scores = F.linear(x, weight)
    scores = jnp.dot(x, weight.T)
    # softmax in float32
    scores = jax.nn.softmax(scores.astype(jnp.float32), axis=-1)
    original_scores = scores
    # bias is None (dim != 7168)
    _, indices = jax.lax.top_k(scores, TOPK)
    weights = jnp.take_along_axis(original_scores, indices, axis=1)
    weights = weights / jnp.sum(weights, axis=-1, keepdims=True)
    weights = weights * ROUTE_SCALE
    return (weights.astype(x.dtype), indices)

if __name__ == "__main__":
    import jax
    _d = setup_inputs()
    print(jax.jit(kernel)(*tuple(_d.values())))

</pallas_src>

<mosaic_0001>
#map = affine_map<(d0, d1) -> (0, 0)>
module attributes {stable_mosaic.version = 14 : i64} {
  func.func @_topk_body(%arg0: i32, %arg1: i32, %arg2: memref<4096x128xf32, #tpu.memory_space<hbm>>, %arg3: memref<8192x8xf32, #tpu.memory_space<hbm>>, %arg4: memref<8192x8xi32, #tpu.memory_space<hbm>>, %arg5: memref<128x128xf32, #tpu.memory_space<vmem>>, %arg6: memref<256x8xf32, #tpu.memory_space<vmem>>, %arg7: memref<256x8xi32, #tpu.memory_space<vmem>>, %arg8: memref<!tpu.dma_semaphore, #tpu.memory_space<semaphore_mem>>) attributes {dimension_semantics = [#tpu.dimension_semantics<core_parallel>, #tpu.dimension_semantics<subcore_parallel>], iteration_bounds = array<i64: 2, 16>, scalar_prefetch = 0 : i64, scratch_operands = 4 : i64, tpu.core_type = #tpu.core_type<sc_vector_subcore>, window_params = [{transform_indices = #map}, {transform_indices = #map}, {transform_indices = #map}]} {
    %mul3A = arith.constant 2 : i32
    %mul3A_0 = arith.muli %arg1, %mul3A : i32
    %add3A = arith.addi %mul3A_0, %arg0 : i32
    %mul3A_1 = arith.constant 128 : i32
    %mul3A_2 = arith.muli %add3A, %mul3A_1 : i32
    %mul3A_3 = arith.constant 128 : i32
    %mul3A_4 = arith.muli %add3A, %mul3A_3 : i32
    %jit3A = arith.constant 256 : i32
    %div3A = arith.divsi %mul3A_4, %jit3A : i32
    %sign3A = arith.constant 0 : i32
    %sign3A_5 = arith.cmpi sgt, %mul3A_4, %sign3A : i32
    %sign3A_6 = arith.extui %sign3A_5 : i1 to i32
    %sign3A_7 = arith.constant 0 : i32
    %sign3A_8 = arith.cmpi slt, %mul3A_4, %sign3A_7 : i32
    %sign3A_9 = arith.extui %sign3A_8 : i1 to i32
    %sign3A_10 = arith.subi %sign3A_6, %sign3A_9 : i32
    %sign3A_11 = arith.constant 0 : i32
    %sign3A_12 = arith.cmpi sgt, %jit3A, %sign3A_11 : i32
    %sign3A_13 = arith.extui %sign3A_12 : i1 to i32
    %sign3A_14 = arith.constant 0 : i32
    %sign3A_15 = arith.cmpi slt, %jit3A, %sign3A_14 : i32
    %sign3A_16 = arith.extui %sign3A_15 : i1 to i32
    %sign3A_17 = arith.subi %sign3A_13, %sign3A_16 : i32
    %ne3A = arith.cmpi ne, %sign3A_10, %sign3A_17 : i32
    %rem3A = arith.remsi %mul3A_4, %jit3A : i32
    %ne3A_18 = arith.constant 0 : i32
    %ne3A_19 = arith.cmpi ne, %rem3A, %ne3A_18 : i32
    %and3A = arith.andi %ne3A, %ne3A_19 : i1
    %sub3A = arith.constant 1 : i32
    %sub3A_20 = arith.subi %div3A, %sub3A : i32
    %select_n3A = arith.select %and3A, %sub3A_20, %div3A : i32
    %mul3A_21 = arith.constant 512 : i32
    %mul3A_22 = arith.muli %select_n3A, %mul3A_21 : i32
    %mul3A_23 = arith.constant 128 : i32
    %mul3A_24 = arith.muli %add3A, %mul3A_23 : i32
    %jit3A_25 = arith.constant 256 : i32
    %eq3A = arith.constant 0 : i32
    %eq3A_26 = arith.cmpi eq, %jit3A_25, %eq3A : i32
    %jit3A_27 = arith.constant 1 : i32
    %select_n3A_28 = arith.select %eq3A_26, %jit3A_27, %jit3A_25 : i32
    %rem3A_29 = arith.remsi %mul3A_24, %select_n3A_28 : i32
    %ne3A_30 = arith.constant 0 : i32
    %ne3A_31 = arith.cmpi ne, %rem3A_29, %ne3A_30 : i32
    %lt3A = arith.constant 0 : i32
    %lt3A_32 = arith.cmpi slt, %rem3A_29, %lt3A : i32
    %lt3A_33 = arith.constant 0 : i32
    %lt3A_34 = arith.cmpi slt, %select_n3A_28, %lt3A_33 : i32
    %ne3A_35 = arith.xori %lt3A_32, %lt3A_34 : i1
    %and3A_36 = arith.andi %ne3A_35, %ne3A_31 : i1
    %add3A_37 = arith.addi %rem3A_29, %select_n3A_28 : i32
    %select_n3A_38 = arith.select %and3A_36, %add3A_37, %rem3A_29 : i32
    %add3A_39 = arith.addi %mul3A_22, %select_n3A_38 : i32
    %iota3A = tpu.iota {dimensions = array<i32: 0>} : vector<16xi32>
    %lt3A_40 = arith.constant 8 : i32
    %lt3A_41 = vector.broadcast %lt3A_40 : i32 to vector<16xi32>
    %lt3A_42 = arith.cmpi slt, %iota3A, %lt3A_41 : vector<16xi32>
    %lt3A_43 = arith.constant 32 : i32
    %lt3A_44 = arith.cmpi slt, %add3A, %lt3A_43 : i32
    %convert_element_type3A = arith.extui %lt3A_44 : i1 to i32
    %cond3A = arith.constant 0 : i32
    %cond3A_45 = arith.cmpi ne, %convert_element_type3A, %cond3A : i32
    scf.if %cond3A_45 {
      %add3A_46 = arith.constant 0 : i32
      %add3A_47 = arith.addi %mul3A_2, %add3A_46 : i32
      "tpu.region"() ({
        %run_scoped3A = tpu.sem_alloc : memref<!tpu.dma_semaphore, #tpu.memory_space<semaphore_mem>>
        %dma_start3A_132 = arith.constant 0 : i32
        %dma_start3A_133 = tpu.memref_slice %arg2[%add3A_47, %dma_start3A_132] : memref<4096x128xf32, #tpu.memory_space<hbm>> -> memref<128x128xf32, #tpu.memory_space<hbm>>
        %dma_start3A_134 = arith.constant 0 : i32
        %dma_start3A_135 = tpu.memref_slice %arg2[%add3A_47, %dma_start3A_134] : memref<4096x128xf32, #tpu.memory_space<hbm>> -> memref<128x128xf32, #tpu.memory_space<hbm>>
        tpu.enqueue_dma source(%dma_start3A_135 : memref<128x128xf32, #tpu.memory_space<hbm>>) target(%arg5 : memref<128x128xf32, #tpu.memory_space<vmem>>) target_semaphore(%run_scoped3A : memref<!tpu.dma_semaphore, #tpu.memory_space<semaphore_mem>>)
        %dma_wait3A_136 = arith.constant 0 : i32
        %dma_wait3A_137 = tpu.memref_slice %arg2[%add3A_47, %dma_wait3A_136] : memref<4096x128xf32, #tpu.memory_space<hbm>> -> memref<128x128xf32, #tpu.memory_space<hbm>>
        %dma_wait3A_138 = arith.constant 0 : i32
        %dma_wait3A_139 = tpu.memref_slice %arg2[%add3A_47, %dma_wait3A_138] : memref<4096x128xf32, #tpu.memory_space<hbm>> -> memref<128x128xf32, #tpu.memory_space<hbm>>
        tpu.wait_dma2 semaphore(%run_scoped3A : memref<!tpu.dma_semaphore, #tpu.memory_space<semaphore_mem>>) src(%dma_wait3A_139 : memref<128x128xf32, #tpu.memory_space<hbm>>) dst(%arg5 : memref<128x128xf32, #tpu.memory_space<vmem>>)
        tpu.yield
      }) : () -> ()
      %parallel_loop3A = arith.constant 0 : i32
      %parallel_loop3A_48 = arith.constant 128 : i32
      %parallel_loop3A_49 = arith.constant 1 : i32
      scf.for %parallel_loop3A_132 = %parallel_loop3A to %parallel_loop3A_48 step %parallel_loop3A_49  : i32 {
        %parallel_loop3A_133 = arith.constant 128 : i32
        %parallel_loop3A_134 = arith.addi %parallel_loop3A_133, %parallel_loop3A_132 : i32
        %parallel_loop3A_135 = arith.index_cast %parallel_loop3A_132 : i32 to index
        %parallel_loop3A_136 = arith.constant 0 : index
        %parallel_loop3A_137 = tpu.vector_load %arg5[%parallel_loop3A_135, %parallel_loop3A_136] {strides = array<i32>} : memref<128x128xf32, #tpu.memory_space<vmem>>, vector<16xf32>,
        %parallel_loop3A_138 = arith.constant 0 : i32
        %parallel_loop3A_139 = vector.broadcast %parallel_loop3A_138 : i32 to vector<16xi32>
        %parallel_loop3A_140 = arith.addi %iota3A, %parallel_loop3A_139 : vector<16xi32>
        %parallel_loop3A_141 = arith.constant dense<true> : vector<16xi1>
        %parallel_loop3A_142, %parallel_loop3A_143, %parallel_loop3A_144 = tpu.sort %parallel_loop3A_137, %parallel_loop3A_140 masked %parallel_loop3A_141 {descending = true} : (vector<16xf32>, vector<16xi32>, vector<16xi1>) -> (vector<16xi1>, vector<16xf32>, vector<16xi32>)
        %parallel_loop3A_145 = arith.index_cast %parallel_loop3A_132 : i32 to index
        %parallel_loop3A_146 = arith.constant 16 : index
        %parallel_loop3A_147 = tpu.vector_load %arg5[%parallel_loop3A_145, %parallel_loop3A_146] {strides = array<i32>} : memref<128x128xf32, #tpu.memory_space<vmem>>, vector<16xf32>,
        %parallel_loop3A_148 = arith.constant 16 : i32
        %parallel_loop3A_149 = vector.broadcast %parallel_loop3A_148 : i32 to vector<16xi32>
        %parallel_loop3A_150 = arith.addi %iota3A, %parallel_loop3A_149 : vector<16xi32>
        %parallel_loop3A_151 = arith.constant dense<true> : vector<16xi1>
        %parallel_loop3A_152, %parallel_loop3A_153, %parallel_loop3A_154 = tpu.sort %parallel_loop3A_147, %parallel_loop3A_150 masked %parallel_loop3A_151 {descending = true} : (vector<16xf32>, vector<16xi32>, vector<16xi1>) -> (vector<16xi1>, vector<16xf32>, vector<16xi32>)
        %parallel_loop3A_155 = arith.index_cast %parallel_loop3A_132 : i32 to index
        %parallel_loop3A_156 = arith.constant 32 : index
        %parallel_loop3A_157 = tpu.vector_load %arg5[%parallel_loop3A_155, %parallel_loop3A_156] {strides = array<i32>} : memref<128x128xf32, #tpu.memory_space<vmem>>, vector<16xf32>,
        %parallel_loop3A_158 = arith.constant 32 : i32
        %parallel_loop3A_159 = vector.broadcast %parallel_loop3A_158 : i32 to vector<16xi32>
        %parallel_loop3A_160 = arith.addi %iota3A, %parallel_loop3A_159 : vector<16xi32>
        %parallel_loop3A_161 = arith.constant dense<true> : vector<16xi1>
        %parallel_loop3A_162, %parallel_loop3A_163, %parallel_loop3A_164 = tpu.sort %parallel_loop3A_157, %parallel_loop3A_160 masked %parallel_loop3A_161 {descending = true} : (vector<16xf32>, vector<16xi32>, vector<16xi1>) -> (vector<16xi1>, vector<16xf32>, vector<16xi32>)
        %parallel_loop3A_165 = arith.index_cast %parallel_loop3A_132 : i32 to index
        %parallel_loop3A_166 = arith.constant 48 : index
        %parallel_loop3A_167 = tpu.vector_load %arg5[%parallel_loop3A_165, %parallel_loop3A_166] {strides = array<i32>} : memref<128x128xf32, #tpu.memory_space<vmem>>, vector<16xf32>,
        %parallel_loop3A_168 = arith.constant 48 : i32
        %parallel_loop3A_169 = vector.broadcast %parallel_loop3A_168 : i32 to vector<16xi32>
        %parallel_loop3A_170 = arith.addi %iota3A, %parallel_loop3A_169 : vector<16xi32>
        %parallel_loop3A_171 = arith.constant dense<true> : vector<16xi1>
        %parallel_loop3A_172, %parallel_loop3A_173, %parallel_loop3A_174 = tpu.sort %parallel_loop3A_167, %parallel_loop3A_170 masked %parallel_loop3A_171 {descending = true} : (vector<16xf32>, vector<16xi32>, vector<16xi1>) -> (vector<16xi1>, vector<16xf32>, vector<16xi32>)
        %parallel_loop3A_175 = arith.constant 15 : i32
        %parallel_loop3A_176 = vector.broadcast %parallel_loop3A_175 : i32 to vector<16xi32>
        %parallel_loop3A_177 = tpu.iota {dimensions = array<i32: 0>} : vector<16xi32>
        %parallel_loop3A_178 = arith.subi %parallel_loop3A_176, %parallel_loop3A_177 : vector<16xi32>
        %parallel_loop3A_179 = tpu.dynamic_gather %parallel_loop3A_153[%parallel_loop3A_178] in [0] : vector<16xf32>, vector<16xi32> -> vector<16xf32>
        %parallel_loop3A_180 = arith.constant 15 : i32
        %parallel_loop3A_181 = vector.broadcast %parallel_loop3A_180 : i32 to vector<16xi32>
        %parallel_loop3A_182 = tpu.iota {dimensions = array<i32: 0>} : vector<16xi32>
        %parallel_loop3A_183 = arith.subi %parallel_loop3A_181, %parallel_loop3A_182 : vector<16xi32>
        %parallel_loop3A_184 = tpu.dynamic_gather %parallel_loop3A_154[%parallel_loop3A_183] in [0] : vector<16xi32>, vector<16xi32> -> vector<16xi32>
        %parallel_loop3A_185 = arith.select %lt3A_42, %parallel_loop3A_143, %parallel_loop3A_179 : vector<16xi1>, vector<16xf32>
        %parallel_loop3A_186 = arith.select %lt3A_42, %parallel_loop3A_144, %parallel_loop3A_184 : vector<16xi1>, vector<16xi32>
        %parallel_loop3A_187 = arith.constant dense<true> : vector<16xi1>
        %parallel_loop3A_188, %parallel_loop3A_189, %parallel_loop3A_190 = tpu.sort %parallel_loop3A_185, %parallel_loop3A_186 masked %parallel_loop3A_187 {descending = true} : (vector<16xf32>, vector<16xi32>, vector<16xi1>) -> (vector<16xi1>, vector<16xf32>, vector<16xi32>)
        %parallel_loop3A_191 = arith.constant 15 : i32
        %parallel_loop3A_192 = vector.broadcast %parallel_loop3A_191 : i32 to vector<16xi32>
        %parallel_loop3A_193 = tpu.iota {dimensions = array<i32: 0>} : vector<16xi32>
        %parallel_loop3A_194 = arith.subi %parallel_loop3A_192, %parallel_loop3A_193 : vector<16xi32>
        %parallel_loop3A_195 = tpu.dynamic_gather %parallel_loop3A_173[%parallel_loop3A_194] in [0] : vector<16xf32>, vector<16xi32> -> vector<16xf32>
        %parallel_loop3A_196 = arith.constant 15 : i32
        %parallel_loop3A_197 = vector.broadcast %parallel_loop3A_196 : i32 to vector<16xi32>
        %parallel_loop3A_198 = tpu.iota {dimensions = array<i32: 0>} : vector<16xi32>
        %parallel_loop3A_199 = arith.subi %parallel_loop3A_197, %parallel_loop3A_198 : vector<16xi32>
        %parallel_loop3A_200 = tpu.dynamic_gather %parallel_loop3A_174[%parallel_loop3A_199] in [0] : vector<16xi32>, vector<16xi32> -> vector<16xi32>
        %parallel_loop3A_201 = arith.select %lt3A_42, %parallel_loop3A_163, %parallel_loop3A_195 : vector<16xi1>, vector<16xf32>
        %parallel_loop3A_202 = arith.select %lt3A_42, %parallel_loop3A_164, %parallel_loop3A_200 : vector<16xi1>, vector<16xi32>
        %parallel_loop3A_203 = arith.constant dense<true> : vector<16xi1>
        %parallel_loop3A_204, %parallel_loop3A_205, %parallel_loop3A_206 = tpu.sort %parallel_loop3A_201, %parallel_loop3A_202 masked %parallel_loop3A_203 {descending = true} : (vector<16xf32>, vector<16xi32>, vector<16xi1>) -> (vector<16xi1>, vector<16xf32>, vector<16xi32>)
        %parallel_loop3A_207 = arith.constant 15 : i32
        %parallel_loop3A_208 = vector.broadcast %parallel_loop3A_207 : i32 to vector<16xi32>
        %parallel_loop3A_209 = tpu.iota {dimensions = array<i32: 0>} : vector<16xi32>
        %parallel_loop3A_210 = arith.subi %parallel_loop3A_208, %parallel_loop3A_209 : vector<16xi32>
        %parallel_loop3A_211 = tpu.dynamic_gather %parallel_loop3A_205[%parallel_loop3A_210] in [0] : vector<16xf32>, vector<16xi32> -> vector<16xf32>
        %parallel_loop3A_212 = arith.constant 15 : i32
        %parallel_loop3A_213 = vector.broadcast %parallel_loop3A_212 : i32 to vector<16xi32>
        %parallel_loop3A_214 = tpu.iota {dimensions = array<i32: 0>} : vector<16xi32>
        %parallel_loop3A_215 = arith.subi %parallel_loop3A_213, %parallel_loop3A_214 : vector<16xi32>
        %parallel_loop3A_216 = tpu.dynamic_gather %parallel_loop3A_206[%parallel_loop3A_215] in [0] : vector<16xi32>, vector<16xi32> -> vector<16xi32>
        %parallel_loop3A_217 = arith.select %lt3A_42, %parallel_loop3A_189, %parallel_loop3A_211 : vector<16xi1>, vector<16xf32>
        %parallel_loop3A_218 = arith.select %lt3A_42, %parallel_loop3A_190, %parallel_loop3A_216 : vector<16xi1>, vector<16xi32>
        %parallel_loop3A_219 = arith.constant dense<true> : vector<16xi1>
        %parallel_loop3A_220, %parallel_loop3A_221, %parallel_loop3A_222 = tpu.sort %parallel_loop3A_217, %parallel_loop3A_218 masked %parallel_loop3A_219 {descending = true} : (vector<16xf32>, vector<16xi32>, vector<16xi1>) -> (vector<16xi1>, vector<16xf32>, vector<16xi32>)
        %parallel_loop3A_223 = arith.constant true
        %parallel_loop3A_224 = vector.broadcast %parallel_loop3A_223 : i1 to vector<16xi1>
        %parallel_loop3A_225 = tpu.scan <max>, %parallel_loop3A_221 masked %parallel_loop3A_224 : vector<16xf32>, vector<16xi1> -> vector<16xf32>
        %parallel_loop3A_226 = vector.extract %parallel_loop3A_225[15] : f32 from vector<16xf32>
        %parallel_loop3A_227 = vector.broadcast %parallel_loop3A_226 : f32 to vector<16xf32>
        %parallel_loop3A_228 = arith.subf %parallel_loop3A_221, %parallel_loop3A_227 : vector<16xf32>
        %parallel_loop3A_229 = math.exp %parallel_loop3A_228 : vector<16xf32>
        %parallel_loop3A_230 = arith.constant 0.000000e+00 : f32
        %parallel_loop3A_231 = vector.broadcast %parallel_loop3A_230 : f32 to vector<16xf32>
        %parallel_loop3A_232 = arith.select %lt3A_42, %parallel_loop3A_229, %parallel_loop3A_231 : vector<16xi1>, vector<16xf32>
        %parallel_loop3A_233 = arith.constant true
        %parallel_loop3A_234 = vector.broadcast %parallel_loop3A_233 : i1 to vector<16xi1>
        %parallel_loop3A_235 = tpu.scan <sum>, %parallel_loop3A_232 masked %parallel_loop3A_234 : vector<16xf32>, vector<16xi1> -> vector<16xf32>
        %parallel_loop3A_236 = vector.extract %parallel_loop3A_235[15] : f32 from vector<16xf32>
        %parallel_loop3A_237 = vector.broadcast %parallel_loop3A_236 : f32 to vector<16xf32>
        %parallel_loop3A_238 = arith.divf %parallel_loop3A_232, %parallel_loop3A_237 : vector<16xf32>
        %parallel_loop3A_239 = vector.broadcast %parallel_loop3A_132 : i32 to vector<16xi32>
        tpu.vector_store_idx %arg6[%parallel_loop3A_239, %iota3A], %parallel_loop3A_238 masked %lt3A_42 : memref<256x8xf32, #tpu.memory_space<vmem>>[vector<16xi32>, vector<16xi32>], vector<16xf32>, vector<16xi1>
        tpu.vector_store_idx %arg7[%parallel_loop3A_239, %iota3A], %parallel_loop3A_222 masked %lt3A_42 : memref<256x8xi32, #tpu.memory_space<vmem>>[vector<16xi32>, vector<16xi32>], vector<16xi32>, vector<16xi1>
        %parallel_loop3A_240 = arith.index_cast %parallel_loop3A_132 : i32 to index
        %parallel_loop3A_241 = arith.constant 64 : index
        %parallel_loop3A_242 = tpu.vector_load %arg5[%parallel_loop3A_240, %parallel_loop3A_241] {strides = array<i32>} : memref<128x128xf32, #tpu.memory_space<vmem>>, vector<16xf32>,
        %parallel_loop3A_243 = arith.constant 0 : i32
        %parallel_loop3A_244 = vector.broadcast %parallel_loop3A_243 : i32 to vector<16xi32>
        %parallel_loop3A_245 = arith.addi %iota3A, %parallel_loop3A_244 : vector<16xi32>
        %parallel_loop3A_246 = arith.constant dense<true> : vector<16xi1>
        %parallel_loop3A_247, %parallel_loop3A_248, %parallel_loop3A_249 = tpu.sort %parallel_loop3A_242, %parallel_loop3A_245 masked %parallel_loop3A_246 {descending = true} : (vector<16xf32>, vector<16xi32>, vector<16xi1>) -> (vector<16xi1>, vector<16xf32>, vector<16xi32>)
        %parallel_loop3A_250 = arith.index_cast %parallel_loop3A_132 : i32 to index
        %parallel_loop3A_251 = arith.constant 80 : index
        %parallel_loop3A_252 = tpu.vector_load %arg5[%parallel_loop3A_250, %parallel_loop3A_251] {strides = array<i32>} : memref<128x128xf32, #tpu.memory_space<vmem>>, vector<16xf32>,
        %parallel_loop3A_253 = arith.constant 16 : i32
        %parallel_loop3A_254 = vector.broadcast %parallel_loop3A_253 : i32 to vector<16xi32>
        %parallel_loop3A_255 = arith.addi %iota3A, %parallel_loop3A_254 : vector<16xi32>
        %parallel_loop3A_256 = arith.constant dense<true> : vector<16xi1>
        %parallel_loop3A_257, %parallel_loop3A_258, %parallel_loop3A_259 = tpu.sort %parallel_loop3A_252, %parallel_loop3A_255 masked %parallel_loop3A_256 {descending = true} : (vector<16xf32>, vector<16xi32>, vector<16xi1>) -> (vector<16xi1>, vector<16xf32>, vector<16xi32>)
        %parallel_loop3A_260 = arith.index_cast %parallel_loop3A_132 : i32 to index
        %parallel_loop3A_261 = arith.constant 96 : index
        %parallel_loop3A_262 = tpu.vector_load %arg5[%parallel_loop3A_260, %parallel_loop3A_261] {strides = array<i32>} : memref<128x128xf32, #tpu.memory_space<vmem>>, vector<16xf32>,
        %parallel_loop3A_263 = arith.constant 32 : i32
        %parallel_loop3A_264 = vector.broadcast %parallel_loop3A_263 : i32 to vector<16xi32>
        %parallel_loop3A_265 = arith.addi %iota3A, %parallel_loop3A_264 : vector<16xi32>
        %parallel_loop3A_266 = arith.constant dense<true> : vector<16xi1>
        %parallel_loop3A_267, %parallel_loop3A_268, %parallel_loop3A_269 = tpu.sort %parallel_loop3A_262, %parallel_loop3A_265 masked %parallel_loop3A_266 {descending = true} : (vector<16xf32>, vector<16xi32>, vector<16xi1>) -> (vector<16xi1>, vector<16xf32>, vector<16xi32>)
        %parallel_loop3A_270 = arith.index_cast %parallel_loop3A_132 : i32 to index
        %parallel_loop3A_271 = arith.constant 112 : index
        %parallel_loop3A_272 = tpu.vector_load %arg5[%parallel_loop3A_270, %parallel_loop3A_271] {strides = array<i32>} : memref<128x128xf32, #tpu.memory_space<vmem>>, vector<16xf32>,
        %parallel_loop3A_273 = arith.constant 48 : i32
        %parallel_loop3A_274 = vector.broadcast %parallel_loop3A_273 : i32 to vector<16xi32>
        %parallel_loop3A_275 = arith.addi %iota3A, %parallel_loop3A_274 : vector<16xi32>
        %parallel_loop3A_276 = arith.constant dense<true> : vector<16xi1>
        %parallel_loop3A_277, %parallel_loop3A_278, %parallel_loop3A_279 = tpu.sort %parallel_loop3A_272, %parallel_loop3A_275 masked %parallel_loop3A_276 {descending = true} : (vector<16xf32>, vector<16xi32>, vector<16xi1>) -> (vector<16xi1>, vector<16xf32>, vector<16xi32>)
        %parallel_loop3A_280 = arith.constant 15 : i32
        %parallel_loop3A_281 = vector.broadcast %parallel_loop3A_280 : i32 to vector<16xi32>
        %parallel_loop3A_282 = tpu.iota {dimensions = array<i32: 0>} : vector<16xi32>
        %parallel_loop3A_283 = arith.subi %parallel_loop3A_281, %parallel_loop3A_282 : vector<16xi32>
        %parallel_loop3A_284 = tpu.dynamic_gather %parallel_loop3A_258[%parallel_loop3A_283] in [0] : vector<16xf32>, vector<16xi32> -> vector<16xf32>
        %parallel_loop3A_285 = arith.constant 15 : i32
        %parallel_loop3A_286 = vector.broadcast %parallel_loop3A_285 : i32 to vector<16xi32>
        %parallel_loop3A_287 = tpu.iota {dimensions = array<i32: 0>} : vector<16xi32>
        %parallel_loop3A_288 = arith.subi %parallel_loop3A_286, %parallel_loop3A_287 : vector<16xi32>
        %parallel_loop3A_289 = tpu.dynamic_gather %parallel_loop3A_259[%parallel_loop3A_288] in [0] : vector<16xi32>, vector<16xi32> -> vector<16xi32>
        %parallel_loop3A_290 = arith.select %lt3A_42, %parallel_loop3A_248, %parallel_loop3A_284 : vector<16xi1>, vector<16xf32>
        %parallel_loop3A_291 = arith.select %lt3A_42, %parallel_loop3A_249, %parallel_loop3A_289 : vector<16xi1>, vector<16xi32>
        %parallel_loop3A_292 = arith.constant dense<true> : vector<16xi1>
        %parallel_loop3A_293, %parallel_loop3A_294, %parallel_loop3A_295 = tpu.sort %parallel_loop3A_290, %parallel_loop3A_291 masked %parallel_loop3A_292 {descending = true} : (vector<16xf32>, vector<16xi32>, vector<16xi1>) -> (vector<16xi1>, vector<16xf32>, vector<16xi32>)
        %parallel_loop3A_296 = arith.constant 15 : i32
        %parallel_loop3A_297 = vector.broadcast %parallel_loop3A_296 : i32 to vector<16xi32>
        %parallel_loop3A_298 = tpu.iota {dimensions = array<i32: 0>} : vector<16xi32>
        %parallel_loop3A_299 = arith.subi %parallel_loop3A_297, %parallel_loop3A_298 : vector<16xi32>
        %parallel_loop3A_300 = tpu.dynamic_gather %parallel_loop3A_278[%parallel_loop3A_299] in [0] : vector<16xf32>, vector<16xi32> -> vector<16xf32>
        %parallel_loop3A_301 = arith.constant 15 : i32
        %parallel_loop3A_302 = vector.broadcast %parallel_loop3A_301 : i32 to vector<16xi32>
        %parallel_loop3A_303 = tpu.iota {dimensions = array<i32: 0>} : vector<16xi32>
        %parallel_loop3A_304 = arith.subi %parallel_loop3A_302, %parallel_loop3A_303 : vector<16xi32>
        %parallel_loop3A_305 = tpu.dynamic_gather %parallel_loop3A_279[%parallel_loop3A_304] in [0] : vector<16xi32>, vector<16xi32> -> vector<16xi32>
        %parallel_loop3A_306 = arith.select %lt3A_42, %parallel_loop3A_268, %parallel_loop3A_300 : vector<16xi1>, vector<16xf32>
        %parallel_loop3A_307 = arith.select %lt3A_42, %parallel_loop3A_269, %parallel_loop3A_305 : vector<16xi1>, vector<16xi32>
        %parallel_loop3A_308 = arith.constant dense<true> : vector<16xi1>
        %parallel_loop3A_309, %parallel_loop3A_310, %parallel_loop3A_311 = tpu.sort %parallel_loop3A_306, %parallel_loop3A_307 masked %parallel_loop3A_308 {descending = true} : (vector<16xf32>, vector<16xi32>, vector<16xi1>) -> (vector<16xi1>, vector<16xf32>, vector<16xi32>)
        %parallel_loop3A_312 = arith.constant 15 : i32
        %parallel_loop3A_313 = vector.broadcast %parallel_loop3A_312 : i32 to vector<16xi32>
        %parallel_loop3A_314 = tpu.iota {dimensions = array<i32: 0>} : vector<16xi32>
        %parallel_loop3A_315 = arith.subi %parallel_loop3A_313, %parallel_loop3A_314 : vector<16xi32>
        %parallel_loop3A_316 = tpu.dynamic_gather %parallel_loop3A_310[%parallel_loop3A_315] in [0] : vector<16xf32>, vector<16xi32> -> vector<16xf32>
        %parallel_loop3A_317 = arith.constant 15 : i32
        %parallel_loop3A_318 = vector.broadcast %parallel_loop3A_317 : i32 to vector<16xi32>
        %parallel_loop3A_319 = tpu.iota {dimensions = array<i32: 0>} : vector<16xi32>
        %parallel_loop3A_320 = arith.subi %parallel_loop3A_318, %parallel_loop3A_319 : vector<16xi32>
        %parallel_loop3A_321 = tpu.dynamic_gather %parallel_loop3A_311[%parallel_loop3A_320] in [0] : vector<16xi32>, vector<16xi32> -> vector<16xi32>
        %parallel_loop3A_322 = arith.select %lt3A_42, %parallel_loop3A_294, %parallel_loop3A_316 : vector<16xi1>, vector<16xf32>
        %parallel_loop3A_323 = arith.select %lt3A_42, %parallel_loop3A_295, %parallel_loop3A_321 : vector<16xi1>, vector<16xi32>
        %parallel_loop3A_324 = arith.constant dense<true> : vector<16xi1>
        %parallel_loop3A_325, %parallel_loop3A_326, %parallel_loop3A_327 = tpu.sort %parallel_loop3A_322, %parallel_loop3A_323 masked %parallel_loop3A_324 {descending = true} : (vector<16xf32>, vector<16xi32>, vector<16xi1>) -> (vector<16xi1>, vector<16xf32>, vector<16xi32>)
        %parallel_loop3A_328 = arith.constant true
        %parallel_loop3A_329 = vector.broadcast %parallel_loop3A_328 : i1 to vector<16xi1>
        %parallel_loop3A_330 = tpu.scan <max>, %parallel_loop3A_326 masked %parallel_loop3A_329 : vector<16xf32>, vector<16xi1> -> vector<16xf32>
        %parallel_loop3A_331 = vector.extract %parallel_loop3A_330[15] : f32 from vector<16xf32>
        %parallel_loop3A_332 = vector.broadcast %parallel_loop3A_331 : f32 to vector<16xf32>
        %parallel_loop3A_333 = arith.subf %parallel_loop3A_326, %parallel_loop3A_332 : vector<16xf32>
        %parallel_loop3A_334 = math.exp %parallel_loop3A_333 : vector<16xf32>
        %parallel_loop3A_335 = arith.constant 0.000000e+00 : f32
        %parallel_loop3A_336 = vector.broadcast %parallel_loop3A_335 : f32 to vector<16xf32>
        %parallel_loop3A_337 = arith.select %lt3A_42, %parallel_loop3A_334, %parallel_loop3A_336 : vector<16xi1>, vector<16xf32>
        %parallel_loop3A_338 = arith.constant true
        %parallel_loop3A_339 = vector.broadcast %parallel_loop3A_338 : i1 to vector<16xi1>
        %parallel_loop3A_340 = tpu.scan <sum>, %parallel_loop3A_337 masked %parallel_loop3A_339 : vector<16xf32>, vector<16xi1> -> vector<16xf32>
        %parallel_loop3A_341 = vector.extract %parallel_loop3A_340[15] : f32 from vector<16xf32>
        %parallel_loop3A_342 = vector.broadcast %parallel_loop3A_341 : f32 to vector<16xf32>
        %parallel_loop3A_343 = arith.divf %parallel_loop3A_337, %parallel_loop3A_342 : vector<16xf32>
        %parallel_loop3A_344 = vector.broadcast %parallel_loop3A_134 : i32 to vector<16xi32>
        tpu.vector_store_idx %arg6[%parallel_loop3A_344, %iota3A], %parallel_loop3A_343 masked %lt3A_42 : memref<256x8xf32, #tpu.memory_space<vmem>>[vector<16xi32>, vector<16xi32>], vector<16xf32>, vector<16xi1>
        tpu.vector_store_idx %arg7[%parallel_loop3A_344, %iota3A], %parallel_loop3A_327 masked %lt3A_42 : memref<256x8xi32, #tpu.memory_space<vmem>>[vector<16xi32>, vector<16xi32>], vector<16xi32>, vector<16xi1>
      } {sc.loop_unroll_factor = 8 : i64, sc.parallel_access}
      %add3A_50 = arith.constant 0 : i32
      %add3A_51 = arith.addi %add3A_39, %add3A_50 : i32
      %add3A_52 = arith.constant 256 : i32
      %add3A_53 = arith.addi %add3A_51, %add3A_52 : i32
      %dma_start3A = arith.constant 0 : i32
      %dma_start3A_54 = arith.constant 0 : i32
      %dma_start3A_55 = tpu.memref_slice %arg6[%dma_start3A, %dma_start3A_54] : memref<256x8xf32, #tpu.memory_space<vmem>> -> memref<128x8xf32, #tpu.memory_space<vmem>>
      %dma_start3A_56 = arith.constant 0 : i32
      %dma_start3A_57 = tpu.memref_slice %arg3[%add3A_51, %dma_start3A_56] : memref<8192x8xf32, #tpu.memory_space<hbm>> -> memref<128x8xf32, #tpu.memory_space<hbm>>
      %dma_start3A_58 = arith.constant 0 : i32
      %dma_start3A_59 = tpu.memref_slice %arg3[%add3A_51, %dma_start3A_58] : memref<8192x8xf32, #tpu.memory_space<hbm>> -> memref<128x8xf32, #tpu.memory_space<hbm>>
      %dma_start3A_60 = arith.constant 0 : i32
      %dma_start3A_61 = arith.constant 0 : i32
      %dma_start3A_62 = tpu.memref_slice %arg6[%dma_start3A_60, %dma_start3A_61] : memref<256x8xf32, #tpu.memory_space<vmem>> -> memref<128x8xf32, #tpu.memory_space<vmem>>
      tpu.enqueue_dma source(%dma_start3A_62 : memref<128x8xf32, #tpu.memory_space<vmem>>) target(%dma_start3A_59 : memref<128x8xf32, #tpu.memory_space<hbm>>) target_semaphore(%arg8 : memref<!tpu.dma_semaphore, #tpu.memory_space<semaphore_mem>>)
      %dma_start3A_63 = arith.constant 128 : i32
      %dma_start3A_64 = arith.constant 0 : i32
      %dma_start3A_65 = tpu.memref_slice %arg6[%dma_start3A_63, %dma_start3A_64] : memref<256x8xf32, #tpu.memory_space<vmem>> -> memref<128x8xf32, #tpu.memory_space<vmem>>
      %dma_start3A_66 = arith.constant 0 : i32
      %dma_start3A_67 = tpu.memref_slice %arg3[%add3A_53, %dma_start3A_66] : memref<8192x8xf32, #tpu.memory_space<hbm>> -> memref<128x8xf32, #tpu.memory_space<hbm>>
      %dma_start3A_68 = arith.constant 0 : i32
      %dma_start3A_69 = tpu.memref_slice %arg3[%add3A_53, %dma_start3A_68] : memref<8192x8xf32, #tpu.memory_space<hbm>> -> memref<128x8xf32, #tpu.memory_space<hbm>>
      %dma_start3A_70 = arith.constant 128 : i32
      %dma_start3A_71 = arith.constant 0 : i32
      %dma_start3A_72 = tpu.memref_slice %arg6[%dma_start3A_70, %dma_start3A_71] : memref<256x8xf32, #tpu.memory_space<vmem>> -> memref<128x8xf32, #tpu.memory_space<vmem>>
      tpu.enqueue_dma source(%dma_start3A_72 : memref<128x8xf32, #tpu.memory_space<vmem>>) target(%dma_start3A_69 : memref<128x8xf32, #tpu.memory_space<hbm>>) target_semaphore(%arg8 : memref<!tpu.dma_semaphore, #tpu.memory_space<semaphore_mem>>)
      %dma_start3A_73 = arith.constant 0 : i32
      %dma_start3A_74 = arith.constant 0 : i32
      %dma_start3A_75 = tpu.memref_slice %arg7[%dma_start3A_73, %dma_start3A_74] : memref<256x8xi32, #tpu.memory_space<vmem>> -> memref<128x8xi32, #tpu.memory_space<vmem>>
      %dma_start3A_76 = arith.constant 0 : i32
      %dma_start3A_77 = tpu.memref_slice %arg4[%add3A_51, %dma_start3A_76] : memref<8192x8xi32, #tpu.memory_space<hbm>> -> memref<128x8xi32, #tpu.memory_space<hbm>>
      %dma_start3A_78 = arith.constant 0 : i32
      %dma_start3A_79 = tpu.memref_slice %arg4[%add3A_51, %dma_start3A_78] : memref<8192x8xi32, #tpu.memory_space<hbm>> -> memref<128x8xi32, #tpu.memory_space<hbm>>
      %dma_start3A_80 = arith.constant 0 : i32
      %dma_start3A_81 = arith.constant 0 : i32
      %dma_start3A_82 = tpu.memref_slice %arg7[%dma_start3A_80, %dma_start3A_81] : memref<256x8xi32, #tpu.memory_space<vmem>> -> memref<128x8xi32, #tpu.memory_space<vmem>>
      tpu.enqueue_dma source(%dma_start3A_82 : memref<128x8xi32, #tpu.memory_space<vmem>>) target(%dma_start3A_79 : memref<128x8xi32, #tpu.memory_space<hbm>>) target_semaphore(%arg8 : memref<!tpu.dma_semaphore, #tpu.memory_space<semaphore_mem>>)
      %dma_start3A_83 = arith.constant 128 : i32
      %dma_start3A_84 = arith.constant 0 : i32
      %dma_start3A_85 = tpu.memref_slice %arg7[%dma_start3A_83, %dma_start3A_84] : memref<256x8xi32, #tpu.memory_space<vmem>> -> memref<128x8xi32, #tpu.memory_space<vmem>>
      %dma_start3A_86 = arith.constant 0 : i32
      %dma_start3A_87 = tpu.memref_slice %arg4[%add3A_53, %dma_start3A_86] : memref<8192x8xi32, #tpu.memory_space<hbm>> -> memref<128x8xi32, #tpu.memory_space<hbm>>
      %dma_start3A_88 = arith.constant 0 : i32
      %dma_start3A_89 = tpu.memref_slice %arg4[%add3A_53, %dma_start3A_88] : memref<8192x8xi32, #tpu.memory_space<hbm>> -> memref<128x8xi32, #tpu.memory_space<hbm>>
      %dma_start3A_90 = arith.constant 128 : i32
      %dma_start3A_91 = arith.constant 0 : i32
      %dma_start3A_92 = tpu.memref_slice %arg7[%dma_start3A_90, %dma_start3A_91] : memref<256x8xi32, #tpu.memory_space<vmem>> -> memref<128x8xi32, #tpu.memory_space<vmem>>
      tpu.enqueue_dma source(%dma_start3A_92 : memref<128x8xi32, #tpu.memory_space<vmem>>) target(%dma_start3A_89 : memref<128x8xi32, #tpu.memory_space<hbm>>) target_semaphore(%arg8 : memref<!tpu.dma_semaphore, #tpu.memory_space<semaphore_mem>>)
      %dma_wait3A = arith.constant 0 : i32
      %dma_wait3A_93 = arith.constant 0 : i32
      %dma_wait3A_94 = tpu.memref_slice %arg6[%dma_wait3A, %dma_wait3A_93] : memref<256x8xf32, #tpu.memory_space<vmem>> -> memref<128x8xf32, #tpu.memory_space<vmem>>
      %dma_wait3A_95 = arith.constant 0 : i32
      %dma_wait3A_96 = tpu.memref_slice %arg3[%add3A_51, %dma_wait3A_95] : memref<8192x8xf32, #tpu.memory_space<hbm>> -> memref<128x8xf32, #tpu.memory_space<hbm>>
      %dma_wait3A_97 = arith.constant 0 : i32
      %dma_wait3A_98 = tpu.memref_slice %arg3[%add3A_51, %dma_wait3A_97] : memref<8192x8xf32, #tpu.memory_space<hbm>> -> memref<128x8xf32, #tpu.memory_space<hbm>>
      %dma_wait3A_99 = arith.constant 0 : i32
      %dma_wait3A_100 = arith.constant 0 : i32
      %dma_wait3A_101 = tpu.memref_slice %arg6[%dma_wait3A_99, %dma_wait3A_100] : memref<256x8xf32, #tpu.memory_space<vmem>> -> memref<128x8xf32, #tpu.memory_space<vmem>>
      tpu.wait_dma2 semaphore(%arg8 : memref<!tpu.dma_semaphore, #tpu.memory_space<semaphore_mem>>) src(%dma_wait3A_101 : memref<128x8xf32, #tpu.memory_space<vmem>>) dst(%dma_wait3A_98 : memref<128x8xf32, #tpu.memory_space<hbm>>)
      %dma_wait3A_102 = arith.constant 128 : i32
      %dma_wait3A_103 = arith.constant 0 : i32
      %dma_wait3A_104 = tpu.memref_slice %arg6[%dma_wait3A_102, %dma_wait3A_103] : memref<256x8xf32, #tpu.memory_space<vmem>> -> memref<128x8xf32, #tpu.memory_space<vmem>>
      %dma_wait3A_105 = arith.constant 0 : i32
      %dma_wait3A_106 = tpu.memref_slice %arg3[%add3A_53, %dma_wait3A_105] : memref<8192x8xf32, #tpu.memory_space<hbm>> -> memref<128x8xf32, #tpu.memory_space<hbm>>
      %dma_wait3A_107 = arith.constant 0 : i32
      %dma_wait3A_108 = tpu.memref_slice %arg3[%add3A_53, %dma_wait3A_107] : memref<8192x8xf32, #tpu.memory_space<hbm>> -> memref<128x8xf32, #tpu.memory_space<hbm>>
      %dma_wait3A_109 = arith.constant 128 : i32
      %dma_wait3A_110 = arith.constant 0 : i32
      %dma_wait3A_111 = tpu.memref_slice %arg6[%dma_wait3A_109, %dma_wait3A_110] : memref<256x8xf32, #tpu.memory_space<vmem>> -> memref<128x8xf32, #tpu.memory_space<vmem>>
      tpu.wait_dma2 semaphore(%arg8 : memref<!tpu.dma_semaphore, #tpu.memory_space<semaphore_mem>>) src(%dma_wait3A_111 : memref<128x8xf32, #tpu.memory_space<vmem>>) dst(%dma_wait3A_108 : memref<128x8xf32, #tpu.memory_space<hbm>>)
      %dma_wait3A_112 = arith.constant 0 : i32
      %dma_wait3A_113 = arith.constant 0 : i32
      %dma_wait3A_114 = tpu.memref_slice %arg7[%dma_wait3A_112, %dma_wait3A_113] : memref<256x8xi32, #tpu.memory_space<vmem>> -> memref<128x8xi32, #tpu.memory_space<vmem>>
      %dma_wait3A_115 = arith.constant 0 : i32
      %dma_wait3A_116 = tpu.memref_slice %arg4[%add3A_51, %dma_wait3A_115] : memref<8192x8xi32, #tpu.memory_space<hbm>> -> memref<128x8xi32, #tpu.memory_space<hbm>>
      %dma_wait3A_117 = arith.constant 0 : i32
      %dma_wait3A_118 = tpu.memref_slice %arg4[%add3A_51, %dma_wait3A_117] : memref<8192x8xi32, #tpu.memory_space<hbm>> -> memref<128x8xi32, #tpu.memory_space<hbm>>
      %dma_wait3A_119 = arith.constant 0 : i32
      %dma_wait3A_120 = arith.constant 0 : i32
      %dma_wait3A_121 = tpu.memref_slice %arg7[%dma_wait3A_119, %dma_wait3A_120] : memref<256x8xi32, #tpu.memory_space<vmem>> -> memref<128x8xi32, #tpu.memory_space<vmem>>
      tpu.wait_dma2 semaphore(%arg8 : memref<!tpu.dma_semaphore, #tpu.memory_space<semaphore_mem>>) src(%dma_wait3A_121 : memref<128x8xi32, #tpu.memory_space<vmem>>) dst(%dma_wait3A_118 : memref<128x8xi32, #tpu.memory_space<hbm>>)
      %dma_wait3A_122 = arith.constant 128 : i32
      %dma_wait3A_123 = arith.constant 0 : i32
      %dma_wait3A_124 = tpu.memref_slice %arg7[%dma_wait3A_122, %dma_wait3A_123] : memref<256x8xi32, #tpu.memory_space<vmem>> -> memref<128x8xi32, #tpu.memory_space<vmem>>
      %dma_wait3A_125 = arith.constant 0 : i32
      %dma_wait3A_126 = tpu.memref_slice %arg4[%add3A_53, %dma_wait3A_125] : memref<8192x8xi32, #tpu.memory_space<hbm>> -> memref<128x8xi32, #tpu.memory_space<hbm>>
      %dma_wait3A_127 = arith.constant 0 : i32
      %dma_wait3A_128 = tpu.memref_slice %arg4[%add3A_53, %dma_wait3A_127] : memref<8192x8xi32, #tpu.memory_space<hbm>> -> memref<128x8xi32, #tpu.memory_space<hbm>>
      %dma_wait3A_129 = arith.constant 128 : i32
      %dma_wait3A_130 = arith.constant 0 : i32
      %dma_wait3A_131 = tpu.memref_slice %arg7[%dma_wait3A_129, %dma_wait3A_130] : memref<256x8xi32, #tpu.memory_space<vmem>> -> memref<128x8xi32, #tpu.memory_space<vmem>>
      tpu.wait_dma2 semaphore(%arg8 : memref<!tpu.dma_semaphore, #tpu.memory_space<semaphore_mem>>) src(%dma_wait3A_131 : memref<128x8xi32, #tpu.memory_space<vmem>>) dst(%dma_wait3A_128 : memref<128x8xi32, #tpu.memory_space<hbm>>)
    } else {
    }
    return
  }
}

#map = affine_map<(d0, d1) -> (0, 0)>
module attributes {stable_mosaic.version = 14 : i64} {
  func.func @_topk_body(%arg0: i32, %arg1: i32, %arg2: memref<4096x128xf32, #tpu.memory_space<hbm>>, %arg3: memref<8192x8xf32, #tpu.memory_space<hbm>>, %arg4: memref<8192x8xi32, #tpu.memory_space<hbm>>, %arg5: memref<128x128xf32, #tpu.memory_space<vmem>>, %arg6: memref<256x8xf32, #tpu.memory_space<vmem>>, %arg7: memref<256x8xi32, #tpu.memory_space<vmem>>, %arg8: memref<!tpu.dma_semaphore, #tpu.memory_space<semaphore_mem>>) attributes {dimension_semantics = [#tpu.dimension_semantics<core_parallel>, #tpu.dimension_semantics<subcore_parallel>], iteration_bounds = array<i64: 2, 16>, scalar_prefetch = 0 : i64, scratch_operands = 4 : i64, tpu.core_type = #tpu.core_type<sc_vector_subcore>, window_params = [{transform_indices = #map}, {transform_indices = #map}, {transform_indices = #map}]} {
    %mul3A = arith.constant 2 : i32
    %mul3A_0 = arith.muli %arg1, %mul3A : i32
    %add3A = arith.addi %mul3A_0, %arg0 : i32
    %mul3A_1 = arith.constant 128 : i32
    %mul3A_2 = arith.muli %add3A, %mul3A_1 : i32
    %mul3A_3 = arith.constant 128 : i32
    %mul3A_4 = arith.muli %add3A, %mul3A_3 : i32
    %jit3A = arith.constant 256 : i32
    %div3A = arith.divsi %mul3A_4, %jit3A : i32
    %sign3A = arith.constant 0 : i32
    %sign3A_5 = arith.cmpi sgt, %mul3A_4, %sign3A : i32
    %sign3A_6 = arith.extui %sign3A_5 : i1 to i32
    %sign3A_7 = arith.constant 0 : i32
    %sign3A_8 = arith.cmpi slt, %mul3A_4, %sign3A_7 : i32
    %sign3A_9 = arith.extui %sign3A_8 : i1 to i32
    %sign3A_10 = arith.subi %sign3A_6, %sign3A_9 : i32
    %sign3A_11 = arith.constant 0 : i32
    %sign3A_12 = arith.cmpi sgt, %jit3A, %sign3A_11 : i32
    %sign3A_13 = arith.extui %sign3A_12 : i1 to i32
    %sign3A_14 = arith.constant 0 : i32
    %sign3A_15 = arith.cmpi slt, %jit3A, %sign3A_14 : i32
    %sign3A_16 = arith.extui %sign3A_15 : i1 to i32
    %sign3A_17 = arith.subi %sign3A_13, %sign3A_16 : i32
    %ne3A = arith.cmpi ne, %sign3A_10, %sign3A_17 : i32
    %rem3A = arith.remsi %mul3A_4, %jit3A : i32
    %ne3A_18 = arith.constant 0 : i32
    %ne3A_19 = arith.cmpi ne, %rem3A, %ne3A_18 : i32
    %and3A = arith.andi %ne3A, %ne3A_19 : i1
    %sub3A = arith.constant 1 : i32
    %sub3A_20 = arith.subi %div3A, %sub3A : i32
    %select_n3A = arith.select %and3A, %sub3A_20, %div3A : i32
    %mul3A_21 = arith.constant 512 : i32
    %mul3A_22 = arith.muli %select_n3A, %mul3A_21 : i32
    %mul3A_23 = arith.constant 128 : i32
    %mul3A_24 = arith.muli %add3A, %mul3A_23 : i32
    %jit3A_25 = arith.constant 256 : i32
    %eq3A = arith.constant 0 : i32
    %eq3A_26 = arith.cmpi eq, %jit3A_25, %eq3A : i32
    %jit3A_27 = arith.constant 1 : i32
    %select_n3A_28 = arith.select %eq3A_26, %jit3A_27, %jit3A_25 : i32
    %rem3A_29 = arith.remsi %mul3A_24, %select_n3A_28 : i32
    %ne3A_30 = arith.constant 0 : i32
    %ne3A_31 = arith.cmpi ne, %rem3A_29, %ne3A_30 : i32
    %lt3A = arith.constant 0 : i32
    %lt3A_32 = arith.cmpi slt, %rem3A_29, %lt3A : i32
    %lt3A_33 = arith.constant 0 : i32
    %lt3A_34 = arith.cmpi slt, %select_n3A_28, %lt3A_33 : i32
    %ne3A_35 = arith.xori %lt3A_32, %lt3A_34 : i1
    %and3A_36 = arith.andi %ne3A_35, %ne3A_31 : i1
    %add3A_37 = arith.addi %rem3A_29, %select_n3A_28 : i32
    %select_n3A_38 = arith.select %and3A_36, %add3A_37, %rem3A_29 : i32
    %add3A_39 = arith.addi %mul3A_22, %select_n3A_38 : i32
    %iota3A = tpu.iota {dimensions = array<i32: 0>} : vector<16xi32>
    %lt3A_40 = arith.constant 8 : i32
    %lt3A_41 = vector.broadcast %lt3A_40 : i32 to vector<16xi32>
    %lt3A_42 = arith.cmpi slt, %iota3A, %lt3A_41 : vector<16xi32>
    %lt3A_43 = arith.constant 32 : i32
    %lt3A_44 = arith.cmpi slt, %add3A, %lt3A_43 : i32
    %convert_element_type3A = arith.extui %lt3A_44 : i1 to i32
    %cond3A = arith.constant 0 : i32
    %cond3A_45 = arith.cmpi ne, %convert_element_type3A, %cond3A : i32
    scf.if %cond3A_45 {
      %add3A_46 = arith.constant 0 : i32
      %add3A_47 = arith.addi %mul3A_2, %add3A_46 : i32
      "tpu.region"() ({
        %run_scoped3A = tpu.sem_alloc : memref<!tpu.dma_semaphore, #tpu.memory_space<semaphore_mem>>
        %dma_start3A_132 = arith.constant 0 : i32
        %dma_start3A_133 = tpu.memref_slice %arg2[%add3A_47, %dma_start3A_132] : memref<4096x128xf32, #tpu.memory_space<hbm>> -> memref<128x128xf32, #tpu.memory_space<hbm>>
        %dma_start3A_134 = arith.constant 0 : i32
        %dma_start3A_135 = tpu.memref_slice %arg2[%add3A_47, %dma_start3A_134] : memref<4096x128xf32, #tpu.memory_space<hbm>> -> memref<128x128xf32, #tpu.memory_space<hbm>>
        tpu.enqueue_dma source(%dma_start3A_135 : memref<128x128xf32, #tpu.memory_space<hbm>>) target(%arg5 : memref<128x128xf32, #tpu.memory_space<vmem>>) target_semaphore(%run_scoped3A : memref<!tpu.dma_semaphore, #tpu.memory_space<semaphore_mem>>)
        %dma_wait3A_136 = arith.constant 0 : i32
        %dma_wait3A_137 = tpu.memref_slice %arg2[%add3A_47, %dma_wait3A_136] : memref<4096x128xf32, #tpu.memory_space<hbm>> -> memref<128x128xf32, #tpu.memory_space<hbm>>
        %dma_wait3A_138 = arith.constant 0 : i32
        %dma_wait3A_139 = tpu.memref_slice %arg2[%add3A_47, %dma_wait3A_138] : memref<4096x128xf32, #tpu.memory_space<hbm>> -> memref<128x128xf32, #tpu.memory_space<hbm>>
        tpu.wait_dma2 semaphore(%run_scoped3A : memref<!tpu.dma_semaphore, #tpu.memory_space<semaphore_mem>>) src(%dma_wait3A_139 : memref<128x128xf32, #tpu.memory_space<hbm>>) dst(%arg5 : memref<128x128xf32, #tpu.memory_space<vmem>>)
        tpu.yield
      }) : () -> ()
      %parallel_loop3A = arith.constant 0 : i32
      %parallel_loop3A_48 = arith.constant 128 : i32
      %parallel_loop3A_49 = arith.constant 1 : i32
      scf.for %parallel_loop3A_132 = %parallel_loop3A to %parallel_loop3A_48 step %parallel_loop3A_49  : i32 {
        %parallel_loop3A_133 = arith.constant 128 : i32
        %parallel_loop3A_134 = arith.addi %parallel_loop3A_133, %parallel_loop3A_132 : i32
        %parallel_loop3A_135 = arith.index_cast %parallel_loop3A_132 : i32 to index
        %parallel_loop3A_136 = arith.constant 0 : index
        %parallel_loop3A_137 = tpu.vector_load %arg5[%parallel_loop3A_135, %parallel_loop3A_136] {strides = array<i32>} : memref<128x128xf32, #tpu.memory_space<vmem>>, vector<16xf32>,
        %parallel_loop3A_138 = arith.constant 0 : i32
        %parallel_loop3A_139 = vector.broadcast %parallel_loop3A_138 : i32 to vector<16xi32>
        %parallel_loop3A_140 = arith.addi %iota3A, %parallel_loop3A_139 : vector<16xi32>
        %parallel_loop3A_141 = arith.constant dense<true> : vector<16xi1>
        %parallel_loop3A_142, %parallel_loop3A_143, %parallel_loop3A_144 = tpu.sort %parallel_loop3A_137, %parallel_loop3A_140 masked %parallel_loop3A_141 {descending = true} : (vector<16xf32>, vector<16xi32>, vector<16xi1>) -> (vector<16xi1>, vector<16xf32>, vector<16xi32>)
        %parallel_loop3A_145 = arith.index_cast %parallel_loop3A_132 : i32 to index
        %parallel_loop3A_146 = arith.constant 16 : index
        %parallel_loop3A_147 = tpu.vector_load %arg5[%parallel_loop3A_145, %parallel_loop3A_146] {strides = array<i32>} : memref<128x128xf32, #tpu.memory_space<vmem>>, vector<16xf32>,
        %parallel_loop3A_148 = arith.constant 16 : i32
        %parallel_loop3A_149 = vector.broadcast %parallel_loop3A_148 : i32 to vector<16xi32>
        %parallel_loop3A_150 = arith.addi %iota3A, %parallel_loop3A_149 : vector<16xi32>
        %parallel_loop3A_151 = arith.constant dense<true> : vector<16xi1>
        %parallel_loop3A_152, %parallel_loop3A_153, %parallel_loop3A_154 = tpu.sort %parallel_loop3A_147, %parallel_loop3A_150 masked %parallel_loop3A_151 {descending = true} : (vector<16xf32>, vector<16xi32>, vector<16xi1>) -> (vector<16xi1>, vector<16xf32>, vector<16xi32>)
        %parallel_loop3A_155 = arith.index_cast %parallel_loop3A_132 : i32 to index
        %parallel_loop3A_156 = arith.constant 32 : index
        %parallel_loop3A_157 = tpu.vector_load %arg5[%parallel_loop3A_155, %parallel_loop3A_156] {strides = array<i32>} : memref<128x128xf32, #tpu.memory_space<vmem>>, vector<16xf32>,
        %parallel_loop3A_158 = arith.constant 32 : i32
        %parallel_loop3A_159 = vector.broadcast %parallel_loop3A_158 : i32 to vector<16xi32>
        %parallel_loop3A_160 = arith.addi %iota3A, %parallel_loop3A_159 : vector<16xi32>
        %parallel_loop3A_161 = arith.constant dense<true> : vector<16xi1>
        %parallel_loop3A_162, %parallel_loop3A_163, %parallel_loop3A_164 = tpu.sort %parallel_loop3A_157, %parallel_loop3A_160 masked %parallel_loop3A_161 {descending = true} : (vector<16xf32>, vector<16xi32>, vector<16xi1>) -> (vector<16xi1>, vector<16xf32>, vector<16xi32>)
        %parallel_loop3A_165 = arith.index_cast %parallel_loop3A_132 : i32 to index
        %parallel_loop3A_166 = arith.constant 48 : index
        %parallel_loop3A_167 = tpu.vector_load %arg5[%parallel_loop3A_165, %parallel_loop3A_166] {strides = array<i32>} : memref<128x128xf32, #tpu.memory_space<vmem>>, vector<16xf32>,
        %parallel_loop3A_168 = arith.constant 48 : i32
        %parallel_loop3A_169 = vector.broadcast %parallel_loop3A_168 : i32 to vector<16xi32>
        %parallel_loop3A_170 = arith.addi %iota3A, %parallel_loop3A_169 : vector<16xi32>
        %parallel_loop3A_171 = arith.constant dense<true> : vector<16xi1>
        %parallel_loop3A_172, %parallel_loop3A_173, %parallel_loop3A_174 = tpu.sort %parallel_loop3A_167, %parallel_loop3A_170 masked %parallel_loop3A_171 {descending = true} : (vector<16xf32>, vector<16xi32>, vector<16xi1>) -> (vector<16xi1>, vector<16xf32>, vector<16xi32>)
        %parallel_loop3A_175 = arith.constant 15 : i32
        %parallel_loop3A_176 = vector.broadcast %parallel_loop3A_175 : i32 to vector<16xi32>
        %parallel_loop3A_177 = tpu.iota {dimensions = array<i32: 0>} : vector<16xi32>
        %parallel_loop3A_178 = arith.subi %parallel_loop3A_176, %parallel_loop3A_177 : vector<16xi32>
        %parallel_loop3A_179 = tpu.dynamic_gather %parallel_loop3A_153[%parallel_loop3A_178] in [0] : vector<16xf32>, vector<16xi32> -> vector<16xf32>
        %parallel_loop3A_180 = arith.constant 15 : i32
        %parallel_loop3A_181 = vector.broadcast %parallel_loop3A_180 : i32 to vector<16xi32>
        %parallel_loop3A_182 = tpu.iota {dimensions = array<i32: 0>} : vector<16xi32>
        %parallel_loop3A_183 = arith.subi %parallel_loop3A_181, %parallel_loop3A_182 : vector<16xi32>
        %parallel_loop3A_184 = tpu.dynamic_gather %parallel_loop3A_154[%parallel_loop3A_183] in [0] : vector<16xi32>, vector<16xi32> -> vector<16xi32>
        %parallel_loop3A_185 = arith.select %lt3A_42, %parallel_loop3A_143, %parallel_loop3A_179 : vector<16xi1>, vector<16xf32>
        %parallel_loop3A_186 = arith.select %lt3A_42, %parallel_loop3A_144, %parallel_loop3A_184 : vector<16xi1>, vector<16xi32>
        %parallel_loop3A_187 = arith.constant dense<true> : vector<16xi1>
        %parallel_loop3A_188, %parallel_loop3A_189, %parallel_loop3A_190 = tpu.sort %parallel_loop3A_185, %parallel_loop3A_186 masked %parallel_loop3A_187 {descending = true} : (vector<16xf32>, vector<16xi32>, vector<16xi1>) -> (vector<16xi1>, vector<16xf32>, vector<16xi32>)
        %parallel_loop3A_191 = arith.constant 15 : i32
        %parallel_loop3A_192 = vector.broadcast %parallel_loop3A_191 : i32 to vector<16xi32>
        %parallel_loop3A_193 = tpu.iota {dimensions = array<i32: 0>} : vector<16xi32>
        %parallel_loop3A_194 = arith.subi %parallel_loop3A_192, %parallel_loop3A_193 : vector<16xi32>
        %parallel_loop3A_195 = tpu.dynamic_gather %parallel_loop3A_173[%parallel_loop3A_194] in [0] : vector<16xf32>, vector<16xi32> -> vector<16xf32>
        %parallel_loop3A_196 = arith.constant 15 : i32
        %parallel_loop3A_197 = vector.broadcast %parallel_loop3A_196 : i32 to vector<16xi32>
        %parallel_loop3A_198 = tpu.iota {dimensions = array<i32: 0>} : vector<16xi32>
        %parallel_loop3A_199 = arith.subi %parallel_loop3A_197, %parallel_loop3A_198 : vector<16xi32>
        %parallel_loop3A_200 = tpu.dynamic_gather %parallel_loop3A_174[%parallel_loop3A_199] in [0] : vector<16xi32>, vector<16xi32> -> vector<16xi32>
        %parallel_loop3A_201 = arith.select %lt3A_42, %parallel_loop3A_163, %parallel_loop3A_195 : vector<16xi1>, vector<16xf32>
        %parallel_loop3A_202 = arith.select %lt3A_42, %parallel_loop3A_164, %parallel_loop3A_200 : vector<16xi1>, vector<16xi32>
        %parallel_loop3A_203 = arith.constant dense<true> : vector<16xi1>
        %parallel_loop3A_204, %parallel_loop3A_205, %parallel_loop3A_206 = tpu.sort %parallel_loop3A_201, %parallel_loop3A_202 masked %parallel_loop3A_203 {descending = true} : (vector<16xf32>, vector<16xi32>, vector<16xi1>) -> (vector<16xi1>, vector<16xf32>, vector<16xi32>)
        %parallel_loop3A_207 = arith.constant 15 : i32
        %parallel_loop3A_208 = vector.broadcast %parallel_loop3A_207 : i32 to vector<16xi32>
        %parallel_loop3A_209 = tpu.iota {dimensions = array<i32: 0>} : vector<16xi32>
        %parallel_loop3A_210 = arith.subi %parallel_loop3A_208, %parallel_loop3A_209 : vector<16xi32>
        %parallel_loop3A_211 = tpu.dynamic_gather %parallel_loop3A_205[%parallel_loop3A_210] in [0] : vector<16xf32>, vector<16xi32> -> vector<16xf32>
        %parallel_loop3A_212 = arith.constant 15 : i32
        %parallel_loop3A_213 = vector.broadcast %parallel_loop3A_212 : i32 to vector<16xi32>
        %parallel_loop3A_214 = tpu.iota {dimensions = array<i32: 0>} : vector<16xi32>
        %parallel_loop3A_215 = arith.subi %parallel_loop3A_213, %parallel_loop3A_214 : vector<16xi32>
        %parallel_loop3A_216 = tpu.dynamic_gather %parallel_loop3A_206[%parallel_loop3A_215] in [0] : vector<16xi32>, vector<16xi32> -> vector<16xi32>
        %parallel_loop3A_217 = arith.select %lt3A_42, %parallel_loop3A_189, %parallel_loop3A_211 : vector<16xi1>, vector<16xf32>
        %parallel_loop3A_218 = arith.select %lt3A_42, %parallel_loop3A_190, %parallel_loop3A_216 : vector<16xi1>, vector<16xi32>
        %parallel_loop3A_219 = arith.constant dense<true> : vector<16xi1>
        %parallel_loop3A_220, %parallel_loop3A_221, %parallel_loop3A_222 = tpu.sort %parallel_loop3A_217, %parallel_loop3A_218 masked %parallel_loop3A_219 {descending = true} : (vector<16xf32>, vector<16xi32>, vector<16xi1>) -> (vector<16xi1>, vector<16xf32>, vector<16xi32>)
        %parallel_loop3A_223 = arith.constant true
        %parallel_loop3A_224 = vector.broadcast %parallel_loop3A_223 : i1 to vector<16xi1>
        %parallel_loop3A_225 = tpu.scan <max>, %parallel_loop3A_221 masked %parallel_loop3A_224 : vector<16xf32>, vector<16xi1> -> vector<16xf32>
        %parallel_loop3A_226 = vector.extract %parallel_loop3A_225[15] : f32 from vector<16xf32>
        %parallel_loop3A_227 = vector.broadcast %parallel_loop3A_226 : f32 to vector<16xf32>
        %parallel_loop3A_228 = arith.subf %parallel_loop3A_221, %parallel_loop3A_227 : vector<16xf32>
        %parallel_loop3A_229 = math.exp %parallel_loop3A_228 : vector<16xf32>
        %parallel_loop3A_230 = arith.constant 0.000000e+00 : f32
        %parallel_loop3A_231 = vector.broadcast %parallel_loop3A_230 : f32 to vector<16xf32>
        %parallel_loop3A_232 = arith.select %lt3A_42, %parallel_loop3A_229, %parallel_loop3A_231 : vector<16xi1>, vector<16xf32>
        %parallel_loop3A_233 = arith.constant true
        %parallel_loop3A_234 = vector.broadcast %parallel_loop3A_233 : i1 to vector<16xi1>
        %parallel_loop3A_235 = tpu.scan <sum>, %parallel_loop3A_232 masked %parallel_loop3A_234 : vector<16xf32>, vector<16xi1> -> vector<16xf32>
        %parallel_loop3A_236 = vector.extract %parallel_loop3A_235[15] : f32 from vector<16xf32>
        %parallel_loop3A_237 = vector.broadcast %parallel_loop3A_236 : f32 to vector<16xf32>
        %parallel_loop3A_238 = arith.divf %parallel_loop3A_232, %parallel_loop3A_237 : vector<16xf32>
        %parallel_loop3A_239 = vector.broadcast %parallel_loop3A_132 : i32 to vector<16xi32>
        tpu.vector_store_idx %arg6[%parallel_loop3A_239, %iota3A], %parallel_loop3A_238 masked %lt3A_42 : memref<256x8xf32, #tpu.memory_space<vmem>>[vector<16xi32>, vector<16xi32>], vector<16xf32>, vector<16xi1>
        tpu.vector_store_idx %arg7[%parallel_loop3A_239, %iota3A], %parallel_loop3A_222 masked %lt3A_42 : memref<256x8xi32, #tpu.memory_space<vmem>>[vector<16xi32>, vector<16xi32>], vector<16xi32>, vector<16xi1>
        %parallel_loop3A_240 = arith.index_cast %parallel_loop3A_132 : i32 to index
        %parallel_loop3A_241 = arith.constant 64 : index
        %parallel_loop3A_242 = tpu.vector_load %arg5[%parallel_loop3A_240, %parallel_loop3A_241] {strides = array<i32>} : memref<128x128xf32, #tpu.memory_space<vmem>>, vector<16xf32>,
        %parallel_loop3A_243 = arith.constant 0 : i32
        %parallel_loop3A_244 = vector.broadcast %parallel_loop3A_243 : i32 to vector<16xi32>
        %parallel_loop3A_245 = arith.addi %iota3A, %parallel_loop3A_244 : vector<16xi32>
        %parallel_loop3A_246 = arith.constant dense<true> : vector<16xi1>
        %parallel_loop3A_247, %parallel_loop3A_248, %parallel_loop3A_249 = tpu.sort %parallel_loop3A_242, %parallel_loop3A_245 masked %parallel_loop3A_246 {descending = true} : (vector<16xf32>, vector<16xi32>, vector<16xi1>) -> (vector<16xi1>, vector<16xf32>, vector<16xi32>)
        %parallel_loop3A_250 = arith.index_cast %parallel_loop3A_132 : i32 to index
        %parallel_loop3A_251 = arith.constant 80 : index
        %parallel_loop3A_252 = tpu.vector_load %arg5[%parallel_loop3A_250, %parallel_loop3A_251] {strides = array<i32>} : memref<128x128xf32, #tpu.memory_space<vmem>>, vector<16xf32>,
        %parallel_loop3A_253 = arith.constant 16 : i32
        %parallel_loop3A_254 = vector.broadcast %parallel_loop3A_253 : i32 to vector<16xi32>
        %parallel_loop3A_255 = arith.addi %iota3A, %parallel_loop3A_254 : vector<16xi32>
        %parallel_loop3A_256 = arith.constant dense<true> : vector<16xi1>
        %parallel_loop3A_257, %parallel_loop3A_258, %parallel_loop3A_259 = tpu.sort %parallel_loop3A_252, %parallel_loop3A_255 masked %parallel_loop3A_256 {descending = true} : (vector<16xf32>, vector<16xi32>, vector<16xi1>) -> (vector<16xi1>, vector<16xf32>, vector<16xi32>)
        %parallel_loop3A_260 = arith.index_cast %parallel_loop3A_132 : i32 to index
        %parallel_loop3A_261 = arith.constant 96 : index
        %parallel_loop3A_262 = tpu.vector_load %arg5[%parallel_loop3A_260, %parallel_loop3A_261] {strides = array<i32>} : memref<128x128xf32, #tpu.memory_space<vmem>>, vector<16xf32>,
        %parallel_loop3A_263 = arith.constant 32 : i32
        %parallel_loop3A_264 = vector.broadcast %parallel_loop3A_263 : i32 to vector<16xi32>
        %parallel_loop3A_265 = arith.addi %iota3A, %parallel_loop3A_264 : vector<16xi32>
        %parallel_loop3A_266 = arith.constant dense<true> : vector<16xi1>
        %parallel_loop3A_267, %parallel_loop3A_268, %parallel_loop3A_269 = tpu.sort %parallel_loop3A_262, %parallel_loop3A_265 masked %parallel_loop3A_266 {descending = true} : (vector<16xf32>, vector<16xi32>, vector<16xi1>) -> (vector<16xi1>, vector<16xf32>, vector<16xi32>)
        %parallel_loop3A_270 = arith.index_cast %parallel_loop3A_132 : i32 to index
        %parallel_loop3A_271 = arith.constant 112 : index
        %parallel_loop3A_272 = tpu.vector_load %arg5[%parallel_loop3A_270, %parallel_loop3A_271] {strides = array<i32>} : memref<128x128xf32, #tpu.memory_space<vmem>>, vector<16xf32>,
        %parallel_loop3A_273 = arith.constant 48 : i32
        %parallel_loop3A_274 = vector.broadcast %parallel_loop3A_273 : i32 to vector<16xi32>
        %parallel_loop3A_275 = arith.addi %iota3A, %parallel_loop3A_274 : vector<16xi32>
        %parallel_loop3A_276 = arith.constant dense<true> : vector<16xi1>
        %parallel_loop3A_277, %parallel_loop3A_278, %parallel_loop3A_279 = tpu.sort %parallel_loop3A_272, %parallel_loop3A_275 masked %parallel_loop3A_276 {descending = true} : (vector<16xf32>, vector<16xi32>, vector<16xi1>) -> (vector<16xi1>, vector<16xf32>, vector<16xi32>)
        %parallel_loop3A_280 = arith.constant 15 : i32
        %parallel_loop3A_281 = vector.broadcast %parallel_loop3A_280 : i32 to vector<16xi32>
        %parallel_loop3A_282 = tpu.iota {dimensions = array<i32: 0>} : vector<16xi32>
        %parallel_loop3A_283 = arith.subi %parallel_loop3A_281, %parallel_loop3A_282 : vector<16xi32>
        %parallel_loop3A_284 = tpu.dynamic_gather %parallel_loop3A_258[%parallel_loop3A_283] in [0] : vector<16xf32>, vector<16xi32> -> vector<16xf32>
        %parallel_loop3A_285 = arith.constant 15 : i32
        %parallel_loop3A_286 = vector.broadcast %parallel_loop3A_285 : i32 to vector<16xi32>
        %parallel_loop3A_287 = tpu.iota {dimensions = array<i32: 0>} : vector<16xi32>
        %parallel_loop3A_288 = arith.subi %parallel_loop3A_286, %parallel_loop3A_287 : vector<16xi32>
        %parallel_loop3A_289 = tpu.dynamic_gather %parallel_loop3A_259[%parallel_loop3A_288] in [0] : vector<16xi32>, vector<16xi32> -> vector<16xi32>
        %parallel_loop3A_290 = arith.select %lt3A_42, %parallel_loop3A_248, %parallel_loop3A_284 : vector<16xi1>, vector<16xf32>
        %parallel_loop3A_291 = arith.select %lt3A_42, %parallel_loop3A_249, %parallel_loop3A_289 : vector<16xi1>, vector<16xi32>
        %parallel_loop3A_292 = arith.constant dense<true> : vector<16xi1>
        %parallel_loop3A_293, %parallel_loop3A_294, %parallel_loop3A_295 = tpu.sort %parallel_loop3A_290, %parallel_loop3A_291 masked %parallel_loop3A_292 {descending = true} : (vector<16xf32>, vector<16xi32>, vector<16xi1>) -> (vector<16xi1>, vector<16xf32>, vector<16xi32>)
        %parallel_loop3A_296 = arith.constant 15 : i32
        %parallel_loop3A_297 = vector.broadcast %parallel_loop3A_296 : i32 to vector<16xi32>
        %parallel_loop3A_298 = tpu.iota {dimensions = array<i32: 0>} : vector<16xi32>
        %parallel_loop3A_299 = arith.subi %parallel_loop3A_297, %parallel_loop3A_298 : vector<16xi32>
        %parallel_loop3A_300 = tpu.dynamic_gather %parallel_loop3A_278[%parallel_loop3A_299] in [0] : vector<16xf32>, vector<16xi32> -> vector<16xf32>
        %parallel_loop3A_301 = arith.constant 15 : i32
        %parallel_loop3A_302 = vector.broadcast %parallel_loop3A_301 : i32 to vector<16xi32>
        %parallel_loop3A_303 = tpu.iota {dimensions = array<i32: 0>} : vector<16xi32>
        %parallel_loop3A_304 = arith.subi %parallel_loop3A_302, %parallel_loop3A_303 : vector<16xi32>
        %parallel_loop3A_305 = tpu.dynamic_gather %parallel_loop3A_279[%parallel_loop3A_304] in [0] : vector<16xi32>, vector<16xi32> -> vector<16xi32>
        %parallel_loop3A_306 = arith.select %lt3A_42, %parallel_loop3A_268, %parallel_loop3A_300 : vector<16xi1>, vector<16xf32>
        %parallel_loop3A_307 = arith.select %lt3A_42, %parallel_loop3A_269, %parallel_loop3A_305 : vector<16xi1>, vector<16xi32>
        %parallel_loop3A_308 = arith.constant dense<true> : vector<16xi1>
        %parallel_loop3A_309, %parallel_loop3A_310, %parallel_loop3A_311 = tpu.sort %parallel_loop3A_306, %parallel_loop3A_307 masked %parallel_loop3A_308 {descending = true} : (vector<16xf32>, vector<16xi32>, vector<16xi1>) -> (vector<16xi1>, vector<16xf32>, vector<16xi32>)
        %parallel_loop3A_312 = arith.constant 15 : i32
        %parallel_loop3A_313 = vector.broadcast %parallel_loop3A_312 : i32 to vector<16xi32>
        %parallel_loop3A_314 = tpu.iota {dimensions = array<i32: 0>} : vector<16xi32>
        %parallel_loop3A_315 = arith.subi %parallel_loop3A_313, %parallel_loop3A_314 : vector<16xi32>
        %parallel_loop3A_316 = tpu.dynamic_gather %parallel_loop3A_310[%parallel_loop3A_315] in [0] : vector<16xf32>, vector<16xi32> -> vector<16xf32>
        %parallel_loop3A_317 = arith.constant 15 : i32
        %parallel_loop3A_318 = vector.broadcast %parallel_loop3A_317 : i32 to vector<16xi32>
        %parallel_loop3A_319 = tpu.iota {dimensions = array<i32: 0>} : vector<16xi32>
        %parallel_loop3A_320 = arith.subi %parallel_loop3A_318, %parallel_loop3A_319 : vector<16xi32>
        %parallel_loop3A_321 = tpu.dynamic_gather %parallel_loop3A_311[%parallel_loop3A_320] in [0] : vector<16xi32>, vector<16xi32> -> vector<16xi32>
        %parallel_loop3A_322 = arith.select %lt3A_42, %parallel_loop3A_294, %parallel_loop3A_316 : vector<16xi1>, vector<16xf32>
        %parallel_loop3A_323 = arith.select %lt3A_42, %parallel_loop3A_295, %parallel_loop3A_321 : vector<16xi1>, vector<16xi32>
        %parallel_loop3A_324 = arith.constant dense<true> : vector<16xi1>
        %parallel_loop3A_325, %parallel_loop3A_326, %parallel_loop3A_327 = tpu.sort %parallel_loop3A_322, %parallel_loop3A_323 masked %parallel_loop3A_324 {descending = true} : (vector<16xf32>, vector<16xi32>, vector<16xi1>) -> (vector<16xi1>, vector<16xf32>, vector<16xi32>)
        %parallel_loop3A_328 = arith.constant true
        %parallel_loop3A_329 = vector.broadcast %parallel_loop3A_328 : i1 to vector<16xi1>
        %parallel_loop3A_330 = tpu.scan <max>, %parallel_loop3A_326 masked %parallel_loop3A_329 : vector<16xf32>, vector<16xi1> -> vector<16xf32>
        %parallel_loop3A_331 = vector.extract %parallel_loop3A_330[15] : f32 from vector<16xf32>
        %parallel_loop3A_332 = vector.broadcast %parallel_loop3A_331 : f32 to vector<16xf32>
        %parallel_loop3A_333 = arith.subf %parallel_loop3A_326, %parallel_loop3A_332 : vector<16xf32>
        %parallel_loop3A_334 = math.exp %parallel_loop3A_333 : vector<16xf32>
        %parallel_loop3A_335 = arith.constant 0.000000e+00 : f32
        %parallel_loop3A_336 = vector.broadcast %parallel_loop3A_335 : f32 to vector<16xf32>
        %parallel_loop3A_337 = arith.select %lt3A_42, %parallel_loop3A_334, %parallel_loop3A_336 : vector<16xi1>, vector<16xf32>
        %parallel_loop3A_338 = arith.constant true
        %parallel_loop3A_339 = vector.broadcast %parallel_loop3A_338 : i1 to vector<16xi1>
        %parallel_loop3A_340 = tpu.scan <sum>, %parallel_loop3A_337 masked %parallel_loop3A_339 : vector<16xf32>, vector<16xi1> -> vector<16xf32>
        %parallel_loop3A_341 = vector.extract %parallel_loop3A_340[15] : f32 from vector<16xf32>
        %parallel_loop3A_342 = vector.broadcast %parallel_loop3A_341 : f32 to vector<16xf32>
        %parallel_loop3A_343 = arith.divf %parallel_loop3A_337, %parallel_loop3A_342 : vector<16xf32>
        %parallel_loop3A_344 = vector.broadcast %parallel_loop3A_134 : i32 to vector<16xi32>
        tpu.vector_store_idx %arg6[%parallel_loop3A_344, %iota3A], %parallel_loop3A_343 masked %lt3A_42 : memref<256x8xf32, #tpu.memory_space<vmem>>[vector<16xi32>, vector<16xi32>], vector<16xf32>, vector<16xi1>
        tpu.vector_store_idx %arg7[%parallel_loop3A_344, %iota3A], %parallel_loop3A_327 masked %lt3A_42 : memref<256x8xi32, #tpu.memory_space<vmem>>[vector<16xi32>, vector<16xi32>], vector<16xi32>, vector<16xi1>
      } {sc.loop_unroll_factor = 8 : i64, sc.parallel_access}
      %add3A_50 = arith.constant 0 : i32
      %add3A_51 = arith.addi %add3A_39, %add3A_50 : i32
      %add3A_52 = arith.constant 256 : i32
      %add3A_53 = arith.addi %add3A_51, %add3A_52 : i32
      %dma_start3A = arith.constant 0 : i32
      %dma_start3A_54 = arith.constant 0 : i32
      %dma_start3A_55 = tpu.memref_slice %arg6[%dma_start3A, %dma_start3A_54] : memref<256x8xf32, #tpu.memory_space<vmem>> -> memref<128x8xf32, #tpu.memory_space<vmem>>
      %dma_start3A_56 = arith.constant 0 : i32
      %dma_start3A_57 = tpu.memref_slice %arg3[%add3A_51, %dma_start3A_56] : memref<8192x8xf32, #tpu.memory_space<hbm>> -> memref<128x8xf32, #tpu.memory_space<hbm>>
      %dma_start3A_58 = arith.constant 0 : i32
      %dma_start3A_59 = tpu.memref_slice %arg3[%add3A_51, %dma_start3A_58] : memref<8192x8xf32, #tpu.memory_space<hbm>> -> memref<128x8xf32, #tpu.memory_space<hbm>>
      %dma_start3A_60 = arith.constant 0 : i32
      %dma_start3A_61 = arith.constant 0 : i32
      %dma_start3A_62 = tpu.memref_slice %arg6[%dma_start3A_60, %dma_start3A_61] : memref<256x8xf32, #tpu.memory_space<vmem>> -> memref<128x8xf32, #tpu.memory_space<vmem>>
      tpu.enqueue_dma source(%dma_start3A_62 : memref<128x8xf32, #tpu.memory_space<vmem>>) target(%dma_start3A_59 : memref<128x8xf32, #tpu.memory_space<hbm>>) target_semaphore(%arg8 : memref<!tpu.dma_semaphore, #tpu.memory_space<semaphore_mem>>)
      %dma_start3A_63 = arith.constant 128 : i32
      %dma_start3A_64 = arith.constant 0 : i32
      %dma_start3A_65 = tpu.memref_slice %arg6[%dma_start3A_63, %dma_start3A_64] : memref<256x8xf32, #tpu.memory_space<vmem>> -> memref<128x8xf32, #tpu.memory_space<vmem>>
      %dma_start3A_66 = arith.constant 0 : i32
      %dma_start3A_67 = tpu.memref_slice %arg3[%add3A_53, %dma_start3A_66] : memref<8192x8xf32, #tpu.memory_space<hbm>> -> memref<128x8xf32, #tpu.memory_space<hbm>>
      %dma_start3A_68 = arith.constant 0 : i32
      %dma_start3A_69 = tpu.memref_slice %arg3[%add3A_53, %dma_start3A_68] : memref<8192x8xf32, #tpu.memory_space<hbm>> -> memref<128x8xf32, #tpu.memory_space<hbm>>
      %dma_start3A_70 = arith.constant 128 : i32
      %dma_start3A_71 = arith.constant 0 : i32
      %dma_start3A_72 = tpu.memref_slice %arg6[%dma_start3A_70, %dma_start3A_71] : memref<256x8xf32, #tpu.memory_space<vmem>> -> memref<128x8xf32, #tpu.memory_space<vmem>>
      tpu.enqueue_dma source(%dma_start3A_72 : memref<128x8xf32, #tpu.memory_space<vmem>>) target(%dma_start3A_69 : memref<128x8xf32, #tpu.memory_space<hbm>>) target_semaphore(%arg8 : memref<!tpu.dma_semaphore, #tpu.memory_space<semaphore_mem>>)
      %dma_start3A_73 = arith.constant 0 : i32
      %dma_start3A_74 = arith.constant 0 : i32
      %dma_start3A_75 = tpu.memref_slice %arg7[%dma_start3A_73, %dma_start3A_74] : memref<256x8xi32, #tpu.memory_space<vmem>> -> memref<128x8xi32, #tpu.memory_space<vmem>>
      %dma_start3A_76 = arith.constant 0 : i32
      %dma_start3A_77 = tpu.memref_slice %arg4[%add3A_51, %dma_start3A_76] : memref<8192x8xi32, #tpu.memory_space<hbm>> -> memref<128x8xi32, #tpu.memory_space<hbm>>
      %dma_start3A_78 = arith.constant 0 : i32
      %dma_start3A_79 = tpu.memref_slice %arg4[%add3A_51, %dma_start3A_78] : memref<8192x8xi32, #tpu.memory_space<hbm>> -> memref<128x8xi32, #tpu.memory_space<hbm>>
      %dma_start3A_80 = arith.constant 0 : i32
      %dma_start3A_81 = arith.constant 0 : i32
      %dma_start3A_82 = tpu.memref_slice %arg7[%dma_start3A_80, %dma_start3A_81] : memref<256x8xi32, #tpu.memory_space<vmem>> -> memref<128x8xi32, #tpu.memory_space<vmem>>
      tpu.enqueue_dma source(%dma_start3A_82 : memref<128x8xi32, #tpu.memory_space<vmem>>) target(%dma_start3A_79 : memref<128x8xi32, #tpu.memory_space<hbm>>) target_semaphore(%arg8 : memref<!tpu.dma_semaphore, #tpu.memory_space<semaphore_mem>>)
      %dma_start3A_83 = arith.constant 128 : i32
      %dma_start3A_84 = arith.constant 0 : i32
      %dma_start3A_85 = tpu.memref_slice %arg7[%dma_start3A_83, %dma_start3A_84] : memref<256x8xi32, #tpu.memory_space<vmem>> -> memref<128x8xi32, #tpu.memory_space<vmem>>
      %dma_start3A_86 = arith.constant 0 : i32
      %dma_start3A_87 = tpu.memref_slice %arg4[%add3A_53, %dma_start3A_86] : memref<8192x8xi32, #tpu.memory_space<hbm>> -> memref<128x8xi32, #tpu.memory_space<hbm>>
      %dma_start3A_88 = arith.constant 0 : i32
      %dma_start3A_89 = tpu.memref_slice %arg4[%add3A_53, %dma_start3A_88] : memref<8192x8xi32, #tpu.memory_space<hbm>> -> memref<128x8xi32, #tpu.memory_space<hbm>>
      %dma_start3A_90 = arith.constant 128 : i32
      %dma_start3A_91 = arith.constant 0 : i32
      %dma_start3A_92 = tpu.memref_slice %arg7[%dma_start3A_90, %dma_start3A_91] : memref<256x8xi32, #tpu.memory_space<vmem>> -> memref<128x8xi32, #tpu.memory_space<vmem>>
      tpu.enqueue_dma source(%dma_start3A_92 : memref<128x8xi32, #tpu.memory_space<vmem>>) target(%dma_start3A_89 : memref<128x8xi32, #tpu.memory_space<hbm>>) target_semaphore(%arg8 : memref<!tpu.dma_semaphore, #tpu.memory_space<semaphore_mem>>)
      %dma_wait3A = arith.constant 0 : i32
      %dma_wait3A_93 = arith.constant 0 : i32
      %dma_wait3A_94 = tpu.memref_slice %arg6[%dma_wait3A, %dma_wait3A_93] : memref<256x8xf32, #tpu.memory_space<vmem>> -> memref<128x8xf32, #tpu.memory_space<vmem>>
      %dma_wait3A_95 = arith.constant 0 : i32
      %dma_wait3A_96 = tpu.memref_slice %arg3[%add3A_51, %dma_wait3A_95] : memref<8192x8xf32, #tpu.memory_space<hbm>> -> memref<128x8xf32, #tpu.memory_space<hbm>>
      %dma_wait3A_97 = arith.constant 0 : i32
      %dma_wait3A_98 = tpu.memref_slice %arg3[%add3A_51, %dma_wait3A_97] : memref<8192x8xf32, #tpu.memory_space<hbm>> -> memref<128x8xf32, #tpu.memory_space<hbm>>
      %dma_wait3A_99 = arith.constant 0 : i32
      %dma_wait3A_100 = arith.constant 0 : i32
      %dma_wait3A_101 = tpu.memref_slice %arg6[%dma_wait3A_99, %dma_wait3A_100] : memref<256x8xf32, #tpu.memory_space<vmem>> -> memref<128x8xf32, #tpu.memory_space<vmem>>
      tpu.wait_dma2 semaphore(%arg8 : memref<!tpu.dma_semaphore, #tpu.memory_space<semaphore_mem>>) src(%dma_wait3A_101 : memref<128x8xf32, #tpu.memory_space<vmem>>) dst(%dma_wait3A_98 : memref<128x8xf32, #tpu.memory_space<hbm>>)
      %dma_wait3A_102 = arith.constant 128 : i32
      %dma_wait3A_103 = arith.constant 0 : i32
      %dma_wait3A_104 = tpu.memref_slice %arg6[%dma_wait3A_102, %dma_wait3A_103] : memref<256x8xf32, #tpu.memory_space<vmem>> -> memref<128x8xf32, #tpu.memory_space<vmem>>
      %dma_wait3A_105 = arith.constant 0 : i32
      %dma_wait3A_106 = tpu.memref_slice %arg3[%add3A_53, %dma_wait3A_105] : memref<8192x8xf32, #tpu.memory_space<hbm>> -> memref<128x8xf32, #tpu.memory_space<hbm>>
      %dma_wait3A_107 = arith.constant 0 : i32
      %dma_wait3A_108 = tpu.memref_slice %arg3[%add3A_53, %dma_wait3A_107] : memref<8192x8xf32, #tpu.memory_space<hbm>> -> memref<128x8xf32, #tpu.memory_space<hbm>>
      %dma_wait3A_109 = arith.constant 128 : i32
      %dma_wait3A_110 = arith.constant 0 : i32
      %dma_wait3A_111 = tpu.memref_slice %arg6[%dma_wait3A_109, %dma_wait3A_110] : memref<256x8xf32, #tpu.memory_space<vmem>> -> memref<128x8xf32, #tpu.memory_space<vmem>>
      tpu.wait_dma2 semaphore(%arg8 : memref<!tpu.dma_semaphore, #tpu.memory_space<semaphore_mem>>) src(%dma_wait3A_111 : memref<128x8xf32, #tpu.memory_space<vmem>>) dst(%dma_wait3A_108 : memref<128x8xf32, #tpu.memory_space<hbm>>)
      %dma_wait3A_112 = arith.constant 0 : i32
      %dma_wait3A_113 = arith.constant 0 : i32
      %dma_wait3A_114 = tpu.memref_slice %arg7[%dma_wait3A_112, %dma_wait3A_113] : memref<256x8xi32, #tpu.memory_space<vmem>> -> memref<128x8xi32, #tpu.memory_space<vmem>>
      %dma_wait3A_115 = arith.constant 0 : i32
      %dma_wait3A_116 = tpu.memref_slice %arg4[%add3A_51, %dma_wait3A_115] : memref<8192x8xi32, #tpu.memory_space<hbm>> -> memref<128x8xi32, #tpu.memory_space<hbm>>
      %dma_wait3A_117 = arith.constant 0 : i32
      %dma_wait3A_118 = tpu.memref_slice %arg4[%add3A_51, %dma_wait3A_117] : memref<8192x8xi32, #tpu.memory_space<hbm>> -> memref<128x8xi32, #tpu.memory_space<hbm>>
      %dma_wait3A_119 = arith.constant 0 : i32
      %dma_wait3A_120 = arith.constant 0 : i32
      %dma_wait3A_121 = tpu.memref_slice %arg7[%dma_wait3A_119, %dma_wait3A_120] : memref<256x8xi32, #tpu.memory_space<vmem>> -> memref<128x8xi32, #tpu.memory_space<vmem>>
      tpu.wait_dma2 semaphore(%arg8 : memref<!tpu.dma_semaphore, #tpu.memory_space<semaphore_mem>>) src(%dma_wait3A_121 : memref<128x8xi32, #tpu.memory_space<vmem>>) dst(%dma_wait3A_118 : memref<128x8xi32, #tpu.memory_space<hbm>>)
      %dma_wait3A_122 = arith.constant 128 : i32
      %dma_wait3A_123 = arith.constant 0 : i32
      %dma_wait3A_124 = tpu.memref_slice %arg7[%dma_wait3A_122, %dma_wait3A_123] : memref<256x8xi32, #tpu.memory_space<vmem>> -> memref<128x8xi32, #tpu.memory_space<vmem>>
      %dma_wait3A_125 = arith.constant 0 : i32
      %dma_wait3A_126 = tpu.memref_slice %arg4[%add3A_53, %dma_wait3A_125] : memref<8192x8xi32, #tpu.memory_space<hbm>> -> memref<128x8xi32, #tpu.memory_space<hbm>>
      %dma_wait3A_127 = arith.constant 0 : i32
      %dma_wait3A_128 = tpu.memref_slice %arg4[%add3A_53, %dma_wait3A_127] : memref<8192x8xi32, #tpu.memory_space<hbm>> -> memref<128x8xi32, #tpu.memory_space<hbm>>
      %dma_wait3A_129 = arith.constant 128 : i32
      %dma_wait3A_130 = arith.constant 0 : i32
      %dma_wait3A_131 = tpu.memref_slice %arg7[%dma_wait3A_129, %dma_wait3A_130] : memref<256x8xi32, #tpu.memory_space<vmem>> -> memref<128x8xi32, #tpu.memory_space<vmem>>
      tpu.wait_dma2 semaphore(%arg8 : memref<!tpu.dma_semaphore, #tpu.memory_space<semaphore_mem>>) src(%dma_wait3A_131 : memref<128x8xi32, #tpu.memory_space<vmem>>) dst(%dma_wait3A_128 : memref<128x8xi32, #tpu.memory_space<hbm>>)
    } else {
    }
    return
  }
}

module attributes {stable_mosaic.version = 14 : i64} {
  func.func @_matmul_body(%arg0: i32, %arg1: memref<512x4096xf32, #tpu.memory_space<vmem>>, %arg2: memref<64x4096xf32, #tpu.memory_space<vmem>>, %arg3: memref<256x128xf32, #tpu.memory_space<vmem>>) attributes {dimension_semantics = [#tpu.dimension_semantics<arbitrary>], iteration_bounds = array<i64: 16>, scalar_prefetch = 0 : i64, scratch_operands = 0 : i64, tpu.core_type = #tpu.core_type<tc>, window_params = [{transform_indices = @transform_0, window_bounds = array<i64: 512, 4096>}, {pipeline_mode = #tpu.pipeline_mode<synchronous>, transform_indices = @transform_1, window_bounds = array<i64: 64, 4096>}, {transform_indices = @transform_2, window_bounds = array<i64: 256, 128>}]} {
    %get3A = arith.constant 0 : index
    %get3A_0 = arith.constant 0 : index
    %get3A_1 = vector.load %arg1[%get3A, %get3A_0] : memref<512x4096xf32, #tpu.memory_space<vmem>>, vector<512x4096xf32>
    %get3A_2 = arith.constant 0 : index
    %get3A_3 = arith.constant 0 : index
    %get3A_4 = vector.load %arg2[%get3A_2, %get3A_3] : memref<64x4096xf32, #tpu.memory_space<vmem>>, vector<64x4096xf32>
    %dot_general3A = arith.constant dense<0.000000e+00> : vector<512x64xf32>
    %dot_general3A_5 = tpu.matmul %get3A_1, %get3A_4, %dot_general3A {dimension_numbers = #tpu.dot_dimension_numbers<[1], [1], [0], [0], [0, 0, 1, 0], [], []>, transpose_lhs_hint = false} : vector<512x4096xf32>, vector<64x4096xf32>, vector<512x64xf32> -> vector<512x64xf32>
    %slice3A = vector.extract_strided_slice %dot_general3A_5 {offsets = [0, 0], sizes = [256, 64], strides = [1, 1]} : vector<512x64xf32> to vector<256x64xf32>
    %slice3A_6 = vector.extract_strided_slice %dot_general3A_5 {offsets = [256, 0], sizes = [256, 64], strides = [1, 1]} : vector<512x64xf32> to vector<256x64xf32>
    %concatenate3A = tpu.concatenate %slice3A, %slice3A_6 in 1 : vector<256x64xf32>, vector<256x64xf32> -> vector<256x128xf32>
    %swap3A = arith.constant 0 : index
    %swap3A_7 = arith.constant 0 : index
    %swap3A_8 = vector.load %arg3[%swap3A, %swap3A_7] : memref<256x128xf32, #tpu.memory_space<vmem>>, vector<256x128xf32>
    tpu.vector_store %arg3[%swap3A, %swap3A_7], %concatenate3A {strides = array<i32>} : memref<256x128xf32, #tpu.memory_space<vmem>>, vector<256x128xf32>,
    return
  }
  func.func @transform_0(%arg0: i32) -> (i32, i32) {
    %add3A = arith.constant 16 : i32
    %add3A_0 = arith.addi %add3A, %arg0 : i32
    %c0_i32 = arith.constant 0 : i32
    %c0_i32_1 = arith.constant 0 : i32
    return %add3A_0, %c0_i32 : i32, i32
  }
  func.func @transform_1(%arg0: i32) -> (i32, i32) {
    %c0_i32 = arith.constant 0 : i32
    %c0_i32_0 = arith.constant 0 : i32
    %c0_i32_1 = arith.constant 0 : i32
    return %c0_i32, %c0_i32_0 : i32, i32
  }
  func.func @transform_2(%arg0: i32) -> (i32, i32) {
    %c0_i32 = arith.constant 0 : i32
    %c0_i32_0 = arith.constant 0 : i32
    return %arg0, %c0_i32 : i32, i32
  }
}

module attributes {stable_mosaic.version = 14 : i64} {
  func.func @_matmul_body(%arg0: i32, %arg1: memref<512x4096xf32, #tpu.memory_space<vmem>>, %arg2: memref<64x4096xf32, #tpu.memory_space<vmem>>, %arg3: memref<256x128xf32, #tpu.memory_space<vmem>>) attributes {dimension_semantics = [#tpu.dimension_semantics<arbitrary>], iteration_bounds = array<i64: 16>, scalar_prefetch = 0 : i64, scratch_operands = 0 : i64, tpu.core_type = #tpu.core_type<tc>, window_params = [{transform_indices = @transform_0, window_bounds = array<i64: 512, 4096>}, {pipeline_mode = #tpu.pipeline_mode<synchronous>, transform_indices = @transform_1, window_bounds = array<i64: 64, 4096>}, {transform_indices = @transform_2, window_bounds = array<i64: 256, 128>}]} {
    %get3A = arith.constant 0 : index
    %get3A_0 = arith.constant 0 : index
    %get3A_1 = vector.load %arg1[%get3A, %get3A_0] : memref<512x4096xf32, #tpu.memory_space<vmem>>, vector<512x4096xf32>
    %get3A_2 = arith.constant 0 : index
    %get3A_3 = arith.constant 0 : index
    %get3A_4 = vector.load %arg2[%get3A_2, %get3A_3] : memref<64x4096xf32, #tpu.memory_space<vmem>>, vector<64x4096xf32>
    %dot_general3A = arith.constant dense<0.000000e+00> : vector<512x64xf32>
    %dot_general3A_5 = tpu.matmul %get3A_1, %get3A_4, %dot_general3A {dimension_numbers = #tpu.dot_dimension_numbers<[1], [1], [0], [0], [0, 0, 1, 0], [], []>, transpose_lhs_hint = false} : vector<512x4096xf32>, vector<64x4096xf32>, vector<512x64xf32> -> vector<512x64xf32>
    %slice3A = vector.extract_strided_slice %dot_general3A_5 {offsets = [0, 0], sizes = [256, 64], strides = [1, 1]} : vector<512x64xf32> to vector<256x64xf32>
    %slice3A_6 = vector.extract_strided_slice %dot_general3A_5 {offsets = [256, 0], sizes = [256, 64], strides = [1, 1]} : vector<512x64xf32> to vector<256x64xf32>
    %concatenate3A = tpu.concatenate %slice3A, %slice3A_6 in 1 : vector<256x64xf32>, vector<256x64xf32> -> vector<256x128xf32>
    %swap3A = arith.constant 0 : index
    %swap3A_7 = arith.constant 0 : index
    %swap3A_8 = vector.load %arg3[%swap3A, %swap3A_7] : memref<256x128xf32, #tpu.memory_space<vmem>>, vector<256x128xf32>
    tpu.vector_store %arg3[%swap3A, %swap3A_7], %concatenate3A {strides = array<i32>} : memref<256x128xf32, #tpu.memory_space<vmem>>, vector<256x128xf32>,
    return
  }
  func.func @transform_0(%arg0: i32) -> (i32, i32) {
    %add3A = arith.constant 0 : i32
    %add3A_0 = arith.addi %add3A, %arg0 : i32
    %c0_i32 = arith.constant 0 : i32
    %c0_i32_1 = arith.constant 0 : i32
    return %add3A_0, %c0_i32 : i32, i32
  }
  func.func @transform_1(%arg0: i32) -> (i32, i32) {
    %c0_i32 = arith.constant 0 : i32
    %c0_i32_0 = arith.constant 0 : i32
    %c0_i32_1 = arith.constant 0 : i32
    return %c0_i32, %c0_i32_0 : i32, i32
  }
  func.func @transform_2(%arg0: i32) -> (i32, i32) {
    %c0_i32 = arith.constant 0 : i32
    %c0_i32_0 = arith.constant 0 : i32
    return %arg0, %c0_i32 : i32, i32
  }
}

</mosaic_0001>

<sc_bundles>
// kernel: kernel.6.cloned.1.call-start
scs
__scs_entry_jumppad:
0x0: {  	(pc) =	sbr.rel $0x88, $3  }
0x1: {  	(tag) =	ssettag $0x0;
	lr =	simm.s32 $0x1  }
0x2: {  	[smem:$0x3F9F] =	sst lr;
	_ =	strace $0xD0000000  }
0x3: {  	_ = 	snop  }
0x4: {  	_ = 	snop  }
0x5: {  	_ = 	snop  }
0x6: {  	_ = 	snop  }
0x7: {  	_ = 	snop  }
__scs_overlays_trampoline_lowered:
0x8: {  	[smem:$0x3FAE] =	sst s0  }
0x9: {  	[smem:$0x3FAF] =	sst s1  }
0xa: {  	[smem:$0x3FB0] =	sst s2  }
0xb: {  	[smem:$0x3FB1] =	sst s3  }
0xc: {  	[smem:$0x3FB2] =	sst s4  }
0xd: {  	[smem:$0x3FB3] =	sst s5  }
0xe: {  	[smem:$0x3FB4] =	sst s6  }
0xf: {  	[smem:$0x3FB5] =	sst s7  }
0x10: {  	[smem:$0x3FB6] =	sst s8  }
0x11: {  	[smem:$0x3FB7] =	sst s9;
	s0 =	simm.s32 @!p0 $0x0  }
0x12: {  	s1 =	sld [smem:$0x3F9D];
	s0 =	simm.s32 @p0 $0x1  }
0x13: {  	[smem:$0x3FB8] =	sst s0;
	s0 =	simm.s32 @!p1 $0x0  }
0x14: {  	s2 =	sld [smem:$0x3F9C];
	s0 =	simm.s32 @p1 $0x1  }
0x15: {  	[smem:$0x3FB9] =	sst s0;
	s0 =	simm.s32 @!p2 $0x0  }
0x16: {  	s3 =	sld [smem:$0x3FDB];
	s0 =	simm.s32 @p2 $0x1  }
0x17: {  	s4 =	simm.s32 $0x1BF5;
	[smem:$0x3FBB] =	sst s0  }
0x18: {  	s0 =	sld [smem:$0x3F9E];
	_ =	swait.ge [sflag:s4], $0x0  }
0x19: {  	s7 =	sld [smem:$0x3F9F]  }
0x1a: {  	s8 =	sadd.s32 $0xFFFFE003, lr  }
0x1b: {  	s9 =	sadd.s32 $0xFFFFFEF7, lr;
	s5 =	simm.s32 $0xFFFFFFFF;
	p2 =	slt.u32 s8, $0xFFFFF086  }
0x1c: {  	p1 =	slt.u32 s9, $0xF7A;
	s5 =	simm.s32 @!p2 $0x0  }
0x1d: {  	s5 =	simm.s32 @p1 $0x1;
	p0 =	seq.s32 s7, s2  }
0x1e: {  	s7 =	smul.u32 @!p0 $0xF7A, s2;
	p2 =	seq.s32 @!p0 s5, $0x0  }
0x1f: {  	s9 =	smul.u32 $0xF7A, s1;
	s8 =	simm.s32 @!p0 $0x1BF5;
	p2 =	por !p2, p0  }
0x20: {  	[sflag:s8] =	ssyncset.s32 @!p0 $0xFFFFF086;
	s6 =	sadd.s32 @!p0 s3, s7;
	s7 =	simm.s32 @!p0 $0x108  }
0x21: {  	s3 =	sadd.s32 s3, s9;
	s6 =	sadd.s32 @!p0 $0x88, s6;
	s7 =	simm.s32 @p2 $0x1082  }
0x22: {  	[simem:s7], [sflag:s8] =	dma.local @!p0 [hbm:s6], $0xF7A  }
0x23: {  	s9 =	sor.u32 $0xD0000000, s2;
	s6 =	simm.s32 $0x108;
	_ =	swait.ge @!p0 [sflag:s8], $0x0  }
0x24: {  	s3 =	sadd.s32 $0x88, s3;
	s6 =	simm.s32 @!p1 $0x1082;
	[sflag:s4] =	ssyncset.s32 $0xFFFFF086  }
0x25: {  	[simem:s6], [sflag:s4] =	dma.local [hbm:s3], $0xF7A  }
0x26: {  	[smem:$0x3F9F] =	sst s1;
	(tag) =	ssettag s2;
	_ =	strace s9  }
0x27: {  	s1 =	sld [smem:$0x3FAF]  }
0x28: {  	s2 =	sld [smem:$0x3FB0]  }
0x29: {  	s4 =	sld [smem:$0x3FB2]  }
0x2a: {  	p0 =	seq.s32 s5, $0x0;
	s5 =	sld [smem:$0x3FB3]  }
0x2b: {  	s6 =	sld [smem:$0x3FB4]  }
0x2c: {  	s7 =	sld [smem:$0x3FB5]  }
0x2d: {  	s3 =	simm.s32 $0x108;
	s8 =	sld [smem:$0x3FB6]  }
0x2e: {  	s3 =	simm.s32 @!p0 $0x1082;
	s9 =	sld [smem:$0x3FB7]  }
0x2f: {  	lr =	sadd.s32 s0, s3;
	s0 =	sld [smem:$0x3FAE]  }
0x30: {  	s3 =	sld [smem:$0x3FB1]  }
0x31: {  	[smem:$0x3FBA] =	sst s10  }
0x32: {  	s10 =	sld [smem:$0x3FB8];
	_ =	sdelay $0x3  }
0x33: {  	p0 =	seq.s32 s10, $0x1;
	s10 =	sld [smem:$0x3FBA];
	_ =	sdelay $0x3  }
0x34: {  	[smem:$0x3FBA] =	sst s10  }
0x35: {  	s10 =	sld [smem:$0x3FB9];
	_ =	sdelay $0x3  }
0x36: {  	p1 =	seq.s32 s10, $0x1;
	s10 =	sld [smem:$0x3FBA];
	_ =	sdelay $0x3  }
0x37: {  	[smem:$0x3FBA] =	sst s10  }
0x38: {  	s10 =	sld [smem:$0x3FBB]  }
0x39: {  	_ = 	snop;
	(pc) =	sbr.ind lr, $3  }
0x3a: {  	_ = 	snop  }
0x3b: {  	_ = 	snop  }
0x3c: {  	p2 =	seq.s32 s10, $0x1;
	s10 =	sld [smem:$0x3FBA]  }
0x3d: {  	_ =	shalt  }
0x3e: {  	_ =	shalt  }
0x3f: {  	_ =	shalt  }
0x40: {  	_ =	shalt  }
0x41: {  	_ =	shalt  }
0x42: {  	_ =	shalt  }
0x43: {  	_ =	shalt  }
0x44: {  	_ =	shalt  }
0x45: {  	_ =	shalt  }
0x46: {  	_ =	shalt  }
0x47: {  	_ =	shalt  }
0x48: {  	_ =	shalt  }
0x49: {  	_ =	shalt  }
0x4a: {  	_ =	shalt  }
0x4b: {  	_ =	shalt  }
0x4c: {  	_ =	shalt  }
0x4d: {  	_ =	shalt  }
0x4e: {  	_ =	shalt  }
0x4f: {  	_ =	shalt  }
0x50: {  	_ =	shalt  }
0x51: {  	_ =	shalt  }
0x52: {  	_ =	shalt  }
0x53: {  	_ =	shalt  }
0x54: {  	_ =	shalt  }
0x55: {  	_ =	shalt  }
0x56: {  	_ =	shalt  }
0x57: {  	_ =	shalt  }
0x58: {  	_ =	shalt  }
0x59: {  	_ =	shalt  }
0x5a: {  	_ =	shalt  }
0x5b: {  	_ =	shalt  }
0x5c: {  	_ =	shalt  }
0x5d: {  	_ =	shalt  }
0x5e: {  	_ =	shalt  }
0x5f: {  	_ =	shalt  }
0x60: {  	_ =	shalt  }
0x61: {  	_ =	shalt  }
0x62: {  	_ =	shalt  }
0x63: {  	_ =	shalt  }
0x64: {  	_ =	shalt  }
0x65: {  	_ =	shalt  }
0x66: {  	_ =	shalt  }
0x67: {  	_ =	shalt  }
0x68: {  	_ =	shalt  }
0x69: {  	_ =	shalt  }
0x6a: {  	_ =	shalt  }
0x6b: {  	_ =	shalt  }
0x6c: {  	_ =	shalt  }
0x6d: {  	_ =	shalt  }
0x6e: {  	_ =	shalt  }
0x6f: {  	_ =	shalt  }
0x70: {  	_ =	shalt  }
0x71: {  	_ =	shalt  }
0x72: {  	_ =	shalt  }
0x73: {  	_ =	shalt  }
0x74: {  	_ =	shalt  }
0x75: {  	_ =	shalt  }
0x76: {  	_ =	shalt  }
0x77: {  	_ =	shalt  }
0x78: {  	_ =	shalt  }
0x79: {  	_ =	shalt  }
0x7a: {  	_ =	shalt  }
0x7b: {  	_ =	shalt  }
0x7c: {  	_ =	shalt  }
0x7d: {  	_ =	shalt  }
0x7e: {  	_ =	shalt  }
0x7f: {  	_ =	shalt  }
0x80: {  	_ =	shalt  }
0x81: {  	_ =	shalt  }
0x82: {  	_ =	shalt  }
0x83: {  	_ =	shalt  }
0x84: {  	_ =	shalt  }
0x85: {  	_ =	shalt  }
0x86: {  	_ =	shalt  }
0x87: {  	_ =	shalt  }
.Lfunc_end0:
.L_simem_size_0:
called_computation_lowered:
.L_overlay_start_0:
0x88: {  	s2 =	sld [smem:$0x3FD9]  }
0x89: {  	s3 =	sld [smem:$0x3FFE];
	_ =	sdelay $0x1  }
0x8a: {  	s1 =	srdreg.scid  }
0x8b: {  	s0 =	sand.u32 $0x1, s1  }
0x8c: {  	s16 =	sshll.u32 s0, $0xA;
	s2 =	sadd.s32 s3, s2  }
0x8d: {  	s2 =	sadd.s32 s2, s16  }
0x8e: {  	[smem:$0x3FC6] =	sst s2  }
0x8f: {  	_ = 	snop  }
0x90: {  	(tm) =	ssettm $0x1  }
0x91: {  	s17 =	sld [smem:$0x3FFB];
	_ =	sdelay $0x3  }
0x92: {  	_ =	strace s17  }
0x93: {  	s2 =	sld [smem:$0x3FFC];
	_ =	sdelay $0x3  }
0x94: {  	_ =	strace s2  }
0x95: {  	s2 =	sld [smem:$0x3FFD];
	_ =	sdelay $0x3  }
0x96: {  	_ =	strace s2  }
0x97: {  	_ =	strace $0x8FFFFFFF  }
0x98: {  	s18 =	sld [smem:$0x3FDB];
	_ =	sdelay $0x1  }
0x99: {  	s19 =	simm.s32 $_scs_section_size  }
0x9a: {  	s4 =	simm.s32 $_size__tile_overlayer_lowered;
	s5 =	simm.s32 $_tile_overlayer_lowered  }
0x9b: {  	s22 =	simm.s32 $0x1BFF;
	s21 =	sshll.u32 s5, $0x1;
	s2 =	sadd.s32 s19, s18  }
0x9c: {  	s6 =	simm.s32 $0x0;
	s20 =	sshll.u32 s4, $0x1;
	s4 =	sadd.s32 s21, s2  }
0x9d: {  	[timem:s6], [sflag:s22] =	dma.local [hbm:s4], s20  }
0x9e: {  	_ =	swait.ge [sflag:s22], s20  }
0x9f: {  	s3 =	ssub.s32 $0x0, s20;
	[sflag:s22] =	ssyncset.done $0x0  }
0xa0: {  	[sflag:s22] =	ssyncadd.s32 s3;
	_ =	sdelay $0x1  }
0xa1: {  	s23 =	simm.s32 $0x1B8B  }
0xa2: {  	_ =	swait.ge [sflag:s23], $0x1  }
0xa3: {  	[sflag:s23] =	ssyncset.done $0x0  }
0xa4: {  	s25 =	simm.s32 $0x1B8E;
	s24 =	sld [smem:$0x3FFE];
	[sflag:s23] =	ssyncadd.s32 $0xFFFFFFFF  }
0xa5: {  	s26 =	simm.s32 $execute0_lowered;
	[smem:$0x3FD2] =	sst s25  }
0xa6: {  	s4 =	sshll.u32 s26, $0x1;
	_ =	strace $0x80000046;
	[dreg:$0x1] =	wrdreg $0xFFFFFFFF  }
0xa7: {  	s28 =	simm.s32 $_size_execute0_lowered;
	s2 =	sadd.s32 s2, s4;
	[dreg:$0x0] =	wrdreg $0x0  }
0xa8: {  	s4 =	sshll.u32 s28, $0x1;
	[dreg:$0x2] =	wrdreg s2  }
0xa9: {  	[dreg:$0x3] =	wrdreg s4  }
0xaa: {  	[dreg:$0x4] =	wrdreg $0xC0  }
0xab: {  	_ =	task [dreg:s6], $0x5FFFF  }
0xac: {  	[dreg:$0x1] =	wrdreg $0xFFFFFFFF  }
0xad: {  	[dreg:$0x0] =	wrdreg $0x60  }
0xae: {  	[dreg:$0x2] =	wrdreg s24  }
0xaf: {  	[dreg:$0x3] =	wrdreg $0x9  }
0xb0: {  	_ =	task.clear_ibuf [dreg:s6], $0x4FFFF;
	_ =	strace $0x90000046  }
0xb1: {  	s29 =	simm.s32 $0x9;
	_ =	strace $0x80000048  }
0xb2: {  	_ =	swait.ge [sflag:s29], $0x1  }
0xb3: {  	[sflag:s29] =	ssyncadd.s32 $0xFFFFFFFF  }
0xb4: {  	_ =	strace $0x90000048  }
0xb5: {  	_ =	sfence  }
0xb6: {  	s30 =	sld [smem:$0x0];
	_ =	sdelay $0x2  }
0xb7: {  	s31 =	sshll.u32 s1, $0xD;
	s1 =	sshrl.u32 s1, $0x2  }
0xb8: {  	s3 =	sand.u32 $0x4000, s31;
	s1 =	sadd.s32 s1, s30  }
0xb9: {  	s0 =	sor.u32 s3, s0;
	s1 =	sshll.u32 s1, $0x11  }
0xba: {  	s0 =	sor.u32 s1, s0  }
0xbb: {  	s0 =	sadd.s32 $0x8F2B, s0  }
0xbc: {  	[sflag:s0] =	ssyncadd.remote.s32 $0x1  }
0xbd: {  	_ =	sfence.sel $0xFFFF  }
0xbe: {  	[dreg:$0x0] =	wrdreg $0xFFFFFFFF;
	(pc) =	sbr.abs _section_cstart, $3  }
0xbf: {  	[dreg:$0x1] =	wrdreg $0xFFFFFFFF  }
0xc0: {  	_ =	task.clear_ibuf [dreg:s6], $0x2FFFF;
	_ =	strace $0x9FFFFFFF  }
0xc1: {  	(tm) =	ssettm $0x7FFFFFFF  }
tec
execute0_lowered:
.L_overlay_start_1:
0x0: {  	(tag) =	ssettag $0x1  }
0x1: {  	s2 =	rddreg [dreg:$0x0]  }
0x2: {  	s3 =	srdreg.scid;
	s0 =	rddreg [dreg:$0x1]  }
0x3: {  	s1 =	simm.s32 $0x0;
	s11 =	simm.s32 $0xC000;
	s12 =	simm.s32 $0x8000  }
0x4: {  	s13 =	simm.s32 $0x10000;
	s14 =	simm.s32 $0x1;
	s15 =	simm.s32 $0x0  }
0x5: {  	s3 =	sand.u32 $0x1, s3;
	[smem:$0x7FF] =	sst s1;
	s6 =	sadd.s32 $0x11A00, s2  }
0x6: {  	s7 =	sadd.s32 $0x31A00, s2;
	s4 =	sshll.u32 s3, $0xB;
	_ =	strace $0x80000047  }
0x7: {  	s3 =	ssub.s32 $0x2, s3;
	s5 =	sadd.s32 s4, s2;
	s2 =	stileid.u32  }
0x8: {  	s10 =	sshrl.u32 s3, $0x1;
	s8 =	sshll.u32 s2, $0xD;
	s9 =	sshll.u32 s2, $0xC  }
0x9: {  	v0 =	vlaneseq.u32;
	s30 =	ssub.s32 s3, s10;
	s10 =	simm.s32 $0x4000;
	s8 =	sor.u32 s4, s8  }
0xa: {  	v4 =	vmul.u32 $0xFFFFFFFF, v0;
	s29 =	sadd.s32 s9, s5;
	s9 =	simm.s32 $0x2;
	s31 =	sor.u32 $0x1000, s8  }
0xb: {  	vm0 =	vmmov $0xff;
	v1 =	vor.u32 $0x10, v0;
	s3 =	sadd.s32 $0x1A00, s29;
	s4 =	sadd.s32 s6, s8;
	s5 =	sadd.s32 s6, s31  }
0xc: {  	v2 =	vor.u32 $0x20, v0;
	v3 =	vor.u32 $0x30, v0;
	v4 =	vadd.s32 $0xF, v4;
	s6 =	sadd.s32 s7, s8;
	s7 =	sadd.s32 s7, s31;
	s8 =	smax.u32 s30, $0x1  }
.LBB2_1:
0xd: {  	[tilespmem:s1], [sflag:$0x2] =	stream.linear.gather [hbm4b:s3+s1], $0x4000, $0x38;
	[tilespmem:$0x14000] =	vst v63  }
0xe: {  	_ =	swait.ge [sflag:s9], $0x4000  }
0xf: {  	[sflag:s9] =	ssyncset.done $0x0  }
0x10: {  	s16 =	simm.s32 $0x200;
	[sflag:s9] =	ssyncadd.s32 $0xFFFFC000  }
0x11: {  	v5 =	vld [tilespmem:s16+$0x1B0]  }
0x12: {  	v6 =	vld [tilespmem:s16+$0x190]  }
0x13: {  	v7 =	vld [tilespmem:s16+$0x1A0]  }
0x14: {  	v8 =	vld [tilespmem:s16+$0xFFFFFE30]  }
0x15: {  	v9 =	vld [tilespmem:s16+$0x180]  }
0x16: {  	v10 =	vld [tilespmem:s16+$0xFFFFFEB0];
	(xrf1) =	vsort.dscd.msk.f32 $0xffff, v5, v3  }
0x17: {  	v5 =	vld [tilespmem:s16+$0xFFFFFF30];
	(xrf1) =	vsort.dscd.msk.f32 $0xffff, v6, v1  }
0x18: {  	v6 =	vld [tilespmem:s16+$0xFFFFFFB0];
	(xrf1) =	vsort.dscd.msk.f32 $0xffff, v7, v2  }
0x19: {  	v7 =	vld [tilespmem:s16+$0x30];
	(xrf1) =	vsort.dscd.msk.f32 $0xffff, v8, v3  }
0x1a: {  	v8 =	vld [tilespmem:s16+$0xB0];
	(xrf1) =	vsort.dscd.msk.f32 $0xffff, v9, v0  }
0x1b: {  	v9 =	vld [tilespmem:s16+$0x130];
	(xrf1) =	vsort.dscd.msk.f32 $0xffff, v10, v3  }
0x1c: {  	v10 =	vld [tilespmem:s16+$0xFFFFFE10];
	(xrf1) =	vsort.dscd.msk.f32 $0xffff, v5, v3  }
0x1d: {  	v5 =	vld [tilespmem:s16+$0xFFFFFE20];
	(xrf1) =	vsort.dscd.msk.f32 $0xffff, v6, v3  }
0x1e: {  	v6 =	vld [tilespmem:s16+$0xFFFFFE90];
	(xrf1) =	vsort.dscd.msk.f32 $0xffff, v7, v3  }
0x1f: {  	v7 =	vld [tilespmem:s16+$0xFFFFFEA0];
	(xrf1) =	vsort.dscd.msk.f32 $0xffff, v8, v3  }
0x20: {  	v8 =	vld [tilespmem:s16+$0xFFFFFF10];
	(xrf1) =	vsort.dscd.msk.f32 $0xffff, v9, v3  }
0x21: {  	v9 =	vld [tilespmem:s16+$0xFFFFFF20];
	(xrf1) =	vsort.dscd.msk.f32 $0xffff, v10, v1  }
0x22: {  	(xrf1) =	vsort.dscd.msk.f32 $0xffff, v5, v2  }
0x23: {  	(xrf1) =	vsort.dscd.msk.f32 $0xffff, v6, v1  }
0x24: {  	(xrf1) =	vsort.dscd.msk.f32 $0xffff, v7, v2;
	v6, v7, _ =	vpop (xrf1)  }
0x25: {  	v5 =	vld [tilespmem:s16+$0xFFFFFF90];
	v6 =	vperm.xlane v6, v4;
	v7 =	vperm.xlane v7, v4;
	(xrf1) =	vsort.dscd.msk.f32 $0xffff, v8, v1;
	v8, v10, _ =	vpop (xrf1)  }
0x26: {  	v8 =	vperm.xlane v8, v4;
	(xrf1) =	vsort.dscd.msk.f32 $0xffff, v9, v2;
	v9, v12, _ =	vpop (xrf1)  }
0x27: {  	v11 =	vld [tilespmem:s16+$0xFFFFFFA0];
	v10 =	vperm.xlane v10, v4;
	v6 =	vsel vm0, v9, v6;
	v7 =	vsel vm0, v12, v7;
	v9, v12, _ =	vpop (xrf1)  }
0x28: {  	v13 =	vld [tilespmem:s16+$0x10];
	v15, v16, _ =	vpop (xrf1)  }
0x29: {  	v14 =	vld [tilespmem:s16+$0x20];
	(xrf1) =	vsort.dscd.msk.f32 $0xffff, v6, v7;
	v7 =	vsel vm0, v15, v8;
	v8 =	vsel vm0, v16, v10  }
0x2a: {  	v6 =	vld [tilespmem:s16+$0x90];
	(xrf1) =	vsort.dscd.msk.f32 $0xffff, v5, v1  }
0x2b: {  	v5 =	vld [tilespmem:s16+$0xA0];
	v10, v15, _ =	vpop (xrf1);
	(xrf1) =	vsort.dscd.msk.f32 $0xffff, v7, v8  }
0x2c: {  	v7 =	vld [tilespmem:s16+$0x110];
	(xrf1) =	vsort.dscd.msk.f32 $0xffff, v11, v2;
	v8, v16, _ =	vpop (xrf1)  }
0x2d: {  	v11 =	vld [tilespmem:s16+$0x120];
	(xrf1) =	vsort.dscd.msk.f32 $0xffff, v13, v1;
	v17, v18, _ =	vpop (xrf1)  }
0x2e: {  	v13 =	vld [tilespmem:s16+$0xFFFFFE80];
	(xrf1) =	vsort.dscd.msk.f32 $0xffff, v14, v2;
	v19, v20, _ =	vpop (xrf1)  }
0x2f: {  	v14 =	vld [tilespmem:s16+$0xFFFFFF00];
	(xrf1) =	vsort.dscd.msk.f32 $0xffff, v6, v1;
	v21, v22, _ =	vpop (xrf1)  }
0x30: {  	v6 =	vld [tilespmem:s16+$0xFFFFFF80];
	(xrf1) =	vsort.dscd.msk.f32 $0xffff, v5, v2;
	v23, v24, _ =	vpop (xrf1)  }
0x31: {  	v26 =	vld [tilespmem:s16+$0xFFFFFE00];
	(xrf1) =	vsort.dscd.msk.f32 $0xffff, v7, v1;
	v5, v25, _ =	vpop (xrf1)  }
0x32: {  	v7 =	vld [tilespmem:s16+$0x0];
	(xrf1) =	vsort.dscd.msk.f32 $0xffff, v11, v2;
	v27, v28, _ =	vpop (xrf1)  }
0x33: {  	(xrf1) =	vsort.dscd.msk.f32 $0xffff, v13, v0;
	v29, v30, _ =	vpop (xrf1)  }
0x34: {  	v11 =	vperm.xlane v12, v4;
	(xrf1) =	vsort.dscd.msk.f32 $0xffff, v14, v0;
	v31, v32, _ =	vpop (xrf1)  }
0x35: {  	v12 =	vld [tilespmem:s16+$0x80];
	v13 =	vperm.xlane v15, v4;
	v14 =	vperm.xlane v16, v4;
	(xrf1) =	vsort.dscd.msk.f32 $0xffff, v6, v0;
	v16, v33, _ =	vpop (xrf1)  }
0x36: {  	v15 =	vld [tilespmem:s16+$0x100];
	v6 =	vperm.xlane v17, v4;
	v17 =	vperm.xlane v18, v4;
	(xrf1) =	vsort.dscd.msk.f32 $0xffff, v26, v0;
	v18, v34, _ =	vpop (xrf1)  }
0x37: {  	v9 =	vperm.xlane v9, v4;
	(xrf1) =	vsort.dscd.msk.f32 $0xffff, v7, v0;
	v7, v26, _ =	vpop (xrf1)  }
0x38: {  	v11 =	vsel vm0, v28, v11;
	v26 =	vperm.xlane v26, v4  }
0x39: {  	v10 =	vperm.xlane v10, v4;
	v8 =	vperm.xlane v8, v4;
	v9 =	vsel vm0, v27, v9  }
0x3a: {  	v19 =	vperm.xlane v19, v4;
	(xrf1) =	vsort.dscd.msk.f32 $0xffff, v12, v0;
	v7 =	vperm.xlane v7, v4;
	v35, v36, _ =	vpop (xrf1)  }
0x3b: {  	v20 =	vperm.xlane v20, v4;
	v10 =	vsel vm0, v31, v10;
	(xrf1) =	vsort.dscd.msk.f32 $0xffff, v15, v0;
	v12, v15, _ =	vpop (xrf1)  }
0x3c: {  	v13 =	vsel vm0, v32, v13;
	(xrf1) =	vsort.dscd.msk.f32 $0xffff, v9, v11;
	v7 =	vsel vm0, v12, v7;
	v9, v11, _ =	vpop (xrf1)  }
0x3d: {  	v12 =	vsel vm0, v15, v26;
	v15 =	vperm.xlane v21, v4;
	v21 =	vperm.xlane v22, v4;
	v22, v26, _ =	vpop (xrf1)  }
0x3e: {  	(xrf1) =	vsort.dscd.msk.f32 $0xffff, v7, v12;
	v7 =	vperm.xlane v23, v4;
	v12 =	vperm.xlane v24, v4;
	v23, v24, _ =	vpop (xrf1)  }
0x3f: {  	v8 =	vsel vm0, v18, v8;
	v6 =	vsel vm0, v9, v6;
	v9 =	vsel vm0, v11, v17;
	v27, v28, _ =	vpop (xrf1)  }
0x40: {  	v5 =	vperm.xlane v5, v4;
	v14 =	vsel vm0, v34, v14;
	v31, v50, _ =	vpop (xrf1)  }
0x41: {  	(xrf1) =	vsort.dscd.msk.f32 $0xffff, v10, v13;
	v18 =	vsel vm0, v23, v19;
	v19 =	vsel vm0, v24, v20;
	v10, v13, _ =	vpop (xrf1)  }
0x42: {  	v25 =	vperm.xlane v25, v4;
	v29 =	vperm.xlane v29, v4;
	(xrf1) =	vsort.dscd.msk.f32 $0xffff, v8, v14;
	v8, v11, _ =	vpop (xrf1)  }
0x43: {  	v16 =	vperm.xlane v16, v4;
	v14 =	vperm.xlane v30, v4;
	(xrf1) =	vsort.dscd.msk.f32 $0xffff, v6, v9;
	v6, v9, _ =	vpop (xrf1)  }
0x44: {  	v17 =	vperm.xlane v33, v4;
	v7 =	vsel vm0, v8, v7;
	v8 =	vsel vm0, v11, v12;
	v20, v23, _ =	vpop (xrf1)  }
0x45: {  	(xrf1) =	vsort.dscd.msk.f32 $0xffff, v18, v19;
	v15 =	vsel vm0, v31, v15;
	v9 =	vsel vm0, v9, v14;
	v18, v19, _ =	vpop (xrf1)  }
0x46: {  	v21 =	vsel vm0, v50, v21;
	v6 =	vsel vm0, v6, v29;
	v14 =	vsel vm0, v20, v16;
	v11, v12, _ =	vpop (xrf1)  }
0x47: {  	(xrf1) =	vsort.dscd.msk.f32 $0xffff, v15, v21;
	v5 =	vsel vm0, v11, v5;
	v11 =	vsel vm0, v12, v25  }
0x48: {  	(xrf1) =	vsort.dscd.msk.f32 $0xffff, v7, v8;
	v7, v8, _ =	vpop (xrf1)  }
0x49: {  	v15 =	vsel vm0, v23, v17;
	(xrf1) =	vsort.dscd.msk.f32 $0xffff, v6, v9;
	v6, v9, _ =	vpop (xrf1)  }
0x4a: {  	(xrf1) =	vsort.dscd.msk.f32 $0xffff, v14, v15;
	v12, v14, _ =	vpop (xrf1)  }
0x4b: {  	(xrf1) =	vsort.dscd.msk.f32 $0xffff, v5, v11;
	v5, v11, _ =	vpop (xrf1)  }
0x4c: {  	v15, v16, _ =	vpop (xrf1)  }
0x4d: {  	(xrf0) =	vmax.scan.msk.f32 $0xffff, v15;
	_ =	sdelay $0x1  }
0x4e: {  	v21 =	vperm.xlane v22, v4;
	v20 =	vperm.xlane v36, v4  }
0x4f: {  	v24 =	vperm.xlane v28, v4;
	v17 =	vperm.xlane v35, v4  }
0x50: {  	v22 =	vperm.xlane v26, v4;
	v13 =	vperm.xlane v13, v4;
	v25, v26, _ =	vpop (xrf1)  }
0x51: {  	v10 =	vperm.xlane v10, v4;
	v23 =	vperm.xlane v27, v4;
	v17 =	vsel vm0, v18, v17;
	v27, v28, _ =	vpop (xrf1)  }
0x52: {  	v18 =	vsel vm0, v19, v20;
	v7 =	vsel vm0, v7, v21;
	v8 =	vsel vm0, v8, v22;
	v21, _, _ =	vpop (xrf0)  }
0x53: {  	(xrf1) =	vsort.dscd.msk.f32 $0xffff, v17, v18;
	v18 =	vperm.xlane v25, v4;
	v19, v20, _ =	vpop (xrf1);
	v17 =	vbroadcast v21, $0xF  }
0x54: {  	v10 =	vsel vm0, v12, v10;
	v12 =	vsel vm0, v14, v13;
	(xrf1) =	vsort.dscd.msk.f32 $0xffff, v7, v8;
	v13, v14, _ =	vpop (xrf1)  }
0x55: {  	v6 =	vsel vm0, v6, v23;
	v9 =	vsel vm0, v9, v24;
	v7 =	vperm.xlane v11, v4;
	v8, v11, _ =	vpop (xrf1)  }
0x56: {  	v5 =	vperm.xlane v5, v4;
	v21 =	vperm.xlane v26, v4;
	v22, v23, _ =	vpop (xrf1);
	v15 =	vsub.f32 v15, v17  }
0x57: {  	(xrf1) =	vsort.dscd.msk.f32 $0xffff, v6, v9;
	v6 =	vperm.xlane v27, v4;
	v9 =	vperm.xlane v28, v4;
	v17, v24, _ =	vpop (xrf1)  }
0x58: {  	(xrf1) =	vsort.dscd.msk.f32 $0xffff, v10, v12;
	v15 =	vmul.f32 $1.442695020e+00, v15;
	v10 =	vsel vm0, v17, v18;
	v12 =	vsel vm0, v24, v21;
	v17, v18, _ =	vpop (xrf1)  }
0x59: {  	v6 =	vsel vm0, v17, v6;
	v9 =	vsel vm0, v18, v9;
	v17, v18, _ =	vpop (xrf1);
	(xrf1) =	vsort.dscd.msk.f32 $0xffff, v10, v12  }
0x5a: {  	(erf) = vpow2.f32 v15;
	v5 =	vsel vm0, v17, v5;
	v7 =	vsel vm0, v18, v7;
	(xrf1) =	vsort.dscd.msk.f32 $0xffff, v6, v9  }
0x5b: {  	(xrf1) =	vsort.dscd.msk.f32 $0xffff, v5, v7;
	_ =	sdelay $0x4  }
0x5c: {  	v6 =	vperm.xlane v20, v4  }
0x5d: {  	v10 =	vperm.xlane v14, v4;
	v5 =	vperm.xlane v19, v4;
	v7, v9, _ =	vpop (xrf1)  }
0x5e: {  	v6 =	vsel vm0, v9, v6;
	v9 =	vperm.xlane v13, v4;
	v12, v13, _ =	vpop (xrf1)  }
0x5f: {  	v5 =	vsel vm0, v7, v5;
	v10 =	vsel vm0, v13, v10;
	v7 =	vpop (erf)  }
0x60: {  	(xrf1) =	vsort.dscd.msk.f32 $0xffff, v5, v6;
	v5 =	vperm.xlane v8, v4;
	v9 =	vsel vm0, v12, v9;
	v14 =	vnsel vm0, $0x0, v7  }
0x61: {  	v6, v7, _ =	vpop (xrf1);
	(xrf2) =	vadd.scan.msk.f32 $0xffff, v14  }
0x62: {  	v8 =	vperm.xlane v11, v4;
	v11, v12, _ =	vpop (xrf1);
	v5 =	vsel vm0, v6, v5  }
0x63: {  	(xrf1) =	vsort.dscd.msk.f32 $0xffff, v9, v10;
	v15, v10, _ =	vpop (xrf1)  }
0x64: {  	v6 =	vsel vm0, v7, v8;
	v18, v9, _ =	vpop (xrf1);
	(xrf0) =	vmax.scan.msk.f32 $0xffff, v15  }
0x65: {  	v17 =	vperm.xlane v23, v4;
	v13 =	vperm.xlane v22, v4;
	(xrf1) =	vsort.dscd.msk.f32 $0xffff, v5, v6;
	v5, v19, _ =	vpop (xrf1)  }
0x66: {  	(xrf0) =	vmax.scan.msk.f32 $0xffff, v5  }
0x67: {  	v6 =	vsel vm0, v11, v13;
	v7 =	vsel vm0, v12, v17  }
0x68: {  	(xrf1) =	vsort.dscd.msk.f32 $0xffff, v6, v7;
	_ =	sdelay $0x1  }
0x69: {  	v6, _, _ =	vpop (xrf0)  }
0x6a: {  	v7, _, _ =	vpop (xrf2)  }
0x6b: {  	(xrf0) =	vmax.scan.msk.f32 $0xffff, v18;
	v7 =	vbroadcast v7, $0xF;
	v8, _, _ =	vpop (xrf0)  }
0x6c: {  	v6 =	vbroadcast v6, $0xF;
	v11 =	vbroadcast v8, $0xF  }
0x6d: {  	(erf) = vrcp.f32 v7;
	v12, v8, _ =	vpop (xrf1)  }
0x6e: {  	v6 =	vsub.f32 v15, v6;
	v5 =	vsub.f32 v5, v11;
	(xrf0) =	vmax.scan.msk.f32 $0xffff, v12;
	_ =	sdelay $0x1  }
0x6f: {  	v5 =	vmul.f32 $1.442695020e+00, v5  }
0x70: {  	v11, _, _ =	vpop (xrf0)  }
0x71: {  	v13, v7, _ =	vpop (xrf1);
	v11 =	vbroadcast v11, $0xF  }
0x72: {  	v15 =	vmul.f32 $1.442695020e+00, v6;
	v17, v6, _ =	vpop (xrf1)  }
0x73: {  	(xrf0) =	vmax.scan.msk.f32 $0xffff, v13;
	(erf) = vpow2.f32 v5;
	v11 =	vsub.f32 v18, v11;
	v18, _, _ =	vpop (xrf0)  }
0x74: {  	s17 =	simm.s32 $0x380;
	(xrf0) =	vmax.scan.msk.f32 $0xffff, v17;
	(erf) = vpow2.f32 v15;
	v20, v5, _ =	vpop (xrf1)  }
0x75: {  	v15 =	vor.u32 s17, v0;
	v21 =	vpop (erf);
	(xrf0) =	vmax.scan.msk.f32 $0xffff, v20  }
0x76: {  	v14 =	vmul.f32 v21, v14  }
0x77: {  	v18 =	vbroadcast v18, $0xF;
	v11 =	vmul.f32 $1.442695020e+00, v11;
	_ =	sdelay $0x1  }
0x78: {  	v21, _, _ =	vpop (xrf0);
	v12 =	vsub.f32 v12, v18;
	(erf) = vpow2.f32 v11  }
0x79: {  	v11 =	vbroadcast v21, $0xF;
	[tilespmem:v15+s10+$0x0] =	vst.idx.msk $0xff, v14;
	v14, _, _ =	vpop (xrf0)  }
0x7a: {  	v12 =	vmul.f32 $1.442695020e+00, v12;
	[tilespmem:v15+s11+$0x0] =	vst.idx.msk $0xff, v16;
	v16, _, _ =	vpop (xrf0)  }
0x7b: {  	v11 =	vsub.f32 v13, v11;
	v15 =	vld [tilespmem:s16+$0x1F0];
	v13 =	vpop (erf);
	v14 =	vbroadcast v14, $0xF;
	v16 =	vbroadcast v16, $0xF  }
0x7c: {  	(erf) = vpow2.f32 v12;
	v12 =	vnsel vm0, $0x0, v13;
	v18 =	vpop (erf)  }
0x7d: {  	v13 =	vld [tilespmem:s16+$0x1D0];
	(xrf2) =	vadd.scan.msk.f32 $0xffff, v12;
	v14 =	vsub.f32 v17, v14;
	v17 =	vnsel vm0, $0x0, v18;
	v16 =	vsub.f32 v20, v16  }
0x7e: {  	v11 =	vmul.f32 $1.442695020e+00, v11;
	(xrf2) =	vadd.scan.msk.f32 $0xffff, v17  }
0x7f: {  	v21 =	vld [tilespmem:s16+$0x1E0]  }
0x80: {  	(erf) = vpow2.f32 v11;
	(xrf1) =	vsort.dscd.msk.f32 $0xffff, v15, v3  }
0x81: {  	v11 =	vld [tilespmem:s16+$0x1C0];
	v14 =	vmul.f32 $1.442695020e+00, v14;
	v15 =	vmul.f32 $1.442695020e+00, v16;
	v16 =	vpop (erf)  }
0x82: {  	(xrf1) =	vsort.dscd.msk.f32 $0xffff, v13, v1;
	v13 =	vnsel vm0, $0x0, v16  }
0x83: {  	(erf) = vpow2.f32 v14;
	(xrf2) =	vadd.scan.msk.f32 $0xffff, v13  }
0x84: {  	(xrf1) =	vsort.dscd.msk.f32 $0xffff, v21, v2;
	_ =	sdelay $0x1  }
0x85: {  	(xrf1) =	vsort.dscd.msk.f32 $0xffff, v11, v0;
	v11 =	vpop (erf)  }
0x86: {  	(erf) = vpow2.f32 v15;
	v14, _, _ =	vpop (xrf2)  }
0x87: {  	v11 =	vnsel vm0, $0x0, v11;
	v14 =	vbroadcast v14, $0xF;
	v16, _, _ =	vpop (xrf2)  }
0x88: {  	(xrf2) =	vadd.scan.msk.f32 $0xffff, v11;
	v16 =	vbroadcast v16, $0xF;
	_ =	sdelay $0x1  }
0x89: {  	v15 =	vpop (erf)  }
0x8a: {  	(erf) = vrcp.f32 v14;
	v14 =	vpop (erf)  }
0x8b: {  	(erf) = vrcp.f32 v16;
	v16, _, _ =	vpop (xrf2)  }
0x8c: {  	v15 =	vnsel vm0, $0x0, v15;
	v20, v21, _ =	vpop (xrf1);
	v16 =	vbroadcast v16, $0xF  }
0x8d: {  	(xrf2) =	vadd.scan.msk.f32 $0xffff, v15;
	v14 =	vnsel vm0, $0x0, v14;
	v21 =	vperm.xlane v21, v4  }
0x8e: {  	v18 =	vpop (erf);
	(xrf2) =	vadd.scan.msk.f32 $0xffff, v14  }
0x8f: {  	v20 =	vperm.xlane v20, v4;
	v22, v23, _ =	vpop (xrf1)  }
0x90: {  	v18 =	vnsel vm0, $0x0, v18;
	v23 =	vperm.xlane v23, v4;
	(erf) = vrcp.f32 v16;
	v16, v25, _ =	vpop (xrf1)  }
0x91: {  	s28 =	simm.s32 $0x0;
	v22 =	vperm.xlane v22, v4;
	v16 =	vsel vm0, v16, v20;
	v20 =	vsel vm0, v25, v21;
	v21, _, _ =	vpop (xrf2)  }
0x92: {  	v24 =	vor.u32 s28, v0;
	(xrf2) =	vadd.scan.msk.f32 $0xffff, v18;
	v25, v26, _ =	vpop (xrf1)  }
0x93: {  	s29 =	simm.s32 $0x80;
	v21 =	vbroadcast v21, $0xF;
	(xrf1) =	vsort.dscd.msk.f32 $0xffff, v16, v20;
	v20 =	vsel vm0, v25, v22  }
0x94: {  	v16 =	vor.u32 s29, v0;
	v22 =	vsel vm0, v26, v23;
	v23 =	vpop (erf)  }
0x95: {  	v12 =	vmul.f32 v23, v12;
	(erf) = vrcp.f32 v21  }
0x96: {  	(xrf1) =	vsort.dscd.msk.f32 $0xffff, v20, v22;
	v20 =	vpop (erf)  }
0x97: {  	s30 =	simm.s32 $0x100;
	[tilespmem:v24+s10+$0x0] =	vst.idx.msk $0xff, v12;
	v21, _, _ =	vpop (xrf2);
	v12 =	vmul.f32 v20, v17  }
0x98: {  	v17 =	vor.u32 s30, v0;
	[tilespmem:v24+s11+$0x0] =	vst.idx.msk $0xff, v19;
	v19, _, _ =	vpop (xrf2)  }
0x99: {  	v21 =	vbroadcast v21, $0xF;
	[tilespmem:v16+s10+$0x0] =	vst.idx.msk $0xff, v12;
	v12 =	vbroadcast v19, $0xF  }
0x9a: {  	[tilespmem:v16+s11+$0x0] =	vst.idx.msk $0xff, v10;
	v10 =	vpop (erf)  }
0x9b: {  	(erf) = vrcp.f32 v21;
	v10 =	vmul.f32 v10, v13  }
0x9c: {  	v20 =	vld [tilespmem:s16+$0xFFFFFE70]  }
0x9d: {  	s31 =	simm.s32 $0x180;
	v19 =	vld [tilespmem:s16+$0xFFFFFE50];
	(erf) = vrcp.f32 v12;
	v12, _, _ =	vpop (xrf2);
	[tilespmem:v17+s10+$0x0] =	vst.idx.msk $0xff, v10  }
0x9e: {  	v16 =	vld [tilespmem:s16+$0xFFFFFEF0];
	v13 =	vor.u32 s31, v0;
	[tilespmem:v17+s11+$0x0] =	vst.idx.msk $0xff, v9;
	v9 =	vpop (erf)  }
0x9f: {  	v21 =	vld [tilespmem:s16+$0xFFFFFE60];
	v12 =	vbroadcast v12, $0xF;
	v9 =	vmul.f32 v9, v11  }
0xa0: {  	v22 =	vld [tilespmem:s16+$0xFFFFFED0]  }
0xa1: {  	s18 =	simm.s32 $0x200;
	(xrf1) =	vsort.dscd.msk.f32 $0xffff, v20, v3;
	(erf) = vrcp.f32 v12;
	v12 =	vld [tilespmem:s16+$0xFFFFFF70]  }
0xa2: {  	(xrf1) =	vsort.dscd.msk.f32 $0xffff, v19, v1;
	v11 =	vor.u32 s18, v0  }
0xa3: {  	(xrf1) =	vsort.dscd.msk.f32 $0xffff, v16, v3;
	[tilespmem:v13+s10+$0x0] =	vst.idx.msk $0xff, v9;
	v9, v19, _ =	vpop (xrf1)  }
0xa4: {  	v10 =	vld [tilespmem:s16+$0xFFFFFEE0];
	(xrf1) =	vsort.dscd.msk.f32 $0xffff, v21, v2;
	[tilespmem:v13+s11+$0x0] =	vst.idx.msk $0xff, v8;
	v8 =	vperm.xlane v9, v4;
	v9 =	vpop (erf)  }
0xa5: {  	s19 =	simm.s32 $0x280;
	v17 =	vld [tilespmem:s16+$0xFFFFFF50];
	(xrf1) =	vsort.dscd.msk.f32 $0xffff, v22, v1;
	v9 =	vmul.f32 v9, v15  }
0xa6: {  	v20 =	vor.u32 s19, v0;
	v16 =	vld [tilespmem:s16+$0xFFFFFF60];
	(xrf1) =	vsort.dscd.msk.f32 $0xffff, v12, v3;
	v12 =	vpop (erf)  }
0xa7: {  	v21 =	vld [tilespmem:s16+$0xFFFFFE40];
	v13 =	vperm.xlane v19, v4;
	[tilespmem:v11+s10+$0x0] =	vst.idx.msk $0xff, v9;
	v9 =	vmul.f32 v12, v14  }
0xa8: {  	s20 =	simm.s32 $0x300;
	v19 =	vld [tilespmem:s16+$0xFFFFFFF0];
	v15, v22, _ =	vpop (xrf1)  }
0xa9: {  	v23 =	vld [tilespmem:s16+$0xFFFFFFD0];
	v8 =	vsel vm0, v15, v8;
	v15 =	vor.u32 s20, v0;
	v13 =	vsel vm0, v22, v13  }
0xaa: {  	v22 =	vld [tilespmem:s16+$0xFFFFFFE0];
	(xrf1) =	vsort.dscd.msk.f32 $0xffff, v8, v13;
	[tilespmem:v11+s11+$0x0] =	vst.idx.msk $0xff, v7  }
0xab: {  	v8 =	vld [tilespmem:s16+$0xFFFFFEC0];
	(xrf1) =	vsort.dscd.msk.f32 $0xffff, v10, v2;
	[tilespmem:v20+s10+$0x0] =	vst.idx.msk $0xff, v9;
	v9 =	vpop (erf)  }
0xac: {  	v7 =	vld [tilespmem:s16+$0x70];
	(xrf1) =	vsort.dscd.msk.f32 $0xffff, v17, v1;
	[tilespmem:v20+s11+$0x0] =	vst.idx.msk $0xff, v6;
	v6 =	vmul.f32 v9, v18  }
0xad: {  	(xrf1) =	vsort.dscd.msk.f32 $0xffff, v19, v3;
	v9 =	vld [tilespmem:s16+$0xF0]  }
0xae: {  	v10 =	vld [tilespmem:s16+$0x50];
	(xrf1) =	vsort.dscd.msk.f32 $0xffff, v16, v2;
	[tilespmem:v15+s10+$0x0] =	vst.idx.msk $0xff, v6  }
0xaf: {  	v11 =	vld [tilespmem:s16+$0x60];
	(xrf1) =	vsort.dscd.msk.f32 $0xffff, v23, v1;
	[tilespmem:v15+s11+$0x0] =	vst.idx.msk $0xff, v5  }
0xb0: {  	(xrf1) =	vsort.dscd.msk.f32 $0xffff, v22, v2;
	v5 =	vld [tilespmem:s16+$0x170]  }
0xb1: {  	v6 =	vld [tilespmem:s16+$0xD0];
	(xrf1) =	vsort.dscd.msk.f32 $0xffff, v7, v3  }
0xb2: {  	v12, v13, _ =	vpop (xrf1);
	v14 =	vld [tilespmem:s16+$0xE0];
	(xrf1) =	vsort.dscd.msk.f32 $0xffff, v9, v3  }
0xb3: {  	v25 =	vld [tilespmem:s16+$0x40];
	v7, v15, _ =	vpop (xrf1);
	(xrf1) =	vsort.dscd.msk.f32 $0xffff, v10, v1  }
0xb4: {  	v16 =	vld [tilespmem:s16+$0x150];
	v17, v18, _ =	vpop (xrf1);
	(xrf1) =	vsort.dscd.msk.f32 $0xffff, v11, v2  }
0xb5: {  	v19 =	vld [tilespmem:s16+$0x160];
	v10, v20, _ =	vpop (xrf1);
	(xrf1) =	vsort.dscd.msk.f32 $0xffff, v5, v3  }
0xb6: {  	v22 =	vld [tilespmem:s16+$0xFFFFFF40];
	v23, v24, _ =	vpop (xrf1);
	(xrf1) =	vsort.dscd.msk.f32 $0xffff, v6, v1  }
0xb7: {  	v11 =	vld [tilespmem:s16+$0xFFFFFFC0];
	v26, v27, _ =	vpop (xrf1);
	(xrf1) =	vsort.dscd.msk.f32 $0xffff, v14, v2  }
0xb8: {  	v13 =	vperm.xlane v13, v4;
	v6 =	vld [tilespmem:s16+$0xC0];
	v5, v9, _ =	vpop (xrf1)  }
0xb9: {  	v12 =	vperm.xlane v12, v4;
	v17 =	vperm.xlane v17, v4;
	(xrf1) =	vsort.dscd.msk.f32 $0xffff, v16, v1  }
0xba: {  	v18 =	vperm.xlane v18, v4;
	v14 =	vperm.xlane v15, v4;
	v15, v16, _ =	vpop (xrf1);
	(xrf1) =	vsort.dscd.msk.f32 $0xffff, v19, v2  }
0xbb: {  	v10 =	vsel vm0, v10, v12;
	v12 =	vsel vm0, v20, v13;
	v19, v28, _ =	vpop (xrf1);
	(xrf1) =	vsort.dscd.msk.f32 $0xffff, v21, v0  }
0xbc: {  	v16 =	vsel vm0, v16, v18;
	v13, v20, _ =	vpop (xrf1);
	v21 =	vperm.xlane v24, v4;
	(xrf1) =	vsort.dscd.msk.f32 $0xffff, v8, v0  }
0xbd: {  	v8 =	vperm.xlane v23, v4;
	v23, v24, _ =	vpop (xrf1);
	v18 =	vperm.xlane v20, v4;
	(xrf1) =	vsort.dscd.msk.f32 $0xffff, v22, v0  }
0xbe: {  	v22 =	vperm.xlane v26, v4;
	v26 =	vperm.xlane v27, v4;
	v27 =	vld [tilespmem:s16+$0x140];
	v29, v30, _ =	vpop (xrf1);
	(xrf1) =	vsort.dscd.msk.f32 $0xffff, v11, v0  }
0xbf: {  	v11 =	vsel vm0, v15, v17;
	v15 =	vperm.xlane v19, v4;
	v17 =	vperm.xlane v28, v4;
	v19, v28, _ =	vpop (xrf1)  }
0xc0: {  	v13 =	vperm.xlane v13, v4;
	v20, v31, _ =	vpop (xrf1);
	v22 =	vsel vm0, v23, v22;
	v23 =	vsel vm0, v24, v26  }
0xc1: {  	(xrf1) =	vsort.dscd.msk.f32 $0xffff, v25, v0;
	v26 =	vperm.xlane v29, v4;
	v29 =	vperm.xlane v30, v4;
	v24, v25, _ =	vpop (xrf1)  }
0xc2: {  	(xrf1) =	vsort.dscd.msk.f32 $0xffff, v6, v0;
	v6 =	vsel vm0, v19, v13;
	v13 =	vsel vm0, v28, v18;
	v30, v51, _ =	vpop (xrf1)  }
0xc3: {  	v20 =	vperm.xlane v20, v4;
	v18, v19, _ =	vpop (xrf1);
	(xrf1) =	vsort.dscd.msk.f32 $0xffff, v27, v0;
	v27 =	vperm.xlane v31, v4;
	_ =	sdelay $0x1  }
0xc4: {  	(xrf1) =	vsort.dscd.msk.f32 $0xffff, v10, v12;
	v10, v12, _ =	vpop (xrf1);
	v19 =	vsel vm0, v19, v27  }
0xc5: {  	v18 =	vsel vm0, v18, v20;
	(xrf1) =	vsort.dscd.msk.f32 $0xffff, v11, v16;
	v11, v16, _ =	vpop (xrf1)  }
0xc6: {  	v7 =	vperm.xlane v7, v4;
	(xrf1) =	vsort.dscd.msk.f32 $0xffff, v22, v23;
	v20, v22, _ =	vpop (xrf1)  }
0xc7: {  	v10 =	vperm.xlane v10, v4;
	v12 =	vperm.xlane v12, v4;
	(xrf1) =	vsort.dscd.msk.f32 $0xffff, v6, v13;
	v6, v13, _ =	vpop (xrf1)  }
0xc8: {  	v24 =	vperm.xlane v24, v4;
	v25 =	vperm.xlane v25, v4;
	(xrf1) =	vsort.dscd.msk.f32 $0xffff, v18, v19;
	v18, v19, _ =	vpop (xrf1)  }
0xc9: {  	v10 =	vsel vm0, v18, v10;
	v12 =	vsel vm0, v19, v12;
	v18, v19, _ =	vpop (xrf1)  }
0xca: {  	v20 =	vsel vm0, v20, v24;
	v22 =	vsel vm0, v22, v25;
	v7 =	vsel vm0, v18, v7  }
0xcb: {  	(xrf1) =	vsort.dscd.msk.f32 $0xffff, v20, v22;
	v14 =	vsel vm0, v19, v14  }
0xcc: {  	v18, v19, _ =	vpop (xrf1);
	(xrf1) =	vsort.dscd.msk.f32 $0xffff, v10, v12  }
0xcd: {  	(xrf1) =	vsort.dscd.msk.f32 $0xffff, v7, v14;
	v7, v12, _ =	vpop (xrf1)  }
0xce: {  	v8 =	vsel vm0, v18, v8;
	v10 =	vsel vm0, v19, v21;
	v7 =	vsel vm0, v7, v15;
	v14, v15, _ =	vpop (xrf1)  }
0xcf: {  	(xrf1) =	vsort.dscd.msk.f32 $0xffff, v8, v10;
	v8 =	vsel vm0, v14, v26  }
0xd0: {  	v12 =	vsel vm0, v12, v17  }
0xd1: {  	v10 =	vsel vm0, v15, v29  }
0xd2: {  	(xrf1) =	vsort.dscd.msk.f32 $0xffff, v7, v12  }
0xd3: {  	(xrf1) =	vsort.dscd.msk.f32 $0xffff, v8, v10;
	v7, v8, _ =	vpop (xrf1)  }
0xd4: {  	v16 =	vperm.xlane v16, v4;
	v17 =	vperm.xlane v30, v4;
	v10, v12, _ =	vpop (xrf1)  }
0xd5: {  	v14, v15, _ =	vpop (xrf1)  }
0xd6: {  	v18 =	vperm.xlane v51, v4;
	v19, v20, _ =	vpop (xrf1)  }
0xd7: {  	v11 =	vperm.xlane v11, v4;
	v6 =	vperm.xlane v6, v4;
	v7 =	vsel vm0, v7, v17;
	v21, v22, _ =	vpop (xrf1)  }
0xd8: {  	v8 =	vsel vm0, v8, v18;
	v17, v23, _ =	vpop (xrf1)  }
0xd9: {  	v10 =	vsel vm0, v10, v11;
	v11 =	vsel vm0, v12, v16;
	v18 =	vperm.xlane v20, v4;
	v12, v16, _ =	vpop (xrf1)  }
0xda: {  	v13 =	vperm.xlane v13, v4;
	v14 =	vsel vm0, v14, v6;
	v24, v25, _ =	vpop (xrf1)  }
0xdb: {  	(xrf1) =	vsort.dscd.msk.f32 $0xffff, v7, v8;
	v26, v7, _ =	vpop (xrf1)  }
0xdc: {  	v13 =	vsel vm0, v15, v13;
	(xrf1) =	vsort.dscd.msk.f32 $0xffff, v10, v11;
	v15 =	vperm.xlane v19, v4;
	v8, v6, _ =	vpop (xrf1)  }
0xdd: {  	(xrf1) =	vsort.dscd.msk.f32 $0xffff, v14, v13;
	v19 =	vperm.xlane v21, v4;
	v11 =	vperm.xlane v17, v4;
	v14, v17, _ =	vpop (xrf1)  }
0xde: {  	v10 =	vperm.xlane v22, v4;
	v14 =	vsel vm0, v14, v15;
	v15 =	vsel vm0, v17, v18;
	v17, v18, _ =	vpop (xrf1)  }
0xdf: {  	(xrf1) =	vsort.dscd.msk.f32 $0xffff, v14, v15;
	v14 =	vsel vm0, v17, v19  }
0xe0: {  	s21 =	simm.s32 $0x600;
	v10 =	vsel vm0, v18, v10  }
0xe1: {  	v20 =	vld [tilespmem:s21+$0x1B0];
	v13 =	vperm.xlane v23, v4  }
0xe2: {  	(xrf0) =	vmax.scan.msk.f32 $0xffff, v5;
	v12 =	vperm.xlane v12, v4;
	v16 =	vperm.xlane v16, v4;
	v18 =	vld [tilespmem:s21+$0x190];
	v15, v17, _ =	vpop (xrf1)  }
0xe3: {  	(xrf1) =	vsort.dscd.msk.f32 $0xffff, v14, v10;
	v11 =	vsel vm0, v15, v11;
	v13 =	vsel vm0, v17, v13;
	v15 =	vld [tilespmem:s21+$0x1A0];
	v10, v14, _ =	vpop (xrf1)  }
0xe4: {  	(xrf1) =	vsort.dscd.msk.f32 $0xffff, v11, v13;
	v11 =	vld [tilespmem:s21+$0xFFFFFE30];
	v10 =	vsel vm0, v10, v12;
	v12 =	vsel vm0, v14, v16  }
0xe5: {  	(xrf1) =	vsort.dscd.msk.f32 $0xffff, v10, v12;
	v10 =	vld [tilespmem:s21+$0x180]  }
0xe6: {  	v12 =	vld [tilespmem:s21+$0xFFFFFEB0];
	(xrf1) =	vsort.dscd.msk.f32 $0xffff, v20, v3  }
0xe7: {  	v13 =	vld [tilespmem:s21+$0xFFFFFF30];
	(xrf1) =	vsort.dscd.msk.f32 $0xffff, v18, v1  }
0xe8: {  	v14 =	vld [tilespmem:s21+$0xFFFFFFB0];
	(xrf1) =	vsort.dscd.msk.f32 $0xffff, v15, v2  }
0xe9: {  	v16 =	vld [tilespmem:s21+$0x30];
	v15, _, _ =	vpop (xrf0);
	(xrf1) =	vsort.dscd.msk.f32 $0xffff, v11, v3  }
0xea: {  	v11 =	vbroadcast v15, $0xF;
	v15 =	vld [tilespmem:s21+$0xB0];
	(xrf1) =	vsort.dscd.msk.f32 $0xffff, v10, v0  }
0xeb: {  	v10 =	vld [tilespmem:s21+$0x130];
	(xrf1) =	vsort.dscd.msk.f32 $0xffff, v12, v3  }
0xec: {  	v5 =	vsub.f32 v5, v11;
	v11 =	vld [tilespmem:s21+$0xFFFFFE10];
	(xrf1) =	vsort.dscd.msk.f32 $0xffff, v13, v3  }
0xed: {  	v27 =	vld [tilespmem:s21+$0xFFFFFE20];
	v22, v23, _ =	vpop (xrf1);
	(xrf1) =	vsort.dscd.msk.f32 $0xffff, v14, v3  }
0xee: {  	v28 =	vld [tilespmem:s21+$0xFFFFFE90];
	v21, v19, _ =	vpop (xrf1);
	v5 =	vmul.f32 $1.442695020e+00, v5;
	(xrf1) =	vsort.dscd.msk.f32 $0xffff, v16, v3  }
0xef: {  	v29 =	vld [tilespmem:s21+$0xFFFFFEA0];
	v20, v14, _ =	vpop (xrf1);
	(xrf1) =	vsort.dscd.msk.f32 $0xffff, v15, v3  }
0xf0: {  	v15, v18, _ =	vpop (xrf1);
	(xrf1) =	vsort.dscd.msk.f32 $0xffff, v10, v3  }
0xf1: {  	v13, v16, _ =	vpop (xrf1);
	(xrf1) =	vsort.dscd.msk.f32 $0xffff, v11, v1  }
0xf2: {  	v30 =	vld [tilespmem:s21+$0xFFFFFF10];
	v12, v17, _ =	vpop (xrf1);
	(xrf1) =	vsort.dscd.msk.f32 $0xffff, v27, v2  }
0xf3: {  	(erf) = vpow2.f32 v5;
	v10 =	vld [tilespmem:s21+$0xFFFFFF20];
	v11, v5, _ =	vpop (xrf1);
	(xrf1) =	vsort.dscd.msk.f32 $0xffff, v28, v1  }
0xf4: {  	(xrf1) =	vsort.dscd.msk.f32 $0xffff, v29, v2;
	v28, v29, _ =	vpop (xrf1)  }
0xf5: {  	v29 =	vperm.xlane v29, v4  }
0xf6: {  	[tilespmem:$0x1FFE0] =	vst v5  }
0xf7: {  	v27 =	vld [tilespmem:s21+$0xFFFFFF90];
	v28 =	vperm.xlane v28, v4;
	(xrf1) =	vsort.dscd.msk.f32 $0xffff, v30, v1;
	v30, v31, _ =	vpop (xrf1)  }
0xf8: {  	(xrf1) =	vsort.dscd.msk.f32 $0xffff, v10, v2;
	v10, v53, _ =	vpop (xrf1)  }
0xf9: {  	v52 =	vld [tilespmem:s21+$0xFFFFFFA0];
	v31 =	vperm.xlane v31, v4;
	v10 =	vsel vm0, v10, v28;
	v28 =	vsel vm0, v53, v29;
	v29, v33, _ =	vpop (xrf1)  }
0xfa: {  	v54 =	vld [tilespmem:s21+$0x10];
	v30 =	vperm.xlane v30, v4;
	v56, v37, _ =	vpop (xrf1)  }
0xfb: {  	v55 =	vld [tilespmem:s21+$0x20];
	(xrf1) =	vsort.dscd.msk.f32 $0xffff, v10, v28;
	v31 =	vsel vm0, v37, v31  }
0xfc: {  	v28 =	vld [tilespmem:s21+$0x90];
	(xrf1) =	vsort.dscd.msk.f32 $0xffff, v27, v1;
	v30 =	vsel vm0, v56, v30  }
0xfd: {  	v27 =	vld [tilespmem:s21+$0xA0];
	v57, v58, _ =	vpop (xrf1);
	(xrf1) =	vsort.dscd.msk.f32 $0xffff, v30, v31  }
0xfe: {  	v30 =	vld [tilespmem:s21+$0x110];
	(xrf1) =	vsort.dscd.msk.f32 $0xffff, v52, v2;
	v31, v38, _ =	vpop (xrf1)  }
0xff: {  	v59 =	vld [tilespmem:s21+$0x120];
	v39, v40, _ =	vpop (xrf1);
	(xrf1) =	vsort.dscd.msk.f32 $0xffff, v54, v1  }
0x100: {  	v60 =	vld [tilespmem:s21+$0xFFFFFE80];
	v41, v42, _ =	vpop (xrf1);
	(xrf1) =	vsort.dscd.msk.f32 $0xffff, v55, v2  }
0x101: {  	v61 =	vld [tilespmem:s21+$0xFFFFFF00];
	v43, v44, _ =	vpop (xrf1);
	(xrf1) =	vsort.dscd.msk.f32 $0xffff, v28, v1  }
0x102: {  	v28 =	vld [tilespmem:s21+$0xFFFFFF80];
	v45, v46, _ =	vpop (xrf1);
	(xrf1) =	vsort.dscd.msk.f32 $0xffff, v27, v2  }
0x103: {  	v48 =	vld [tilespmem:s21+$0xFFFFFE00];
	v27, v47, _ =	vpop (xrf1);
	(xrf1) =	vsort.dscd.msk.f32 $0xffff, v30, v1  }
0x104: {  	v24 =	vperm.xlane v24, v4;
	v30 =	vld [tilespmem:s21+$0x0];
	v49, v50, _ =	vpop (xrf1);
	(xrf1) =	vsort.dscd.msk.f32 $0xffff, v59, v2  }
0x105: {  	v51, v52, _ =	vpop (xrf1);
	(xrf1) =	vsort.dscd.msk.f32 $0xffff, v60, v0  }
0x106: {  	v25 =	vperm.xlane v25, v4;
	v22 =	vsel vm0, v22, v24;
	v53, v54, _ =	vpop (xrf1);
	(xrf1) =	vsort.dscd.msk.f32 $0xffff, v61, v0  }
0x107: {  	v62 =	vld [tilespmem:s21+$0x80];
	v29 =	vperm.xlane v29, v4;
	v33 =	vperm.xlane v33, v4;
	v37, v55, _ =	vpop (xrf1);
	(xrf1) =	vsort.dscd.msk.f32 $0xffff, v28, v0  }
0x108: {  	v63 =	vld [tilespmem:s21+$0x100];
	v28 =	vperm.xlane v31, v4;
	v31 =	vperm.xlane v38, v4;
	v38, v56, _ =	vpop (xrf1);
	(xrf1) =	vsort.dscd.msk.f32 $0xffff, v48, v0  }
0x109: {  	v35 =	vperm.xlane v57, v4;
	v36 =	vperm.xlane v58, v4;
	(xrf1) =	vsort.dscd.msk.f32 $0xffff, v30, v0;
	v30, v59, _ =	vpop (xrf1)  }
0x10a: {  	v23 =	vsel vm0, v23, v25;
	v39 =	vperm.xlane v39, v4;
	v48 =	vperm.xlane v59, v4  }
0x10b: {  	v10 =	vpop (erf);
	v40 =	vperm.xlane v40, v4;
	v34 =	vperm.xlane v41, v4;
	v29 =	vsel vm0, v49, v29  }
0x10c: {  	v41 =	vperm.xlane v42, v4;
	v30 =	vperm.xlane v30, v4;
	v57, v58, _ =	vpop (xrf1);
	(xrf1) =	vsort.dscd.msk.f32 $0xffff, v62, v0  }
0x10d: {  	v24 =	vperm.xlane v43, v4;
	v60 =	vsel vm0, v50, v33;
	(xrf1) =	vsort.dscd.msk.f32 $0xffff, v63, v0;
	v61, v62, _ =	vpop (xrf1)  }
0x10e: {  	v30 =	vsel vm0, v61, v30;
	v63 =	vsel vm0, v62, v48;
	(xrf1) =	vsort.dscd.msk.f32 $0xffff, v29, v60;
	v29, v32, _ =	vpop (xrf1)  }
0x10f: {  	v25 =	vperm.xlane v45, v4;
	v36 =	vsel vm0, v54, v36;
	v42, v48, _ =	vpop (xrf1);
	(xrf1) =	vsort.dscd.msk.f32 $0xffff, v30, v63  }
0x110: {  	v35 =	vsel vm0, v53, v35;
	v28 =	vsel vm0, v38, v28;
	v31 =	vsel vm0, v56, v31;
	v33, v43, _ =	vpop (xrf1)  }
0x111: {  	v32 =	vsel vm0, v32, v40;
	v30 =	vperm.xlane v44, v4;
	v44 =	vperm.xlane v46, v4;
	v45, v46, _ =	vpop (xrf1)  }
0x112: {  	v29 =	vsel vm0, v29, v39;
	v59, v60, _ =	vpop (xrf1)  }
0x113: {  	v61 =	vperm.xlane v47, v4;
	v62 =	vperm.xlane v51, v4;
	(xrf1) =	vsort.dscd.msk.f32 $0xffff, v35, v36;
	v35, v36, _ =	vpop (xrf1)  }
0x114: {  	v33 =	vsel vm0, v33, v34;
	(xrf1) =	vsort.dscd.msk.f32 $0xffff, v28, v31;
	v30 =	vsel vm0, v60, v30;
	v28, v31, _ =	vpop (xrf1)  }
0x115: {  	v10 =	vnsel vm0, $0x0, v10;
	v63 =	vperm.xlane v52, v4;
	v24 =	vsel vm0, v59, v24;
	(xrf1) =	vsort.dscd.msk.f32 $0xffff, v29, v32;
	v29, v32, _ =	vpop (xrf1)  }
0x116: {  	(xrf2) =	vadd.scan.msk.f32 $0xffff, v10;
	v47 =	vsel vm0, v43, v41;
	v25 =	vsel vm0, v28, v25;
	v28 =	vsel vm0, v31, v44;
	v41, v43, _ =	vpop (xrf1)  }
0x117: {  	v27 =	vperm.xlane v27, v4;
	(xrf1) =	vsort.dscd.msk.f32 $0xffff, v33, v47;
	v31 =	vsel vm0, v32, v63;
	v33, v34, _ =	vpop (xrf1)  }
0x118: {  	v37 =	vperm.xlane v37, v4;
	v29 =	vsel vm0, v29, v62;
	(xrf1) =	vsort.dscd.msk.f32 $0xffff, v24, v30;
	v24, v30, _ =	vpop (xrf1)  }
0x119: {  	v49 =	vperm.xlane v55, v4;
	(xrf1) =	vsort.dscd.msk.f32 $0xffff, v22, v23;
	v22, v23, _ =	vpop (xrf1);
	v24 =	vsel vm0, v24, v27  }
0x11a: {  	v55 =	vperm.xlane v58, v4;
	(xrf1) =	vsort.dscd.msk.f32 $0xffff, v25, v28;
	v27 =	vsel vm0, v30, v61;
	v25, v28, _ =	vpop (xrf1)  }
0x11b: {  	v50 =	vsel vm0, v41, v37;
	v51 =	vsel vm0, v43, v49;
	(xrf1) =	vsort.dscd.msk.f32 $0xffff, v29, v31;
	v29, v31, _ =	vpop (xrf1)  }
0x11c: {  	v54 =	vperm.xlane v57, v4;
	(xrf1) =	vsort.dscd.msk.f32 $0xffff, v50, v51;
	v30, v52, _ =	vpop (xrf1)  }
0x11d: {  	v34 =	vsel vm0, v34, v55;
	(xrf1) =	vsort.dscd.msk.f32 $0xffff, v24, v27;
	v27, v24, _ =	vpop (xrf1)  }
0x11e: {  	v26 =	vperm.xlane v26, v4;
	v7 =	vperm.xlane v7, v4;
	v33 =	vsel vm0, v33, v54;
	(xrf0) =	vmax.scan.msk.f32 $0xffff, v27  }
0x11f: {  	v57 =	vperm.xlane v42, v4;
	v58 =	vperm.xlane v48, v4  }
0x120: {  	v8 =	vperm.xlane v8, v4;
	v21 =	vsel vm0, v21, v26;
	v53, _, _ =	vpop (xrf2);
	v56 =	vperm.xlane v6, v4  }
0x121: {  	v6 =	vbroadcast v53, $0xF;
	v22 =	vsel vm0, v22, v57;
	v23 =	vsel vm0, v23, v58;
	(xrf1) =	vsort.dscd.msk.f32 $0xffff, v33, v34;
	v33, v34, _ =	vpop (xrf1)  }
0x122: {  	v26 =	vperm.xlane v46, v4;
	v59 =	vperm.xlane v45, v4;
	(xrf1) =	vsort.dscd.msk.f32 $0xffff, v22, v23;
	v60, v61, _ =	vpop (xrf1)  }
0x123: {  	(erf) = vrcp.f32 v6;
	v36 =	vperm.xlane v36, v4;
	v62, v63, _ =	vpop (xrf1)  }
0x124: {  	v35 =	vperm.xlane v35, v4;
	v6 =	vsel vm0, v25, v59;
	v25 =	vsel vm0, v28, v26;
	v22, _, _ =	vpop (xrf0)  }
0x125: {  	v8 =	vsel vm0, v20, v8;
	v26 =	vsel vm0, v31, v36;
	(xrf1) =	vsort.dscd.msk.f32 $0xffff, v6, v25;
	v20, v23, _ =	vpop (xrf1);
	v22 =	vbroadcast v22, $0xF  }
0x126: {  	v7 =	vsel vm0, v19, v7;
	v28 =	vperm.xlane v30, v4;
	v25 =	vsel vm0, v29, v35;
	v29, v30, _ =	vpop (xrf1)  }
0x127: {  	v14 =	vsel vm0, v14, v56;
	v19, v5, _ =	vpop (xrf1);
	v22 =	vsub.f32 v27, v22;
	v27 =	vperm.xlane v34, v4  }
0x128: {  	v39 =	vperm.xlane v33, v4;
	(xrf1) =	vsort.dscd.msk.f32 $0xffff, v25, v26;
	v25 =	vperm.xlane v60, v4;
	v26, v43, _ =	vpop (xrf1)  }
0x129: {  	v44 =	vperm.xlane v61, v4;
	(xrf1) =	vsort.dscd.msk.f32 $0xffff, v21, v7;
	v7, v21, _ =	vpop (xrf1);
	v22 =	vmul.f32 $1.442695020e+00, v22  }
0x12a: {  	v31 =	vperm.xlane v52, v4;
	(xrf1) =	vsort.dscd.msk.f32 $0xffff, v8, v14;
	v8 =	vsel vm0, v21, v27;
	v14, v21, _ =	vpop (xrf1)  }
0x12b: {  	v7 =	vsel vm0, v7, v39;
	v21 =	vsel vm0, v21, v44;
	(erf) = vpow2.f32 v22  }
0x12c: {  	v14 =	vsel vm0, v14, v25;
	(xrf1) =	vsort.dscd.msk.f32 $0xffff, v7, v8;
	v25, v27, _ =	vpop (xrf1)  }
0x12d: {  	(xrf1) =	vsort.dscd.msk.f32 $0xffff, v14, v21;
	v7 =	vsel vm0, v25, v28;
	v8 =	vsel vm0, v27, v31  }
0x12e: {  	(xrf1) =	vsort.dscd.msk.f32 $0xffff, v7, v8;
	v7 =	vperm.xlane v62, v4;
	v8 =	vperm.xlane v63, v4  }
0x12f: {  	(xrf0) =	vmax.scan.msk.f32 $0xffff, v15;
	v20 =	vperm.xlane v20, v4;
	v14, v21, _ =	vpop (xrf1)  }
0x130: {  	v7 =	vsel vm0, v14, v7;
	v8 =	vsel vm0, v21, v8;
	v21 =	vperm.xlane v23, v4;
	v22, v23, _ =	vpop (xrf1)  }
0x131: {  	(xrf1) =	vsort.dscd.msk.f32 $0xffff, v7, v8;
	v20 =	vsel vm0, v22, v20  }
0x132: {  	v14 =	vpop (erf);
	v8 =	vperm.xlane v30, v4;
	v21 =	vsel vm0, v23, v21  }
0x133: {  	v7 =	vperm.xlane v29, v4;
	v22, v23, _ =	vpop (xrf1)  }
0x134: {  	v8 =	vsel vm0, v23, v8;
	(xrf1) =	vsort.dscd.msk.f32 $0xffff, v20, v21;
	v20 =	vpop (erf)  }
0x135: {  	v7 =	vsel vm0, v22, v7;
	v21, _, _ =	vpop (xrf0);
	v25 =	vnsel vm0, $0x0, v20;
	v20 =	vperm.xlane v26, v4  }
0x136: {  	v26 =	vperm.xlane v43, v4;
	(xrf2) =	vadd.scan.msk.f32 $0xffff, v25;
	v21 =	vbroadcast v21, $0xF  }
0x137: {  	v22, v23, _ =	vpop (xrf1);
	(xrf1) =	vsort.dscd.msk.f32 $0xffff, v7, v8  }
0x138: {  	v29, v8, _ =	vpop (xrf1);
	v23 =	vsel vm0, v23, v26  }
0x139: {  	v20 =	vsel vm0, v22, v20;
	v30, v7, _ =	vpop (xrf1)  }
0x13a: {  	v15 =	vsub.f32 v15, v21;
	(xrf1) =	vsort.dscd.msk.f32 $0xffff, v20, v23;
	v21, v22, _ =	vpop (xrf1)  }
0x13b: {  	v31, v28, _ =	vpop (xrf1);
	(xrf0) =	vmax.scan.msk.f32 $0xffff, v21  }
0x13c: {  	v15 =	vmul.f32 $1.442695020e+00, v15;
	v45, v23, _ =	vpop (xrf1)  }
0x13d: {  	(xrf0) =	vmax.scan.msk.f32 $0xffff, v45  }
0x13e: {  	(xrf0) =	vmax.scan.msk.f32 $0xffff, v31  }
0x13f: {  	v46, v27, _ =	vpop (xrf1)  }
0x140: {  	(erf) = vpow2.f32 v15;
	v15, _, _ =	vpop (xrf2)  }
0x141: {  	(xrf0) =	vmax.scan.msk.f32 $0xffff, v46;
	v47, _, _ =	vpop (xrf0);
	v15 =	vbroadcast v15, $0xF  }
0x142: {  	v48, v26, _ =	vpop (xrf1)  }
0x143: {  	v20, _, _ =	vpop (xrf0);
	(erf) = vrcp.f32 v15;
	v15 =	vbroadcast v47, $0xF  }
0x144: {  	v49 =	vbroadcast v20, $0xF;
	v52, _, _ =	vpop (xrf0)  }
0x145: {  	(xrf0) =	vmax.scan.msk.f32 $0xffff, v48;
	v50, v20, _ =	vpop (xrf1)  }
0x146: {  	v36 =	vbroadcast v52, $0xF;
	(xrf0) =	vmax.scan.msk.f32 $0xffff, v50;
	v32 =	vsub.f32 v45, v49  }
0x147: {  	v21 =	vsub.f32 v21, v15;
	v54, _, _ =	vpop (xrf0)  }
0x148: {  	v31 =	vsub.f32 v31, v36;
	v32 =	vmul.f32 $1.442695020e+00, v32;
	v53, v15, _ =	vpop (xrf1)  }
0x149: {  	v21 =	vmul.f32 $1.442695020e+00, v21;
	v56 =	vbroadcast v54, $0xF;
	(xrf0) =	vmax.scan.msk.f32 $0xffff, v53  }
0x14a: {  	s22 =	simm.s32 $0x780;
	v51 =	vpop (erf);
	v31 =	vmul.f32 $1.442695020e+00, v31;
	(erf) = vpow2.f32 v32;
	(xrf0) =	vmax.scan.msk.f32 $0xffff, v13  }
0x14b: {  	v55, _, _ =	vpop (xrf0);
	v33 =	vsub.f32 v46, v56;
	(erf) = vpow2.f32 v21;
	v21 =	vor.u32 s22, v0;
	(xrf0) =	vmax.scan.msk.f32 $0xffff, v12  }
0x14c: {  	v32 =	vbroadcast v55, $0xF;
	v57, _, _ =	vpop (xrf0)  }
0x14d: {  	v33 =	vmul.f32 $1.442695020e+00, v33;
	v58 =	vpop (erf);
	v59 =	vbroadcast v57, $0xF  }
0x14e: {  	v32 =	vsub.f32 v48, v32;
	(erf) = vpow2.f32 v31;
	v25 =	vmul.f32 v58, v25  }
0x14f: {  	[tilespmem:$0x1FFF0] =	vst v5;
	(erf) = vpow2.f32 v33;
	v31, _, _ =	vpop (xrf0);
	v60 =	vsub.f32 v50, v59  }
0x150: {  	(xrf0) =	vmax.scan.msk.f32 $0xffff, v11;
	v32 =	vmul.f32 $1.442695020e+00, v32;
	[tilespmem:v21+s10+$0x0] =	vst.idx.msk $0xff, v25;
	v31 =	vbroadcast v31, $0xF;
	v61, _, _ =	vpop (xrf0)  }
0x151: {  	v25 =	vnsel vm0, $0x0, v51;
	[tilespmem:v21+s11+$0x0] =	vst.idx.msk $0xff, v24;
	v21, _, _ =	vpop (xrf0);
	v24 =	vmul.f32 $1.442695020e+00, v60;
	v63 =	vbroadcast v61, $0xF  }
0x152: {  	(xrf0) =	vmax.scan.msk.f32 $0xffff, v19;
	(erf) = vpow2.f32 v32;
	v31 =	vsub.f32 v53, v31;
	v21 =	vbroadcast v21, $0xF  }
0x153: {  	(xrf2) =	vadd.scan.msk.f32 $0xffff, v25;
	v62 =	vld [tilespmem:s21+$0x1F0];
	v39 =	vpop (erf);
	(erf) = vpow2.f32 v24;
	v13 =	vsub.f32 v13, v63  }
0x154: {  	(xrf0) =	vmax.scan.msk.f32 $0xffff, v29;
	v40 =	vld [tilespmem:s21+$0x1D0];
	v24 =	vnsel vm0, $0x0, v39;
	v41 =	vpop (erf);
	v31 =	vmul.f32 $1.442695020e+00, v31;
	v12 =	vsub.f32 v12, v21  }
0x155: {  	v42 =	vld [tilespmem:s21+$0x1E0];
	v32 =	vnsel vm0, $0x0, v41;
	(xrf2) =	vadd.scan.msk.f32 $0xffff, v24;
	v13 =	vmul.f32 $1.442695020e+00, v13  }
0x156: {  	(xrf2) =	vadd.scan.msk.f32 $0xffff, v32;
	(erf) = vpow2.f32 v31;
	v12 =	vmul.f32 $1.442695020e+00, v12  }
0x157: {  	(xrf0) =	vmax.scan.msk.f32 $0xffff, v30;
	v43, _, _ =	vpop (xrf0);
	v21 =	vld [tilespmem:s21+$0x1C0];
	(erf) = vpow2.f32 v13  }
0x158: {  	(xrf1) =	vsort.dscd.msk.f32 $0xffff, v62, v3;
	v31 =	vpop (erf);
	(erf) = vpow2.f32 v12;
	v12 =	vbroadcast v43, $0xF  }
0x159: {  	v44, _, _ =	vpop (xrf0);
	(xrf1) =	vsort.dscd.msk.f32 $0xffff, v40, v1  }
0x15a: {  	v45, _, _ =	vpop (xrf0);
	v31 =	vnsel vm0, $0x0, v31;
	(xrf1) =	vsort.dscd.msk.f32 $0xffff, v42, v2;
	v11 =	vsub.f32 v11, v12  }
0x15b: {  	v46 =	vpop (erf);
	(xrf2) =	vadd.scan.msk.f32 $0xffff, v31  }
0x15c: {  	(xrf1) =	vsort.dscd.msk.f32 $0xffff, v21, v0;
	v21 =	vpop (erf);
	v11 =	vmul.f32 $1.442695020e+00, v11  }
0x15d: {  	v49, _, _ =	vpop (xrf2)  }
0x15e: {  	v47 =	vpop (erf)  }
0x15f: {  	v48 =	vbroadcast v44, $0xF;
	v50, _, _ =	vpop (xrf2)  }
0x160: {  	(erf) = vpow2.f32 v11;
	v11, _, _ =	vpop (xrf2)  }
0x161: {  	v19 =	vsub.f32 v19, v48;
	v13, _, _ =	vpop (xrf0);
	v11 =	vbroadcast v11, $0xF  }
0x162: {  	v12 =	vnsel vm0, $0x0, v46;
	v13 =	vbroadcast v13, $0xF;
	v37 =	vbroadcast v50, $0xF  }
0x163: {  	v33 =	vbroadcast v45, $0xF;
	(xrf2) =	vadd.scan.msk.f32 $0xffff, v12;
	v51 =	vpop (erf)  }
0x164: {  	v19 =	vmul.f32 $1.442695020e+00, v19;
	v13 =	vsub.f32 v30, v13;
	v30 =	vpop (erf);
	(erf) = vrcp.f32 v37  }
0x165: {  	v52 =	vnsel vm0, $0x0, v21;
	(erf) = vrcp.f32 v11;
	v11, _, _ =	vpop (xrf2)  }
0x166: {  	v29 =	vsub.f32 v29, v33;
	(xrf2) =	vadd.scan.msk.f32 $0xffff, v52;
	v11 =	vbroadcast v11, $0xF;
	_ =	sdelay $0x1  }
0x167: {  	v21 =	vmul.f32 $1.442695020e+00, v29;
	(erf) = vpow2.f32 v19;
	v19, v54, _ =	vpop (xrf1)  }
0x168: {  	v29 =	vnsel vm0, $0x0, v47;
	v19 =	vperm.xlane v19, v4;
	v37 =	vperm.xlane v54, v4;
	v56, v55, _ =	vpop (xrf1)  }
0x169: {  	(xrf2) =	vadd.scan.msk.f32 $0xffff, v29;
	(erf) = vrcp.f32 v11;
	v11, v57, _ =	vpop (xrf1)  }
0x16a: {  	s19 =	simm.s32 $0x400;
	v53 =	vpop (erf);
	v39 =	vperm.xlane v55, v4;
	v11 =	vsel vm0, v11, v19;
	v19 =	vsel vm0, v57, v37  }
0x16b: {  	v59 =	vor.u32 s19, v0;
	v35 =	vnsel vm0, $0x0, v51;
	v60, v61, _ =	vpop (xrf1)  }
0x16c: {  	(xrf2) =	vadd.scan.msk.f32 $0xffff, v35;
	v58, _, _ =	vpop (xrf2);
	v38 =	vperm.xlane v56, v4;
	(erf) = vpow2.f32 v21;
	v21 =	vsel vm0, v61, v39  }
0x16d: {  	v13 =	vmul.f32 $1.442695020e+00, v13;
	(xrf1) =	vsort.dscd.msk.f32 $0xffff, v11, v19;
	v19 =	vpop (erf)  }
0x16e: {  	v37 =	vbroadcast v58, $0xF;
	v11 =	vsel vm0, v60, v38;
	v62 =	vpop (erf)  }
0x16f: {  	s23 =	simm.s32 $0x480;
	(xrf1) =	vsort.dscd.msk.f32 $0xffff, v11, v21;
	(erf) = vpow2.f32 v13;
	v21, _, _ =	vpop (xrf2);
	v11 =	vmul.f32 v62, v24  }
0x170: {  	v13 =	vor.u32 s23, v0;
	(erf) = vrcp.f32 v37;
	v24 =	vbroadcast v21, $0xF;
	v21 =	vpop (erf)  }
0x171: {  	v36 =	vbroadcast v49, $0xF;
	[tilespmem:v59+s10+$0x0] =	vst.idx.msk $0xff, v11;
	v11 =	vmul.f32 v21, v32  }
0x172: {  	s24 =	simm.s32 $0x500  }
0x173: {  	v63 =	vor.u32 s24, v0;
	(erf) = vrcp.f32 v36;
	v39, _, _ =	vpop (xrf2)  }
0x174: {  	v21 =	vpop (erf);
	(erf) = vrcp.f32 v24;
	[tilespmem:v59+s11+$0x0] =	vst.idx.msk $0xff, v23;
	v23 =	vbroadcast v39, $0xF  }
0x175: {  	v40 =	vld [tilespmem:s21+$0xFFFFFE70];
	[tilespmem:v13+s10+$0x0] =	vst.idx.msk $0xff, v11;
	v11 =	vpop (erf)  }
0x176: {  	v41 =	vld [tilespmem:s21+$0xFFFFFE50];
	[tilespmem:v13+s11+$0x0] =	vst.idx.msk $0xff, v22;
	v13, _, _ =	vpop (xrf2);
	(erf) = vrcp.f32 v23;
	v11 =	vmul.f32 v11, v31  }
0x177: {  	s25 =	simm.s32 $0x580;
	v42 =	vld [tilespmem:s21+$0xFFFFFEF0];
	v22 =	vpop (erf)  }
0x178: {  	v30 =	vnsel vm0, $0x0, v30;
	v43 =	vld [tilespmem:s21+$0xFFFFFE60];
	v13 =	vbroadcast v13, $0xF;
	v31 =	vor.u32 s25, v0;
	v23 =	vpop (erf);
	[tilespmem:v63+s10+$0x0] =	vst.idx.msk $0xff, v11  }
0x179: {  	(xrf2) =	vadd.scan.msk.f32 $0xffff, v30;
	v11 =	vld [tilespmem:s21+$0xFFFFFED0];
	[tilespmem:v63+s11+$0x0] =	vst.idx.msk $0xff, v28;
	v28 =	vpop (erf)  }
0x17a: {  	(erf) = vrcp.f32 v13;
	(xrf1) =	vsort.dscd.msk.f32 $0xffff, v40, v3;
	v13 =	vld [tilespmem:s21+$0xFFFFFF70];
	v12 =	vmul.f32 v28, v12  }
0x17b: {  	(xrf1) =	vsort.dscd.msk.f32 $0xffff, v41, v1  }
0x17c: {  	s26 =	simm.s32 $0x600;
	v44 =	vpop (erf);
	(xrf1) =	vsort.dscd.msk.f32 $0xffff, v42, v3  }
0x17d: {  	v28 =	vor.u32 s26, v0;
	(xrf1) =	vsort.dscd.msk.f32 $0xffff, v43, v2;
	v49 =	vpop (erf);
	[tilespmem:v31+s10+$0x0] =	vst.idx.msk $0xff, v12  }
0x17e: {  	s28 =	simm.s32 $0x680;
	v47 =	vld [tilespmem:s21+$0xFFFFFEE0];
	[tilespmem:v31+s11+$0x0] =	vst.idx.msk $0xff, v27;
	(xrf1) =	vsort.dscd.msk.f32 $0xffff, v11, v1;
	v12, v45, _ =	vpop (xrf1)  }
0x17f: {  	v46 =	vor.u32 s28, v0;
	v50 =	vld [tilespmem:s21+$0xFFFFFF50];
	v12 =	vperm.xlane v12, v4;
	v48 =	vperm.xlane v45, v4;
	(xrf1) =	vsort.dscd.msk.f32 $0xffff, v13, v3;
	v13 =	vpop (erf)  }
0x180: {  	v27 =	vmul.f32 v49, v52;
	v51 =	vld [tilespmem:s21+$0xFFFFFFF0];
	v11, v31, _ =	vpop (xrf1);
	v13 =	vmul.f32 v13, v29  }
0x181: {  	s29 =	simm.s32 $0x700;
	v52 =	vld [tilespmem:s21+$0xFFFFFF60];
	v11 =	vsel vm0, v11, v12;
	v12 =	vsel vm0, v31, v48  }
0x182: {  	[tilespmem:v28+s10+$0x0] =	vst.idx.msk $0xff, v27;
	v31 =	vor.u32 s29, v0;
	(xrf1) =	vsort.dscd.msk.f32 $0xffff, v11, v12;
	v11 =	vld [tilespmem:s21+$0xFFFFFFD0]  }
0x183: {  	[tilespmem:v28+s11+$0x0] =	vst.idx.msk $0xff, v26;
	v12 =	vld [tilespmem:s21+$0xFFFFFFE0];
	(xrf1) =	vsort.dscd.msk.f32 $0xffff, v47, v2  }
0x184: {  	[tilespmem:v46+s10+$0x0] =	vst.idx.msk $0xff, v13;
	v13 =	vpop (erf);
	(xrf1) =	vsort.dscd.msk.f32 $0xffff, v50, v1  }
0x185: {  	v26, _, _ =	vpop (xrf2);
	v27 =	vld [tilespmem:s21+$0x70];
	[tilespmem:v46+s11+$0x0] =	vst.idx.msk $0xff, v20;
	v13 =	vmul.f32 v13, v35;
	(xrf1) =	vsort.dscd.msk.f32 $0xffff, v51, v3  }
0x186: {  	v20 =	vbroadcast v26, $0xF;
	v26 =	vld [tilespmem:s21+$0xF0];
	(xrf1) =	vsort.dscd.msk.f32 $0xffff, v52, v2  }
0x187: {  	v28 =	vld [tilespmem:s21+$0x50];
	[tilespmem:v31+s10+$0x0] =	vst.idx.msk $0xff, v13;
	(xrf1) =	vsort.dscd.msk.f32 $0xffff, v11, v1  }
0x188: {  	v24 =	vnsel vm0, $0x0, v53;
	v13 =	vld [tilespmem:s21+$0x60];
	[tilespmem:v31+s11+$0x0] =	vst.idx.msk $0xff, v15;
	(xrf1) =	vsort.dscd.msk.f32 $0xffff, v12, v2  }
0x189: {  	(xrf2) =	vadd.scan.msk.f32 $0xffff, v24;
	v11 =	vld [tilespmem:s21+$0x170]  }
0x18a: {  	s30 =	simm.s32 $0x4380;
	(erf) = vrcp.f32 v20;
	v20, v29, _ =	vpop (xrf1);
	v12 =	vld [tilespmem:s21+$0xD0];
	(xrf1) =	vsort.dscd.msk.f32 $0xffff, v27, v3  }
0x18b: {  	v31 =	vld [tilespmem:s21+$0xE0];
	v53, v54, _ =	vpop (xrf1);
	v27 =	vor.u32 s30, v0;
	(xrf1) =	vsort.dscd.msk.f32 $0xffff, v26, v3  }
0x18c: {  	v26, v55, _ =	vpop (xrf1);
	(xrf1) =	vsort.dscd.msk.f32 $0xffff, v28, v1  }
0x18d: {  	v56 =	vld [tilespmem:s21+$0x150];
	v58, v57, _ =	vpop (xrf1);
	(xrf1) =	vsort.dscd.msk.f32 $0xffff, v13, v2  }
0x18e: {  	v10 =	vmul.f32 v14, v10;
	v13 =	vld [tilespmem:s21+$0x160];
	v14, v59, _ =	vpop (xrf1);
	(xrf1) =	vsort.dscd.msk.f32 $0xffff, v11, v3  }
0x18f: {  	v61, v60, _ =	vpop (xrf1);
	v11 =	vld [tilespmem:s21+$0xFFFFFE40];
	(xrf1) =	vsort.dscd.msk.f32 $0xffff, v12, v1  }
0x190: {  	[tilespmem:v27+s10+$0x0] =	vst.idx.msk $0xff, v10;
	v10 =	vld [tilespmem:s21+$0xFFFFFEC0];
	(xrf1) =	vsort.dscd.msk.f32 $0xffff, v31, v2;
	v12, v28, _ =	vpop (xrf1)  }
0x191: {  	v20 =	vperm.xlane v20, v4;
	v29 =	vperm.xlane v29, v4;
	[tilespmem:v27+s11+$0x0] =	vst.idx.msk $0xff, v9;
	v9 =	vld [tilespmem:s21+$0xFFFFFF40];
	(xrf0) =	vmax.scan.msk.f32 $0xffff, v12;
	v63, v62, _ =	vpop (xrf1)  }
0x192: {  	v33 =	vperm.xlane v53, v4;
	v34 =	vperm.xlane v54, v4;
	v31 =	vld [tilespmem:s21+$0xFFFFFFC0];
	(xrf1) =	vsort.dscd.msk.f32 $0xffff, v56, v1;
	v54, v53, _ =	vpop (xrf1)  }
0x193: {  	v52 =	vld [tilespmem:s21+$0x40];
	(xrf1) =	vsort.dscd.msk.f32 $0xffff, v13, v2;
	v13 =	vperm.xlane v26, v4;
	v26 =	vperm.xlane v55, v4;
	v56, v55, _ =	vpop (xrf1)  }
0x194: {  	(xrf1) =	vsort.dscd.msk.f32 $0xffff, v11, v0;
	v11 =	vsel vm0, v58, v20;
	v20 =	vsel vm0, v57, v29;
	v29 =	vld [tilespmem:s21+$0xC0];
	v57, v58, _ =	vpop (xrf1)  }
0x195: {  	(xrf1) =	vsort.dscd.msk.f32 $0xffff, v10, v0;
	v10 =	vld [tilespmem:s21+$0x140];
	v48, v49, _ =	vpop (xrf1)  }
0x196: {  	v39 =	vperm.xlane v59, v4;
	(xrf1) =	vsort.dscd.msk.f32 $0xffff, v9, v0;
	v59, v40, _ =	vpop (xrf1)  }
0x197: {  	v47 =	vperm.xlane v14, v4;
	v14 =	vperm.xlane v61, v4;
	(xrf1) =	vsort.dscd.msk.f32 $0xffff, v31, v0;
	v9, _, _ =	vpop (xrf0)  }
0x198: {  	v13 =	vsel vm0, v63, v13;
	v31 =	vperm.xlane v60, v4;
	(xrf1) =	vsort.dscd.msk.f32 $0xffff, v52, v0;
	v60, v61, _ =	vpop (xrf1)  }
0x199: {  	v26 =	vsel vm0, v62, v26;
	v35 =	vperm.xlane v56, v4;
	v9 =	vbroadcast v9, $0xF;
	v63, v62, _ =	vpop (xrf1);
	(xrf1) =	vsort.dscd.msk.f32 $0xffff, v29, v0  }
0x19a: {  	v14 =	vsel vm0, v57, v14;
	v29 =	vperm.xlane v55, v4;
	v45, v52, _ =	vpop (xrf1);
	(xrf1) =	vsort.dscd.msk.f32 $0xffff, v10, v0  }
0x19b: {  	v32 =	vsel vm0, v59, v35;
	v12 =	vsub.f32 v12, v9;
	v57, v56, _ =	vpop (xrf1);
	(xrf1) =	vsort.dscd.msk.f32 $0xffff, v11, v20  }
0x19c: {  	v15, _, _ =	vpop (xrf2);
	v20 =	vperm.xlane v61, v4;
	(xrf1) =	vsort.dscd.msk.f32 $0xffff, v13, v26;
	v26 =	vperm.xlane v63, v4  }
0x19d: {  	v31 =	vsel vm0, v58, v31;
	v11 =	vperm.xlane v60, v4;
	v13 =	vsel vm0, v40, v29;
	v58, v59, _ =	vpop (xrf1)  }
0x19e: {  	s31 =	simm.s32 $0x4000;
	v12 =	vmul.f32 $1.442695020e+00, v12;
	v20 =	vsel vm0, v56, v20;
	v29, v40, _ =	vpop (xrf1);
	v38 =	vperm.xlane v58, v4  }
0x19f: {  	v46 =	vor.u32 s31, v0;
	v27 =	vmul.f32 v44, v25;
	(xrf1) =	vsort.dscd.msk.f32 $0xffff, v14, v31;
	v14 =	vperm.xlane v62, v4;
	v60, v61, _ =	vpop (xrf1)  }
0x1a0: {  	v31 =	vsel vm0, v57, v11;
	v42 =	vperm.xlane v59, v4;
	(erf) = vpow2.f32 v12;
	(xrf1) =	vsort.dscd.msk.f32 $0xffff, v32, v13;
	v63, v62, _ =	vpop (xrf1)  }
0x1a1: {  	v13 =	vsel vm0, v60, v26;
	(xrf1) =	vsort.dscd.msk.f32 $0xffff, v31, v20;
	v20, v26, _ =	vpop (xrf1)  }
0x1a2: {  	v15 =	vbroadcast v15, $0xF;
	v25 =	vpop (erf);
	v26 =	vsel vm0, v26, v42  }
0x1a3: {  	s18 =	simm.s32 $0x4080;
	v30 =	vmul.f32 v25, v30;
	v14 =	vsel vm0, v61, v14;
	v20 =	vsel vm0, v20, v38;
	v31, v38, _ =	vpop (xrf1)  }
0x1a4: {  	v50 =	vor.u32 s18, v0;
	v36 =	vperm.xlane v54, v4;
	v41 =	vperm.xlane v53, v4;
	(xrf1) =	vsort.dscd.msk.f32 $0xffff, v13, v14;
	v42, v44, _ =	vpop (xrf1)  }
0x1a5: {  	[tilespmem:v46+s10+$0x0] =	vst.idx.msk $0xff, v27;
	(erf) = vrcp.f32 v15;
	(xrf1) =	vsort.dscd.msk.f32 $0xffff, v20, v26;
	v20 =	vperm.xlane v48, v4;
	v26, v27, _ =	vpop (xrf1)  }
0x1a6: {  	v13 =	vsel vm0, v31, v33;
	v31 =	vsel vm0, v38, v34;
	v26 =	vsel vm0, v26, v36  }
0x1a7: {  	(xrf1) =	vsort.dscd.msk.f32 $0xffff, v13, v31;
	v15 =	vsel vm0, v42, v47;
	v48 =	vsel vm0, v44, v39  }
0x1a8: {  	v31 =	vperm.xlane v49, v4;
	v51, v49, _ =	vpop (xrf1);
	v27 =	vsel vm0, v27, v41;
	(xrf1) =	vsort.dscd.msk.f32 $0xffff, v15, v48  }
0x1a9: {  	s20 =	simm.s32 $0x4180;
	v21 =	vnsel vm0, $0x0, v21;
	v22 =	vnsel vm0, $0x0, v22;
	s18 =	simm.s32 $0x4100;
	[tilespmem:v46+s11+$0x0] =	vst.idx.msk $0xff, v18;
	s21 =	simm.s32 $0x4200;
	(xrf1) =	vsort.dscd.msk.f32 $0xffff, v26, v27;
	v26 =	vpop (erf)  }
0x1aa: {  	v25 =	vor.u32 s18, v0;
	[tilespmem:v50+s10+$0x0] =	vst.idx.msk $0xff, v30;
	v10 =	vor.u32 s21, v0;
	v9 =	vor.u32 s20, v0;
	v54, v53, _ =	vpop (xrf1)  }
0x1ab: {  	s23 =	simm.s32 $0x4300;
	[tilespmem:v50+s11+$0x0] =	vst.idx.msk $0xff, v16;
	v34 =	vsel vm0, v51, v20;
	v31 =	vsel vm0, v49, v31;
	v37 =	vnsel vm0, $0x0, v26;
	v18, v26, _ =	vpop (xrf1)  }
0x1ac: {  	s22 =	simm.s32 $0x4280;
	v30 =	vperm.xlane v45, v4;
	v11 =	vor.u32 s23, v0;
	v16 =	vperm.xlane v29, v4;
	(xrf1) =	vsort.dscd.msk.f32 $0xffff, v34, v31;
	v56, v55, _ =	vpop (xrf1)  }
0x1ad: {  	v12 =	vor.u32 s22, v0;
	v32 =	vperm.xlane v63, v4;
	v31 =	vperm.xlane v52, v4;
	(xrf2) =	vadd.scan.msk.f32 $0xffff, v37;
	v29, v57, _ =	vpop (xrf1)  }
0x1ae: {  	v58 =	vperm.xlane v62, v4;
	v27 =	vnsel vm0, $0x0, v19;
	v19 =	vperm.xlane v40, v4;
	v60, v59, _ =	vpop (xrf1)  }
0x1af: {  	v30 =	vsel vm0, v54, v30;
	v31 =	vsel vm0, v53, v31;
	v62 =	vperm.xlane v29, v4;
	v29 =	vpop (erf)  }
0x1b0: {  	s24 =	simm.s32 $0x4400;
	v16 =	vsel vm0, v18, v16;
	v26 =	vsel vm0, v26, v19;
	(xrf2) =	vadd.scan.msk.f32 $0xffff, v27;
	v32 =	vsel vm0, v56, v32;
	v18, v61, _ =	vpop (xrf1)  }
0x1b1: {  	s25 =	simm.s32 $0x4480;
	v14 =	vor.u32 s24, v0;
	v35 =	vsel vm0, v55, v58;
	v38 =	vperm.xlane v57, v4;
	v48, v49, _ =	vpop (xrf1);
	(xrf1) =	vsort.dscd.msk.f32 $0xffff, v30, v31  }
0x1b2: {  	s26 =	simm.s32 $0x4500;
	v13 =	vor.u32 s25, v0;
	v33 =	vperm.xlane v60, v4;
	v24 =	vmul.f32 v29, v24;
	(xrf1) =	vsort.dscd.msk.f32 $0xffff, v16, v26  }
0x1b3: {  	s28 =	simm.s32 $0x4580;
	v15 =	vor.u32 s26, v0;
	v63 =	vperm.xlane v59, v4;
	v50 =	vperm.xlane v18, v4;
	v30, v31, _ =	vpop (xrf1);
	(xrf1) =	vsort.dscd.msk.f32 $0xffff, v32, v35  }
0x1b4: {  	s29 =	simm.s32 $0x4600;
	v20 =	vor.u32 s28, v0;
	v36 =	vperm.xlane v61, v4;
	v26 =	vperm.xlane v48, v4;
	v29, v51, _ =	vpop (xrf1)  }
0x1b5: {  	s30 =	simm.s32 $0x4680;
	v19 =	vor.u32 s29, v0;
	v52 =	vperm.xlane v49, v4;
	v39 =	vperm.xlane v30, v4;
	v30, v53, _ =	vpop (xrf1)  }
0x1b6: {  	s31 =	simm.s32 $0x4700;
	v18 =	vor.u32 s30, v0;
	[tilespmem:v25+s10+$0x0] =	vst.idx.msk $0xff, v24;
	v40 =	vperm.xlane v31, v4;
	v32 =	vperm.xlane v29, v4;
	v24, v54, _ =	vpop (xrf1)  }
0x1b7: {  	v16 =	vor.u32 s31, v0;
	[tilespmem:v25+s11+$0x0] =	vst.idx.msk $0xff, v17;
	v31 =	vperm.xlane v51, v4;
	v30 =	vperm.xlane v30, v4;
	v17, _, _ =	vpop (xrf2)  }
0x1b8: {  	s16 =	simm.s32 $0xA00;
	v29 =	vperm.xlane v53, v4;
	(xrf2) =	vadd.scan.msk.f32 $0xffff, v21;
	v24 =	vsel vm0, v24, v62;
	v25 =	vsel vm0, v54, v38;
	v55, v56, _ =	vpop (xrf1)  }
0x1b9: {  	v57 =	vbroadcast v17, $0xF;
	(xrf1) =	vsort.dscd.msk.f32 $0xffff, v24, v25;
	v24 =	vld [tilespmem:s16+$0x1B0];
	v25 =	vsel vm0, v55, v33;
	v58 =	vsel vm0, v56, v63;
	v59, v60, _ =	vpop (xrf1)  }
0x1ba: {  	v17 =	vnsel vm0, $0x0, v23;
	v23 =	vld [tilespmem:s16+$0x190];
	v61 =	vsel vm0, v59, v50;
	v36 =	vsel vm0, v60, v36;
	(xrf1) =	vsort.dscd.msk.f32 $0xffff, v25, v58;
	v63, v62, _ =	vpop (xrf1)  }
0x1bb: {  	s17 =	simm.s32 $0x10;
	s18 =	simm.s32 $0x18;
	v25 =	vld [tilespmem:s16+$0x1A0];
	(erf) = vrcp.f32 v57;
	v33 =	vsel vm0, v63, v26;
	v34 =	vsel vm0, v62, v52;
	(xrf1) =	vsort.dscd.msk.f32 $0xffff, v61, v36;
	v26, _, _ =	vpop (xrf2)  }
.LBB2_2:
0x1bc: {  	_ =	sdelay $0x1  }
0x1bd: {  	v41 =	vld [tilespmem:s16+$0xFFFFFE30];
	(xrf1) =	vsort.dscd.msk.f32 $0xffff, v33, v34;
	v26 =	vbroadcast v26, $0xF  }
0x1be: {  	v42 =	vld [tilespmem:s16+$0x180];
	(xrf2) =	vadd.scan.msk.f32 $0xffff, v22;
	v33, v34, _ =	vpop (xrf1)  }
0x1bf: {  	v52 =	vld [tilespmem:s16+$0xFFFFFEB0];
	(erf) = vrcp.f32 v26;
	v38 =	vsel vm0, v33, v39;
	v50, v51, _ =	vpop (xrf1);
	(xrf1) =	vsort.dscd.msk.f32 $0xffff, v24, v3  }
0x1c0: {  	v53 =	vld [tilespmem:s16+$0xFFFFFF30];
	v39 =	vsel vm0, v34, v40;
	v34 =	vsel vm0, v51, v31;
	v24, v31, _ =	vpop (xrf1);
	(xrf1) =	vsort.dscd.msk.f32 $0xffff, v23, v1  }
0x1c1: {  	v35 =	vsel vm0, v24, v30;
	v24 =	vld [tilespmem:s16+$0xFFFFFFB0];
	(xrf1) =	vsort.dscd.msk.f32 $0xffff, v25, v2;
	v23, _, _ =	vpop (xrf2)  }
0x1c2: {  	(xrf1) =	vsort.dscd.msk.f32 $0xffff, v41, v3;
	v30 =	vbroadcast v23, $0xF;
	v23 =	vld [tilespmem:s16+$0x30]  }
0x1c3: {  	s19 =	sadd.s32 $0x4380, s19;
	v54 =	vld [tilespmem:s16+$0xB0];
	(xrf1) =	vsort.dscd.msk.f32 $0xffff, v42, v0  }
0x1c4: {  	v26 =	vld [tilespmem:s16+$0x130];
	v36 =	vsel vm0, v31, v29;
	v29 =	vor.u32 s19, v0;
	(xrf1) =	vsort.dscd.msk.f32 $0xffff, v52, v3  }
0x1c5: {  	v55 =	vld [tilespmem:s16+$0xFFFFFE10];
	v25 =	vpop (erf);
	(xrf1) =	vsort.dscd.msk.f32 $0xffff, v53, v3  }
0x1c6: {  	v56 =	vld [tilespmem:s16+$0xFFFFFE20];
	(xrf1) =	vsort.dscd.msk.f32 $0xffff, v24, v3  }
0x1c7: {  	v57 =	vld [tilespmem:s16+$0xFFFFFE90];
	v5 =	vmul.f32 v25, v37;
	v31, v25, _ =	vpop (xrf1);
	(xrf1) =	vsort.dscd.msk.f32 $0xffff, v23, v3  }
0x1c8: {  	v43 =	vld [tilespmem:s16+$0xFFFFFEA0];
	v59 =	vpop (erf);
	(xrf1) =	vsort.dscd.msk.f32 $0xffff, v54, v3  }
0x1c9: {  	v58 =	vld [tilespmem:s16+$0xFFFFFF10];
	[tilespmem:v29+s10+$0x0] =	vst.idx.msk $0xff, v5;
	v23, _, _ =	vpop (xrf2);
	(xrf1) =	vsort.dscd.msk.f32 $0xffff, v26, v3  }
0x1ca: {  	[tilespmem:v29+s11+$0x0] =	vst.idx.msk $0xff, v28;
	v28, v24, _ =	vpop (xrf1);
	(xrf1) =	vsort.dscd.msk.f32 $0xffff, v55, v1  }
0x1cb: {  	v44 =	vld [tilespmem:s16+$0xFFFFFF20];
	v33 =	vsel vm0, v50, v32;
	v32 =	vbroadcast v23, $0xF;
	v26, v23, _ =	vpop (xrf1);
	(xrf1) =	vsort.dscd.msk.f32 $0xffff, v56, v2  }
0x1cc: {  	v29, v37, _ =	vpop (xrf1);
	(xrf1) =	vsort.dscd.msk.f32 $0xffff, v57, v1  }
0x1cd: {  	v40 =	vld [tilespmem:s16+$0xFFFFFF90];
	v60, v47, _ =	vpop (xrf1);
	(xrf1) =	vsort.dscd.msk.f32 $0xffff, v43, v2  }
0x1ce: {  	v6 =	vperm.xlane v47, v4;
	v61, v48, _ =	vpop (xrf1);
	v43 =	vperm.xlane v60, v4;
	(xrf1) =	vsort.dscd.msk.f32 $0xffff, v58, v1  }
0x1cf: {  	v45 =	vld [tilespmem:s16+$0xFFFFFFA0];
	v41 =	vperm.xlane v61, v4;
	v62, v50, _ =	vpop (xrf1);
	v55 =	vperm.xlane v48, v4  }
0x1d0: {  	v46 =	vld [tilespmem:s16+$0x10];
	v63 =	vsel vm0, v50, v6;
	v54, v56, _ =	vpop (xrf1);
	(xrf1) =	vsort.dscd.msk.f32 $0xffff, v44, v2;
	v43 =	vsel vm0, v62, v43  }
0x1d1: {  	v42 =	vld [tilespmem:s16+$0x20];
	v27 =	vmul.f32 v59, v27;
	v5, v53, _ =	vpop (xrf1);
	(xrf1) =	vsort.dscd.msk.f32 $0xffff, v43, v63  }
0x1d2: {  	v49 =	vld [tilespmem:s16+$0x90];
	v41 =	vsel vm0, v5, v41;
	v57 =	vsel vm0, v53, v55;
	v58, v52, _ =	vpop (xrf1);
	(xrf1) =	vsort.dscd.msk.f32 $0xffff, v40, v1  }
0x1d3: {  	[tilespmem:v9+s10+$0x0] =	vst.idx.msk $0xff, v27;
	v27 =	vld [tilespmem:s16+$0xA0];
	v47 =	vperm.xlane v54, v4;
	v59, v54, _ =	vpop (xrf1);
	(xrf1) =	vsort.dscd.msk.f32 $0xffff, v41, v57  }
0x1d4: {  	v51 =	vld [tilespmem:s16+$0x110];
	v61, v60, _ =	vpop (xrf1);
	(xrf1) =	vsort.dscd.msk.f32 $0xffff, v45, v2  }
0x1d5: {  	v50 =	vperm.xlane v56, v4;
	v43 =	vld [tilespmem:s16+$0x120];
	(xrf1) =	vsort.dscd.msk.f32 $0xffff, v46, v1;
	v62, v56, _ =	vpop (xrf1)  }
0x1d6: {  	v40 =	vld [tilespmem:s16+$0xFFFFFE80];
	v48 =	vperm.xlane v58, v4;
	v52 =	vperm.xlane v52, v4;
	(xrf1) =	vsort.dscd.msk.f32 $0xffff, v42, v2;
	v63, v58, _ =	vpop (xrf1)  }
0x1d7: {  	v53 =	vperm.xlane v54, v4;
	v54 =	vperm.xlane v60, v4;
	(xrf1) =	vsort.dscd.msk.f32 $0xffff, v49, v1;
	v49, v60, _ =	vpop (xrf1)  }
0x1d8: {  	v41 =	vld [tilespmem:s16+$0xFFFFFF00];
	v46 =	vperm.xlane v62, v4;
	v42 =	vperm.xlane v63, v4;
	v62, v63, _ =	vpop (xrf1);
	(xrf1) =	vsort.dscd.msk.f32 $0xffff, v27, v2  }
0x1d9: {  	v55 =	vld [tilespmem:s16+$0xFFFFFF80];
	v5, v6, _ =	vpop (xrf1);
	(xrf1) =	vsort.dscd.msk.f32 $0xffff, v51, v1  }
0x1da: {  	v27 =	vld [tilespmem:s16+$0xFFFFFE00];
	v5 =	vsel vm0, v5, v47;
	v6 =	vsel vm0, v6, v50;
	v47, v50, _ =	vpop (xrf1);
	(xrf1) =	vsort.dscd.msk.f32 $0xffff, v43, v2  }
0x1db: {  	v57 =	vld [tilespmem:s16+$0x0];
	v43 =	vperm.xlane v47, v4;
	v47 =	vperm.xlane v50, v4;
	(xrf1) =	vsort.dscd.msk.f32 $0xffff, v40, v0;
	v40, v50, _ =	vpop (xrf1)  }
0x1dc: {  	v40 =	vsel vm0, v40, v48;
	v48 =	vsel vm0, v50, v52;
	v52, v50, _ =	vpop (xrf1)  }
0x1dd: {  	(xrf1) =	vsort.dscd.msk.f32 $0xffff, v41, v0  }
0x1de: {  	v41 =	vperm.xlane v52, v4;
	v51, v52, _ =	vpop (xrf1);
	(xrf1) =	vsort.dscd.msk.f32 $0xffff, v55, v0  }
0x1df: {  	(xrf1) =	vsort.dscd.msk.f32 $0xffff, v27, v0  }
0x1e0: {  	(xrf1) =	vsort.dscd.msk.f32 $0xffff, v57, v0;
	v57 =	vld [tilespmem:$0x1FFE0];
	_ =	sdelay $0x3  }
0x1e1: {  	v44 =	vperm.xlane v59, v4;
	v59 =	vld [tilespmem:s16+$0x80]  }
0x1e2: {  	v45 =	vperm.xlane v61, v4;
	v61 =	vld [tilespmem:s16+$0x100];
	[tilespmem:v9+s11+$0x0] =	vst.idx.msk $0xff, v57;
	v57 =	vmov v37;
	_ =	sdelay $0x1  }
0x1e3: {  	v56 =	vperm.xlane v56, v4;
	v58 =	vperm.xlane v58, v4  }
0x1e4: {  	v44 =	vsel vm0, v51, v44;
	v51 =	vsel vm0, v52, v53;
	v27, v52, _ =	vpop (xrf1);
	v9 =	vmov v20  }
0x1e5: {  	v20 =	vperm.xlane v27, v4;
	v27 =	vperm.xlane v52, v4;
	[tilespmem:$0x1FFE0] =	vst v57;
	v37, v57, _ =	vpop (xrf1);
	(xrf1) =	vsort.dscd.msk.f32 $0xffff, v59, v0  }
0x1e6: {  	v49 =	vperm.xlane v49, v4;
	v60 =	vperm.xlane v60, v4;
	(xrf1) =	vsort.dscd.msk.f32 $0xffff, v61, v0;
	v61, v59, _ =	vpop (xrf1)  }
0x1e7: {  	v20 =	vsel vm0, v61, v20;
	v27 =	vsel vm0, v59, v27;
	(xrf1) =	vsort.dscd.msk.f32 $0xffff, v5, v6;
	v5, v6, _ =	vpop (xrf1)  }
0x1e8: {  	v52 =	vperm.xlane v57, v4;
	v5 =	vsel vm0, v5, v45;
	v57, v45, _ =	vpop (xrf1);
	(xrf1) =	vsort.dscd.msk.f32 $0xffff, v20, v27  }
0x1e9: {  	v55 =	vsel vm0, v6, v54;
	v20 =	vperm.xlane v57, v4;
	(xrf1) =	vsort.dscd.msk.f32 $0xffff, v40, v48;
	v61, v59, _ =	vpop (xrf1)  }
0x1ea: {  	v27 =	vperm.xlane v45, v4;
	v45 =	vsel vm0, v59, v56;
	(xrf1) =	vsort.dscd.msk.f32 $0xffff, v44, v51;
	v59, v57, _ =	vpop (xrf1)  }
0x1eb: {  	v62 =	vperm.xlane v62, v4;
	v63 =	vperm.xlane v63, v4;
	(xrf1) =	vsort.dscd.msk.f32 $0xffff, v5, v55;
	v5, v6, _ =	vpop (xrf1)  }
0x1ec: {  	v40 =	vsel vm0, v61, v46;
	v46 =	vperm.xlane v57, v4;
	v56 =	vsel vm0, v6, v58;
	v57, v58, _ =	vpop (xrf1)  }
0x1ed: {  	v50 =	vperm.xlane v50, v4;
	v61 =	vsel vm0, v5, v42;
	(xrf1) =	vsort.dscd.msk.f32 $0xffff, v40, v45;
	v5, v6, _ =	vpop (xrf1)  }
0x1ee: {  	v44 =	vperm.xlane v59, v4;
	(xrf1) =	vsort.dscd.msk.f32 $0xffff, v61, v56;
	v6 =	vsel vm0, v6, v60;
	v60, v59, _ =	vpop (xrf1)  }
0x1ef: {  	v37 =	vperm.xlane v37, v4;
	(xrf1) =	vsort.dscd.msk.f32 $0xffff, v38, v39;
	v61 =	vsel vm0, v60, v43  }
0x1f0: {  	v40 =	vperm.xlane v57, v4;
	v42 =	vperm.xlane v58, v4;
	v5 =	vsel vm0, v5, v49;
	v55, v54, _ =	vpop (xrf1)  }
0x1f1: {  	v53 =	vsel vm0, v59, v47;
	v56 =	vsel vm0, v55, v41;
	v48, v47, _ =	vpop (xrf1);
	(xrf1) =	vsort.dscd.msk.f32 $0xffff, v5, v6  }
0x1f2: {  	v57 =	vsel vm0, v54, v50;
	v5 =	vsel vm0, v48, v37;
	v59, v58, _ =	vpop (xrf1);
	(xrf1) =	vsort.dscd.msk.f32 $0xffff, v61, v53  }
0x1f3: {  	v60 =	vsel vm0, v59, v62;
	v45 =	vsel vm0, v58, v63;
	(xrf1) =	vsort.dscd.msk.f32 $0xffff, v56, v57;
	v62, v61, _ =	vpop (xrf1)  }
0x1f4: {  	v47 =	vsel vm0, v47, v52;
	(xrf1) =	vsort.dscd.msk.f32 $0xffff, v60, v45;
	v50, v49, _ =	vpop (xrf1)  }
0x1f5: {  	v63 =	vsel vm0, v62, v20;
	v27 =	vsel vm0, v61, v27;
	(xrf1) =	vsort.dscd.msk.f32 $0xffff, v5, v47;
	v5, v6, _ =	vpop (xrf1)  }
0x1f6: {  	v51 =	vsel vm0, v50, v44;
	v52 =	vsel vm0, v49, v46;
	v53, v54, _ =	vpop (xrf1);
	(xrf1) =	vsort.dscd.msk.f32 $0xffff, v63, v27  }
0x1f7: {  	(xrf1) =	vsort.dscd.msk.f32 $0xffff, v51, v52;
	v55, v20, _ =	vpop (xrf1)  }
0x1f8: {  	v5 =	vsel vm0, v5, v40;
	v6 =	vsel vm0, v6, v42;
	v27, v56, _ =	vpop (xrf1);
	(xrf0) =	vmax.scan.msk.f32 $0xffff, v55  }
0x1f9: {  	v57 =	vperm.xlane v27, v4;
	v27, v58, _ =	vpop (xrf1);
	(xrf1) =	vsort.dscd.msk.f32 $0xffff, v5, v6  }
0x1fa: {  	v5 =	vperm.xlane v27, v4;
	v27, v59, _ =	vpop (xrf1)  }
0x1fb: {  	(xrf1) =	vsort.dscd.msk.f32 $0xffff, v33, v34;
	v33 =	vperm.xlane v27, v4;
	v27, v60, _ =	vpop (xrf1)  }
0x1fc: {  	(xrf1) =	vsort.dscd.msk.f32 $0xffff, v35, v36;
	v35 =	vperm.xlane v27, v4;
	v27, v61, _ =	vpop (xrf1)  }
0x1fd: {  	v39 =	vperm.xlane v53, v4;
	v43 =	vperm.xlane v27, v4;
	v27, v45, _ =	vpop (xrf1)  }
0x1fe: {  	v40 =	vperm.xlane v54, v4;
	v6 =	vperm.xlane v58, v4;
	v62, _, _ =	vpop (xrf0)  }
0x1ff: {  	v38 =	vperm.xlane v56, v4;
	v50, v52, _ =	vpop (xrf1);
	(xrf0) =	vmax.scan.msk.f32 $0xffff, v31;
	v63 =	vbroadcast v62, $0xF  }
0x200: {  	v34 =	vperm.xlane v59, v4;
	v36 =	vperm.xlane v60, v4;
	v54, v53, _ =	vpop (xrf1)  }
0x201: {  	v42 =	vperm.xlane v61, v4;
	v46 =	vperm.xlane v50, v4;
	v37 =	vsub.f32 v55, v63;
	v56, v55, _ =	vpop (xrf1)  }
0x202: {  	(xrf2) =	vadd.scan.msk.f32 $0xffff, v17;
	v47 =	vperm.xlane v52, v4;
	v41 =	vsel vm0, v54, v57;
	v38 =	vsel vm0, v53, v38;
	v59, v60, _ =	vpop (xrf1)  }
0x203: {  	v57 =	vsel vm0, v56, v5;
	v58 =	vsel vm0, v55, v6;
	(xrf1) =	vsort.dscd.msk.f32 $0xffff, v41, v38;
	v37 =	vmul.f32 $1.442695020e+00, v37;
	v5, v6, _ =	vpop (xrf1)  }
0x204: {  	(erf) = vrcp.f32 v30;
	v61 =	vsel vm0, v59, v39;
	v62 =	vsel vm0, v60, v40;
	(xrf1) =	vsort.dscd.msk.f32 $0xffff, v57, v58;
	v48, v49, _ =	vpop (xrf1)  }
0x205: {  	v63 =	vsel vm0, v5, v33;
	v44 =	vsel vm0, v6, v34;
	(xrf1) =	vsort.dscd.msk.f32 $0xffff, v61, v62;
	v30, _, _ =	vpop (xrf0);
	(erf) = vpow2.f32 v37  }
0x206: {  	v35 =	vsel vm0, v48, v35;
	v50 =	vsel vm0, v49, v36;
	(xrf1) =	vsort.dscd.msk.f32 $0xffff, v63, v44;
	v5, v6, _ =	vpop (xrf1);
	(erf) = vrcp.f32 v32  }
0x207: {  	v53 =	vbroadcast v30, $0xF;
	v51 =	vsel vm0, v5, v43;
	v52 =	vsel vm0, v6, v42;
	(xrf1) =	vsort.dscd.msk.f32 $0xffff, v35, v50;
	v5, v6, _ =	vpop (xrf1)  }
0x208: {  	(xrf1) =	vsort.dscd.msk.f32 $0xffff, v51, v52;
	v5 =	vsel vm0, v5, v46;
	v6 =	vsel vm0, v6, v47  }
0x209: {  	v44, v54, _ =	vpop (xrf1);
	(xrf1) =	vsort.dscd.msk.f32 $0xffff, v5, v6;
	v5 =	vsub.f32 v31, v53;
	_ =	sdelay $0x2  }
0x20a: {  	v6, _, _ =	vpop (xrf2)  }
0x20b: {  	v31 =	vmul.f32 $1.442695020e+00, v5;
	v5 =	vpop (erf)  }
0x20c: {  	v35 =	vbroadcast v6, $0xF;
	v6 =	vpop (erf)  }
0x20d: {  	v5 =	vmul.f32 v5, v21;
	v21 =	vpop (erf)  }
0x20e: {  	v37, v30, _ =	vpop (xrf1);
	(erf) = vpow2.f32 v31;
	v6 =	vnsel vm0, $0x0, v6;
	v31 =	vmul.f32 v21, v22;
	v21 =	vld [tilespmem:$0x1FFF0]  }
0x20f: {  	v55, v39, _ =	vpop (xrf1);
	(xrf2) =	vadd.scan.msk.f32 $0xffff, v6  }
0x210: {  	(xrf0) =	vmax.scan.msk.f32 $0xffff, v55;
	_ =	sdelay $0x1  }
0x211: {  	[tilespmem:v10+s10+$0x0] =	vst.idx.msk $0xff, v5;
	v22, v36, _ =	vpop (xrf1)  }
0x212: {  	[tilespmem:v10+s11+$0x0] =	vst.idx.msk $0xff, v21;
	v10 =	vmov v19;
	v19, v21, _ =	vpop (xrf1)  }
0x213: {  	[tilespmem:v12+s10+$0x0] =	vst.idx.msk $0xff, v31;
	(xrf0) =	vmax.scan.msk.f32 $0xffff, v19;
	v5, v34, _ =	vpop (xrf1)  }
0x214: {  	[tilespmem:v12+s11+$0x0] =	vst.idx.msk $0xff, v8;
	v12 =	vmov v18;
	v18, v33, _ =	vpop (xrf1)  }
0x215: {  	v58, _, _ =	vpop (xrf0)  }
0x216: {  	(xrf0) =	vmax.scan.msk.f32 $0xffff, v22;
	v41, v32, _ =	vpop (xrf1)  }
0x217: {  	(xrf0) =	vmax.scan.msk.f32 $0xffff, v5;
	v42, v31, _ =	vpop (xrf1)  }
0x218: {  	(xrf0) =	vmax.scan.msk.f32 $0xffff, v18;
	v60, _, _ =	vpop (xrf2)  }
0x219: {  	(xrf0) =	vmax.scan.msk.f32 $0xffff, v41;
	v59, _, _ =	vpop (xrf0)  }
0x21a: {  	v56 =	vmovc v45;
	v61 =	vbroadcast v60, $0xF;
	(xrf0) =	vmax.scan.msk.f32 $0xffff, v42;
	v45 =	vbroadcast v59, $0xF  }
0x21b: {  	v57 =	vpop (erf);
	v43 =	vbroadcast v58, $0xF;
	(xrf0) =	vmax.scan.msk.f32 $0xffff, v28  }
0x21c: {  	[tilespmem:$0x1FFF0] =	vst v56;
	v62, _, _ =	vpop (xrf0);
	(erf) = vrcp.f32 v61;
	(xrf0) =	vmax.scan.msk.f32 $0xffff, v26;
	v19 =	vsub.f32 v19, v45  }
0x21d: {  	v8 =	vmov v54;
	v40 =	vsub.f32 v55, v43;
	v63 =	vbroadcast v62, $0xF;
	v53, _, _ =	vpop (xrf0);
	(xrf0) =	vmax.scan.msk.f32 $0xffff, v29  }
0x21e: {  	v38 =	vnsel vm0, $0x0, v57;
	v54 =	vbroadcast v53, $0xF;
	v55, _, _ =	vpop (xrf0);
	(xrf0) =	vmax.scan.msk.f32 $0xffff, v27;
	v56 =	vmul.f32 $1.442695020e+00, v19  }
0x21f: {  	v40 =	vmul.f32 $1.442695020e+00, v40;
	v22 =	vsub.f32 v22, v63;
	v57 =	vbroadcast v55, $0xF;
	v58, _, _ =	vpop (xrf0)  }
0x220: {  	s19 =	sshll.u32 s17, $0x7;
	(xrf0) =	vmax.scan.msk.f32 $0xffff, v44;
	v5 =	vsub.f32 v5, v54;
	v45 =	vbroadcast v58, $0xF;
	v59, _, _ =	vpop (xrf0);
	(erf) = vpow2.f32 v56  }
0x221: {  	s22 =	sadd.s32 $0x380, s19;
	(xrf0) =	vmax.scan.msk.f32 $0xffff, v37;
	v48 =	vmul.f32 $1.442695020e+00, v22;
	v18 =	vsub.f32 v18, v57;
	v22 =	vbroadcast v59, $0xF;
	v60, _, _ =	vpop (xrf0)  }
0x222: {  	v57 =	vor.u32 s22, v0;
	v61 =	vmul.f32 $1.442695020e+00, v5;
	v19, _, _ =	vpop (xrf0);
	(erf) = vpow2.f32 v40  }
0x223: {  	v41 =	vsub.f32 v41, v45;
	v42 =	vsub.f32 v42, v22;
	v63, _, _ =	vpop (xrf0);
	(erf) = vpow2.f32 v48  }
0x224: {  	(xrf2) =	vadd.scan.msk.f32 $0xffff, v38;
	v62 =	vmul.f32 $1.442695020e+00, v18;
	v56, _, _ =	vpop (xrf0);
	(erf) = vpow2.f32 v61  }
0x225: {  	v41 =	vmul.f32 $1.442695020e+00, v41;
	v58 =	vpop (erf);
	v42 =	vmul.f32 $1.442695020e+00, v42  }
0x226: {  	v5, _, _ =	vpop (xrf0);
	(erf) = vpow2.f32 v62;
	v6 =	vmul.f32 v58, v6  }
0x227: {  	v18, _, _ =	vpop (xrf0);
	(erf) = vpow2.f32 v41  }
0x228: {  	(erf) = vpow2.f32 v42;
	[tilespmem:v57+s10+$0x0] =	vst.idx.msk $0xff, v6;
	v18 =	vbroadcast v18, $0xF  }
0x229: {  	v6 =	vbroadcast v63, $0xF;
	[tilespmem:v57+s11+$0x0] =	vst.idx.msk $0xff, v20;
	v20 =	vpop (erf)  }
0x22a: {  	v19 =	vbroadcast v19, $0xF;
	v18 =	vsub.f32 v37, v18;
	v52 =	vnsel vm0, $0x0, v20;
	v20 =	vld [tilespmem:s16+$0x1F0]  }
0x22b: {  	v59 =	vbroadcast v60, $0xF;
	v47 =	vbroadcast v56, $0xF;
	v6 =	vsub.f32 v29, v6;
	v29 =	vld [tilespmem:s16+$0x1D0];
	v60 =	vpop (erf)  }
0x22c: {  	v19 =	vsub.f32 v26, v19;
	v61 =	vld [tilespmem:s16+$0x1E0];
	v53 =	vnsel vm0, $0x0, v60;
	(xrf2) =	vadd.scan.msk.f32 $0xffff, v52;
	v26 =	vpop (erf)  }
0x22d: {  	v28 =	vsub.f32 v28, v59;
	v27 =	vsub.f32 v27, v47;
	v54 =	vnsel vm0, $0x0, v26;
	v26 =	vpop (erf);
	(xrf2) =	vadd.scan.msk.f32 $0xffff, v53  }
0x22e: {  	v57 =	vmul.f32 $1.442695020e+00, v18;
	v18, _, _ =	vpop (xrf2);
	(xrf2) =	vadd.scan.msk.f32 $0xffff, v54  }
0x22f: {  	v28 =	vmul.f32 $1.442695020e+00, v28;
	v62 =	vld [tilespmem:s16+$0x1C0];
	v51 =	vnsel vm0, $0x0, v26;
	v26 =	vpop (erf);
	(xrf1) =	vsort.dscd.msk.f32 $0xffff, v20, v3  }
0x230: {  	v19 =	vmul.f32 $1.442695020e+00, v19;
	v63 =	vmul.f32 $1.442695020e+00, v27;
	v50 =	vnsel vm0, $0x0, v26;
	v26 =	vpop (erf);
	(xrf1) =	vsort.dscd.msk.f32 $0xffff, v29, v1  }
0x231: {  	v6 =	vmul.f32 $1.442695020e+00, v6;
	v27 =	vpop (erf);
	(erf) = vpow2.f32 v28;
	(xrf1) =	vsort.dscd.msk.f32 $0xffff, v61, v2  }
0x232: {  	(erf) = vpow2.f32 v19  }
0x233: {  	(erf) = vpow2.f32 v6  }
0x234: {  	(xrf1) =	vsort.dscd.msk.f32 $0xffff, v62, v0;
	_ =	sdelay $0x1  }
0x235: {  	v6, _, _ =	vpop (xrf2);
	(xrf2) =	vadd.scan.msk.f32 $0xffff, v51;
	_ =	sdelay $0x1  }
0x236: {  	v47 =	vnsel vm0, $0x0, v27;
	v28 =	vbroadcast v6, $0xF;
	v27, _, _ =	vpop (xrf2)  }
0x237: {  	v5 =	vbroadcast v5, $0xF;
	v60, _, _ =	vpop (xrf2)  }
0x238: {  	(xrf2) =	vadd.scan.msk.f32 $0xffff, v50;
	v27 =	vbroadcast v27, $0xF;
	(erf) = vrcp.f32 v28;
	v6 =	vpop (erf)  }
0x239: {  	v5 =	vsub.f32 v44, v5;
	v49 =	vnsel vm0, $0x0, v26;
	v28 =	vnsel vm0, $0x0, v6;
	v6 =	vpop (erf)  }
0x23a: {  	v62 =	vbroadcast v60, $0xF;
	(erf) = vrcp.f32 v27;
	v29 =	vnsel vm0, $0x0, v6;
	v6 =	vpop (erf)  }
0x23b: {  	(xrf2) =	vadd.scan.msk.f32 $0xffff, v49;
	(erf) = vpow2.f32 v63;
	v63, v61, _ =	vpop (xrf1)  }
0x23c: {  	v5 =	vmul.f32 $1.442695020e+00, v5;
	v55 =	vperm.xlane v63, v4;
	v59, v60, _ =	vpop (xrf1)  }
0x23d: {  	v58 =	vbroadcast v18, $0xF;
	v27 =	vnsel vm0, $0x0, v6;
	v63 =	vperm.xlane v61, v4;
	v6, v56, _ =	vpop (xrf1)  }
0x23e: {  	v22 =	vor.u32 s19, v0;
	(xrf2) =	vadd.scan.msk.f32 $0xffff, v47;
	(erf) = vrcp.f32 v62;
	v59 =	vperm.xlane v59, v4;
	v62, _, _ =	vpop (xrf2)  }
0x23f: {  	s20 =	sadd.s32 $0x80, s19;
	v60 =	vperm.xlane v60, v4;
	v6 =	vsel vm0, v6, v55;
	v63 =	vsel vm0, v56, v63  }
0x240: {  	v48 =	vor.u32 s20, v0;
	(erf) = vpow2.f32 v5;
	v56 =	vbroadcast v62, $0xF;
	v55, v62, _ =	vpop (xrf1);
	(xrf1) =	vsort.dscd.msk.f32 $0xffff, v6, v63  }
0x241: {  	v61 =	vpop (erf);
	(erf) = vpow2.f32 v57;
	v5 =	vsel vm0, v55, v59;
	v60 =	vsel vm0, v62, v60  }
0x242: {  	(erf) = vrcp.f32 v56;
	v62 =	vmul.f32 v61, v52;
	v63, _, _ =	vpop (xrf2);
	(xrf1) =	vsort.dscd.msk.f32 $0xffff, v5, v60  }
0x243: {  	v6 =	vpop (erf);
	(erf) = vrcp.f32 v58;
	(xrf2) =	vadd.scan.msk.f32 $0xffff, v28  }
0x244: {  	s21 =	sadd.s32 $0x100, s19;
	v5 =	vbroadcast v63, $0xF;
	v6 =	vmul.f32 v6, v53;
	[tilespmem:v22+s10+$0x0] =	vst.idx.msk $0xff, v62  }
0x245: {  	v46 =	vor.u32 s21, v0;
	[tilespmem:v22+s11+$0x0] =	vst.idx.msk $0xff, v21;
	v22, _, _ =	vpop (xrf2)  }
0x246: {  	v58 =	vpop (erf);
	[tilespmem:v48+s10+$0x0] =	vst.idx.msk $0xff, v6;
	(erf) = vrcp.f32 v5;
	v59 =	vld [tilespmem:s16+$0xFFFFFE70];
	v60 =	vbroadcast v22, $0xF  }
0x247: {  	v5 =	vld [tilespmem:s16+$0xFFFFFE50];
	[tilespmem:v48+s11+$0x0] =	vst.idx.msk $0xff, v39;
	v22 =	vpop (erf)  }
0x248: {  	s23 =	sadd.s32 $0x180, s19;
	v39 =	vld [tilespmem:s16+$0xFFFFFEF0];
	v22 =	vmul.f32 v22, v54;
	v6, _, _ =	vpop (xrf2);
	(erf) = vrcp.f32 v60  }
0x249: {  	v45 =	vor.u32 s23, v0;
	v61 =	vld [tilespmem:s16+$0xFFFFFE60];
	v62 =	vpop (erf);
	v6 =	vbroadcast v6, $0xF  }
0x24a: {  	(xrf2) =	vadd.scan.msk.f32 $0xffff, v29;
	[tilespmem:v46+s10+$0x0] =	vst.idx.msk $0xff, v22;
	v63 =	vpop (erf);
	(erf) = vrcp.f32 v35  }
0x24b: {  	v54 =	vld [tilespmem:s16+$0xFFFFFED0];
	[tilespmem:v46+s11+$0x0] =	vst.idx.msk $0xff, v36;
	v56 =	vpop (erf);
	(erf) = vrcp.f32 v6;
	(xrf1) =	vsort.dscd.msk.f32 $0xffff, v59, v3  }
0x24c: {  	s26 =	sadd.s32 $0x200, s19;
	s28 =	sadd.s32 $0x280, s19;
	v46 =	vld [tilespmem:s16+$0xFFFFFF70];
	v57 =	vmul.f32 v56, v51;
	(xrf1) =	vsort.dscd.msk.f32 $0xffff, v5, v1;
	v5 =	vpop (erf)  }
0x24d: {  	v43 =	vor.u32 s26, v0;
	v41 =	vor.u32 s28, v0;
	v21 =	vnsel vm0, $0x0, v58;
	v52 =	vld [tilespmem:s16+$0xFFFFFE40];
	v58, _, _ =	vpop (xrf2);
	(xrf1) =	vsort.dscd.msk.f32 $0xffff, v39, v3  }
0x24e: {  	v22 =	vnsel vm0, $0x0, v62;
	v35 =	vld [tilespmem:s16+$0xFFFFFEE0];
	v5 =	vmul.f32 v5, v38;
	[tilespmem:v45+s10+$0x0] =	vst.idx.msk $0xff, v57;
	(xrf1) =	vsort.dscd.msk.f32 $0xffff, v61, v2;
	v59, v60, _ =	vpop (xrf1)  }
0x24f: {  	v6 =	vnsel vm0, $0x0, v63;
	v51 =	vld [tilespmem:s16+$0xFFFFFF50];
	[tilespmem:v45+s11+$0x0] =	vst.idx.msk $0xff, v34;
	v63 =	vpop (erf);
	v61 =	vperm.xlane v59, v4;
	v62 =	vperm.xlane v60, v4  }
0x250: {  	v48 =	vld [tilespmem:s16+$0xFFFFFFF0];
	v45 =	vmul.f32 v63, v50;
	(xrf1) =	vsort.dscd.msk.f32 $0xffff, v54, v1;
	[tilespmem:v14+s10+$0x0] =	vst.idx.msk $0xff, v5;
	v57, v34, _ =	vpop (xrf1)  }
0x251: {  	v38 =	vbroadcast v58, $0xF;
	(xrf1) =	vsort.dscd.msk.f32 $0xffff, v46, v3;
	v59 =	vpop (erf);
	v58 =	vsel vm0, v57, v61;
	v36 =	vsel vm0, v34, v62  }
0x252: {  	s30 =	sadd.s32 $0x300, s19;
	v39 =	vld [tilespmem:s16+$0xFFFFFF60];
	[tilespmem:v43+s10+$0x0] =	vst.idx.msk $0xff, v45;
	v61 =	vmul.f32 v59, v49;
	(xrf1) =	vsort.dscd.msk.f32 $0xffff, v58, v36  }
0x253: {  	v40 =	vor.u32 s30, v0;
	v5 =	vld [tilespmem:s16+$0xFFFFFFD0];
	[tilespmem:v43+s11+$0x0] =	vst.idx.msk $0xff, v33;
	v63 =	vpop (erf);
	(xrf1) =	vsort.dscd.msk.f32 $0xffff, v35, v2  }
0x254: {  	v60 =	vld [tilespmem:s16+$0xFFFFFFE0];
	v49 =	vpop (erf);
	(erf) = vrcp.f32 v38;
	[tilespmem:v41+s10+$0x0] =	vst.idx.msk $0xff, v61;
	(xrf1) =	vsort.dscd.msk.f32 $0xffff, v51, v1  }
0x255: {  	v46 =	vld [tilespmem:s16+$0x70];
	[tilespmem:v41+s11+$0x0] =	vst.idx.msk $0xff, v32;
	(xrf1) =	vsort.dscd.msk.f32 $0xffff, v48, v3  }
0x256: {  	v34 =	vmul.f32 v63, v17;
	v17 =	vmov v6;
	v53 =	vmul.f32 v49, v47;
	v6 =	vld [tilespmem:s16+$0xF0]  }
0x257: {  	[tilespmem:v14+s11+$0x0] =	vst.idx.msk $0xff, v25;
	v51 =	vld [tilespmem:s16+$0x50];
	(xrf1) =	vsort.dscd.msk.f32 $0xffff, v39, v2  }
0x258: {  	v25 =	vld [tilespmem:s16+$0x60];
	v62, _, _ =	vpop (xrf2);
	[tilespmem:v40+s10+$0x0] =	vst.idx.msk $0xff, v53;
	(xrf1) =	vsort.dscd.msk.f32 $0xffff, v5, v1  }
0x259: {  	[tilespmem:v40+s11+$0x0] =	vst.idx.msk $0xff, v31;
	(xrf1) =	vsort.dscd.msk.f32 $0xffff, v60, v2;
	v55, v54, _ =	vpop (xrf1)  }
0x25a: {  	v31 =	vld [tilespmem:s16+$0x170];
	v59, v58, _ =	vpop (xrf1);
	(xrf1) =	vsort.dscd.msk.f32 $0xffff, v46, v3  }
0x25b: {  	v5 =	vld [tilespmem:s16+$0xD0];
	v61, v60, _ =	vpop (xrf1);
	(xrf1) =	vsort.dscd.msk.f32 $0xffff, v6, v3  }
0x25c: {  	v57 =	vld [tilespmem:s16+$0xE0];
	v50, v46, _ =	vpop (xrf1);
	(xrf1) =	vsort.dscd.msk.f32 $0xffff, v51, v1  }
0x25d: {  	v56 =	vperm.xlane v54, v4;
	(xrf1) =	vsort.dscd.msk.f32 $0xffff, v25, v2;
	v25 =	vpop (erf)  }
0x25e: {  	[tilespmem:v11+s10+$0x0] =	vst.idx.msk $0xff, v34;
	v53, v51, _ =	vpop (xrf1)  }
0x25f: {  	v41 =	vld [tilespmem:s16+$0x150];
	v32 =	vperm.xlane v55, v4;
	(xrf1) =	vsort.dscd.msk.f32 $0xffff, v31, v3;
	v54, v55, _ =	vpop (xrf1)  }
0x260: {  	v63 =	vld [tilespmem:s16+$0x160];
	v25 =	vmul.f32 v25, v28;
	(xrf1) =	vsort.dscd.msk.f32 $0xffff, v5, v1;
	v39, v28, _ =	vpop (xrf1)  }
0x261: {  	v33 =	vbroadcast v62, $0xF;
	v35 =	vperm.xlane v59, v4;
	v34 =	vsel vm0, v46, v56;
	(xrf1) =	vsort.dscd.msk.f32 $0xffff, v57, v2;
	v56, v57, _ =	vpop (xrf1)  }
0x262: {  	v36 =	vld [tilespmem:s16+$0xFFFFFEC0];
	v40 =	vperm.xlane v58, v4;
	v62 =	vperm.xlane v60, v4;
	(xrf0) =	vmax.scan.msk.f32 $0xffff, v39;
	v59, v58, _ =	vpop (xrf1)  }
0x263: {  	v38 =	vld [tilespmem:s16+$0xFFFFFF40];
	v6 =	vperm.xlane v61, v4;
	[tilespmem:v13+s10+$0x0] =	vst.idx.msk $0xff, v25;
	v61, v60, _ =	vpop (xrf1)  }
0x264: {  	s29 =	sadd.s32 $0x4000, s19;
	s31 =	sadd.s32 $0x4300, s19;
	v45 =	vld [tilespmem:s16+$0xFFFFFFC0];
	v25 =	vsel vm0, v57, v62;
	(xrf1) =	vsort.dscd.msk.f32 $0xffff, v41, v1;
	v62 =	vperm.xlane v61, v4  }
0x265: {  	v42 =	vor.u32 s29, v0;
	v44 =	vor.u32 s31, v0;
	v46 =	vld [tilespmem:s16+$0x40];
	v6 =	vsel vm0, v56, v6;
	(xrf1) =	vsort.dscd.msk.f32 $0xffff, v63, v2;
	v57, v56, _ =	vpop (xrf1)  }
0x266: {  	v14 =	vmov v42;
	v41 =	vperm.xlane v59, v4;
	v42 =	vperm.xlane v58, v4;
	(xrf1) =	vsort.dscd.msk.f32 $0xffff, v52, v0;
	v59, v58, _ =	vpop (xrf1)  }
0x267: {  	v48 =	vld [tilespmem:s16+$0xC0];
	[tilespmem:v11+s11+$0x0] =	vst.idx.msk $0xff, v7;
	v11 =	vmov v16;
	v63 =	vperm.xlane v60, v4;
	(xrf1) =	vsort.dscd.msk.f32 $0xffff, v36, v0;
	v61, v60, _ =	vpop (xrf1)  }
0x268: {  	v16 =	vmov v44;
	v44 =	vld [tilespmem:s16+$0x140];
	v32 =	vsel vm0, v50, v32;
	(xrf1) =	vsort.dscd.msk.f32 $0xffff, v38, v0;
	v38 =	vsel vm0, v61, v62;
	v62, _, _ =	vpop (xrf0)  }
0x269: {  	v5 =	vperm.xlane v54, v4;
	v43 =	vsel vm0, v60, v63;
	(xrf1) =	vsort.dscd.msk.f32 $0xffff, v45, v0;
	v63 =	vbroadcast v62, $0xF  }
0x26a: {  	v7 =	vmov v30;
	v30 =	vperm.xlane v53, v4;
	v47 =	vperm.xlane v55, v4;
	v55, v54, _ =	vpop (xrf1);
	(xrf1) =	vsort.dscd.msk.f32 $0xffff, v46, v0  }
0x26b: {  	v31 =	vperm.xlane v51, v4;
	v5 =	vsel vm0, v57, v5;
	v50 =	vperm.xlane v58, v4;
	v57, v58, _ =	vpop (xrf1)  }
0x26c: {  	s24 =	sadd.s32 $0x4080, s19;
	v36 =	vperm.xlane v59, v4;
	v60, v59, _ =	vpop (xrf1);
	(xrf1) =	vsort.dscd.msk.f32 $0xffff, v48, v0;
	v39 =	vsub.f32 v39, v63  }
0x26d: {  	v37 =	vor.u32 s24, v0;
	v47 =	vsel vm0, v56, v47;
	v56 =	vperm.xlane v54, v4;
	v63, v62, _ =	vpop (xrf1);
	(xrf1) =	vsort.dscd.msk.f32 $0xffff, v44, v0  }
0x26e: {  	[tilespmem:v13+s11+$0x0] =	vst.idx.msk $0xff, v24;
	v24 =	vperm.xlane v55, v4;
	v39 =	vmul.f32 $1.442695020e+00, v39;
	(xrf1) =	vsort.dscd.msk.f32 $0xffff, v32, v34  }
0x26f: {  	v13 =	vmov v37;
	v46 =	vperm.xlane v57, v4;
	v37 =	vsel vm0, v62, v56;
	v32, v34, _ =	vpop (xrf1);
	(xrf1) =	vsort.dscd.msk.f32 $0xffff, v6, v25  }
0x270: {  	v24 =	vsel vm0, v63, v24;
	v34 =	vperm.xlane v34, v4;
	v6, v25, _ =	vpop (xrf1);
	(erf) = vpow2.f32 v39;
	(xrf1) =	vsort.dscd.msk.f32 $0xffff, v5, v47  }
0x271: {  	v61 =	vperm.xlane v58, v4;
	v45 =	vperm.xlane v60, v4;
	v5, v47, _ =	vpop (xrf1)  }
0x272: {  	v53 =	vperm.xlane v59, v4;
	v32 =	vperm.xlane v32, v4;
	(xrf1) =	vsort.dscd.msk.f32 $0xffff, v38, v43;
	v38, v43, _ =	vpop (xrf1)  }
0x273: {  	v5 =	vsel vm0, v5, v46;
	v54 =	vsel vm0, v47, v61;
	(xrf1) =	vsort.dscd.msk.f32 $0xffff, v24, v37;
	v24, v37, _ =	vpop (xrf1)  }
0x274: {  	v24 =	vsel vm0, v24, v32;
	v55 =	vsel vm0, v37, v34;
	v34, v37, _ =	vpop (xrf1);
	(xrf1) =	vsort.dscd.msk.f32 $0xffff, v5, v54  }
0x275: {  	v56 =	vsel vm0, v34, v35;
	v57 =	vsel vm0, v37, v40;
	v58, v59, _ =	vpop (xrf1);
	(xrf1) =	vsort.dscd.msk.f32 $0xffff, v24, v55  }
0x276: {  	v25 =	vperm.xlane v25, v4;
	(erf) = vrcp.f32 v33;
	v61 =	vsel vm0, v59, v31;
	(xrf1) =	vsort.dscd.msk.f32 $0xffff, v56, v57;
	v5, v31, _ =	vpop (xrf1)  }
0x277: {  	v60 =	vsel vm0, v58, v30;
	v62 =	vsel vm0, v5, v41;
	v63 =	vsel vm0, v31, v42;
	v41, v42, _ =	vpop (xrf1)  }
0x278: {  	v6 =	vperm.xlane v6, v4;
	(xrf1) =	vsort.dscd.msk.f32 $0xffff, v60, v61;
	v24, v30, _ =	vpop (xrf1)  }
0x279: {  	v32 =	vsel vm0, v41, v36;
	v33 =	vsel vm0, v42, v50;
	(xrf1) =	vsort.dscd.msk.f32 $0xffff, v62, v63;
	v5 =	vpop (erf)  }
0x27a: {  	v30 =	vsel vm0, v30, v53;
	(xrf1) =	vsort.dscd.msk.f32 $0xffff, v32, v33;
	v37 =	vnsel vm0, $0x0, v5;
	v5, v31, _ =	vpop (xrf1)  }
0x27b: {  	v43 =	vperm.xlane v43, v4;
	v5 =	vsel vm0, v5, v6;
	v6 =	vsel vm0, v31, v25;
	(xrf2) =	vadd.scan.msk.f32 $0xffff, v37;
	v25, v31, _ =	vpop (xrf1)  }
0x27c: {  	v38 =	vperm.xlane v38, v4;
	v24 =	vsel vm0, v24, v45;
	(xrf2) =	vadd.scan.msk.f32 $0xffff, v27;
	v44, v45, _ =	vpop (xrf1)  }
0x27d: {  	v31 =	vsel vm0, v31, v43;
	(xrf1) =	vsort.dscd.msk.f32 $0xffff, v24, v30;
	v30, v46, _ =	vpop (xrf1)  }
0x27e: {  	v25 =	vsel vm0, v25, v38;
	(xrf1) =	vsort.dscd.msk.f32 $0xffff, v5, v6;
	v5 =	vperm.xlane v30, v4;
	v30, v47, _ =	vpop (xrf1)  }
0x27f: {  	(xrf1) =	vsort.dscd.msk.f32 $0xffff, v25, v31;
	v25 =	vperm.xlane v30, v4;
	v30 =	vpop (erf)  }
0x280: {  	v24 =	vperm.xlane v44, v4;
	v33 =	vperm.xlane v45, v4;
	v49, v50, _ =	vpop (xrf1)  }
0x281: {  	s25 =	sadd.s32 $0x4100, s19;
	v6 =	vperm.xlane v46, v4;
	v51 =	vmul.f32 v30, v29;
	v30, v31, _ =	vpop (xrf1)  }
0x282: {  	s28 =	sadd.s32 $0x4280, s19;
	v26 =	vor.u32 s25, v0;
	v39 =	vperm.xlane v30, v4;
	v40 =	vperm.xlane v31, v4;
	v30, v31, _ =	vpop (xrf1)  }
0x283: {  	s23 =	sadd.s32 $0x4180, s19;
	v18 =	vor.u32 s28, v0;
	v48 =	vperm.xlane v47, v4;
	v52 =	vperm.xlane v49, v4;
	[tilespmem:v15+s10+$0x0] =	vst.idx.msk $0xff, v51;
	v29, v54, _ =	vpop (xrf1)  }
0x284: {  	p0 =	slt.u32 s18, $0x78;
	v20 =	vor.u32 s23, v0;
	v53 =	vperm.xlane v50, v4;
	v32 =	vperm.xlane v30, v4;
	[tilespmem:v15+s11+$0x0] =	vst.idx.msk $0xff, v23;
	v23, v55, _ =	vpop (xrf1)  }
.Ltmp0:
0x285: {  	v31 =	vperm.xlane v31, v4;
	v30 =	vperm.xlane v29, v4;
	v15 =	vmov v26;
	v26, _, _ =	vpop (xrf2);
	(pc) =	sbr.rel @p0 .LBB2_2-.Ltmp0, $4  }
0x286: {  	s16 =	sadd.s32 $0x400, s16;
	(xrf2) =	vadd.scan.msk.f32 $0xffff, v21;
	v29 =	vperm.xlane v54, v4;
	v56 =	vsel vm0, v23, v24;
	v24 =	vsel vm0, v55, v33;
	v23, v58, _ =	vpop (xrf1)  }
0x287: {  	s26 =	sadd.s32 $0x4200, s19;
	v57 =	vbroadcast v26, $0xF;
	(xrf1) =	vsort.dscd.msk.f32 $0xffff, v56, v24;
	v24 =	vld [tilespmem:s16+$0x1B0];
	v59 =	vsel vm0, v23, v5;
	v60 =	vsel vm0, v58, v6;
	v62, v61, _ =	vpop (xrf1)  }
0x288: {  	v19 =	vor.u32 s26, v0;
	v23 =	vld [tilespmem:s16+$0x190];
	v63 =	vsel vm0, v62, v25;
	v38 =	vsel vm0, v61, v48;
	(xrf1) =	vsort.dscd.msk.f32 $0xffff, v59, v60;
	v5, v6, _ =	vpop (xrf1)  }
0x289: {  	s17 =	smov.u32 s18;
	s18 =	sadd.s32 $0x8, s18;
	v26, _, _ =	vpop (xrf2);
	v25 =	vld [tilespmem:s16+$0x1A0];
	(erf) = vrcp.f32 v57;
	v33 =	vsel vm0, v5, v52;
	v34 =	vsel vm0, v6, v53;
	(xrf1) =	vsort.dscd.msk.f32 $0xffff, v63, v38  }
0x28a: {  	_ =	sdelay $0x1  }
0x28b: {  	v5 =	vld [tilespmem:s16+$0xFFFFFE30];
	(xrf2) =	vadd.scan.msk.f32 $0xffff, v22  }
0x28c: {  	(xrf1) =	vsort.dscd.msk.f32 $0xffff, v33, v34;
	v6 =	vld [tilespmem:s16+$0x180]  }
0x28d: {  	v60 =	vld [tilespmem:s16+$0xFFFFFEB0];
	(xrf1) =	vsort.dscd.msk.f32 $0xffff, v24, v3  }
0x28e: {  	v61 =	vld [tilespmem:s16+$0xFFFFFF30];
	(xrf1) =	vsort.dscd.msk.f32 $0xffff, v23, v1  }
0x28f: {  	v62 =	vld [tilespmem:s16+$0xFFFFFFB0];
	(xrf1) =	vsort.dscd.msk.f32 $0xffff, v25, v2  }
0x290: {  	v63 =	vld [tilespmem:s16+$0x30];
	v46, v47, _ =	vpop (xrf1);
	(xrf1) =	vsort.dscd.msk.f32 $0xffff, v5, v3  }
0x291: {  	v45, v44, _ =	vpop (xrf1);
	v5 =	vld [tilespmem:s16+$0xB0];
	(xrf1) =	vsort.dscd.msk.f32 $0xffff, v6, v0  }
0x292: {  	v48 =	vld [tilespmem:s16+$0xFFFFFE20];
	v42, v41, _ =	vpop (xrf1);
	(xrf1) =	vsort.dscd.msk.f32 $0xffff, v60, v3  }
0x293: {  	v26 =	vbroadcast v26, $0xF;
	v6 =	vld [tilespmem:s16+$0x130];
	v43, _, _ =	vpop (xrf2);
	(xrf1) =	vsort.dscd.msk.f32 $0xffff, v61, v3  }
0x294: {  	v50 =	vld [tilespmem:s16+$0xFFFFFE90];
	(xrf1) =	vsort.dscd.msk.f32 $0xffff, v62, v3;
	v38, v54, _ =	vpop (xrf1)  }
0x295: {  	(erf) = vrcp.f32 v26;
	v26 =	vld [tilespmem:s16+$0xFFFFFE10];
	v55, _, _ =	vpop (xrf2);
	(xrf1) =	vsort.dscd.msk.f32 $0xffff, v63, v3;
	[tilespmem:$0x1FFA0] =	vst v54  }
0x296: {  	(xrf1) =	vsort.dscd.msk.f32 $0xffff, v5, v3;
	v56, v5, _ =	vpop (xrf1);
	v51 =	vld [tilespmem:s16+$0xFFFFFEA0];
	[tilespmem:$0x1FF60] =	vst v55  }
0x297: {  	s18 =	sadd.s32 $0x4380, s19;
	v53 =	vld [tilespmem:s16+$0xFFFFFF10];
	[tilespmem:$0x1FF70] =	vst v56  }
0x298: {  	v52 =	vor.u32 s18, v0;
	(xrf1) =	vsort.dscd.msk.f32 $0xffff, v6, v3;
	v57, v6, _ =	vpop (xrf1);
	[tilespmem:$0x1FFB0] =	vst v5  }
0x299: {  	v49 =	vpop (erf);
	v5 =	vld [tilespmem:s16+$0xFFFFFF20];
	[tilespmem:$0x1FF80] =	vst v57  }
0x29a: {  	v58, v59, _ =	vpop (xrf1);
	[tilespmem:$0x1FFC0] =	vst v6  }
0x29b: {  	v37 =	vmul.f32 v49, v37;
	v6 =	vld [tilespmem:s16+$0xFFFFFF90];
	[tilespmem:$0x1FF90] =	vst v58  }
0x29c: {  	(xrf1) =	vsort.dscd.msk.f32 $0xffff, v26, v1;
	[tilespmem:$0x1FFD0] =	vst v59;
	v62, v63, _ =	vpop (xrf1)  }
0x29d: {  	(xrf1) =	vsort.dscd.msk.f32 $0xffff, v48, v2;
	[tilespmem:v52+s10+$0x0] =	vst.idx.msk $0xff, v37;
	v37 =	vperm.xlane v62, v4  }
0x29e: {  	(xrf1) =	vsort.dscd.msk.f32 $0xffff, v50, v1  }
0x29f: {  	v50 =	vperm.xlane v63, v4;
	v23, v56, _ =	vpop (xrf1);
	(xrf1) =	vsort.dscd.msk.f32 $0xffff, v51, v2  }
0x2a0: {  	v60 =	vld [tilespmem:s16+$0xFFFFFFA0];
	v33, v34, _ =	vpop (xrf1);
	v51 =	vperm.xlane v23, v4;
	v63 =	vperm.xlane v56, v4;
	(xrf1) =	vsort.dscd.msk.f32 $0xffff, v53, v1  }
0x2a1: {  	v54 =	vld [tilespmem:s16+$0x10];
	v35 =	vsel vm0, v34, v50;
	(xrf1) =	vsort.dscd.msk.f32 $0xffff, v5, v2;
	v5 =	vsel vm0, v33, v37;
	v37, v48, _ =	vpop (xrf1)  }
0x2a2: {  	v55 =	vld [tilespmem:s16+$0x20];
	v23, v58, _ =	vpop (xrf1);
	(xrf1) =	vsort.dscd.msk.f32 $0xffff, v5, v35  }
0x2a3: {  	v61 =	vpop (erf);
	v57 =	vld [tilespmem:s16+$0x90];
	(xrf1) =	vsort.dscd.msk.f32 $0xffff, v6, v1;
	v51 =	vsel vm0, v23, v51;
	v53 =	vsel vm0, v58, v63  }
0x2a4: {  	v36 =	vld [tilespmem:s16+$0x110];
	[tilespmem:v52+s11+$0x0] =	vst.idx.msk $0xff, v28;
	v28, v33, _ =	vpop (xrf1);
	(xrf1) =	vsort.dscd.msk.f32 $0xffff, v51, v53  }
0x2a5: {  	v52 =	vld [tilespmem:s16+$0xA0];
	v56, v58, _ =	vpop (xrf1);
	(xrf1) =	vsort.dscd.msk.f32 $0xffff, v60, v2  }
0x2a6: {  	v27 =	vmul.f32 v61, v27;
	v24 =	vld [tilespmem:s16+$0xFFFFFE80];
	(xrf1) =	vsort.dscd.msk.f32 $0xffff, v54, v1  }
0x2a7: {  	v5 =	vld [tilespmem:s16+$0x120];
	v49, v51, _ =	vpop (xrf1);
	(xrf1) =	vsort.dscd.msk.f32 $0xffff, v55, v2  }
0x2a8: {  	[tilespmem:v9+s10+$0x0] =	vst.idx.msk $0xff, v27;
	v35 =	vld [tilespmem:s16+$0xFFFFFF00];
	v54, v55, _ =	vpop (xrf1);
	(xrf1) =	vsort.dscd.msk.f32 $0xffff, v57, v1  }
0x2a9: {  	v57 =	vld [tilespmem:s16+$0xFFFFFF80];
	v59, v60, _ =	vpop (xrf1)  }
0x2aa: {  	(xrf1) =	vsort.dscd.msk.f32 $0xffff, v52, v2  }
0x2ab: {  	v52, v61, _ =	vpop (xrf1);
	v62 =	vld [tilespmem:s16+$0xFFFFFE00];
	(xrf1) =	vsort.dscd.msk.f32 $0xffff, v36, v1  }
0x2ac: {  	v50 =	vld [tilespmem:s16+$0x0];
	v63, v36, _ =	vpop (xrf1);
	(xrf1) =	vsort.dscd.msk.f32 $0xffff, v5, v2  }
0x2ad: {  	v48 =	vperm.xlane v48, v4;
	v5 =	vld [tilespmem:s16+$0x80];
	v23, v25, _ =	vpop (xrf1);
	(xrf1) =	vsort.dscd.msk.f32 $0xffff, v24, v0  }
0x2ae: {  	v37 =	vperm.xlane v37, v4;
	v24 =	vld [tilespmem:s16+$0x100];
	v53, v34, _ =	vpop (xrf1);
	(xrf1) =	vsort.dscd.msk.f32 $0xffff, v35, v0  }
0x2af: {  	v25 =	vsel vm0, v25, v48;
	v48 =	vperm.xlane v28, v4;
	(xrf1) =	vsort.dscd.msk.f32 $0xffff, v57, v0;
	v57, v26, _ =	vpop (xrf1)  }
0x2b0: {  	(xrf1) =	vsort.dscd.msk.f32 $0xffff, v62, v0;
	v62, v35, _ =	vpop (xrf1)  }
0x2b1: {  	(xrf1) =	vsort.dscd.msk.f32 $0xffff, v50, v0;
	v50, v27, _ =	vpop (xrf1)  }
0x2b2: {  	v23 =	vsel vm0, v23, v37;
	(xrf1) =	vsort.dscd.msk.f32 $0xffff, v5, v0;
	v5, v6, _ =	vpop (xrf1)  }
0x2b3: {  	v28 =	vsel vm0, v47, v40;
	(xrf1) =	vsort.dscd.msk.f32 $0xffff, v24, v0;
	v24, v37, _ =	vpop (xrf1);
	v6 =	vperm.xlane v6, v4  }
0x2b4: {  	v5 =	vperm.xlane v5, v4;
	(xrf1) =	vsort.dscd.msk.f32 $0xffff, v23, v25;
	v23 =	vsel vm0, v57, v48;
	v47, v48, _ =	vpop (xrf1)  }
0x2b5: {  	v33 =	vperm.xlane v33, v4;
	v6 =	vsel vm0, v48, v6  }
0x2b6: {  	v60 =	vperm.xlane v60, v4;
	v52 =	vperm.xlane v52, v4;
	v5 =	vsel vm0, v47, v5  }
0x2b7: {  	v36 =	vperm.xlane v36, v4;
	v53 =	vperm.xlane v53, v4  }
0x2b8: {  	v26 =	vsel vm0, v26, v33;
	v25 =	vsel vm0, v46, v39;
	v57 =	vperm.xlane v56, v4;
	v40, v46, _ =	vpop (xrf1)  }
0x2b9: {  	v56 =	vperm.xlane v58, v4;
	v48 =	vperm.xlane v51, v4;
	(xrf1) =	vsort.dscd.msk.f32 $0xffff, v5, v6;
	v5, v6, _ =	vpop (xrf1)  }
0x2ba: {  	v58 =	vperm.xlane v55, v4;
	v47 =	vperm.xlane v49, v4;
	v39 =	vsel vm0, v50, v57;
	v49, v50, _ =	vpop (xrf1)  }
0x2bb: {  	v27 =	vsel vm0, v27, v56;
	v57 =	vperm.xlane v54, v4;
	v46 =	vsel vm0, v46, v48;
	v54, v55, _ =	vpop (xrf1)  }
0x2bc: {  	v40 =	vsel vm0, v40, v47;
	(xrf1) =	vsort.dscd.msk.f32 $0xffff, v23, v26;
	v47 =	vperm.xlane v59, v4;
	v23, v26, _ =	vpop (xrf1)  }
0x2bd: {  	v33 =	vsel vm0, v49, v57;
	v48 =	vsel vm0, v50, v58;
	(xrf1) =	vsort.dscd.msk.f32 $0xffff, v39, v27;
	v49, v50, _ =	vpop (xrf1)  }
0x2be: {  	v56 =	vperm.xlane v61, v4;
	(xrf1) =	vsort.dscd.msk.f32 $0xffff, v40, v46;
	v26 =	vsel vm0, v26, v60;
	v27, v39, _ =	vpop (xrf1)  }
0x2bf: {  	v34 =	vperm.xlane v34, v4;
	v23 =	vsel vm0, v23, v47;
	(xrf1) =	vsort.dscd.msk.f32 $0xffff, v33, v48;
	v40, v46, _ =	vpop (xrf1)  }
0x2c0: {  	v61 =	vperm.xlane v62, v4;
	v57 =	vperm.xlane v63, v4;
	v39 =	vsel vm0, v39, v56;
	v63, v60, _ =	vpop (xrf1)  }
0x2c1: {  	(xrf1) =	vsort.dscd.msk.f32 $0xffff, v23, v26;
	v27 =	vsel vm0, v27, v52;
	v40 =	vsel vm0, v40, v53;
	v33, v48, _ =	vpop (xrf1)  }
0x2c2: {  	v35 =	vperm.xlane v35, v4;
	v34 =	vsel vm0, v46, v34;
	v23, v26, _ =	vpop (xrf1);
	(xrf1) =	vsort.dscd.msk.f32 $0xffff, v25, v28  }
0x2c3: {  	v37 =	vperm.xlane v37, v4;
	v62 =	vsel vm0, v63, v61;
	v25, v28, _ =	vpop (xrf1);
	(xrf1) =	vsort.dscd.msk.f32 $0xffff, v27, v39  }
0x2c4: {  	v35 =	vsel vm0, v60, v35;
	v23 =	vsel vm0, v23, v57;
	v27, v39, _ =	vpop (xrf1);
	(xrf1) =	vsort.dscd.msk.f32 $0xffff, v40, v34  }
0x2c5: {  	v24 =	vperm.xlane v24, v4;
	v26 =	vsel vm0, v26, v36;
	v34, v40, _ =	vpop (xrf1);
	(xrf1) =	vsort.dscd.msk.f32 $0xffff, v62, v35  }
0x2c6: {  	v6 =	vperm.xlane v6, v4;
	v63, v36, _ =	vpop (xrf1);
	(xrf1) =	vsort.dscd.msk.f32 $0xffff, v23, v26;
	v26 =	vsel vm0, v48, v37  }
0x2c7: {  	v5 =	vperm.xlane v5, v4;
	v24 =	vsel vm0, v33, v24;
	v23, v47, _ =	vpop (xrf1)  }
0x2c8: {  	v6 =	vsel vm0, v28, v6;
	(xrf0) =	vmax.scan.msk.f32 $0xffff, v23  }
0x2c9: {  	v5 =	vsel vm0, v25, v5  }
0x2ca: {  	v46 =	vperm.xlane v54, v4;
	(xrf1) =	vsort.dscd.msk.f32 $0xffff, v24, v26;
	v24, v26, _ =	vpop (xrf1)  }
0x2cb: {  	v32 =	vsel vm0, v45, v32;
	v48 =	vperm.xlane v55, v4;
	v51, v52, _ =	vpop (xrf1)  }
0x2cc: {  	v54 =	vperm.xlane v49, v4;
	v27 =	vsel vm0, v27, v46;
	(xrf1) =	vsort.dscd.msk.f32 $0xffff, v5, v6;
	v5, v6, _ =	vpop (xrf1)  }
0x2cd: {  	v31 =	vsel vm0, v44, v31;
	v30 =	vsel vm0, v42, v30;
	v53 =	vsel vm0, v39, v48;
	v58, v59, _ =	vpop (xrf1)  }
0x2ce: {  	v55 =	vperm.xlane v50, v4;
	v34 =	vsel vm0, v34, v54;
	(xrf1) =	vsort.dscd.msk.f32 $0xffff, v27, v53;
	v56, _, _ =	vpop (xrf0)  }
0x2cf: {  	v29 =	vsel vm0, v41, v29;
	v35 =	vperm.xlane v63, v4;
	v63, v62, _ =	vpop (xrf1);
	v60 =	vbroadcast v56, $0xF  }
0x2d0: {  	v36 =	vperm.xlane v36, v4;
	v61 =	vsel vm0, v40, v55;
	(xrf0) =	vmax.scan.msk.f32 $0xffff, v38;
	v24 =	vperm.xlane v24, v4;
	v40, v27, _ =	vpop (xrf1)  }
0x2d1: {  	v57 =	vbroadcast v43, $0xF;
	v26 =	vperm.xlane v26, v4;
	(xrf1) =	vsort.dscd.msk.f32 $0xffff, v34, v61;
	v23 =	vsub.f32 v23, v60;
	v34, v37, _ =	vpop (xrf1)  }
0x2d2: {  	v25 =	vperm.xlane v51, v4;
	v28 =	vperm.xlane v52, v4;
	(xrf1) =	vsort.dscd.msk.f32 $0xffff, v32, v31;
	v31, v32, _ =	vpop (xrf1)  }
0x2d3: {  	(xrf1) =	vsort.dscd.msk.f32 $0xffff, v30, v29;
	v23 =	vmul.f32 $1.442695020e+00, v23;
	v24 =	vsel vm0, v31, v24;
	v26 =	vsel vm0, v32, v26;
	v29, v30, _ =	vpop (xrf1)  }
0x2d4: {  	(erf) = vrcp.f32 v57;
	v25 =	vsel vm0, v29, v25;
	v28 =	vsel vm0, v30, v28;
	v46, v48, _ =	vpop (xrf1);
	(xrf1) =	vsort.dscd.msk.f32 $0xffff, v24, v26  }
0x2d5: {  	(erf) = vpow2.f32 v23;
	v49 =	vsel vm0, v46, v35;
	v50 =	vsel vm0, v48, v36;
	(xrf1) =	vsort.dscd.msk.f32 $0xffff, v25, v28  }
0x2d6: {  	(xrf1) =	vsort.dscd.msk.f32 $0xffff, v49, v50  }
0x2d7: {  	v5 =	vperm.xlane v5, v4;
	v6 =	vperm.xlane v6, v4  }
0x2d8: {  	v23, v24, _ =	vpop (xrf1)  }
0x2d9: {  	v5 =	vsel vm0, v23, v5;
	v6 =	vsel vm0, v24, v6  }
0x2da: {  	v51 =	vperm.xlane v58, v4;
	v52 =	vperm.xlane v59, v4;
	v58, _, _ =	vpop (xrf0);
	(xrf1) =	vsort.dscd.msk.f32 $0xffff, v5, v6  }
0x2db: {  	v54, v53, _ =	vpop (xrf1);
	v5 =	vperm.xlane v63, v4;
	v6 =	vperm.xlane v62, v4  }
0x2dc: {  	(xrf2) =	vadd.scan.msk.f32 $0xffff, v17;
	v56, v55, _ =	vpop (xrf1);
	v23 =	vsel vm0, v54, v51;
	v24 =	vsel vm0, v53, v52  }
0x2dd: {  	v30 =	vpop (erf);
	v5 =	vsel vm0, v56, v5;
	v6 =	vsel vm0, v55, v6;
	(xrf1) =	vsort.dscd.msk.f32 $0xffff, v23, v24  }
0x2de: {  	(xrf1) =	vsort.dscd.msk.f32 $0xffff, v5, v6;
	v6 =	vperm.xlane v34, v4;
	v57 =	vpop (erf)  }
0x2df: {  	v61 =	vperm.xlane v37, v4;
	v60, v59, _ =	vpop (xrf1);
	v24 =	vbroadcast v58, $0xF;
	v5 =	vnsel vm0, $0x0, v57  }
0x2e0: {  	v42 =	vld [tilespmem:$0x1FF60];
	v41, v29, _ =	vpop (xrf1);
	v6 =	vsel vm0, v60, v6;
	(xrf2) =	vadd.scan.msk.f32 $0xffff, v5  }
0x2e1: {  	v62 =	vsel vm0, v59, v61;
	v24 =	vsub.f32 v38, v24;
	v48, v28, _ =	vpop (xrf1)  }
0x2e2: {  	(xrf1) =	vsort.dscd.msk.f32 $0xffff, v6, v62;
	v63, v39, _ =	vpop (xrf1)  }
0x2e3: {  	v43 =	vmul.f32 $1.442695020e+00, v24;
	v6, v44, _ =	vpop (xrf1);
	(xrf0) =	vmax.scan.msk.f32 $0xffff, v63  }
0x2e4: {  	v49, v46, _ =	vpop (xrf1)  }
0x2e5: {  	v26 =	vbroadcast v42, $0xF;
	(xrf0) =	vmax.scan.msk.f32 $0xffff, v49;
	_ =	sdelay $0x1  }
0x2e6: {  	v45, _, _ =	vpop (xrf2);
	(erf) = vrcp.f32 v26  }
0x2e7: {  	(erf) = vpow2.f32 v43;
	v23, v43, _ =	vpop (xrf1)  }
0x2e8: {  	(xrf0) =	vmax.scan.msk.f32 $0xffff, v6;
	v51, _, _ =	vpop (xrf0)  }
0x2e9: {  	(xrf0) =	vmax.scan.msk.f32 $0xffff, v23;
	v50, _, _ =	vpop (xrf2)  }
0x2ea: {  	v52, _, _ =	vpop (xrf0)  }
0x2eb: {  	v26 =	vbroadcast v50, $0xF;
	v32 =	vbroadcast v52, $0xF;
	_ =	sdelay $0x1  }
0x2ec: {  	v33, v42, _ =	vpop (xrf1);
	(erf) = vrcp.f32 v26;
	v24 =	vsub.f32 v49, v32  }
0x2ed: {  	v53 =	vbroadcast v51, $0xF;
	v51 =	vld [tilespmem:$0x1FF70];
	(xrf0) =	vmax.scan.msk.f32 $0xffff, v33;
	v55, _, _ =	vpop (xrf0)  }
0x2ee: {  	v57, _, _ =	vpop (xrf0);
	v24 =	vmul.f32 $1.442695020e+00, v24  }
0x2ef: {  	v25 =	vsub.f32 v63, v53;
	v34 =	vbroadcast v55, $0xF;
	v26, v36, _ =	vpop (xrf1)  }
0x2f0: {  	s17 =	sshll.u32 s17, $0x7;
	v60 =	vld [tilespmem:$0x1FF80];
	(xrf0) =	vmax.scan.msk.f32 $0xffff, v26;
	v56, v37, _ =	vpop (xrf1);
	(erf) = vpow2.f32 v24  }
0x2f1: {  	s29 =	sadd.s32 $0x380, s17;
	v25 =	vmul.f32 $1.442695020e+00, v25;
	v6 =	vsub.f32 v6, v34;
	v61 =	vbroadcast v57, $0xF;
	(xrf0) =	vmax.scan.msk.f32 $0xffff, v56  }
0x2f2: {  	v59 =	vor.u32 s29, v0;
	v31 =	vpop (erf);
	(xrf0) =	vmax.scan.msk.f32 $0xffff, v51  }
0x2f3: {  	v49 =	vld [tilespmem:$0x1FF90];
	v58, _, _ =	vpop (xrf0);
	v6 =	vmul.f32 $1.442695020e+00, v6;
	v23 =	vsub.f32 v23, v61;
	(erf) = vpow2.f32 v25  }
0x2f4: {  	v54 =	vpop (erf);
	v24 =	vbroadcast v58, $0xF  }
0x2f5: {  	v32 =	vnsel vm0, $0x0, v54;
	(xrf0) =	vmax.scan.msk.f32 $0xffff, v60;
	v23 =	vmul.f32 $1.442695020e+00, v23;
	v63 =	vpop (erf)  }
0x2f6: {  	v24 =	vsub.f32 v33, v24;
	(erf) = vpow2.f32 v6;
	v62, _, _ =	vpop (xrf0);
	v5 =	vmul.f32 v63, v5  }
0x2f7: {  	(xrf2) =	vadd.scan.msk.f32 $0xffff, v32;
	(erf) = vpow2.f32 v23;
	v52 =	vbroadcast v62, $0xF;
	v6, _, _ =	vpop (xrf0)  }
0x2f8: {  	(xrf0) =	vmax.scan.msk.f32 $0xffff, v49;
	v24 =	vmul.f32 $1.442695020e+00, v24;
	[tilespmem:v59+s10+$0x0] =	vst.idx.msk $0xff, v5;
	v5 =	vbroadcast v6, $0xF;
	v6, _, _ =	vpop (xrf0)  }
0x2f9: {  	(xrf0) =	vmax.scan.msk.f32 $0xffff, v40;
	v26 =	vsub.f32 v26, v52;
	[tilespmem:v59+s11+$0x0] =	vst.idx.msk $0xff, v47;
	v6 =	vbroadcast v6, $0xF;
	v55 =	vpop (erf)  }
0x2fa: {  	(erf) = vpow2.f32 v24;
	(xrf0) =	vmax.scan.msk.f32 $0xffff, v41;
	v54 =	vld [tilespmem:s16+$0x1F0];
	v24 =	vnsel vm0, $0x0, v55  }
0x2fb: {  	v53, _, _ =	vpop (xrf0);
	v26 =	vmul.f32 $1.442695020e+00, v26;
	v5 =	vsub.f32 v56, v5;
	v56 =	vld [tilespmem:s16+$0x1D0];
	v6 =	vsub.f32 v51, v6;
	(xrf2) =	vadd.scan.msk.f32 $0xffff, v24  }
0x2fc: {  	v25 =	vbroadcast v53, $0xF;
	v57 =	vpop (erf)  }
0x2fd: {  	(xrf0) =	vmax.scan.msk.f32 $0xffff, v48;
	v58 =	vld [tilespmem:s16+$0x1E0];
	(erf) = vpow2.f32 v26;
	v5 =	vmul.f32 $1.442695020e+00, v5;
	v26 =	vnsel vm0, $0x0, v57  }
0x2fe: {  	v59, _, _ =	vpop (xrf0);
	v25 =	vsub.f32 v60, v25;
	v60 =	vld [tilespmem:s16+$0x1C0];
	(xrf2) =	vadd.scan.msk.f32 $0xffff, v26  }
0x2ff: {  	(erf) = vpow2.f32 v5;
	v5 =	vmul.f32 $1.442695020e+00, v6;
	(xrf1) =	vsort.dscd.msk.f32 $0xffff, v54, v3;
	v6 =	vpop (erf)  }
0x300: {  	v61, _, _ =	vpop (xrf0);
	v52 =	vbroadcast v59, $0xF;
	(xrf1) =	vsort.dscd.msk.f32 $0xffff, v56, v1;
	v6 =	vnsel vm0, $0x0, v6  }
0x301: {  	v62 =	vmul.f32 $1.442695020e+00, v25;
	v63, _, _ =	vpop (xrf0);
	(erf) = vpow2.f32 v5;
	(xrf2) =	vadd.scan.msk.f32 $0xffff, v6  }
0x302: {  	v53 =	vpop (erf);
	(xrf1) =	vsort.dscd.msk.f32 $0xffff, v58, v2  }
0x303: {  	v23 =	vsub.f32 v49, v52;
	v49, _, _ =	vpop (xrf2);
	(erf) = vpow2.f32 v62;
	v33 =	vnsel vm0, $0x0, v53;
	(xrf1) =	vsort.dscd.msk.f32 $0xffff, v60, v0  }
0x304: {  	v54 =	vpop (erf);
	(xrf2) =	vadd.scan.msk.f32 $0xffff, v33  }
0x305: {  	v56 =	vbroadcast v61, $0xF;
	v57, _, _ =	vpop (xrf2)  }
0x306: {  	v5, _, _ =	vpop (xrf0);
	v47 =	vbroadcast v57, $0xF  }
0x307: {  	v23 =	vmul.f32 $1.442695020e+00, v23;
	v38 =	vsub.f32 v40, v56;
	v55 =	vpop (erf)  }
0x308: {  	v25 =	vbroadcast v63, $0xF;
	v58 =	vpop (erf)  }
0x309: {  	v60 =	vmul.f32 $1.442695020e+00, v38;
	(erf) = vpow2.f32 v23;
	v59, _, _ =	vpop (xrf2)  }
0x30a: {  	v23 =	vbroadcast v59, $0xF;
	(erf) = vrcp.f32 v47;
	v47 =	vpop (erf)  }
0x30b: {  	v51 =	vnsel vm0, $0x0, v54;
	v61, _, _ =	vpop (xrf2)  }
0x30c: {  	v25 =	vsub.f32 v41, v25;
	v35 =	vnsel vm0, $0x0, v55;
	(xrf2) =	vadd.scan.msk.f32 $0xffff, v51;
	(erf) = vrcp.f32 v23;
	v41 =	vpop (erf)  }
0x30d: {  	v5 =	vbroadcast v5, $0xF;
	(xrf2) =	vadd.scan.msk.f32 $0xffff, v35;
	(erf) = vpow2.f32 v60;
	v62, v38, _ =	vpop (xrf1)  }
0x30e: {  	v50 =	vnsel vm0, $0x0, v58;
	v23 =	vbroadcast v61, $0xF;
	v60, _, _ =	vpop (xrf2);
	v38 =	vperm.xlane v38, v4  }
0x30f: {  	v25 =	vmul.f32 $1.442695020e+00, v25;
	v5 =	vsub.f32 v48, v5;
	(xrf2) =	vadd.scan.msk.f32 $0xffff, v50;
	v34 =	vperm.xlane v62, v4;
	v56, v63, _ =	vpop (xrf1)  }
0x310: {  	v48 =	vor.u32 s17, v0;
	(erf) = vrcp.f32 v23;
	v40 =	vperm.xlane v56, v4;
	v58, v57, _ =	vpop (xrf1)  }
0x311: {  	v52 =	vperm.xlane v63, v4;
	v23 =	vsel vm0, v58, v34;
	v59 =	vsel vm0, v57, v38;
	v62, v63, _ =	vpop (xrf1)  }
0x312: {  	v5 =	vmul.f32 $1.442695020e+00, v5;
	(xrf1) =	vsort.dscd.msk.f32 $0xffff, v23, v59;
	v38 =	vpop (erf)  }
0x313: {  	v61 =	vbroadcast v60, $0xF;
	v54 =	vsel vm0, v62, v40;
	(erf) = vpow2.f32 v25;
	v58 =	vpop (erf)  }
0x314: {  	s30 =	sadd.s32 $0x80, s17;
	v55 =	vsel vm0, v63, v52;
	(erf) = vpow2.f32 v5;
	v5 =	vmul.f32 v58, v24  }
0x315: {  	v56 =	vor.u32 s30, v0;
	v57 =	vbroadcast v49, $0xF;
	(xrf1) =	vsort.dscd.msk.f32 $0xffff, v54, v55;
	v60 =	vpop (erf)  }
0x316: {  	v59, _, _ =	vpop (xrf2);
	(erf) = vrcp.f32 v61;
	[tilespmem:v48+s10+$0x0] =	vst.idx.msk $0xff, v5;
	v5 =	vmul.f32 v60, v26  }
0x317: {  	v23 =	vbroadcast v59, $0xF;
	v61, _, _ =	vpop (xrf2)  }
0x318: {  	s31 =	sadd.s32 $0x100, s17;
	(erf) = vrcp.f32 v57;
	v40 =	vpop (erf);
	v24 =	vbroadcast v61, $0xF  }
0x319: {  	v62 =	vor.u32 s31, v0;
	(erf) = vrcp.f32 v23;
	v52, _, _ =	vpop (xrf2);
	[tilespmem:v48+s11+$0x0] =	vst.idx.msk $0xff, v46  }
0x31a: {  	v48 =	vbroadcast v45, $0xF;
	v63 =	vld [tilespmem:s16+$0xFFFFFE70];
	[tilespmem:v56+s10+$0x0] =	vst.idx.msk $0xff, v5;
	v5 =	vpop (erf);
	(erf) = vrcp.f32 v24  }
0x31b: {  	v49 =	vld [tilespmem:s16+$0xFFFFFE50];
	[tilespmem:v56+s11+$0x0] =	vst.idx.msk $0xff, v39;
	v5 =	vmul.f32 v5, v6;
	v6 =	vbroadcast v52, $0xF  }
0x31c: {  	s19 =	sadd.s32 $0x180, s17;
	v53 =	vld [tilespmem:s16+$0xFFFFFEF0]  }
0x31d: {  	v54 =	vor.u32 s19, v0;
	v39 =	vpop (erf);
	(erf) = vrcp.f32 v48  }
0x31e: {  	v55 =	vld [tilespmem:s16+$0xFFFFFE60];
	v34 =	vpop (erf);
	[tilespmem:v62+s10+$0x0] =	vst.idx.msk $0xff, v5;
	(erf) = vrcp.f32 v6  }
0x31f: {  	s20 =	sadd.s32 $0x200, s17;
	v5 =	vld [tilespmem:s16+$0xFFFFFED0];
	(xrf1) =	vsort.dscd.msk.f32 $0xffff, v63, v3;
	[tilespmem:v62+s11+$0x0] =	vst.idx.msk $0xff, v44;
	v6 =	vpop (erf)  }
0x320: {  	v23 =	vor.u32 s20, v0;
	(xrf1) =	vsort.dscd.msk.f32 $0xffff, v49, v1;
	v25 =	vld [tilespmem:s16+$0xFFFFFF70];
	v56, v57, _ =	vpop (xrf1);
	v6 =	vmul.f32 v6, v33  }
0x321: {  	s21 =	sadd.s32 $0x280, s17;
	(xrf1) =	vsort.dscd.msk.f32 $0xffff, v53, v3;
	v33 =	vpop (erf)  }
0x322: {  	v46 =	vor.u32 s21, v0;
	v58 =	vld [tilespmem:s16+$0xFFFFFEE0];
	v59 =	vperm.xlane v57, v4;
	v60 =	vpop (erf);
	[tilespmem:v54+s10+$0x0] =	vst.idx.msk $0xff, v6;
	v6 =	vperm.xlane v56, v4  }
0x323: {  	v61 =	vld [tilespmem:s16+$0xFFFFFF50];
	(xrf1) =	vsort.dscd.msk.f32 $0xffff, v55, v2;
	v62 =	vmul.f32 v60, v51;
	v63, v51, _ =	vpop (xrf1);
	[tilespmem:v54+s11+$0x0] =	vst.idx.msk $0xff, v43  }
0x324: {  	s22 =	sadd.s32 $0x300, s17;
	(xrf1) =	vsort.dscd.msk.f32 $0xffff, v5, v1;
	v53 =	vpop (erf);
	v52 =	vld [tilespmem:s16+$0xFFFFFFF0];
	v5 =	vsel vm0, v63, v6;
	v6 =	vsel vm0, v51, v59  }
0x325: {  	v55 =	vld [tilespmem:s16+$0xFFFFFF60];
	v54 =	vor.u32 s22, v0;
	(xrf1) =	vsort.dscd.msk.f32 $0xffff, v25, v3;
	[tilespmem:v23+s10+$0x0] =	vst.idx.msk $0xff, v62;
	v56 =	vmul.f32 v53, v35  }
0x326: {  	v57 =	vld [tilespmem:s16+$0xFFFFFFD0];
	v35 =	vpop (erf);
	(xrf1) =	vsort.dscd.msk.f32 $0xffff, v5, v6;
	[tilespmem:v23+s11+$0x0] =	vst.idx.msk $0xff, v42  }
0x327: {  	v5 =	vld [tilespmem:s16+$0xFFFFFFE0];
	(xrf1) =	vsort.dscd.msk.f32 $0xffff, v58, v2;
	[tilespmem:v46+s10+$0x0] =	vst.idx.msk $0xff, v56;
	v6 =	vpop (erf)  }
0x328: {  	v23 =	vld [tilespmem:s16+$0x70];
	(xrf1) =	vsort.dscd.msk.f32 $0xffff, v61, v1;
	[tilespmem:v46+s11+$0x0] =	vst.idx.msk $0xff, v36;
	v6 =	vmul.f32 v6, v50  }
0x329: {  	v24 =	vld [tilespmem:s16+$0xF0];
	(xrf1) =	vsort.dscd.msk.f32 $0xffff, v52, v3  }
0x32a: {  	v58 =	vld [tilespmem:s16+$0x50];
	(xrf1) =	vsort.dscd.msk.f32 $0xffff, v55, v2;
	[tilespmem:v54+s10+$0x0] =	vst.idx.msk $0xff, v6  }
0x32b: {  	v6 =	vld [tilespmem:s16+$0x60];
	(xrf1) =	vsort.dscd.msk.f32 $0xffff, v57, v1;
	[tilespmem:v54+s11+$0x0] =	vst.idx.msk $0xff, v37  }
0x32c: {  	(xrf1) =	vsort.dscd.msk.f32 $0xffff, v5, v2;
	v5 =	vld [tilespmem:s16+$0x170]  }
0x32d: {  	v59 =	vld [tilespmem:s16+$0xD0];
	(xrf1) =	vsort.dscd.msk.f32 $0xffff, v23, v3  }
0x32e: {  	v36 =	vld [tilespmem:s16+$0xE0];
	v60, v63, _ =	vpop (xrf1);
	(xrf1) =	vsort.dscd.msk.f32 $0xffff, v24, v3  }
0x32f: {  	v24, v43, _ =	vpop (xrf1);
	(xrf1) =	vsort.dscd.msk.f32 $0xffff, v58, v1  }
0x330: {  	v61 =	vld [tilespmem:s16+$0x150];
	v62, v45, _ =	vpop (xrf1);
	(xrf1) =	vsort.dscd.msk.f32 $0xffff, v6, v2  }
0x331: {  	v6 =	vld [tilespmem:s16+$0x160];
	v46, v48, _ =	vpop (xrf1);
	(xrf1) =	vsort.dscd.msk.f32 $0xffff, v5, v3  }
0x332: {  	v5 =	vld [tilespmem:s16+$0xFFFFFE40];
	v49, v50, _ =	vpop (xrf1);
	(xrf1) =	vsort.dscd.msk.f32 $0xffff, v59, v1  }
0x333: {  	v37 =	vnsel vm0, $0x0, v47;
	v25, v47, _ =	vpop (xrf1);
	(xrf1) =	vsort.dscd.msk.f32 $0xffff, v36, v2  }
0x334: {  	v51 =	vld [tilespmem:s16+$0xFFFFFEC0];
	(xrf2) =	vadd.scan.msk.f32 $0xffff, v37;
	v52, v36, _ =	vpop (xrf1)  }
0x335: {  	v53 =	vld [tilespmem:s16+$0xFFFFFF40];
	v54, v55, _ =	vpop (xrf1);
	(xrf1) =	vsort.dscd.msk.f32 $0xffff, v61, v1  }
0x336: {  	v26 =	vld [tilespmem:s16+$0xFFFFFFC0];
	v45 =	vperm.xlane v45, v4;
	v56, v57, _ =	vpop (xrf1);
	(xrf1) =	vsort.dscd.msk.f32 $0xffff, v6, v2  }
0x337: {  	v23 =	vld [tilespmem:s16+$0x40];
	v6 =	vperm.xlane v60, v4;
	(xrf1) =	vsort.dscd.msk.f32 $0xffff, v5, v0;
	v58, v59, _ =	vpop (xrf1)  }
0x338: {  	v44 =	vld [tilespmem:s16+$0xC0];
	v42 =	vperm.xlane v62, v4;
	(xrf0) =	vmax.scan.msk.f32 $0xffff, v52;
	v45 =	vsel vm0, v55, v45;
	v5 =	vperm.xlane v63, v4;
	v60, v61, _ =	vpop (xrf1)  }
0x339: {  	v6 =	vsel vm0, v46, v6;
	v46 =	vld [tilespmem:s16+$0x140];
	(xrf1) =	vsort.dscd.msk.f32 $0xffff, v51, v0;
	v55 =	vperm.xlane v58, v4;
	v51, v62, _ =	vpop (xrf1)  }
0x33a: {  	v5 =	vsel vm0, v48, v5;
	(xrf1) =	vsort.dscd.msk.f32 $0xffff, v53, v0;
	v48, v53, _ =	vpop (xrf1)  }
0x33b: {  	v25 =	vperm.xlane v25, v4;
	v42 =	vsel vm0, v54, v42;
	(xrf1) =	vsort.dscd.msk.f32 $0xffff, v26, v0;
	v26, v54, _ =	vpop (xrf1)  }
0x33c: {  	(xrf1) =	vsort.dscd.msk.f32 $0xffff, v23, v0;
	v23, v58, _ =	vpop (xrf1)  }
0x33d: {  	v59 =	vperm.xlane v59, v4;
	v25 =	vsel vm0, v60, v25;
	(xrf1) =	vsort.dscd.msk.f32 $0xffff, v44, v0;
	v44, v60, _ =	vpop (xrf1)  }
0x33e: {  	v47 =	vperm.xlane v47, v4;
	v48 =	vsel vm0, v48, v55;
	(xrf1) =	vsort.dscd.msk.f32 $0xffff, v46, v0;
	v63, v55, _ =	vpop (xrf1)  }
0x33f: {  	v53 =	vsel vm0, v53, v59;
	v26 =	vperm.xlane v26, v4;
	(xrf1) =	vsort.dscd.msk.f32 $0xffff, v6, v5;
	v5, v6, _ =	vpop (xrf1)  }
0x340: {  	v47 =	vsel vm0, v61, v47;
	v23 =	vperm.xlane v23, v4;
	(xrf1) =	vsort.dscd.msk.f32 $0xffff, v42, v45;
	v42, v45, _ =	vpop (xrf1)  }
0x341: {  	v43 =	vperm.xlane v43, v4;
	v54 =	vperm.xlane v54, v4;
	v26 =	vsel vm0, v63, v26;
	v63, v61, _ =	vpop (xrf1)  }
0x342: {  	v58 =	vperm.xlane v58, v4;
	(xrf1) =	vsort.dscd.msk.f32 $0xffff, v25, v47;
	v23 =	vsel vm0, v63, v23  }
0x343: {  	v59 =	vsel vm0, v55, v54;
	v5 =	vperm.xlane v5, v4;
	(xrf1) =	vsort.dscd.msk.f32 $0xffff, v48, v53;
	v48, v53, _ =	vpop (xrf1)  }
0x344: {  	v6 =	vperm.xlane v6, v4;
	v61 =	vsel vm0, v61, v58;
	(xrf1) =	vsort.dscd.msk.f32 $0xffff, v26, v59;
	v26, v47, _ =	vpop (xrf1)  }
0x345: {  	v24 =	vperm.xlane v24, v4;
	(xrf1) =	vsort.dscd.msk.f32 $0xffff, v23, v61;
	v23, v25, _ =	vpop (xrf1)  }
0x346: {  	v58, _, _ =	vpop (xrf0);
	v5 =	vsel vm0, v26, v5;
	v6 =	vsel vm0, v47, v6;
	v25 =	vsel vm0, v25, v43  }
0x347: {  	(xrf1) =	vsort.dscd.msk.f32 $0xffff, v5, v6;
	v6 =	vbroadcast v58, $0xF;
	v23 =	vsel vm0, v23, v24  }
0x348: {  	v63, _, _ =	vpop (xrf2);
	v5 =	vperm.xlane v49, v4;
	(xrf1) =	vsort.dscd.msk.f32 $0xffff, v23, v25;
	v23 =	vperm.xlane v50, v4  }
0x349: {  	v59 =	vperm.xlane v57, v4;
	v6 =	vsub.f32 v52, v6;
	v25, v43, _ =	vpop (xrf1)  }
0x34a: {  	v26 =	vbroadcast v63, $0xF;
	v5 =	vsel vm0, v25, v5;
	v23 =	vsel vm0, v43, v23  }
0x34b: {  	v24 =	vperm.xlane v56, v4;
	v6 =	vmul.f32 $1.442695020e+00, v6;
	v61, v63, _ =	vpop (xrf1);
	(xrf1) =	vsort.dscd.msk.f32 $0xffff, v5, v23  }
0x34c: {  	v47 =	vperm.xlane v51, v4;
	v51 =	vperm.xlane v62, v4;
	v58, v57, _ =	vpop (xrf1)  }
0x34d: {  	v24 =	vsel vm0, v61, v24;
	v59 =	vsel vm0, v63, v59;
	v25, v43, _ =	vpop (xrf1)  }
0x34e: {  	(erf) = vrcp.f32 v26;
	v52 =	vsel vm0, v58, v47;
	v55 =	vsel vm0, v57, v51;
	v5, v23, _ =	vpop (xrf1);
	(xrf1) =	vsort.dscd.msk.f32 $0xffff, v24, v59  }
0x34f: {  	v45 =	vperm.xlane v45, v4;
	(erf) = vpow2.f32 v6;
	v6, v62, _ =	vpop (xrf1);
	(xrf1) =	vsort.dscd.msk.f32 $0xffff, v52, v55  }
0x350: {  	v61 =	vperm.xlane v60, v4;
	v63 =	vperm.xlane v42, v4  }
0x351: {  	v44 =	vperm.xlane v44, v4;
	v58 =	vperm.xlane v53, v4;
	v23 =	vsel vm0, v23, v45;
	v56, v57, _ =	vpop (xrf1)  }
0x352: {  	v48 =	vperm.xlane v48, v4;
	v5 =	vsel vm0, v5, v63;
	v42, v47, _ =	vpop (xrf1)  }
0x353: {  	v25 =	vsel vm0, v25, v44;
	v43 =	vsel vm0, v43, v61;
	v24 =	vsel vm0, v62, v58;
	v60, v59, _ =	vpop (xrf1)  }
0x354: {  	v6 =	vsel vm0, v6, v48;
	(xrf1) =	vsort.dscd.msk.f32 $0xffff, v25, v43;
	v61, v26, _ =	vpop (xrf1)  }
0x355: {  	(xrf1) =	vsort.dscd.msk.f32 $0xffff, v5, v23;
	v5, v23, _ =	vpop (xrf1)  }
0x356: {  	v43, v51, _ =	vpop (xrf1)  }
0x357: {  	v62 =	vperm.xlane v56, v4;
	(xrf1) =	vsort.dscd.msk.f32 $0xffff, v6, v24;
	v6, v24, _ =	vpop (xrf1)  }
0x358: {  	v63 =	vperm.xlane v57, v4;
	v47 =	vperm.xlane v47, v4;
	v53, v54, _ =	vpop (xrf1)  }
0x359: {  	v44 =	vperm.xlane v60, v4;
	v58 =	vperm.xlane v59, v4;
	v59, v60, _ =	vpop (xrf1)  }
0x35a: {  	v41 =	vnsel vm0, $0x0, v41;
	v42 =	vperm.xlane v42, v4;
	v47 =	vsel vm0, v60, v47  }
0x35b: {  	(xrf2) =	vadd.scan.msk.f32 $0xffff, v41;
	v25 =	vperm.xlane v61, v4;
	v45 =	vsel vm0, v53, v62;
	v46 =	vsel vm0, v54, v63  }
0x35c: {  	v26 =	vperm.xlane v26, v4;
	(xrf1) =	vsort.dscd.msk.f32 $0xffff, v45, v46;
	v42 =	vsel vm0, v59, v42;
	v61, v62, _ =	vpop (xrf1)  }
0x35d: {  	(xrf1) =	vsort.dscd.msk.f32 $0xffff, v42, v47;
	v47, v63, _ =	vpop (xrf1)  }
0x35e: {  	v26 =	vsel vm0, v63, v26  }
0x35f: {  	v25 =	vsel vm0, v47, v25  }
0x360: {  	v49 =	vpop (erf);
	v45 =	vnsel vm0, $0x0, v38;
	v44 =	vsel vm0, v61, v44;
	v38 =	vsel vm0, v62, v58  }
0x361: {  	v57 =	vpop (erf);
	v23 =	vperm.xlane v23, v4;
	(xrf1) =	vsort.dscd.msk.f32 $0xffff, v44, v38  }
0x362: {  	v5 =	vperm.xlane v5, v4;
	(xrf1) =	vsort.dscd.msk.f32 $0xffff, v25, v26;
	v25, v26, _ =	vpop (xrf1)  }
0x363: {  	v46 =	vnsel vm0, $0x0, v57;
	v23 =	vsel vm0, v26, v23  }
0x364: {  	(xrf2) =	vadd.scan.msk.f32 $0xffff, v46;
	v5 =	vsel vm0, v25, v5  }
0x365: {  	v55, _, _ =	vpop (xrf2);
	v48 =	vnsel vm0, $0x0, v40;
	v50 =	vperm.xlane v43, v4;
	(xrf2) =	vadd.scan.msk.f32 $0xffff, v45  }
0x366: {  	v51 =	vperm.xlane v51, v4;
	v6 =	vperm.xlane v6, v4;
	(xrf2) =	vadd.scan.msk.f32 $0xffff, v48;
	v52, v53, _ =	vpop (xrf1)  }
0x367: {  	v56 =	vbroadcast v55, $0xF;
	v24 =	vperm.xlane v24, v4;
	(xrf1) =	vsort.dscd.msk.f32 $0xffff, v5, v23;
	v5, v23, _ =	vpop (xrf1)  }
0x368: {  	v25 =	vsel vm0, v52, v50;
	v26 =	vsel vm0, v53, v51;
	v5 =	vsel vm0, v5, v6  }
0x369: {  	v50 =	vnsel vm0, $0x0, v39;
	(xrf1) =	vsort.dscd.msk.f32 $0xffff, v25, v26  }
0x36a: {  	(erf) = vrcp.f32 v56;
	(xrf2) =	vadd.scan.msk.f32 $0xffff, v50;
	v6 =	vsel vm0, v23, v24  }
0x36b: {  	(xrf1) =	vsort.dscd.msk.f32 $0xffff, v5, v6;
	v5, v47, _ =	vpop (xrf1)  }
0x36c: {  	(xrf0) =	vmax.scan.msk.f32 $0xffff, v5;
	_ =	sdelay $0x1  }
0x36d: {  	v54, _, _ =	vpop (xrf2)  }
0x36e: {  	v55, _, _ =	vpop (xrf2)  }
0x36f: {  	v56, _, _ =	vpop (xrf2)  }
0x370: {  	v26, v44, _ =	vpop (xrf1)  }
0x371: {  	v58, _, _ =	vpop (xrf0)  }
0x372: {  	v23 =	vbroadcast v54, $0xF;
	v6 =	vpop (erf);
	(xrf0) =	vmax.scan.msk.f32 $0xffff, v26;
	v24 =	vbroadcast v58, $0xF  }
0x373: {  	v51, v38, _ =	vpop (xrf1)  }
0x374: {  	v57 =	vbroadcast v55, $0xF;
	(erf) = vrcp.f32 v23;
	v52, v39, _ =	vpop (xrf1);
	(xrf0) =	vmax.scan.msk.f32 $0xffff, v51;
	v5 =	vsub.f32 v5, v24  }
0x375: {  	v25 =	vbroadcast v56, $0xF;
	v59, _, _ =	vpop (xrf2);
	(xrf0) =	vmax.scan.msk.f32 $0xffff, v52  }
0x376: {  	(erf) = vrcp.f32 v57;
	v60, v42, _ =	vpop (xrf1);
	v5 =	vmul.f32 $1.442695020e+00, v5  }
0x377: {  	v23 =	vbroadcast v59, $0xF;
	v61, v40, _ =	vpop (xrf1)  }
0x378: {  	(erf) = vrcp.f32 v25;
	(xrf0) =	vmax.scan.msk.f32 $0xffff, v60;
	v62, _, _ =	vpop (xrf0)  }
0x379: {  	(erf) = vrcp.f32 v23;
	v63, v43, _ =	vpop (xrf1)  }
0x37a: {  	v23 =	vbroadcast v62, $0xF;
	(xrf0) =	vmax.scan.msk.f32 $0xffff, v61;
	(erf) = vpow2.f32 v5;
	v5, _, _ =	vpop (xrf0)  }
0x37b: {  	(xrf0) =	vmax.scan.msk.f32 $0xffff, v63;
	v57, _, _ =	vpop (xrf0);
	v5 =	vbroadcast v5, $0xF  }
0x37c: {  	v23 =	vsub.f32 v26, v23;
	v54 =	vbroadcast v57, $0xF  }
0x37d: {  	v26 =	vpop (erf);
	v5 =	vsub.f32 v51, v5  }
0x37e: {  	v23 =	vmul.f32 $1.442695020e+00, v23;
	v58, _, _ =	vpop (xrf0);
	v52 =	vsub.f32 v52, v54  }
0x37f: {  	v51 =	vpop (erf);
	v55 =	vbroadcast v58, $0xF;
	v5 =	vmul.f32 $1.442695020e+00, v5  }
0x380: {  	(erf) = vpow2.f32 v23;
	v59, _, _ =	vpop (xrf0);
	v52 =	vmul.f32 $1.442695020e+00, v52  }
0x381: {  	v53 =	vsub.f32 v60, v55;
	v60, _, _ =	vpop (xrf0);
	(erf) = vpow2.f32 v5  }
0x382: {  	v54 =	vpop (erf);
	(erf) = vpow2.f32 v52;
	v52 =	vbroadcast v60, $0xF;
	_ =	sdelay $0x1  }
0x383: {  	v25 =	vsub.f32 v63, v52;
	v52 =	vld [tilespmem:$0x1FFE0];
	_ =	sdelay $0x1  }
0x384: {  	v21 =	vmul.f32 v30, v21;
	_ =	sdelay $0x1  }
0x385: {  	v53 =	vmul.f32 $1.442695020e+00, v53;
	[tilespmem:v10+s10+$0x0] =	vst.idx.msk $0xff, v21  }
0x386: {  	v23 =	vbroadcast v59, $0xF;
	[tilespmem:v9+s11+$0x0] =	vst.idx.msk $0xff, v52  }
0x387: {  	v34 =	vnsel vm0, $0x0, v34;
	v5 =	vpop (erf);
	(erf) = vpow2.f32 v53;
	v53 =	vmul.f32 v31, v22;
	v56 =	vld [tilespmem:$0x1FFF0]  }
0x388: {  	(xrf2) =	vadd.scan.msk.f32 $0xffff, v34;
	v57 =	vmul.f32 v33, v32;
	v23 =	vsub.f32 v61, v23;
	v61 =	vpop (erf)  }
0x389: {  	v24 =	vnsel vm0, $0x0, v61;
	[tilespmem:v12+s10+$0x0] =	vst.idx.msk $0xff, v53  }
0x38a: {  	v23 =	vmul.f32 $1.442695020e+00, v23;
	(xrf2) =	vadd.scan.msk.f32 $0xffff, v24;
	[tilespmem:v14+s10+$0x0] =	vst.idx.msk $0xff, v57  }
0x38b: {  	v62 =	vmul.f32 $1.442695020e+00, v25;
	[tilespmem:v12+s11+$0x0] =	vst.idx.msk $0xff, v8  }
0x38c: {  	v60 =	vmul.f32 v35, v17;
	(erf) = vpow2.f32 v23;
	v63 =	vpop (erf);
	[tilespmem:v10+s11+$0x0] =	vst.idx.msk $0xff, v56  }
0x38d: {  	(erf) = vpow2.f32 v62;
	v9 =	vnsel vm0, $0x0, v63;
	v55 =	vpop (erf);
	v62 =	vld [tilespmem:$0x1FFA0]  }
0x38e: {  	(xrf2) =	vadd.scan.msk.f32 $0xffff, v9;
	v10 =	vnsel vm0, $0x0, v55;
	[tilespmem:v11+s10+$0x0] =	vst.idx.msk $0xff, v60  }
0x38f: {  	v58 =	vpop (erf);
	(xrf2) =	vadd.scan.msk.f32 $0xffff, v10;
	[tilespmem:v11+s11+$0x0] =	vst.idx.msk $0xff, v7;
	v7 =	vmul.f32 v49, v37  }
0x390: {  	v12 =	vnsel vm0, $0x0, v58  }
0x391: {  	(xrf2) =	vadd.scan.msk.f32 $0xffff, v12;
	[tilespmem:v13+s10+$0x0] =	vst.idx.msk $0xff, v7  }
0x392: {  	v59, _, _ =	vpop (xrf2);
	[tilespmem:v14+s11+$0x0] =	vst.idx.msk $0xff, v62  }
0x393: {  	v61 =	vpop (erf);
	v33 =	vld [tilespmem:$0x1FFB0]  }
0x394: {  	s23 =	sadd.s32 $0x4380, s17;
	v21 =	vnsel vm0, $0x0, v61;
	v63, _, _ =	vpop (xrf2)  }
0x395: {  	v6 =	vmul.f32 v6, v41;
	v31 =	vor.u32 s23, v0;
	v25 =	vpop (erf);
	(xrf2) =	vadd.scan.msk.f32 $0xffff, v21;
	v14 =	vbroadcast v63, $0xF  }
0x396: {  	v30 =	vnsel vm0, $0x0, v25  }
0x397: {  	v8 =	vbroadcast v59, $0xF;
	v32 =	vpop (erf);
	(xrf2) =	vadd.scan.msk.f32 $0xffff, v30;
	[tilespmem:v15+s10+$0x0] =	vst.idx.msk $0xff, v6;
	(erf) = vrcp.f32 v14  }
0x398: {  	v7 =	vnsel vm0, $0x0, v32;
	v35, _, _ =	vpop (xrf2);
	v6 =	vmul.f32 v26, v46;
	[tilespmem:v13+s11+$0x0] =	vst.idx.msk $0xff, v33  }
0x399: {  	(xrf2) =	vadd.scan.msk.f32 $0xffff, v7;
	(erf) = vrcp.f32 v8;
	v8 =	vbroadcast v35, $0xF;
	v41, _, _ =	vpop (xrf2);
	v13 =	vld [tilespmem:$0x1FFC0]  }
0x39a: {  	v37 =	vmul.f32 v51, v45;
	[tilespmem:v31+s10+$0x0] =	vst.idx.msk $0xff, v6;
	v6 =	vbroadcast v41, $0xF  }
0x39b: {  	(erf) = vrcp.f32 v8;
	v46, _, _ =	vpop (xrf2)  }
0x39c: {  	[tilespmem:v20+s10+$0x0] =	vst.idx.msk $0xff, v37;
	(erf) = vrcp.f32 v6;
	v6 =	vbroadcast v46, $0xF  }
0x39d: {  	s24 =	sadd.s32 $0x4000, s17;
	v45 =	vmul.f32 v54, v48;
	[tilespmem:v31+s11+$0x0] =	vst.idx.msk $0xff, v36  }
0x39e: {  	v5 =	vmul.f32 v5, v50;
	v48 =	vor.u32 s24, v0;
	[tilespmem:v15+s11+$0x0] =	vst.idx.msk $0xff, v13  }
0x39f: {  	v49, _, _ =	vpop (xrf2);
	v13 =	vld [tilespmem:$0x1FFD0];
	[tilespmem:v19+s10+$0x0] =	vst.idx.msk $0xff, v45  }
0x3a0: {  	v50 =	vbroadcast v49, $0xF;
	(erf) = vrcp.f32 v6;
	v6 =	vpop (erf);
	[tilespmem:v18+s10+$0x0] =	vst.idx.msk $0xff, v5  }
0x3a1: {  	v51, _, _ =	vpop (xrf2);
	[tilespmem:v19+s11+$0x0] =	vst.idx.msk $0xff, v27;
	v6 =	vmul.f32 v6, v24  }
0x3a2: {  	s25 =	sadd.s32 $0x4080, s17;
	v52 =	vbroadcast v51, $0xF;
	(erf) = vrcp.f32 v50;
	v5 =	vpop (erf);
	[tilespmem:v18+s11+$0x0] =	vst.idx.msk $0xff, v29  }
0x3a3: {  	v53 =	vor.u32 s25, v0;
	v54, _, _ =	vpop (xrf2);
	v5 =	vmul.f32 v5, v34;
	[tilespmem:v48+s10+$0x0] =	vst.idx.msk $0xff, v6  }
0x3a4: {  	s26 =	sadd.s32 $0x4100, s17;
	(erf) = vrcp.f32 v52;
	v6 =	vbroadcast v54, $0xF;
	[tilespmem:v48+s11+$0x0] =	vst.idx.msk $0xff, v47  }
0x3a5: {  	v55 =	vor.u32 s26, v0;
	v56 =	vpop (erf);
	[tilespmem:v16+s10+$0x0] =	vst.idx.msk $0xff, v5  }
0x3a6: {  	s28 =	sadd.s32 $0x4180, s17;
	v5 =	vmul.f32 v56, v9;
	[tilespmem:v20+s11+$0x0] =	vst.idx.msk $0xff, v13;
	(erf) = vrcp.f32 v6  }
0x3a7: {  	[tilespmem:v16+s11+$0x0] =	vst.idx.msk $0xff, v28;
	v6 =	vor.u32 s28, v0;
	v57 =	vpop (erf)  }
0x3a8: {  	s29 =	sadd.s32 $0x4200, s17;
	[tilespmem:v53+s10+$0x0] =	vst.idx.msk $0xff, v5;
	v5 =	vmul.f32 v57, v10  }
0x3a9: {  	v58 =	vor.u32 s29, v0;
	[tilespmem:v53+s11+$0x0] =	vst.idx.msk $0xff, v44;
	v59 =	vpop (erf)  }
0x3aa: {  	s30 =	sadd.s32 $0x4280, s17;
	[tilespmem:v55+s10+$0x0] =	vst.idx.msk $0xff, v5;
	v5 =	vmul.f32 v59, v12  }
0x3ab: {  	v60 =	vor.u32 s30, v0;
	[tilespmem:v55+s11+$0x0] =	vst.idx.msk $0xff, v38;
	v61 =	vpop (erf)  }
0x3ac: {  	s31 =	sadd.s32 $0x4300, s17;
	[tilespmem:v6+s10+$0x0] =	vst.idx.msk $0xff, v5;
	v5 =	vmul.f32 v61, v21  }
0x3ad: {  	v62 =	vpop (erf);
	[tilespmem:v6+s11+$0x0] =	vst.idx.msk $0xff, v39;
	v6 =	vor.u32 s31, v0  }
0x3ae: {  	[tilespmem:v58+s10+$0x0] =	vst.idx.msk $0xff, v5;
	v5 =	vmul.f32 v62, v30  }
0x3af: {  	[tilespmem:v58+s11+$0x0] =	vst.idx.msk $0xff, v42;
	v63 =	vpop (erf)  }
0x3b0: {  	[tilespmem:v60+s10+$0x0] =	vst.idx.msk $0xff, v5;
	v5 =	vmul.f32 v63, v7  }
0x3b1: {  	[tilespmem:v60+s11+$0x0] =	vst.idx.msk $0xff, v40  }
0x3b2: {  	[tilespmem:v6+s10+$0x0] =	vst.idx.msk $0xff, v5  }
0x3b3: {  	[tilespmem:v6+s11+$0x0] =	vst.idx.msk $0xff, v43  }
0x3b4: {  	[hbm4b:s4+s1] =	stream.linear.scatter [tilespmem:s10], [sflag:$0x1], $0x4000, $0x38;
	[tilespmem:$0x14000] =	vst v63  }
0x3b5: {  	_ = 	snop  }
0x3b6: {  	[hbm4b:s5+s1] =	stream.linear.scatter [tilespmem:s12], [sflag:$0x1], $0x4000, $0x38;
	[tilespmem:$0x14000] =	vst v63  }
0x3b7: {  	_ = 	snop  }
0x3b8: {  	[hbm4b:s6+s1] =	stream.linear.scatter [tilespmem:s11], [sflag:$0x1], $0x4000, $0x38;
	[tilespmem:$0x14000] =	vst v63  }
0x3b9: {  	_ = 	snop  }
0x3ba: {  	[hbm4b:s7+s1] =	stream.linear.scatter [tilespmem:s13], [sflag:$0x1], $0x4000, $0x38;
	[tilespmem:$0x14000] =	vst v63  }
0x3bb: {  	_ =	swait.ge [sflag:s14], $0x4000  }
0x3bc: {  	[sflag:s14] =	ssyncset.done $0x0  }
0x3bd: {  	[sflag:s14] =	ssyncadd.s32 $0xFFFFC000  }
0x3be: {  	_ =	swait.ge [sflag:s14], $0x4000  }
0x3bf: {  	[sflag:s14] =	ssyncset.done $0x0  }
0x3c0: {  	s15 =	sadd.s32 $0x1, s15;
	[sflag:s14] =	ssyncadd.s32 $0xFFFFC000  }
0x3c1: {  	p0 =	sne.s32 s15, s8;
	_ =	swait.ge [sflag:s14], $0x4000  }
.Ltmp1:
0x3c2: {  	[sflag:s14] =	ssyncset.done $0x0;
	(pc) =	sbr.rel @p0 .LBB2_1-.Ltmp1, $4  }
0x3c3: {  	[sflag:s14] =	ssyncadd.s32 $0xFFFFC000  }
0x3c4: {  	_ =	swait.ge [sflag:s14], $0x4000  }
0x3c5: {  	[sflag:s14] =	ssyncset.done $0x0  }
0x3c6: {  	[sflag:s14] =	ssyncadd.s32 $0xFFFFC000  }
0x3c7: {  	_ =	sfence.sel $0x180000  }
0x3c8: {  	[bflag:$0x0] =	sbarrier.arrive $0xFFFF  }
0x3c9: {  	p0 =	sne.s32 s2, $0x0;
	_ =	strace $0x90000047  }
0x3ca: {  	s0 =	sadd.s32 @!p0 $0x100000, s0;
	[bflag:$0x2] =	sbarrier.arrive $0xFFFF  }
0x3cb: {  	[sflag:s0] =	ssyncadd.tile.s32 @!p0 $0x1;
	_ =	shalt  }
.Lfunc_end2:
_tile_overlayer_lowered:
.L_overlay_start_2:
0x3cc: {  	(tag) =	ssettag $0x2  }
0x3cd: {  	s0 =	rddreg [dreg:$0x0];
	s2 =	stileid.u32  }
0x3ce: {  	s1 =	rddreg [dreg:$0x1];
	p0 =	sne.s32 s2, $0x0  }
0x3cf: {  	s3 =	rddreg [dreg:$0x2];
	[bflag:$0x3] =	sbarrier.arrive $0xFFFF;
	s2 =	simm.s32 @!p0 $0x1C02  }
0x3d0: {  	[timem:s3], [sflag:s2] =	dma.local @!p0 [hbm:s0], s1  }
0x3d1: {  	s0 =	simm.s32 @!p0 $0x2  }
0x3d2: {  	_ =	swait.ge @!p0 [sflag:s0], s1  }
0x3d3: {  	s1 =	ssub.s32 @!p0 $0x0, s1;
	[sflag:s0] =	ssyncset.done @!p0 $0x0  }
0x3d4: {  	[sflag:s0] =	ssyncadd.s32 @!p0 s1  }
0x3d5: {  	[bflag:$0x3] =	sbarrier.arrive $0xFFFF  }
0x3d6: {  	_ =	shalt  }

// kernel: kernel.9.cloned.1.call-start
scs
__scs_entry_jumppad:
0x0: {  	(pc) =	sbr.rel $0x88, $3  }
0x1: {  	(tag) =	ssettag $0x0;
	lr =	simm.s32 $0x1  }
0x2: {  	[smem:$0x3F9F] =	sst lr;
	_ =	strace $0xD0000000  }
0x3: {  	_ = 	snop  }
0x4: {  	_ = 	snop  }
0x5: {  	_ = 	snop  }
0x6: {  	_ = 	snop  }
0x7: {  	_ = 	snop  }
__scs_overlays_trampoline_lowered:
0x8: {  	[smem:$0x3FAE] =	sst s0  }
0x9: {  	[smem:$0x3FAF] =	sst s1  }
0xa: {  	[smem:$0x3FB0] =	sst s2  }
0xb: {  	[smem:$0x3FB1] =	sst s3  }
0xc: {  	[smem:$0x3FB2] =	sst s4  }
0xd: {  	[smem:$0x3FB3] =	sst s5  }
0xe: {  	[smem:$0x3FB4] =	sst s6  }
0xf: {  	[smem:$0x3FB5] =	sst s7  }
0x10: {  	[smem:$0x3FB6] =	sst s8  }
0x11: {  	[smem:$0x3FB7] =	sst s9;
	s0 =	simm.s32 @!p0 $0x0  }
0x12: {  	s1 =	sld [smem:$0x3F9D];
	s0 =	simm.s32 @p0 $0x1  }
0x13: {  	[smem:$0x3FB8] =	sst s0;
	s0 =	simm.s32 @!p1 $0x0  }
0x14: {  	s2 =	sld [smem:$0x3F9C];
	s0 =	simm.s32 @p1 $0x1  }
0x15: {  	[smem:$0x3FB9] =	sst s0;
	s0 =	simm.s32 @!p2 $0x0  }
0x16: {  	s3 =	sld [smem:$0x3FDB];
	s0 =	simm.s32 @p2 $0x1  }
0x17: {  	s4 =	simm.s32 $0x1BF5;
	[smem:$0x3FBB] =	sst s0  }
0x18: {  	s0 =	sld [smem:$0x3F9E];
	_ =	swait.ge [sflag:s4], $0x0  }
0x19: {  	s7 =	sld [smem:$0x3F9F]  }
0x1a: {  	s8 =	sadd.s32 $0xFFFFE003, lr  }
0x1b: {  	s9 =	sadd.s32 $0xFFFFFEF7, lr;
	s5 =	simm.s32 $0xFFFFFFFF;
	p2 =	slt.u32 s8, $0xFFFFF086  }
0x1c: {  	p1 =	slt.u32 s9, $0xF7A;
	s5 =	simm.s32 @!p2 $0x0  }
0x1d: {  	s5 =	simm.s32 @p1 $0x1;
	p0 =	seq.s32 s7, s2  }
0x1e: {  	s7 =	smul.u32 @!p0 $0xF7A, s2;
	p2 =	seq.s32 @!p0 s5, $0x0  }
0x1f: {  	s9 =	smul.u32 $0xF7A, s1;
	s8 =	simm.s32 @!p0 $0x1BF5;
	p2 =	por !p2, p0  }
0x20: {  	[sflag:s8] =	ssyncset.s32 @!p0 $0xFFFFF086;
	s6 =	sadd.s32 @!p0 s3, s7;
	s7 =	simm.s32 @!p0 $0x108  }
0x21: {  	s3 =	sadd.s32 s3, s9;
	s6 =	sadd.s32 @!p0 $0x88, s6;
	s7 =	simm.s32 @p2 $0x1082  }
0x22: {  	[simem:s7], [sflag:s8] =	dma.local @!p0 [hbm:s6], $0xF7A  }
0x23: {  	s9 =	sor.u32 $0xD0000000, s2;
	s6 =	simm.s32 $0x108;
	_ =	swait.ge @!p0 [sflag:s8], $0x0  }
0x24: {  	s3 =	sadd.s32 $0x88, s3;
	s6 =	simm.s32 @!p1 $0x1082;
	[sflag:s4] =	ssyncset.s32 $0xFFFFF086  }
0x25: {  	[simem:s6], [sflag:s4] =	dma.local [hbm:s3], $0xF7A  }
0x26: {  	[smem:$0x3F9F] =	sst s1;
	(tag) =	ssettag s2;
	_ =	strace s9  }
0x27: {  	s1 =	sld [smem:$0x3FAF]  }
0x28: {  	s2 =	sld [smem:$0x3FB0]  }
0x29: {  	s4 =	sld [smem:$0x3FB2]  }
0x2a: {  	p0 =	seq.s32 s5, $0x0;
	s5 =	sld [smem:$0x3FB3]  }
0x2b: {  	s6 =	sld [smem:$0x3FB4]  }
0x2c: {  	s7 =	sld [smem:$0x3FB5]  }
0x2d: {  	s3 =	simm.s32 $0x108;
	s8 =	sld [smem:$0x3FB6]  }
0x2e: {  	s3 =	simm.s32 @!p0 $0x1082;
	s9 =	sld [smem:$0x3FB7]  }
0x2f: {  	lr =	sadd.s32 s0, s3;
	s0 =	sld [smem:$0x3FAE]  }
0x30: {  	s3 =	sld [smem:$0x3FB1]  }
0x31: {  	[smem:$0x3FBA] =	sst s10  }
0x32: {  	s10 =	sld [smem:$0x3FB8];
	_ =	sdelay $0x3  }
0x33: {  	p0 =	seq.s32 s10, $0x1;
	s10 =	sld [smem:$0x3FBA];
	_ =	sdelay $0x3  }
0x34: {  	[smem:$0x3FBA] =	sst s10  }
0x35: {  	s10 =	sld [smem:$0x3FB9];
	_ =	sdelay $0x3  }
0x36: {  	p1 =	seq.s32 s10, $0x1;
	s10 =	sld [smem:$0x3FBA];
	_ =	sdelay $0x3  }
0x37: {  	[smem:$0x3FBA] =	sst s10  }
0x38: {  	s10 =	sld [smem:$0x3FBB]  }
0x39: {  	_ = 	snop;
	(pc) =	sbr.ind lr, $3  }
0x3a: {  	_ = 	snop  }
0x3b: {  	_ = 	snop  }
0x3c: {  	p2 =	seq.s32 s10, $0x1;
	s10 =	sld [smem:$0x3FBA]  }
0x3d: {  	_ =	shalt  }
0x3e: {  	_ =	shalt  }
0x3f: {  	_ =	shalt  }
0x40: {  	_ =	shalt  }
0x41: {  	_ =	shalt  }
0x42: {  	_ =	shalt  }
0x43: {  	_ =	shalt  }
0x44: {  	_ =	shalt  }
0x45: {  	_ =	shalt  }
0x46: {  	_ =	shalt  }
0x47: {  	_ =	shalt  }
0x48: {  	_ =	shalt  }
0x49: {  	_ =	shalt  }
0x4a: {  	_ =	shalt  }
0x4b: {  	_ =	shalt  }
0x4c: {  	_ =	shalt  }
0x4d: {  	_ =	shalt  }
0x4e: {  	_ =	shalt  }
0x4f: {  	_ =	shalt  }
0x50: {  	_ =	shalt  }
0x51: {  	_ =	shalt  }
0x52: {  	_ =	shalt  }
0x53: {  	_ =	shalt  }
0x54: {  	_ =	shalt  }
0x55: {  	_ =	shalt  }
0x56: {  	_ =	shalt  }
0x57: {  	_ =	shalt  }
0x58: {  	_ =	shalt  }
0x59: {  	_ =	shalt  }
0x5a: {  	_ =	shalt  }
0x5b: {  	_ =	shalt  }
0x5c: {  	_ =	shalt  }
0x5d: {  	_ =	shalt  }
0x5e: {  	_ =	shalt  }
0x5f: {  	_ =	shalt  }
0x60: {  	_ =	shalt  }
0x61: {  	_ =	shalt  }
0x62: {  	_ =	shalt  }
0x63: {  	_ =	shalt  }
0x64: {  	_ =	shalt  }
0x65: {  	_ =	shalt  }
0x66: {  	_ =	shalt  }
0x67: {  	_ =	shalt  }
0x68: {  	_ =	shalt  }
0x69: {  	_ =	shalt  }
0x6a: {  	_ =	shalt  }
0x6b: {  	_ =	shalt  }
0x6c: {  	_ =	shalt  }
0x6d: {  	_ =	shalt  }
0x6e: {  	_ =	shalt  }
0x6f: {  	_ =	shalt  }
0x70: {  	_ =	shalt  }
0x71: {  	_ =	shalt  }
0x72: {  	_ =	shalt  }
0x73: {  	_ =	shalt  }
0x74: {  	_ =	shalt  }
0x75: {  	_ =	shalt  }
0x76: {  	_ =	shalt  }
0x77: {  	_ =	shalt  }
0x78: {  	_ =	shalt  }
0x79: {  	_ =	shalt  }
0x7a: {  	_ =	shalt  }
0x7b: {  	_ =	shalt  }
0x7c: {  	_ =	shalt  }
0x7d: {  	_ =	shalt  }
0x7e: {  	_ =	shalt  }
0x7f: {  	_ =	shalt  }
0x80: {  	_ =	shalt  }
0x81: {  	_ =	shalt  }
0x82: {  	_ =	shalt  }
0x83: {  	_ =	shalt  }
0x84: {  	_ =	shalt  }
0x85: {  	_ =	shalt  }
0x86: {  	_ =	shalt  }
0x87: {  	_ =	shalt  }
.Lfunc_end0:
.L_simem_size_0:
called_computation.1_lowered:
.L_overlay_start_0:
0x88: {  	s2 =	sld [smem:$0x3FD9]  }
0x89: {  	s3 =	sld [smem:$0x3FFE];
	_ =	sdelay $0x1  }
0x8a: {  	s1 =	srdreg.scid  }
0x8b: {  	s0 =	sand.u32 $0x1, s1  }
0x8c: {  	s17 =	sshll.u32 s0, $0xA;
	s2 =	sadd.s32 s3, s2  }
0x8d: {  	s2 =	sadd.s32 s2, s17  }
0x8e: {  	[smem:$0x3FC6] =	sst s2  }
0x8f: {  	_ = 	snop  }
0x90: {  	(tm) =	ssettm $0x1  }
0x91: {  	s18 =	sld [smem:$0x3FFB];
	_ =	sdelay $0x3  }
0x92: {  	_ =	strace s18  }
0x93: {  	s2 =	sld [smem:$0x3FFC];
	_ =	sdelay $0x3  }
0x94: {  	_ =	strace s2  }
0x95: {  	s2 =	sld [smem:$0x3FFD];
	_ =	sdelay $0x3  }
0x96: {  	_ =	strace s2  }
0x97: {  	_ =	strace $0x8FFFFFFF  }
0x98: {  	s19 =	sld [smem:$0x3FDB];
	_ =	sdelay $0x1  }
0x99: {  	s20 =	simm.s32 $_scs_section_size  }
0x9a: {  	s4 =	simm.s32 $_size__tile_overlayer_lowered;
	s5 =	simm.s32 $_tile_overlayer_lowered  }
0x9b: {  	s6 =	simm.s32 $0x1BFF;
	s21 =	sshll.u32 s5, $0x1;
	s3 =	sadd.s32 s20, s19  }
0x9c: {  	s22 =	simm.s32 $0x0;
	s4 =	sshll.u32 s4, $0x1;
	s5 =	sadd.s32 s21, s3  }
0x9d: {  	[timem:s22], [sflag:s6] =	dma.local [hbm:s5], s4  }
0x9e: {  	_ =	swait.ge [sflag:s6], s4  }
0x9f: {  	s4 =	ssub.s32 $0x0, s4;
	[sflag:s6] =	ssyncset.done $0x0  }
0xa0: {  	[sflag:s6] =	ssyncadd.s32 s4;
	_ =	sdelay $0x1  }
0xa1: {  	s23 =	simm.s32 $0x1B8B  }
0xa2: {  	_ =	swait.ge [sflag:s23], $0x1  }
0xa3: {  	[sflag:s23] =	ssyncset.done $0x0  }
0xa4: {  	[sflag:s23] =	ssyncadd.s32 $0xFFFFFFFF  }
0xa5: {  	s4 =	sld [smem:$0x0]  }
0xa6: {  	s5 =	sand.u32 $0xFFFFFFFE, s1  }
0xa7: {  	p0 =	sne.s32 s1, s5  }
0xa8: {  	s5 =	sshll.u32 @p0 s5, $0xE  }
0xa9: {  	s5 =	sadd.s32 @p0 $0x11B8D, s5;
	s6 =	sshll.u32 @p0 s4, $0x11  }
0xaa: {  	s5 =	sor.u32 @p0 s6, s5  }
0xab: {  	[sflag:s5] =	ssyncadd.remote.s32 @p0 $0x1;
	_ =	sdelay $0x1  }
0xac: {  	s5 =	simm.s32 @p0 $0x1B8D  }
0xad: {  	_ =	swait.eq @p0 [sflag:s5], $0x1  }
0xae: {  	[sflag:s5] =	ssyncadd.s32 @p0 $0xFFFFFFFF  }
0xaf: {  	s6 =	sshll.u32 @!p0 s1, $0xE  }
0xb0: {  	s6 =	sor.u32 @!p0 $0x4000, s6;
	s5 =	simm.s32 @!p0 $0x1B8D  }
0xb1: {  	s4 =	sshll.u32 @!p0 s4, $0x11;
	s6 =	sadd.s32 @!p0 $0x11B8D, s6;
	_ =	swait.eq @!p0 [sflag:s5], $0x1  }
0xb2: {  	s4 =	sor.u32 @!p0 s4, s6;
	[sflag:s5] =	ssyncadd.s32 @!p0 $0xFFFFFFFF  }
0xb3: {  	s25 =	simm.s32 $0x1B8E;
	s24 =	sld [smem:$0x3FFE];
	[sflag:s4] =	ssyncadd.remote.s32 @!p0 $0x1  }
0xb4: {  	s26 =	simm.s32 $execute0_lowered;
	[smem:$0x3FD2] =	sst s25  }
0xb5: {  	s5 =	sshll.u32 s26, $0x1;
	_ =	strace $0x80000049;
	[dreg:$0x1] =	wrdreg $0xFFFFFFFF  }
0xb6: {  	s28 =	simm.s32 $_size_execute0_lowered;
	s3 =	sadd.s32 s3, s5;
	[dreg:$0x0] =	wrdreg $0x0  }
0xb7: {  	s5 =	sshll.u32 s28, $0x1;
	[dreg:$0x2] =	wrdreg s3  }
0xb8: {  	[dreg:$0x3] =	wrdreg s5  }
0xb9: {  	[dreg:$0x4] =	wrdreg $0xC0  }
0xba: {  	_ =	task [dreg:s22], $0x5FFFF  }
0xbb: {  	[dreg:$0x1] =	wrdreg $0xFFFFFFFF  }
0xbc: {  	[dreg:$0x0] =	wrdreg $0x60  }
0xbd: {  	[dreg:$0x2] =	wrdreg s24  }
0xbe: {  	[dreg:$0x3] =	wrdreg $0xA  }
0xbf: {  	_ =	task.clear_ibuf [dreg:s22], $0x4FFFF;
	_ =	strace $0x90000049  }
0xc0: {  	s29 =	simm.s32 $0xA;
	_ =	strace $0x8000004B  }
0xc1: {  	_ =	swait.ge [sflag:s29], $0x1  }
0xc2: {  	[sflag:s29] =	ssyncadd.s32 $0xFFFFFFFF  }
0xc3: {  	_ =	strace $0x9000004B  }
0xc4: {  	_ =	sfence  }
0xc5: {  	s30 =	sld [smem:$0x0];
	_ =	sdelay $0x2  }
0xc6: {  	s31 =	sshll.u32 s1, $0xD;
	s1 =	sshrl.u32 s1, $0x2  }
0xc7: {  	s4 =	sand.u32 $0x4000, s31;
	s1 =	sadd.s32 s1, s30  }
0xc8: {  	s0 =	sor.u32 s4, s0;
	s1 =	sshll.u32 s1, $0x11  }
0xc9: {  	s0 =	sor.u32 s1, s0  }
0xca: {  	s0 =	sadd.s32 $0x8F2B, s0  }
0xcb: {  	[sflag:s0] =	ssyncadd.remote.s32 $0x1  }
0xcc: {  	_ =	sfence.sel $0xFFFF  }
0xcd: {  	[dreg:$0x0] =	wrdreg $0xFFFFFFFF;
	(pc) =	sbr.abs _section_cstart, $3  }
0xce: {  	[dreg:$0x1] =	wrdreg $0xFFFFFFFF  }
0xcf: {  	_ =	task.clear_ibuf [dreg:s22], $0x2FFFF;
	_ =	strace $0x9FFFFFFF  }
0xd0: {  	(tm) =	ssettm $0x7FFFFFFF  }
0xd1: {  	_ =	shalt  }
tec
execute0_lowered:
.L_overlay_start_1:
0x0: {  	(tag) =	ssettag $0x1  }
0x1: {  	s2 =	rddreg [dreg:$0x0]  }
0x2: {  	s3 =	srdreg.scid;
	s0 =	rddreg [dreg:$0x1]  }
0x3: {  	s1 =	simm.s32 $0x0;
	s11 =	simm.s32 $0xC000;
	s12 =	simm.s32 $0x8000  }
0x4: {  	s13 =	simm.s32 $0x10000;
	s14 =	simm.s32 $0x1;
	s15 =	simm.s32 $0x0  }
0x5: {  	s3 =	sand.u32 $0x1, s3;
	[smem:$0x7FF] =	sst s1;
	s6 =	sadd.s32 $0x61A00, s2  }
0x6: {  	s7 =	sadd.s32 $0x81A00, s2;
	s4 =	sshll.u32 s3, $0xB;
	_ =	strace $0x8000004A  }
0x7: {  	s3 =	ssub.s32 $0x2, s3;
	s5 =	sadd.s32 s4, s2;
	s2 =	stileid.u32  }
0x8: {  	s10 =	sshrl.u32 s3, $0x1;
	s8 =	sshll.u32 s2, $0xD;
	s9 =	sshll.u32 s2, $0xC  }
0x9: {  	v0 =	vlaneseq.u32;
	s30 =	ssub.s32 s3, s10;
	s10 =	simm.s32 $0x4000;
	s8 =	sor.u32 s4, s8  }
0xa: {  	v4 =	vmul.u32 $0xFFFFFFFF, v0;
	s29 =	sadd.s32 s9, s5;
	s9 =	simm.s32 $0x2;
	s31 =	sor.u32 $0x1000, s8  }
0xb: {  	vm0 =	vmmov $0xff;
	v1 =	vor.u32 $0x10, v0;
	s3 =	sadd.s32 $0x51A00, s29;
	s4 =	sadd.s32 s6, s8;
	s5 =	sadd.s32 s6, s31  }
0xc: {  	v2 =	vor.u32 $0x20, v0;
	v3 =	vor.u32 $0x30, v0;
	v4 =	vadd.s32 $0xF, v4;
	s6 =	sadd.s32 s7, s8;
	s7 =	sadd.s32 s7, s31;
	s8 =	smax.u32 s30, $0x1  }
.LBB2_1:
0xd: {  	[tilespmem:s1], [sflag:$0x2] =	stream.linear.gather [hbm4b:s3+s1], $0x4000, $0x38;
	[tilespmem:$0x14000] =	vst v63  }
0xe: {  	_ =	swait.ge [sflag:s9], $0x4000  }
0xf: {  	[sflag:s9] =	ssyncset.done $0x0  }
0x10: {  	s16 =	simm.s32 $0x200;
	[sflag:s9] =	ssyncadd.s32 $0xFFFFC000  }
0x11: {  	v5 =	vld [tilespmem:s16+$0x1B0]  }
0x12: {  	v6 =	vld [tilespmem:s16+$0x190]  }
0x13: {  	v7 =	vld [tilespmem:s16+$0x1A0]  }
0x14: {  	v8 =	vld [tilespmem:s16+$0xFFFFFE30]  }
0x15: {  	v9 =	vld [tilespmem:s16+$0x180]  }
0x16: {  	v10 =	vld [tilespmem:s16+$0xFFFFFEB0];
	(xrf1) =	vsort.dscd.msk.f32 $0xffff, v5, v3  }
0x17: {  	v5 =	vld [tilespmem:s16+$0xFFFFFF30];
	(xrf1) =	vsort.dscd.msk.f32 $0xffff, v6, v1  }
0x18: {  	v6 =	vld [tilespmem:s16+$0xFFFFFFB0];
	(xrf1) =	vsort.dscd.msk.f32 $0xffff, v7, v2  }
0x19: {  	v7 =	vld [tilespmem:s16+$0x30];
	(xrf1) =	vsort.dscd.msk.f32 $0xffff, v8, v3  }
0x1a: {  	v8 =	vld [tilespmem:s16+$0xB0];
	(xrf1) =	vsort.dscd.msk.f32 $0xffff, v9, v0  }
0x1b: {  	v9 =	vld [tilespmem:s16+$0x130];
	(xrf1) =	vsort.dscd.msk.f32 $0xffff, v10, v3  }
0x1c: {  	v10 =	vld [tilespmem:s16+$0xFFFFFE10];
	(xrf1) =	vsort.dscd.msk.f32 $0xffff, v5, v3  }
0x1d: {  	v5 =	vld [tilespmem:s16+$0xFFFFFE20];
	(xrf1) =	vsort.dscd.msk.f32 $0xffff, v6, v3  }
0x1e: {  	v6 =	vld [tilespmem:s16+$0xFFFFFE90];
	(xrf1) =	vsort.dscd.msk.f32 $0xffff, v7, v3  }
0x1f: {  	v7 =	vld [tilespmem:s16+$0xFFFFFEA0];
	(xrf1) =	vsort.dscd.msk.f32 $0xffff, v8, v3  }
0x20: {  	v8 =	vld [tilespmem:s16+$0xFFFFFF10];
	(xrf1) =	vsort.dscd.msk.f32 $0xffff, v9, v3  }
0x21: {  	v9 =	vld [tilespmem:s16+$0xFFFFFF20];
	(xrf1) =	vsort.dscd.msk.f32 $0xffff, v10, v1  }
0x22: {  	(xrf1) =	vsort.dscd.msk.f32 $0xffff, v5, v2  }
0x23: {  	(xrf1) =	vsort.dscd.msk.f32 $0xffff, v6, v1  }
0x24: {  	(xrf1) =	vsort.dscd.msk.f32 $0xffff, v7, v2;
	v6, v7, _ =	vpop (xrf1)  }
0x25: {  	v5 =	vld [tilespmem:s16+$0xFFFFFF90];
	v6 =	vperm.xlane v6, v4;
	v7 =	vperm.xlane v7, v4;
	(xrf1) =	vsort.dscd.msk.f32 $0xffff, v8, v1;
	v8, v10, _ =	vpop (xrf1)  }
0x26: {  	v8 =	vperm.xlane v8, v4;
	(xrf1) =	vsort.dscd.msk.f32 $0xffff, v9, v2;
	v9, v12, _ =	vpop (xrf1)  }
0x27: {  	v11 =	vld [tilespmem:s16+$0xFFFFFFA0];
	v10 =	vperm.xlane v10, v4;
	v6 =	vsel vm0, v9, v6;
	v7 =	vsel vm0, v12, v7;
	v9, v12, _ =	vpop (xrf1)  }
0x28: {  	v13 =	vld [tilespmem:s16+$0x10];
	v15, v16, _ =	vpop (xrf1)  }
0x29: {  	v14 =	vld [tilespmem:s16+$0x20];
	(xrf1) =	vsort.dscd.msk.f32 $0xffff, v6, v7;
	v7 =	vsel vm0, v15, v8;
	v8 =	vsel vm0, v16, v10  }
0x2a: {  	v6 =	vld [tilespmem:s16+$0x90];
	(xrf1) =	vsort.dscd.msk.f32 $0xffff, v5, v1  }
0x2b: {  	v5 =	vld [tilespmem:s16+$0xA0];
	v10, v15, _ =	vpop (xrf1);
	(xrf1) =	vsort.dscd.msk.f32 $0xffff, v7, v8  }
0x2c: {  	v7 =	vld [tilespmem:s16+$0x110];
	(xrf1) =	vsort.dscd.msk.f32 $0xffff, v11, v2;
	v8, v16, _ =	vpop (xrf1)  }
0x2d: {  	v11 =	vld [tilespmem:s16+$0x120];
	(xrf1) =	vsort.dscd.msk.f32 $0xffff, v13, v1;
	v17, v18, _ =	vpop (xrf1)  }
0x2e: {  	v13 =	vld [tilespmem:s16+$0xFFFFFE80];
	(xrf1) =	vsort.dscd.msk.f32 $0xffff, v14, v2;
	v19, v20, _ =	vpop (xrf1)  }
0x2f: {  	v14 =	vld [tilespmem:s16+$0xFFFFFF00];
	(xrf1) =	vsort.dscd.msk.f32 $0xffff, v6, v1;
	v21, v22, _ =	vpop (xrf1)  }
0x30: {  	v6 =	vld [tilespmem:s16+$0xFFFFFF80];
	(xrf1) =	vsort.dscd.msk.f32 $0xffff, v5, v2;
	v23, v24, _ =	vpop (xrf1)  }
0x31: {  	v26 =	vld [tilespmem:s16+$0xFFFFFE00];
	(xrf1) =	vsort.dscd.msk.f32 $0xffff, v7, v1;
	v5, v25, _ =	vpop (xrf1)  }
0x32: {  	v7 =	vld [tilespmem:s16+$0x0];
	(xrf1) =	vsort.dscd.msk.f32 $0xffff, v11, v2;
	v27, v28, _ =	vpop (xrf1)  }
0x33: {  	(xrf1) =	vsort.dscd.msk.f32 $0xffff, v13, v0;
	v29, v30, _ =	vpop (xrf1)  }
0x34: {  	v11 =	vperm.xlane v12, v4;
	(xrf1) =	vsort.dscd.msk.f32 $0xffff, v14, v0;
	v31, v32, _ =	vpop (xrf1)  }
0x35: {  	v12 =	vld [tilespmem:s16+$0x80];
	v13 =	vperm.xlane v15, v4;
	v14 =	vperm.xlane v16, v4;
	(xrf1) =	vsort.dscd.msk.f32 $0xffff, v6, v0;
	v16, v33, _ =	vpop (xrf1)  }
0x36: {  	v15 =	vld [tilespmem:s16+$0x100];
	v6 =	vperm.xlane v17, v4;
	v17 =	vperm.xlane v18, v4;
	(xrf1) =	vsort.dscd.msk.f32 $0xffff, v26, v0;
	v18, v34, _ =	vpop (xrf1)  }
0x37: {  	v9 =	vperm.xlane v9, v4;
	(xrf1) =	vsort.dscd.msk.f32 $0xffff, v7, v0;
	v7, v26, _ =	vpop (xrf1)  }
0x38: {  	v11 =	vsel vm0, v28, v11;
	v26 =	vperm.xlane v26, v4  }
0x39: {  	v10 =	vperm.xlane v10, v4;
	v8 =	vperm.xlane v8, v4;
	v9 =	vsel vm0, v27, v9  }
0x3a: {  	v19 =	vperm.xlane v19, v4;
	(xrf1) =	vsort.dscd.msk.f32 $0xffff, v12, v0;
	v7 =	vperm.xlane v7, v4;
	v35, v36, _ =	vpop (xrf1)  }
0x3b: {  	v20 =	vperm.xlane v20, v4;
	v10 =	vsel vm0, v31, v10;
	(xrf1) =	vsort.dscd.msk.f32 $0xffff, v15, v0;
	v12, v15, _ =	vpop (xrf1)  }
0x3c: {  	v13 =	vsel vm0, v32, v13;
	(xrf1) =	vsort.dscd.msk.f32 $0xffff, v9, v11;
	v7 =	vsel vm0, v12, v7;
	v9, v11, _ =	vpop (xrf1)  }
0x3d: {  	v12 =	vsel vm0, v15, v26;
	v15 =	vperm.xlane v21, v4;
	v21 =	vperm.xlane v22, v4;
	v22, v26, _ =	vpop (xrf1)  }
0x3e: {  	(xrf1) =	vsort.dscd.msk.f32 $0xffff, v7, v12;
	v7 =	vperm.xlane v23, v4;
	v12 =	vperm.xlane v24, v4;
	v23, v24, _ =	vpop (xrf1)  }
0x3f: {  	v8 =	vsel vm0, v18, v8;
	v6 =	vsel vm0, v9, v6;
	v9 =	vsel vm0, v11, v17;
	v27, v28, _ =	vpop (xrf1)  }
0x40: {  	v5 =	vperm.xlane v5, v4;
	v14 =	vsel vm0, v34, v14;
	v31, v50, _ =	vpop (xrf1)  }
0x41: {  	(xrf1) =	vsort.dscd.msk.f32 $0xffff, v10, v13;
	v18 =	vsel vm0, v23, v19;
	v19 =	vsel vm0, v24, v20;
	v10, v13, _ =	vpop (xrf1)  }
0x42: {  	v25 =	vperm.xlane v25, v4;
	v29 =	vperm.xlane v29, v4;
	(xrf1) =	vsort.dscd.msk.f32 $0xffff, v8, v14;
	v8, v11, _ =	vpop (xrf1)  }
0x43: {  	v16 =	vperm.xlane v16, v4;
	v14 =	vperm.xlane v30, v4;
	(xrf1) =	vsort.dscd.msk.f32 $0xffff, v6, v9;
	v6, v9, _ =	vpop (xrf1)  }
0x44: {  	v17 =	vperm.xlane v33, v4;
	v7 =	vsel vm0, v8, v7;
	v8 =	vsel vm0, v11, v12;
	v20, v23, _ =	vpop (xrf1)  }
0x45: {  	(xrf1) =	vsort.dscd.msk.f32 $0xffff, v18, v19;
	v15 =	vsel vm0, v31, v15;
	v9 =	vsel vm0, v9, v14;
	v18, v19, _ =	vpop (xrf1)  }
0x46: {  	v21 =	vsel vm0, v50, v21;
	v6 =	vsel vm0, v6, v29;
	v14 =	vsel vm0, v20, v16;
	v11, v12, _ =	vpop (xrf1)  }
0x47: {  	(xrf1) =	vsort.dscd.msk.f32 $0xffff, v15, v21;
	v5 =	vsel vm0, v11, v5;
	v11 =	vsel vm0, v12, v25  }
0x48: {  	(xrf1) =	vsort.dscd.msk.f32 $0xffff, v7, v8;
	v7, v8, _ =	vpop (xrf1)  }
0x49: {  	v15 =	vsel vm0, v23, v17;
	(xrf1) =	vsort.dscd.msk.f32 $0xffff, v6, v9;
	v6, v9, _ =	vpop (xrf1)  }
0x4a: {  	(xrf1) =	vsort.dscd.msk.f32 $0xffff, v14, v15;
	v12, v14, _ =	vpop (xrf1)  }
0x4b: {  	(xrf1) =	vsort.dscd.msk.f32 $0xffff, v5, v11;
	v5, v11, _ =	vpop (xrf1)  }
0x4c: {  	v15, v16, _ =	vpop (xrf1)  }
0x4d: {  	(xrf0) =	vmax.scan.msk.f32 $0xffff, v15;
	_ =	sdelay $0x1  }
0x4e: {  	v21 =	vperm.xlane v22, v4;
	v20 =	vperm.xlane v36, v4  }
0x4f: {  	v24 =	vperm.xlane v28, v4;
	v17 =	vperm.xlane v35, v4  }
0x50: {  	v22 =	vperm.xlane v26, v4;
	v13 =	vperm.xlane v13, v4;
	v25, v26, _ =	vpop (xrf1)  }
0x51: {  	v10 =	vperm.xlane v10, v4;
	v23 =	vperm.xlane v27, v4;
	v17 =	vsel vm0, v18, v17;
	v27, v28, _ =	vpop (xrf1)  }
0x52: {  	v18 =	vsel vm0, v19, v20;
	v7 =	vsel vm0, v7, v21;
	v8 =	vsel vm0, v8, v22;
	v21, _, _ =	vpop (xrf0)  }
0x53: {  	(xrf1) =	vsort.dscd.msk.f32 $0xffff, v17, v18;
	v18 =	vperm.xlane v25, v4;
	v19, v20, _ =	vpop (xrf1);
	v17 =	vbroadcast v21, $0xF  }
0x54: {  	v10 =	vsel vm0, v12, v10;
	v12 =	vsel vm0, v14, v13;
	(xrf1) =	vsort.dscd.msk.f32 $0xffff, v7, v8;
	v13, v14, _ =	vpop (xrf1)  }
0x55: {  	v6 =	vsel vm0, v6, v23;
	v9 =	vsel vm0, v9, v24;
	v7 =	vperm.xlane v11, v4;
	v8, v11, _ =	vpop (xrf1)  }
0x56: {  	v5 =	vperm.xlane v5, v4;
	v21 =	vperm.xlane v26, v4;
	v22, v23, _ =	vpop (xrf1);
	v15 =	vsub.f32 v15, v17  }
0x57: {  	(xrf1) =	vsort.dscd.msk.f32 $0xffff, v6, v9;
	v6 =	vperm.xlane v27, v4;
	v9 =	vperm.xlane v28, v4;
	v17, v24, _ =	vpop (xrf1)  }
0x58: {  	(xrf1) =	vsort.dscd.msk.f32 $0xffff, v10, v12;
	v15 =	vmul.f32 $1.442695020e+00, v15;
	v10 =	vsel vm0, v17, v18;
	v12 =	vsel vm0, v24, v21;
	v17, v18, _ =	vpop (xrf1)  }
0x59: {  	v6 =	vsel vm0, v17, v6;
	v9 =	vsel vm0, v18, v9;
	v17, v18, _ =	vpop (xrf1);
	(xrf1) =	vsort.dscd.msk.f32 $0xffff, v10, v12  }
0x5a: {  	(erf) = vpow2.f32 v15;
	v5 =	vsel vm0, v17, v5;
	v7 =	vsel vm0, v18, v7;
	(xrf1) =	vsort.dscd.msk.f32 $0xffff, v6, v9  }
0x5b: {  	(xrf1) =	vsort.dscd.msk.f32 $0xffff, v5, v7;
	_ =	sdelay $0x4  }
0x5c: {  	v6 =	vperm.xlane v20, v4  }
0x5d: {  	v10 =	vperm.xlane v14, v4;
	v5 =	vperm.xlane v19, v4;
	v7, v9, _ =	vpop (xrf1)  }
0x5e: {  	v6 =	vsel vm0, v9, v6;
	v9 =	vperm.xlane v13, v4;
	v12, v13, _ =	vpop (xrf1)  }
0x5f: {  	v5 =	vsel vm0, v7, v5;
	v10 =	vsel vm0, v13, v10;
	v7 =	vpop (erf)  }
0x60: {  	(xrf1) =	vsort.dscd.msk.f32 $0xffff, v5, v6;
	v5 =	vperm.xlane v8, v4;
	v9 =	vsel vm0, v12, v9;
	v14 =	vnsel vm0, $0x0, v7  }
0x61: {  	v6, v7, _ =	vpop (xrf1);
	(xrf2) =	vadd.scan.msk.f32 $0xffff, v14  }
0x62: {  	v8 =	vperm.xlane v11, v4;
	v11, v12, _ =	vpop (xrf1);
	v5 =	vsel vm0, v6, v5  }
0x63: {  	(xrf1) =	vsort.dscd.msk.f32 $0xffff, v9, v10;
	v15, v10, _ =	vpop (xrf1)  }
0x64: {  	v6 =	vsel vm0, v7, v8;
	v18, v9, _ =	vpop (xrf1);
	(xrf0) =	vmax.scan.msk.f32 $0xffff, v15  }
0x65: {  	v17 =	vperm.xlane v23, v4;
	v13 =	vperm.xlane v22, v4;
	(xrf1) =	vsort.dscd.msk.f32 $0xffff, v5, v6;
	v5, v19, _ =	vpop (xrf1)  }
0x66: {  	(xrf0) =	vmax.scan.msk.f32 $0xffff, v5  }
0x67: {  	v6 =	vsel vm0, v11, v13;
	v7 =	vsel vm0, v12, v17  }
0x68: {  	(xrf1) =	vsort.dscd.msk.f32 $0xffff, v6, v7;
	_ =	sdelay $0x1  }
0x69: {  	v6, _, _ =	vpop (xrf0)  }
0x6a: {  	v7, _, _ =	vpop (xrf2)  }
0x6b: {  	(xrf0) =	vmax.scan.msk.f32 $0xffff, v18;
	v7 =	vbroadcast v7, $0xF;
	v8, _, _ =	vpop (xrf0)  }
0x6c: {  	v6 =	vbroadcast v6, $0xF;
	v11 =	vbroadcast v8, $0xF  }
0x6d: {  	(erf) = vrcp.f32 v7;
	v12, v8, _ =	vpop (xrf1)  }
0x6e: {  	v6 =	vsub.f32 v15, v6;
	v5 =	vsub.f32 v5, v11;
	(xrf0) =	vmax.scan.msk.f32 $0xffff, v12;
	_ =	sdelay $0x1  }
0x6f: {  	v5 =	vmul.f32 $1.442695020e+00, v5  }
0x70: {  	v11, _, _ =	vpop (xrf0)  }
0x71: {  	v13, v7, _ =	vpop (xrf1);
	v11 =	vbroadcast v11, $0xF  }
0x72: {  	v15 =	vmul.f32 $1.442695020e+00, v6;
	v17, v6, _ =	vpop (xrf1)  }
0x73: {  	(xrf0) =	vmax.scan.msk.f32 $0xffff, v13;
	(erf) = vpow2.f32 v5;
	v11 =	vsub.f32 v18, v11;
	v18, _, _ =	vpop (xrf0)  }
0x74: {  	s17 =	simm.s32 $0x380;
	(xrf0) =	vmax.scan.msk.f32 $0xffff, v17;
	(erf) = vpow2.f32 v15;
	v20, v5, _ =	vpop (xrf1)  }
0x75: {  	v15 =	vor.u32 s17, v0;
	v21 =	vpop (erf);
	(xrf0) =	vmax.scan.msk.f32 $0xffff, v20  }
0x76: {  	v14 =	vmul.f32 v21, v14  }
0x77: {  	v18 =	vbroadcast v18, $0xF;
	v11 =	vmul.f32 $1.442695020e+00, v11;
	_ =	sdelay $0x1  }
0x78: {  	v21, _, _ =	vpop (xrf0);
	v12 =	vsub.f32 v12, v18;
	(erf) = vpow2.f32 v11  }
0x79: {  	v11 =	vbroadcast v21, $0xF;
	[tilespmem:v15+s10+$0x0] =	vst.idx.msk $0xff, v14;
	v14, _, _ =	vpop (xrf0)  }
0x7a: {  	v12 =	vmul.f32 $1.442695020e+00, v12;
	[tilespmem:v15+s11+$0x0] =	vst.idx.msk $0xff, v16;
	v16, _, _ =	vpop (xrf0)  }
0x7b: {  	v11 =	vsub.f32 v13, v11;
	v15 =	vld [tilespmem:s16+$0x1F0];
	v13 =	vpop (erf);
	v14 =	vbroadcast v14, $0xF;
	v16 =	vbroadcast v16, $0xF  }
0x7c: {  	(erf) = vpow2.f32 v12;
	v12 =	vnsel vm0, $0x0, v13;
	v18 =	vpop (erf)  }
0x7d: {  	v13 =	vld [tilespmem:s16+$0x1D0];
	(xrf2) =	vadd.scan.msk.f32 $0xffff, v12;
	v14 =	vsub.f32 v17, v14;
	v17 =	vnsel vm0, $0x0, v18;
	v16 =	vsub.f32 v20, v16  }
0x7e: {  	v11 =	vmul.f32 $1.442695020e+00, v11;
	(xrf2) =	vadd.scan.msk.f32 $0xffff, v17  }
0x7f: {  	v21 =	vld [tilespmem:s16+$0x1E0]  }
0x80: {  	(erf) = vpow2.f32 v11;
	(xrf1) =	vsort.dscd.msk.f32 $0xffff, v15, v3  }
0x81: {  	v11 =	vld [tilespmem:s16+$0x1C0];
	v14 =	vmul.f32 $1.442695020e+00, v14;
	v15 =	vmul.f32 $1.442695020e+00, v16;
	v16 =	vpop (erf)  }
0x82: {  	(xrf1) =	vsort.dscd.msk.f32 $0xffff, v13, v1;
	v13 =	vnsel vm0, $0x0, v16  }
0x83: {  	(erf) = vpow2.f32 v14;
	(xrf2) =	vadd.scan.msk.f32 $0xffff, v13  }
0x84: {  	(xrf1) =	vsort.dscd.msk.f32 $0xffff, v21, v2;
	_ =	sdelay $0x1  }
0x85: {  	(xrf1) =	vsort.dscd.msk.f32 $0xffff, v11, v0;
	v11 =	vpop (erf)  }
0x86: {  	(erf) = vpow2.f32 v15;
	v14, _, _ =	vpop (xrf2)  }
0x87: {  	v11 =	vnsel vm0, $0x0, v11;
	v14 =	vbroadcast v14, $0xF;
	v16, _, _ =	vpop (xrf2)  }
0x88: {  	(xrf2) =	vadd.scan.msk.f32 $0xffff, v11;
	v16 =	vbroadcast v16, $0xF;
	_ =	sdelay $0x1  }
0x89: {  	v15 =	vpop (erf)  }
0x8a: {  	(erf) = vrcp.f32 v14;
	v14 =	vpop (erf)  }
0x8b: {  	(erf) = vrcp.f32 v16;
	v16, _, _ =	vpop (xrf2)  }
0x8c: {  	v15 =	vnsel vm0, $0x0, v15;
	v20, v21, _ =	vpop (xrf1);
	v16 =	vbroadcast v16, $0xF  }
0x8d: {  	(xrf2) =	vadd.scan.msk.f32 $0xffff, v15;
	v14 =	vnsel vm0, $0x0, v14;
	v21 =	vperm.xlane v21, v4  }
0x8e: {  	v18 =	vpop (erf);
	(xrf2) =	vadd.scan.msk.f32 $0xffff, v14  }
0x8f: {  	v20 =	vperm.xlane v20, v4;
	v22, v23, _ =	vpop (xrf1)  }
0x90: {  	v18 =	vnsel vm0, $0x0, v18;
	v23 =	vperm.xlane v23, v4;
	(erf) = vrcp.f32 v16;
	v16, v25, _ =	vpop (xrf1)  }
0x91: {  	s28 =	simm.s32 $0x0;
	v22 =	vperm.xlane v22, v4;
	v16 =	vsel vm0, v16, v20;
	v20 =	vsel vm0, v25, v21;
	v21, _, _ =	vpop (xrf2)  }
0x92: {  	v24 =	vor.u32 s28, v0;
	(xrf2) =	vadd.scan.msk.f32 $0xffff, v18;
	v25, v26, _ =	vpop (xrf1)  }
0x93: {  	s29 =	simm.s32 $0x80;
	v21 =	vbroadcast v21, $0xF;
	(xrf1) =	vsort.dscd.msk.f32 $0xffff, v16, v20;
	v20 =	vsel vm0, v25, v22  }
0x94: {  	v16 =	vor.u32 s29, v0;
	v22 =	vsel vm0, v26, v23;
	v23 =	vpop (erf)  }
0x95: {  	v12 =	vmul.f32 v23, v12;
	(erf) = vrcp.f32 v21  }
0x96: {  	(xrf1) =	vsort.dscd.msk.f32 $0xffff, v20, v22;
	v20 =	vpop (erf)  }
0x97: {  	s30 =	simm.s32 $0x100;
	[tilespmem:v24+s10+$0x0] =	vst.idx.msk $0xff, v12;
	v21, _, _ =	vpop (xrf2);
	v12 =	vmul.f32 v20, v17  }
0x98: {  	v17 =	vor.u32 s30, v0;
	[tilespmem:v24+s11+$0x0] =	vst.idx.msk $0xff, v19;
	v19, _, _ =	vpop (xrf2)  }
0x99: {  	v21 =	vbroadcast v21, $0xF;
	[tilespmem:v16+s10+$0x0] =	vst.idx.msk $0xff, v12;
	v12 =	vbroadcast v19, $0xF  }
0x9a: {  	[tilespmem:v16+s11+$0x0] =	vst.idx.msk $0xff, v10;
	v10 =	vpop (erf)  }
0x9b: {  	(erf) = vrcp.f32 v21;
	v10 =	vmul.f32 v10, v13  }
0x9c: {  	v20 =	vld [tilespmem:s16+$0xFFFFFE70]  }
0x9d: {  	s31 =	simm.s32 $0x180;
	v19 =	vld [tilespmem:s16+$0xFFFFFE50];
	(erf) = vrcp.f32 v12;
	v12, _, _ =	vpop (xrf2);
	[tilespmem:v17+s10+$0x0] =	vst.idx.msk $0xff, v10  }
0x9e: {  	v16 =	vld [tilespmem:s16+$0xFFFFFEF0];
	v13 =	vor.u32 s31, v0;
	[tilespmem:v17+s11+$0x0] =	vst.idx.msk $0xff, v9;
	v9 =	vpop (erf)  }
0x9f: {  	v21 =	vld [tilespmem:s16+$0xFFFFFE60];
	v12 =	vbroadcast v12, $0xF;
	v9 =	vmul.f32 v9, v11  }
0xa0: {  	v22 =	vld [tilespmem:s16+$0xFFFFFED0]  }
0xa1: {  	s18 =	simm.s32 $0x200;
	(xrf1) =	vsort.dscd.msk.f32 $0xffff, v20, v3;
	(erf) = vrcp.f32 v12;
	v12 =	vld [tilespmem:s16+$0xFFFFFF70]  }
0xa2: {  	(xrf1) =	vsort.dscd.msk.f32 $0xffff, v19, v1;
	v11 =	vor.u32 s18, v0  }
0xa3: {  	(xrf1) =	vsort.dscd.msk.f32 $0xffff, v16, v3;
	[tilespmem:v13+s10+$0x0] =	vst.idx.msk $0xff, v9;
	v9, v19, _ =	vpop (xrf1)  }
0xa4: {  	v10 =	vld [tilespmem:s16+$0xFFFFFEE0];
	(xrf1) =	vsort.dscd.msk.f32 $0xffff, v21, v2;
	[tilespmem:v13+s11+$0x0] =	vst.idx.msk $0xff, v8;
	v8 =	vperm.xlane v9, v4;
	v9 =	vpop (erf)  }
0xa5: {  	s19 =	simm.s32 $0x280;
	v17 =	vld [tilespmem:s16+$0xFFFFFF50];
	(xrf1) =	vsort.dscd.msk.f32 $0xffff, v22, v1;
	v9 =	vmul.f32 v9, v15  }
0xa6: {  	v20 =	vor.u32 s19, v0;
	v16 =	vld [tilespmem:s16+$0xFFFFFF60];
	(xrf1) =	vsort.dscd.msk.f32 $0xffff, v12, v3;
	v12 =	vpop (erf)  }
0xa7: {  	v21 =	vld [tilespmem:s16+$0xFFFFFE40];
	v13 =	vperm.xlane v19, v4;
	[tilespmem:v11+s10+$0x0] =	vst.idx.msk $0xff, v9;
	v9 =	vmul.f32 v12, v14  }
0xa8: {  	s20 =	simm.s32 $0x300;
	v19 =	vld [tilespmem:s16+$0xFFFFFFF0];
	v15, v22, _ =	vpop (xrf1)  }
0xa9: {  	v23 =	vld [tilespmem:s16+$0xFFFFFFD0];
	v8 =	vsel vm0, v15, v8;
	v15 =	vor.u32 s20, v0;
	v13 =	vsel vm0, v22, v13  }
0xaa: {  	v22 =	vld [tilespmem:s16+$0xFFFFFFE0];
	(xrf1) =	vsort.dscd.msk.f32 $0xffff, v8, v13;
	[tilespmem:v11+s11+$0x0] =	vst.idx.msk $0xff, v7  }
0xab: {  	v8 =	vld [tilespmem:s16+$0xFFFFFEC0];
	(xrf1) =	vsort.dscd.msk.f32 $0xffff, v10, v2;
	[tilespmem:v20+s10+$0x0] =	vst.idx.msk $0xff, v9;
	v9 =	vpop (erf)  }
0xac: {  	v7 =	vld [tilespmem:s16+$0x70];
	(xrf1) =	vsort.dscd.msk.f32 $0xffff, v17, v1;
	[tilespmem:v20+s11+$0x0] =	vst.idx.msk $0xff, v6;
	v6 =	vmul.f32 v9, v18  }
0xad: {  	(xrf1) =	vsort.dscd.msk.f32 $0xffff, v19, v3;
	v9 =	vld [tilespmem:s16+$0xF0]  }
0xae: {  	v10 =	vld [tilespmem:s16+$0x50];
	(xrf1) =	vsort.dscd.msk.f32 $0xffff, v16, v2;
	[tilespmem:v15+s10+$0x0] =	vst.idx.msk $0xff, v6  }
0xaf: {  	v11 =	vld [tilespmem:s16+$0x60];
	(xrf1) =	vsort.dscd.msk.f32 $0xffff, v23, v1;
	[tilespmem:v15+s11+$0x0] =	vst.idx.msk $0xff, v5  }
0xb0: {  	(xrf1) =	vsort.dscd.msk.f32 $0xffff, v22, v2;
	v5 =	vld [tilespmem:s16+$0x170]  }
0xb1: {  	v6 =	vld [tilespmem:s16+$0xD0];
	(xrf1) =	vsort.dscd.msk.f32 $0xffff, v7, v3  }
0xb2: {  	v12, v13, _ =	vpop (xrf1);
	v14 =	vld [tilespmem:s16+$0xE0];
	(xrf1) =	vsort.dscd.msk.f32 $0xffff, v9, v3  }
0xb3: {  	v25 =	vld [tilespmem:s16+$0x40];
	v7, v15, _ =	vpop (xrf1);
	(xrf1) =	vsort.dscd.msk.f32 $0xffff, v10, v1  }
0xb4: {  	v16 =	vld [tilespmem:s16+$0x150];
	v17, v18, _ =	vpop (xrf1);
	(xrf1) =	vsort.dscd.msk.f32 $0xffff, v11, v2  }
0xb5: {  	v19 =	vld [tilespmem:s16+$0x160];
	v10, v20, _ =	vpop (xrf1);
	(xrf1) =	vsort.dscd.msk.f32 $0xffff, v5, v3  }
0xb6: {  	v22 =	vld [tilespmem:s16+$0xFFFFFF40];
	v23, v24, _ =	vpop (xrf1);
	(xrf1) =	vsort.dscd.msk.f32 $0xffff, v6, v1  }
0xb7: {  	v11 =	vld [tilespmem:s16+$0xFFFFFFC0];
	v26, v27, _ =	vpop (xrf1);
	(xrf1) =	vsort.dscd.msk.f32 $0xffff, v14, v2  }
0xb8: {  	v13 =	vperm.xlane v13, v4;
	v6 =	vld [tilespmem:s16+$0xC0];
	v5, v9, _ =	vpop (xrf1)  }
0xb9: {  	v12 =	vperm.xlane v12, v4;
	v17 =	vperm.xlane v17, v4;
	(xrf1) =	vsort.dscd.msk.f32 $0xffff, v16, v1  }
0xba: {  	v18 =	vperm.xlane v18, v4;
	v14 =	vperm.xlane v15, v4;
	v15, v16, _ =	vpop (xrf1);
	(xrf1) =	vsort.dscd.msk.f32 $0xffff, v19, v2  }
0xbb: {  	v10 =	vsel vm0, v10, v12;
	v12 =	vsel vm0, v20, v13;
	v19, v28, _ =	vpop (xrf1);
	(xrf1) =	vsort.dscd.msk.f32 $0xffff, v21, v0  }
0xbc: {  	v16 =	vsel vm0, v16, v18;
	v13, v20, _ =	vpop (xrf1);
	v21 =	vperm.xlane v24, v4;
	(xrf1) =	vsort.dscd.msk.f32 $0xffff, v8, v0  }
0xbd: {  	v8 =	vperm.xlane v23, v4;
	v23, v24, _ =	vpop (xrf1);
	v18 =	vperm.xlane v20, v4;
	(xrf1) =	vsort.dscd.msk.f32 $0xffff, v22, v0  }
0xbe: {  	v22 =	vperm.xlane v26, v4;
	v26 =	vperm.xlane v27, v4;
	v27 =	vld [tilespmem:s16+$0x140];
	v29, v30, _ =	vpop (xrf1);
	(xrf1) =	vsort.dscd.msk.f32 $0xffff, v11, v0  }
0xbf: {  	v11 =	vsel vm0, v15, v17;
	v15 =	vperm.xlane v19, v4;
	v17 =	vperm.xlane v28, v4;
	v19, v28, _ =	vpop (xrf1)  }
0xc0: {  	v13 =	vperm.xlane v13, v4;
	v20, v31, _ =	vpop (xrf1);
	v22 =	vsel vm0, v23, v22;
	v23 =	vsel vm0, v24, v26  }
0xc1: {  	(xrf1) =	vsort.dscd.msk.f32 $0xffff, v25, v0;
	v26 =	vperm.xlane v29, v4;
	v29 =	vperm.xlane v30, v4;
	v24, v25, _ =	vpop (xrf1)  }
0xc2: {  	(xrf1) =	vsort.dscd.msk.f32 $0xffff, v6, v0;
	v6 =	vsel vm0, v19, v13;
	v13 =	vsel vm0, v28, v18;
	v30, v51, _ =	vpop (xrf1)  }
0xc3: {  	v20 =	vperm.xlane v20, v4;
	v18, v19, _ =	vpop (xrf1);
	(xrf1) =	vsort.dscd.msk.f32 $0xffff, v27, v0;
	v27 =	vperm.xlane v31, v4;
	_ =	sdelay $0x1  }
0xc4: {  	(xrf1) =	vsort.dscd.msk.f32 $0xffff, v10, v12;
	v10, v12, _ =	vpop (xrf1);
	v19 =	vsel vm0, v19, v27  }
0xc5: {  	v18 =	vsel vm0, v18, v20;
	(xrf1) =	vsort.dscd.msk.f32 $0xffff, v11, v16;
	v11, v16, _ =	vpop (xrf1)  }
0xc6: {  	v7 =	vperm.xlane v7, v4;
	(xrf1) =	vsort.dscd.msk.f32 $0xffff, v22, v23;
	v20, v22, _ =	vpop (xrf1)  }
0xc7: {  	v10 =	vperm.xlane v10, v4;
	v12 =	vperm.xlane v12, v4;
	(xrf1) =	vsort.dscd.msk.f32 $0xffff, v6, v13;
	v6, v13, _ =	vpop (xrf1)  }
0xc8: {  	v24 =	vperm.xlane v24, v4;
	v25 =	vperm.xlane v25, v4;
	(xrf1) =	vsort.dscd.msk.f32 $0xffff, v18, v19;
	v18, v19, _ =	vpop (xrf1)  }
0xc9: {  	v10 =	vsel vm0, v18, v10;
	v12 =	vsel vm0, v19, v12;
	v18, v19, _ =	vpop (xrf1)  }
0xca: {  	v20 =	vsel vm0, v20, v24;
	v22 =	vsel vm0, v22, v25;
	v7 =	vsel vm0, v18, v7  }
0xcb: {  	(xrf1) =	vsort.dscd.msk.f32 $0xffff, v20, v22;
	v14 =	vsel vm0, v19, v14  }
0xcc: {  	v18, v19, _ =	vpop (xrf1);
	(xrf1) =	vsort.dscd.msk.f32 $0xffff, v10, v12  }
0xcd: {  	(xrf1) =	vsort.dscd.msk.f32 $0xffff, v7, v14;
	v7, v12, _ =	vpop (xrf1)  }
0xce: {  	v8 =	vsel vm0, v18, v8;
	v10 =	vsel vm0, v19, v21;
	v7 =	vsel vm0, v7, v15;
	v14, v15, _ =	vpop (xrf1)  }
0xcf: {  	(xrf1) =	vsort.dscd.msk.f32 $0xffff, v8, v10;
	v8 =	vsel vm0, v14, v26  }
0xd0: {  	v12 =	vsel vm0, v12, v17  }
0xd1: {  	v10 =	vsel vm0, v15, v29  }
0xd2: {  	(xrf1) =	vsort.dscd.msk.f32 $0xffff, v7, v12  }
0xd3: {  	(xrf1) =	vsort.dscd.msk.f32 $0xffff, v8, v10;
	v7, v8, _ =	vpop (xrf1)  }
0xd4: {  	v16 =	vperm.xlane v16, v4;
	v17 =	vperm.xlane v30, v4;
	v10, v12, _ =	vpop (xrf1)  }
0xd5: {  	v14, v15, _ =	vpop (xrf1)  }
0xd6: {  	v18 =	vperm.xlane v51, v4;
	v19, v20, _ =	vpop (xrf1)  }
0xd7: {  	v11 =	vperm.xlane v11, v4;
	v6 =	vperm.xlane v6, v4;
	v7 =	vsel vm0, v7, v17;
	v21, v22, _ =	vpop (xrf1)  }
0xd8: {  	v8 =	vsel vm0, v8, v18;
	v17, v23, _ =	vpop (xrf1)  }
0xd9: {  	v10 =	vsel vm0, v10, v11;
	v11 =	vsel vm0, v12, v16;
	v18 =	vperm.xlane v20, v4;
	v12, v16, _ =	vpop (xrf1)  }
0xda: {  	v13 =	vperm.xlane v13, v4;
	v14 =	vsel vm0, v14, v6;
	v24, v25, _ =	vpop (xrf1)  }
0xdb: {  	(xrf1) =	vsort.dscd.msk.f32 $0xffff, v7, v8;
	v26, v7, _ =	vpop (xrf1)  }
0xdc: {  	v13 =	vsel vm0, v15, v13;
	(xrf1) =	vsort.dscd.msk.f32 $0xffff, v10, v11;
	v15 =	vperm.xlane v19, v4;
	v8, v6, _ =	vpop (xrf1)  }
0xdd: {  	(xrf1) =	vsort.dscd.msk.f32 $0xffff, v14, v13;
	v19 =	vperm.xlane v21, v4;
	v11 =	vperm.xlane v17, v4;
	v14, v17, _ =	vpop (xrf1)  }
0xde: {  	v10 =	vperm.xlane v22, v4;
	v14 =	vsel vm0, v14, v15;
	v15 =	vsel vm0, v17, v18;
	v17, v18, _ =	vpop (xrf1)  }
0xdf: {  	(xrf1) =	vsort.dscd.msk.f32 $0xffff, v14, v15;
	v14 =	vsel vm0, v17, v19  }
0xe0: {  	s21 =	simm.s32 $0x600;
	v10 =	vsel vm0, v18, v10  }
0xe1: {  	v20 =	vld [tilespmem:s21+$0x1B0];
	v13 =	vperm.xlane v23, v4  }
0xe2: {  	(xrf0) =	vmax.scan.msk.f32 $0xffff, v5;
	v12 =	vperm.xlane v12, v4;
	v16 =	vperm.xlane v16, v4;
	v18 =	vld [tilespmem:s21+$0x190];
	v15, v17, _ =	vpop (xrf1)  }
0xe3: {  	(xrf1) =	vsort.dscd.msk.f32 $0xffff, v14, v10;
	v11 =	vsel vm0, v15, v11;
	v13 =	vsel vm0, v17, v13;
	v15 =	vld [tilespmem:s21+$0x1A0];
	v10, v14, _ =	vpop (xrf1)  }
0xe4: {  	(xrf1) =	vsort.dscd.msk.f32 $0xffff, v11, v13;
	v11 =	vld [tilespmem:s21+$0xFFFFFE30];
	v10 =	vsel vm0, v10, v12;
	v12 =	vsel vm0, v14, v16  }
0xe5: {  	(xrf1) =	vsort.dscd.msk.f32 $0xffff, v10, v12;
	v10 =	vld [tilespmem:s21+$0x180]  }
0xe6: {  	v12 =	vld [tilespmem:s21+$0xFFFFFEB0];
	(xrf1) =	vsort.dscd.msk.f32 $0xffff, v20, v3  }
0xe7: {  	v13 =	vld [tilespmem:s21+$0xFFFFFF30];
	(xrf1) =	vsort.dscd.msk.f32 $0xffff, v18, v1  }
0xe8: {  	v14 =	vld [tilespmem:s21+$0xFFFFFFB0];
	(xrf1) =	vsort.dscd.msk.f32 $0xffff, v15, v2  }
0xe9: {  	v16 =	vld [tilespmem:s21+$0x30];
	v15, _, _ =	vpop (xrf0);
	(xrf1) =	vsort.dscd.msk.f32 $0xffff, v11, v3  }
0xea: {  	v11 =	vbroadcast v15, $0xF;
	v15 =	vld [tilespmem:s21+$0xB0];
	(xrf1) =	vsort.dscd.msk.f32 $0xffff, v10, v0  }
0xeb: {  	v10 =	vld [tilespmem:s21+$0x130];
	(xrf1) =	vsort.dscd.msk.f32 $0xffff, v12, v3  }
0xec: {  	v5 =	vsub.f32 v5, v11;
	v11 =	vld [tilespmem:s21+$0xFFFFFE10];
	(xrf1) =	vsort.dscd.msk.f32 $0xffff, v13, v3  }
0xed: {  	v27 =	vld [tilespmem:s21+$0xFFFFFE20];
	v22, v23, _ =	vpop (xrf1);
	(xrf1) =	vsort.dscd.msk.f32 $0xffff, v14, v3  }
0xee: {  	v28 =	vld [tilespmem:s21+$0xFFFFFE90];
	v21, v19, _ =	vpop (xrf1);
	v5 =	vmul.f32 $1.442695020e+00, v5;
	(xrf1) =	vsort.dscd.msk.f32 $0xffff, v16, v3  }
0xef: {  	v29 =	vld [tilespmem:s21+$0xFFFFFEA0];
	v20, v14, _ =	vpop (xrf1);
	(xrf1) =	vsort.dscd.msk.f32 $0xffff, v15, v3  }
0xf0: {  	v15, v18, _ =	vpop (xrf1);
	(xrf1) =	vsort.dscd.msk.f32 $0xffff, v10, v3  }
0xf1: {  	v13, v16, _ =	vpop (xrf1);
	(xrf1) =	vsort.dscd.msk.f32 $0xffff, v11, v1  }
0xf2: {  	v30 =	vld [tilespmem:s21+$0xFFFFFF10];
	v12, v17, _ =	vpop (xrf1);
	(xrf1) =	vsort.dscd.msk.f32 $0xffff, v27, v2  }
0xf3: {  	(erf) = vpow2.f32 v5;
	v10 =	vld [tilespmem:s21+$0xFFFFFF20];
	v11, v5, _ =	vpop (xrf1);
	(xrf1) =	vsort.dscd.msk.f32 $0xffff, v28, v1  }
0xf4: {  	(xrf1) =	vsort.dscd.msk.f32 $0xffff, v29, v2;
	v28, v29, _ =	vpop (xrf1)  }
0xf5: {  	v29 =	vperm.xlane v29, v4  }
0xf6: {  	[tilespmem:$0x1FFE0] =	vst v5  }
0xf7: {  	v27 =	vld [tilespmem:s21+$0xFFFFFF90];
	v28 =	vperm.xlane v28, v4;
	(xrf1) =	vsort.dscd.msk.f32 $0xffff, v30, v1;
	v30, v31, _ =	vpop (xrf1)  }
0xf8: {  	(xrf1) =	vsort.dscd.msk.f32 $0xffff, v10, v2;
	v10, v53, _ =	vpop (xrf1)  }
0xf9: {  	v52 =	vld [tilespmem:s21+$0xFFFFFFA0];
	v31 =	vperm.xlane v31, v4;
	v10 =	vsel vm0, v10, v28;
	v28 =	vsel vm0, v53, v29;
	v29, v33, _ =	vpop (xrf1)  }
0xfa: {  	v54 =	vld [tilespmem:s21+$0x10];
	v30 =	vperm.xlane v30, v4;
	v56, v37, _ =	vpop (xrf1)  }
0xfb: {  	v55 =	vld [tilespmem:s21+$0x20];
	(xrf1) =	vsort.dscd.msk.f32 $0xffff, v10, v28;
	v31 =	vsel vm0, v37, v31  }
0xfc: {  	v28 =	vld [tilespmem:s21+$0x90];
	(xrf1) =	vsort.dscd.msk.f32 $0xffff, v27, v1;
	v30 =	vsel vm0, v56, v30  }
0xfd: {  	v27 =	vld [tilespmem:s21+$0xA0];
	v57, v58, _ =	vpop (xrf1);
	(xrf1) =	vsort.dscd.msk.f32 $0xffff, v30, v31  }
0xfe: {  	v30 =	vld [tilespmem:s21+$0x110];
	(xrf1) =	vsort.dscd.msk.f32 $0xffff, v52, v2;
	v31, v38, _ =	vpop (xrf1)  }
0xff: {  	v59 =	vld [tilespmem:s21+$0x120];
	v39, v40, _ =	vpop (xrf1);
	(xrf1) =	vsort.dscd.msk.f32 $0xffff, v54, v1  }
0x100: {  	v60 =	vld [tilespmem:s21+$0xFFFFFE80];
	v41, v42, _ =	vpop (xrf1);
	(xrf1) =	vsort.dscd.msk.f32 $0xffff, v55, v2  }
0x101: {  	v61 =	vld [tilespmem:s21+$0xFFFFFF00];
	v43, v44, _ =	vpop (xrf1);
	(xrf1) =	vsort.dscd.msk.f32 $0xffff, v28, v1  }
0x102: {  	v28 =	vld [tilespmem:s21+$0xFFFFFF80];
	v45, v46, _ =	vpop (xrf1);
	(xrf1) =	vsort.dscd.msk.f32 $0xffff, v27, v2  }
0x103: {  	v48 =	vld [tilespmem:s21+$0xFFFFFE00];
	v27, v47, _ =	vpop (xrf1);
	(xrf1) =	vsort.dscd.msk.f32 $0xffff, v30, v1  }
0x104: {  	v24 =	vperm.xlane v24, v4;
	v30 =	vld [tilespmem:s21+$0x0];
	v49, v50, _ =	vpop (xrf1);
	(xrf1) =	vsort.dscd.msk.f32 $0xffff, v59, v2  }
0x105: {  	v51, v52, _ =	vpop (xrf1);
	(xrf1) =	vsort.dscd.msk.f32 $0xffff, v60, v0  }
0x106: {  	v25 =	vperm.xlane v25, v4;
	v22 =	vsel vm0, v22, v24;
	v53, v54, _ =	vpop (xrf1);
	(xrf1) =	vsort.dscd.msk.f32 $0xffff, v61, v0  }
0x107: {  	v62 =	vld [tilespmem:s21+$0x80];
	v29 =	vperm.xlane v29, v4;
	v33 =	vperm.xlane v33, v4;
	v37, v55, _ =	vpop (xrf1);
	(xrf1) =	vsort.dscd.msk.f32 $0xffff, v28, v0  }
0x108: {  	v63 =	vld [tilespmem:s21+$0x100];
	v28 =	vperm.xlane v31, v4;
	v31 =	vperm.xlane v38, v4;
	v38, v56, _ =	vpop (xrf1);
	(xrf1) =	vsort.dscd.msk.f32 $0xffff, v48, v0  }
0x109: {  	v35 =	vperm.xlane v57, v4;
	v36 =	vperm.xlane v58, v4;
	(xrf1) =	vsort.dscd.msk.f32 $0xffff, v30, v0;
	v30, v59, _ =	vpop (xrf1)  }
0x10a: {  	v23 =	vsel vm0, v23, v25;
	v39 =	vperm.xlane v39, v4;
	v48 =	vperm.xlane v59, v4  }
0x10b: {  	v10 =	vpop (erf);
	v40 =	vperm.xlane v40, v4;
	v34 =	vperm.xlane v41, v4;
	v29 =	vsel vm0, v49, v29  }
0x10c: {  	v41 =	vperm.xlane v42, v4;
	v30 =	vperm.xlane v30, v4;
	v57, v58, _ =	vpop (xrf1);
	(xrf1) =	vsort.dscd.msk.f32 $0xffff, v62, v0  }
0x10d: {  	v24 =	vperm.xlane v43, v4;
	v60 =	vsel vm0, v50, v33;
	(xrf1) =	vsort.dscd.msk.f32 $0xffff, v63, v0;
	v61, v62, _ =	vpop (xrf1)  }
0x10e: {  	v30 =	vsel vm0, v61, v30;
	v63 =	vsel vm0, v62, v48;
	(xrf1) =	vsort.dscd.msk.f32 $0xffff, v29, v60;
	v29, v32, _ =	vpop (xrf1)  }
0x10f: {  	v25 =	vperm.xlane v45, v4;
	v36 =	vsel vm0, v54, v36;
	v42, v48, _ =	vpop (xrf1);
	(xrf1) =	vsort.dscd.msk.f32 $0xffff, v30, v63  }
0x110: {  	v35 =	vsel vm0, v53, v35;
	v28 =	vsel vm0, v38, v28;
	v31 =	vsel vm0, v56, v31;
	v33, v43, _ =	vpop (xrf1)  }
0x111: {  	v32 =	vsel vm0, v32, v40;
	v30 =	vperm.xlane v44, v4;
	v44 =	vperm.xlane v46, v4;
	v45, v46, _ =	vpop (xrf1)  }
0x112: {  	v29 =	vsel vm0, v29, v39;
	v59, v60, _ =	vpop (xrf1)  }
0x113: {  	v61 =	vperm.xlane v47, v4;
	v62 =	vperm.xlane v51, v4;
	(xrf1) =	vsort.dscd.msk.f32 $0xffff, v35, v36;
	v35, v36, _ =	vpop (xrf1)  }
0x114: {  	v33 =	vsel vm0, v33, v34;
	(xrf1) =	vsort.dscd.msk.f32 $0xffff, v28, v31;
	v30 =	vsel vm0, v60, v30;
	v28, v31, _ =	vpop (xrf1)  }
0x115: {  	v10 =	vnsel vm0, $0x0, v10;
	v63 =	vperm.xlane v52, v4;
	v24 =	vsel vm0, v59, v24;
	(xrf1) =	vsort.dscd.msk.f32 $0xffff, v29, v32;
	v29, v32, _ =	vpop (xrf1)  }
0x116: {  	(xrf2) =	vadd.scan.msk.f32 $0xffff, v10;
	v47 =	vsel vm0, v43, v41;
	v25 =	vsel vm0, v28, v25;
	v28 =	vsel vm0, v31, v44;
	v41, v43, _ =	vpop (xrf1)  }
0x117: {  	v27 =	vperm.xlane v27, v4;
	(xrf1) =	vsort.dscd.msk.f32 $0xffff, v33, v47;
	v31 =	vsel vm0, v32, v63;
	v33, v34, _ =	vpop (xrf1)  }
0x118: {  	v37 =	vperm.xlane v37, v4;
	v29 =	vsel vm0, v29, v62;
	(xrf1) =	vsort.dscd.msk.f32 $0xffff, v24, v30;
	v24, v30, _ =	vpop (xrf1)  }
0x119: {  	v49 =	vperm.xlane v55, v4;
	(xrf1) =	vsort.dscd.msk.f32 $0xffff, v22, v23;
	v22, v23, _ =	vpop (xrf1);
	v24 =	vsel vm0, v24, v27  }
0x11a: {  	v55 =	vperm.xlane v58, v4;
	(xrf1) =	vsort.dscd.msk.f32 $0xffff, v25, v28;
	v27 =	vsel vm0, v30, v61;
	v25, v28, _ =	vpop (xrf1)  }
0x11b: {  	v50 =	vsel vm0, v41, v37;
	v51 =	vsel vm0, v43, v49;
	(xrf1) =	vsort.dscd.msk.f32 $0xffff, v29, v31;
	v29, v31, _ =	vpop (xrf1)  }
0x11c: {  	v54 =	vperm.xlane v57, v4;
	(xrf1) =	vsort.dscd.msk.f32 $0xffff, v50, v51;
	v30, v52, _ =	vpop (xrf1)  }
0x11d: {  	v34 =	vsel vm0, v34, v55;
	(xrf1) =	vsort.dscd.msk.f32 $0xffff, v24, v27;
	v27, v24, _ =	vpop (xrf1)  }
0x11e: {  	v26 =	vperm.xlane v26, v4;
	v7 =	vperm.xlane v7, v4;
	v33 =	vsel vm0, v33, v54;
	(xrf0) =	vmax.scan.msk.f32 $0xffff, v27  }
0x11f: {  	v57 =	vperm.xlane v42, v4;
	v58 =	vperm.xlane v48, v4  }
0x120: {  	v8 =	vperm.xlane v8, v4;
	v21 =	vsel vm0, v21, v26;
	v53, _, _ =	vpop (xrf2);
	v56 =	vperm.xlane v6, v4  }
0x121: {  	v6 =	vbroadcast v53, $0xF;
	v22 =	vsel vm0, v22, v57;
	v23 =	vsel vm0, v23, v58;
	(xrf1) =	vsort.dscd.msk.f32 $0xffff, v33, v34;
	v33, v34, _ =	vpop (xrf1)  }
0x122: {  	v26 =	vperm.xlane v46, v4;
	v59 =	vperm.xlane v45, v4;
	(xrf1) =	vsort.dscd.msk.f32 $0xffff, v22, v23;
	v60, v61, _ =	vpop (xrf1)  }
0x123: {  	(erf) = vrcp.f32 v6;
	v36 =	vperm.xlane v36, v4;
	v62, v63, _ =	vpop (xrf1)  }
0x124: {  	v35 =	vperm.xlane v35, v4;
	v6 =	vsel vm0, v25, v59;
	v25 =	vsel vm0, v28, v26;
	v22, _, _ =	vpop (xrf0)  }
0x125: {  	v8 =	vsel vm0, v20, v8;
	v26 =	vsel vm0, v31, v36;
	(xrf1) =	vsort.dscd.msk.f32 $0xffff, v6, v25;
	v20, v23, _ =	vpop (xrf1);
	v22 =	vbroadcast v22, $0xF  }
0x126: {  	v7 =	vsel vm0, v19, v7;
	v28 =	vperm.xlane v30, v4;
	v25 =	vsel vm0, v29, v35;
	v29, v30, _ =	vpop (xrf1)  }
0x127: {  	v14 =	vsel vm0, v14, v56;
	v19, v5, _ =	vpop (xrf1);
	v22 =	vsub.f32 v27, v22;
	v27 =	vperm.xlane v34, v4  }
0x128: {  	v39 =	vperm.xlane v33, v4;
	(xrf1) =	vsort.dscd.msk.f32 $0xffff, v25, v26;
	v25 =	vperm.xlane v60, v4;
	v26, v43, _ =	vpop (xrf1)  }
0x129: {  	v44 =	vperm.xlane v61, v4;
	(xrf1) =	vsort.dscd.msk.f32 $0xffff, v21, v7;
	v7, v21, _ =	vpop (xrf1);
	v22 =	vmul.f32 $1.442695020e+00, v22  }
0x12a: {  	v31 =	vperm.xlane v52, v4;
	(xrf1) =	vsort.dscd.msk.f32 $0xffff, v8, v14;
	v8 =	vsel vm0, v21, v27;
	v14, v21, _ =	vpop (xrf1)  }
0x12b: {  	v7 =	vsel vm0, v7, v39;
	v21 =	vsel vm0, v21, v44;
	(erf) = vpow2.f32 v22  }
0x12c: {  	v14 =	vsel vm0, v14, v25;
	(xrf1) =	vsort.dscd.msk.f32 $0xffff, v7, v8;
	v25, v27, _ =	vpop (xrf1)  }
0x12d: {  	(xrf1) =	vsort.dscd.msk.f32 $0xffff, v14, v21;
	v7 =	vsel vm0, v25, v28;
	v8 =	vsel vm0, v27, v31  }
0x12e: {  	(xrf1) =	vsort.dscd.msk.f32 $0xffff, v7, v8;
	v7 =	vperm.xlane v62, v4;
	v8 =	vperm.xlane v63, v4  }
0x12f: {  	(xrf0) =	vmax.scan.msk.f32 $0xffff, v15;
	v20 =	vperm.xlane v20, v4;
	v14, v21, _ =	vpop (xrf1)  }
0x130: {  	v7 =	vsel vm0, v14, v7;
	v8 =	vsel vm0, v21, v8;
	v21 =	vperm.xlane v23, v4;
	v22, v23, _ =	vpop (xrf1)  }
0x131: {  	(xrf1) =	vsort.dscd.msk.f32 $0xffff, v7, v8;
	v20 =	vsel vm0, v22, v20  }
0x132: {  	v14 =	vpop (erf);
	v8 =	vperm.xlane v30, v4;
	v21 =	vsel vm0, v23, v21  }
0x133: {  	v7 =	vperm.xlane v29, v4;
	v22, v23, _ =	vpop (xrf1)  }
0x134: {  	v8 =	vsel vm0, v23, v8;
	(xrf1) =	vsort.dscd.msk.f32 $0xffff, v20, v21;
	v20 =	vpop (erf)  }
0x135: {  	v7 =	vsel vm0, v22, v7;
	v21, _, _ =	vpop (xrf0);
	v25 =	vnsel vm0, $0x0, v20;
	v20 =	vperm.xlane v26, v4  }
0x136: {  	v26 =	vperm.xlane v43, v4;
	(xrf2) =	vadd.scan.msk.f32 $0xffff, v25;
	v21 =	vbroadcast v21, $0xF  }
0x137: {  	v22, v23, _ =	vpop (xrf1);
	(xrf1) =	vsort.dscd.msk.f32 $0xffff, v7, v8  }
0x138: {  	v29, v8, _ =	vpop (xrf1);
	v23 =	vsel vm0, v23, v26  }
0x139: {  	v20 =	vsel vm0, v22, v20;
	v30, v7, _ =	vpop (xrf1)  }
0x13a: {  	v15 =	vsub.f32 v15, v21;
	(xrf1) =	vsort.dscd.msk.f32 $0xffff, v20, v23;
	v21, v22, _ =	vpop (xrf1)  }
0x13b: {  	v31, v28, _ =	vpop (xrf1);
	(xrf0) =	vmax.scan.msk.f32 $0xffff, v21  }
0x13c: {  	v15 =	vmul.f32 $1.442695020e+00, v15;
	v45, v23, _ =	vpop (xrf1)  }
0x13d: {  	(xrf0) =	vmax.scan.msk.f32 $0xffff, v45  }
0x13e: {  	(xrf0) =	vmax.scan.msk.f32 $0xffff, v31  }
0x13f: {  	v46, v27, _ =	vpop (xrf1)  }
0x140: {  	(erf) = vpow2.f32 v15;
	v15, _, _ =	vpop (xrf2)  }
0x141: {  	(xrf0) =	vmax.scan.msk.f32 $0xffff, v46;
	v47, _, _ =	vpop (xrf0);
	v15 =	vbroadcast v15, $0xF  }
0x142: {  	v48, v26, _ =	vpop (xrf1)  }
0x143: {  	v20, _, _ =	vpop (xrf0);
	(erf) = vrcp.f32 v15;
	v15 =	vbroadcast v47, $0xF  }
0x144: {  	v49 =	vbroadcast v20, $0xF;
	v52, _, _ =	vpop (xrf0)  }
0x145: {  	(xrf0) =	vmax.scan.msk.f32 $0xffff, v48;
	v50, v20, _ =	vpop (xrf1)  }
0x146: {  	v36 =	vbroadcast v52, $0xF;
	(xrf0) =	vmax.scan.msk.f32 $0xffff, v50;
	v32 =	vsub.f32 v45, v49  }
0x147: {  	v21 =	vsub.f32 v21, v15;
	v54, _, _ =	vpop (xrf0)  }
0x148: {  	v31 =	vsub.f32 v31, v36;
	v32 =	vmul.f32 $1.442695020e+00, v32;
	v53, v15, _ =	vpop (xrf1)  }
0x149: {  	v21 =	vmul.f32 $1.442695020e+00, v21;
	v56 =	vbroadcast v54, $0xF;
	(xrf0) =	vmax.scan.msk.f32 $0xffff, v53  }
0x14a: {  	s22 =	simm.s32 $0x780;
	v51 =	vpop (erf);
	v31 =	vmul.f32 $1.442695020e+00, v31;
	(erf) = vpow2.f32 v32;
	(xrf0) =	vmax.scan.msk.f32 $0xffff, v13  }
0x14b: {  	v55, _, _ =	vpop (xrf0);
	v33 =	vsub.f32 v46, v56;
	(erf) = vpow2.f32 v21;
	v21 =	vor.u32 s22, v0;
	(xrf0) =	vmax.scan.msk.f32 $0xffff, v12  }
0x14c: {  	v32 =	vbroadcast v55, $0xF;
	v57, _, _ =	vpop (xrf0)  }
0x14d: {  	v33 =	vmul.f32 $1.442695020e+00, v33;
	v58 =	vpop (erf);
	v59 =	vbroadcast v57, $0xF  }
0x14e: {  	v32 =	vsub.f32 v48, v32;
	(erf) = vpow2.f32 v31;
	v25 =	vmul.f32 v58, v25  }
0x14f: {  	[tilespmem:$0x1FFF0] =	vst v5;
	(erf) = vpow2.f32 v33;
	v31, _, _ =	vpop (xrf0);
	v60 =	vsub.f32 v50, v59  }
0x150: {  	(xrf0) =	vmax.scan.msk.f32 $0xffff, v11;
	v32 =	vmul.f32 $1.442695020e+00, v32;
	[tilespmem:v21+s10+$0x0] =	vst.idx.msk $0xff, v25;
	v31 =	vbroadcast v31, $0xF;
	v61, _, _ =	vpop (xrf0)  }
0x151: {  	v25 =	vnsel vm0, $0x0, v51;
	[tilespmem:v21+s11+$0x0] =	vst.idx.msk $0xff, v24;
	v21, _, _ =	vpop (xrf0);
	v24 =	vmul.f32 $1.442695020e+00, v60;
	v63 =	vbroadcast v61, $0xF  }
0x152: {  	(xrf0) =	vmax.scan.msk.f32 $0xffff, v19;
	(erf) = vpow2.f32 v32;
	v31 =	vsub.f32 v53, v31;
	v21 =	vbroadcast v21, $0xF  }
0x153: {  	(xrf2) =	vadd.scan.msk.f32 $0xffff, v25;
	v62 =	vld [tilespmem:s21+$0x1F0];
	v39 =	vpop (erf);
	(erf) = vpow2.f32 v24;
	v13 =	vsub.f32 v13, v63  }
0x154: {  	(xrf0) =	vmax.scan.msk.f32 $0xffff, v29;
	v40 =	vld [tilespmem:s21+$0x1D0];
	v24 =	vnsel vm0, $0x0, v39;
	v41 =	vpop (erf);
	v31 =	vmul.f32 $1.442695020e+00, v31;
	v12 =	vsub.f32 v12, v21  }
0x155: {  	v42 =	vld [tilespmem:s21+$0x1E0];
	v32 =	vnsel vm0, $0x0, v41;
	(xrf2) =	vadd.scan.msk.f32 $0xffff, v24;
	v13 =	vmul.f32 $1.442695020e+00, v13  }
0x156: {  	(xrf2) =	vadd.scan.msk.f32 $0xffff, v32;
	(erf) = vpow2.f32 v31;
	v12 =	vmul.f32 $1.442695020e+00, v12  }
0x157: {  	(xrf0) =	vmax.scan.msk.f32 $0xffff, v30;
	v43, _, _ =	vpop (xrf0);
	v21 =	vld [tilespmem:s21+$0x1C0];
	(erf) = vpow2.f32 v13  }
0x158: {  	(xrf1) =	vsort.dscd.msk.f32 $0xffff, v62, v3;
	v31 =	vpop (erf);
	(erf) = vpow2.f32 v12;
	v12 =	vbroadcast v43, $0xF  }
0x159: {  	v44, _, _ =	vpop (xrf0);
	(xrf1) =	vsort.dscd.msk.f32 $0xffff, v40, v1  }
0x15a: {  	v45, _, _ =	vpop (xrf0);
	v31 =	vnsel vm0, $0x0, v31;
	(xrf1) =	vsort.dscd.msk.f32 $0xffff, v42, v2;
	v11 =	vsub.f32 v11, v12  }
0x15b: {  	v46 =	vpop (erf);
	(xrf2) =	vadd.scan.msk.f32 $0xffff, v31  }
0x15c: {  	(xrf1) =	vsort.dscd.msk.f32 $0xffff, v21, v0;
	v21 =	vpop (erf);
	v11 =	vmul.f32 $1.442695020e+00, v11  }
0x15d: {  	v49, _, _ =	vpop (xrf2)  }
0x15e: {  	v47 =	vpop (erf)  }
0x15f: {  	v48 =	vbroadcast v44, $0xF;
	v50, _, _ =	vpop (xrf2)  }
0x160: {  	(erf) = vpow2.f32 v11;
	v11, _, _ =	vpop (xrf2)  }
0x161: {  	v19 =	vsub.f32 v19, v48;
	v13, _, _ =	vpop (xrf0);
	v11 =	vbroadcast v11, $0xF  }
0x162: {  	v12 =	vnsel vm0, $0x0, v46;
	v13 =	vbroadcast v13, $0xF;
	v37 =	vbroadcast v50, $0xF  }
0x163: {  	v33 =	vbroadcast v45, $0xF;
	(xrf2) =	vadd.scan.msk.f32 $0xffff, v12;
	v51 =	vpop (erf)  }
0x164: {  	v19 =	vmul.f32 $1.442695020e+00, v19;
	v13 =	vsub.f32 v30, v13;
	v30 =	vpop (erf);
	(erf) = vrcp.f32 v37  }
0x165: {  	v52 =	vnsel vm0, $0x0, v21;
	(erf) = vrcp.f32 v11;
	v11, _, _ =	vpop (xrf2)  }
0x166: {  	v29 =	vsub.f32 v29, v33;
	(xrf2) =	vadd.scan.msk.f32 $0xffff, v52;
	v11 =	vbroadcast v11, $0xF;
	_ =	sdelay $0x1  }
0x167: {  	v21 =	vmul.f32 $1.442695020e+00, v29;
	(erf) = vpow2.f32 v19;
	v19, v54, _ =	vpop (xrf1)  }
0x168: {  	v29 =	vnsel vm0, $0x0, v47;
	v19 =	vperm.xlane v19, v4;
	v37 =	vperm.xlane v54, v4;
	v56, v55, _ =	vpop (xrf1)  }
0x169: {  	(xrf2) =	vadd.scan.msk.f32 $0xffff, v29;
	(erf) = vrcp.f32 v11;
	v11, v57, _ =	vpop (xrf1)  }
0x16a: {  	s19 =	simm.s32 $0x400;
	v53 =	vpop (erf);
	v39 =	vperm.xlane v55, v4;
	v11 =	vsel vm0, v11, v19;
	v19 =	vsel vm0, v57, v37  }
0x16b: {  	v59 =	vor.u32 s19, v0;
	v35 =	vnsel vm0, $0x0, v51;
	v60, v61, _ =	vpop (xrf1)  }
0x16c: {  	(xrf2) =	vadd.scan.msk.f32 $0xffff, v35;
	v58, _, _ =	vpop (xrf2);
	v38 =	vperm.xlane v56, v4;
	(erf) = vpow2.f32 v21;
	v21 =	vsel vm0, v61, v39  }
0x16d: {  	v13 =	vmul.f32 $1.442695020e+00, v13;
	(xrf1) =	vsort.dscd.msk.f32 $0xffff, v11, v19;
	v19 =	vpop (erf)  }
0x16e: {  	v37 =	vbroadcast v58, $0xF;
	v11 =	vsel vm0, v60, v38;
	v62 =	vpop (erf)  }
0x16f: {  	s23 =	simm.s32 $0x480;
	(xrf1) =	vsort.dscd.msk.f32 $0xffff, v11, v21;
	(erf) = vpow2.f32 v13;
	v21, _, _ =	vpop (xrf2);
	v11 =	vmul.f32 v62, v24  }
0x170: {  	v13 =	vor.u32 s23, v0;
	(erf) = vrcp.f32 v37;
	v24 =	vbroadcast v21, $0xF;
	v21 =	vpop (erf)  }
0x171: {  	v36 =	vbroadcast v49, $0xF;
	[tilespmem:v59+s10+$0x0] =	vst.idx.msk $0xff, v11;
	v11 =	vmul.f32 v21, v32  }
0x172: {  	s24 =	simm.s32 $0x500  }
0x173: {  	v63 =	vor.u32 s24, v0;
	(erf) = vrcp.f32 v36;
	v39, _, _ =	vpop (xrf2)  }
0x174: {  	v21 =	vpop (erf);
	(erf) = vrcp.f32 v24;
	[tilespmem:v59+s11+$0x0] =	vst.idx.msk $0xff, v23;
	v23 =	vbroadcast v39, $0xF  }
0x175: {  	v40 =	vld [tilespmem:s21+$0xFFFFFE70];
	[tilespmem:v13+s10+$0x0] =	vst.idx.msk $0xff, v11;
	v11 =	vpop (erf)  }
0x176: {  	v41 =	vld [tilespmem:s21+$0xFFFFFE50];
	[tilespmem:v13+s11+$0x0] =	vst.idx.msk $0xff, v22;
	v13, _, _ =	vpop (xrf2);
	(erf) = vrcp.f32 v23;
	v11 =	vmul.f32 v11, v31  }
0x177: {  	s25 =	simm.s32 $0x580;
	v42 =	vld [tilespmem:s21+$0xFFFFFEF0];
	v22 =	vpop (erf)  }
0x178: {  	v30 =	vnsel vm0, $0x0, v30;
	v43 =	vld [tilespmem:s21+$0xFFFFFE60];
	v13 =	vbroadcast v13, $0xF;
	v31 =	vor.u32 s25, v0;
	v23 =	vpop (erf);
	[tilespmem:v63+s10+$0x0] =	vst.idx.msk $0xff, v11  }
0x179: {  	(xrf2) =	vadd.scan.msk.f32 $0xffff, v30;
	v11 =	vld [tilespmem:s21+$0xFFFFFED0];
	[tilespmem:v63+s11+$0x0] =	vst.idx.msk $0xff, v28;
	v28 =	vpop (erf)  }
0x17a: {  	(erf) = vrcp.f32 v13;
	(xrf1) =	vsort.dscd.msk.f32 $0xffff, v40, v3;
	v13 =	vld [tilespmem:s21+$0xFFFFFF70];
	v12 =	vmul.f32 v28, v12  }
0x17b: {  	(xrf1) =	vsort.dscd.msk.f32 $0xffff, v41, v1  }
0x17c: {  	s26 =	simm.s32 $0x600;
	v44 =	vpop (erf);
	(xrf1) =	vsort.dscd.msk.f32 $0xffff, v42, v3  }
0x17d: {  	v28 =	vor.u32 s26, v0;
	(xrf1) =	vsort.dscd.msk.f32 $0xffff, v43, v2;
	v49 =	vpop (erf);
	[tilespmem:v31+s10+$0x0] =	vst.idx.msk $0xff, v12  }
0x17e: {  	s28 =	simm.s32 $0x680;
	v47 =	vld [tilespmem:s21+$0xFFFFFEE0];
	[tilespmem:v31+s11+$0x0] =	vst.idx.msk $0xff, v27;
	(xrf1) =	vsort.dscd.msk.f32 $0xffff, v11, v1;
	v12, v45, _ =	vpop (xrf1)  }
0x17f: {  	v46 =	vor.u32 s28, v0;
	v50 =	vld [tilespmem:s21+$0xFFFFFF50];
	v12 =	vperm.xlane v12, v4;
	v48 =	vperm.xlane v45, v4;
	(xrf1) =	vsort.dscd.msk.f32 $0xffff, v13, v3;
	v13 =	vpop (erf)  }
0x180: {  	v27 =	vmul.f32 v49, v52;
	v51 =	vld [tilespmem:s21+$0xFFFFFFF0];
	v11, v31, _ =	vpop (xrf1);
	v13 =	vmul.f32 v13, v29  }
0x181: {  	s29 =	simm.s32 $0x700;
	v52 =	vld [tilespmem:s21+$0xFFFFFF60];
	v11 =	vsel vm0, v11, v12;
	v12 =	vsel vm0, v31, v48  }
0x182: {  	[tilespmem:v28+s10+$0x0] =	vst.idx.msk $0xff, v27;
	v31 =	vor.u32 s29, v0;
	(xrf1) =	vsort.dscd.msk.f32 $0xffff, v11, v12;
	v11 =	vld [tilespmem:s21+$0xFFFFFFD0]  }
0x183: {  	[tilespmem:v28+s11+$0x0] =	vst.idx.msk $0xff, v26;
	v12 =	vld [tilespmem:s21+$0xFFFFFFE0];
	(xrf1) =	vsort.dscd.msk.f32 $0xffff, v47, v2  }
0x184: {  	[tilespmem:v46+s10+$0x0] =	vst.idx.msk $0xff, v13;
	v13 =	vpop (erf);
	(xrf1) =	vsort.dscd.msk.f32 $0xffff, v50, v1  }
0x185: {  	v26, _, _ =	vpop (xrf2);
	v27 =	vld [tilespmem:s21+$0x70];
	[tilespmem:v46+s11+$0x0] =	vst.idx.msk $0xff, v20;
	v13 =	vmul.f32 v13, v35;
	(xrf1) =	vsort.dscd.msk.f32 $0xffff, v51, v3  }
0x186: {  	v20 =	vbroadcast v26, $0xF;
	v26 =	vld [tilespmem:s21+$0xF0];
	(xrf1) =	vsort.dscd.msk.f32 $0xffff, v52, v2  }
0x187: {  	v28 =	vld [tilespmem:s21+$0x50];
	[tilespmem:v31+s10+$0x0] =	vst.idx.msk $0xff, v13;
	(xrf1) =	vsort.dscd.msk.f32 $0xffff, v11, v1  }
0x188: {  	v24 =	vnsel vm0, $0x0, v53;
	v13 =	vld [tilespmem:s21+$0x60];
	[tilespmem:v31+s11+$0x0] =	vst.idx.msk $0xff, v15;
	(xrf1) =	vsort.dscd.msk.f32 $0xffff, v12, v2  }
0x189: {  	(xrf2) =	vadd.scan.msk.f32 $0xffff, v24;
	v11 =	vld [tilespmem:s21+$0x170]  }
0x18a: {  	s30 =	simm.s32 $0x4380;
	(erf) = vrcp.f32 v20;
	v20, v29, _ =	vpop (xrf1);
	v12 =	vld [tilespmem:s21+$0xD0];
	(xrf1) =	vsort.dscd.msk.f32 $0xffff, v27, v3  }
0x18b: {  	v31 =	vld [tilespmem:s21+$0xE0];
	v53, v54, _ =	vpop (xrf1);
	v27 =	vor.u32 s30, v0;
	(xrf1) =	vsort.dscd.msk.f32 $0xffff, v26, v3  }
0x18c: {  	v26, v55, _ =	vpop (xrf1);
	(xrf1) =	vsort.dscd.msk.f32 $0xffff, v28, v1  }
0x18d: {  	v56 =	vld [tilespmem:s21+$0x150];
	v58, v57, _ =	vpop (xrf1);
	(xrf1) =	vsort.dscd.msk.f32 $0xffff, v13, v2  }
0x18e: {  	v10 =	vmul.f32 v14, v10;
	v13 =	vld [tilespmem:s21+$0x160];
	v14, v59, _ =	vpop (xrf1);
	(xrf1) =	vsort.dscd.msk.f32 $0xffff, v11, v3  }
0x18f: {  	v61, v60, _ =	vpop (xrf1);
	v11 =	vld [tilespmem:s21+$0xFFFFFE40];
	(xrf1) =	vsort.dscd.msk.f32 $0xffff, v12, v1  }
0x190: {  	[tilespmem:v27+s10+$0x0] =	vst.idx.msk $0xff, v10;
	v10 =	vld [tilespmem:s21+$0xFFFFFEC0];
	(xrf1) =	vsort.dscd.msk.f32 $0xffff, v31, v2;
	v12, v28, _ =	vpop (xrf1)  }
0x191: {  	v20 =	vperm.xlane v20, v4;
	v29 =	vperm.xlane v29, v4;
	[tilespmem:v27+s11+$0x0] =	vst.idx.msk $0xff, v9;
	v9 =	vld [tilespmem:s21+$0xFFFFFF40];
	(xrf0) =	vmax.scan.msk.f32 $0xffff, v12;
	v63, v62, _ =	vpop (xrf1)  }
0x192: {  	v33 =	vperm.xlane v53, v4;
	v34 =	vperm.xlane v54, v4;
	v31 =	vld [tilespmem:s21+$0xFFFFFFC0];
	(xrf1) =	vsort.dscd.msk.f32 $0xffff, v56, v1;
	v54, v53, _ =	vpop (xrf1)  }
0x193: {  	v52 =	vld [tilespmem:s21+$0x40];
	(xrf1) =	vsort.dscd.msk.f32 $0xffff, v13, v2;
	v13 =	vperm.xlane v26, v4;
	v26 =	vperm.xlane v55, v4;
	v56, v55, _ =	vpop (xrf1)  }
0x194: {  	(xrf1) =	vsort.dscd.msk.f32 $0xffff, v11, v0;
	v11 =	vsel vm0, v58, v20;
	v20 =	vsel vm0, v57, v29;
	v29 =	vld [tilespmem:s21+$0xC0];
	v57, v58, _ =	vpop (xrf1)  }
0x195: {  	(xrf1) =	vsort.dscd.msk.f32 $0xffff, v10, v0;
	v10 =	vld [tilespmem:s21+$0x140];
	v48, v49, _ =	vpop (xrf1)  }
0x196: {  	v39 =	vperm.xlane v59, v4;
	(xrf1) =	vsort.dscd.msk.f32 $0xffff, v9, v0;
	v59, v40, _ =	vpop (xrf1)  }
0x197: {  	v47 =	vperm.xlane v14, v4;
	v14 =	vperm.xlane v61, v4;
	(xrf1) =	vsort.dscd.msk.f32 $0xffff, v31, v0;
	v9, _, _ =	vpop (xrf0)  }
0x198: {  	v13 =	vsel vm0, v63, v13;
	v31 =	vperm.xlane v60, v4;
	(xrf1) =	vsort.dscd.msk.f32 $0xffff, v52, v0;
	v60, v61, _ =	vpop (xrf1)  }
0x199: {  	v26 =	vsel vm0, v62, v26;
	v35 =	vperm.xlane v56, v4;
	v9 =	vbroadcast v9, $0xF;
	v63, v62, _ =	vpop (xrf1);
	(xrf1) =	vsort.dscd.msk.f32 $0xffff, v29, v0  }
0x19a: {  	v14 =	vsel vm0, v57, v14;
	v29 =	vperm.xlane v55, v4;
	v45, v52, _ =	vpop (xrf1);
	(xrf1) =	vsort.dscd.msk.f32 $0xffff, v10, v0  }
0x19b: {  	v32 =	vsel vm0, v59, v35;
	v12 =	vsub.f32 v12, v9;
	v57, v56, _ =	vpop (xrf1);
	(xrf1) =	vsort.dscd.msk.f32 $0xffff, v11, v20  }
0x19c: {  	v15, _, _ =	vpop (xrf2);
	v20 =	vperm.xlane v61, v4;
	(xrf1) =	vsort.dscd.msk.f32 $0xffff, v13, v26;
	v26 =	vperm.xlane v63, v4  }
0x19d: {  	v31 =	vsel vm0, v58, v31;
	v11 =	vperm.xlane v60, v4;
	v13 =	vsel vm0, v40, v29;
	v58, v59, _ =	vpop (xrf1)  }
0x19e: {  	s31 =	simm.s32 $0x4000;
	v12 =	vmul.f32 $1.442695020e+00, v12;
	v20 =	vsel vm0, v56, v20;
	v29, v40, _ =	vpop (xrf1);
	v38 =	vperm.xlane v58, v4  }
0x19f: {  	v46 =	vor.u32 s31, v0;
	v27 =	vmul.f32 v44, v25;
	(xrf1) =	vsort.dscd.msk.f32 $0xffff, v14, v31;
	v14 =	vperm.xlane v62, v4;
	v60, v61, _ =	vpop (xrf1)  }
0x1a0: {  	v31 =	vsel vm0, v57, v11;
	v42 =	vperm.xlane v59, v4;
	(erf) = vpow2.f32 v12;
	(xrf1) =	vsort.dscd.msk.f32 $0xffff, v32, v13;
	v63, v62, _ =	vpop (xrf1)  }
0x1a1: {  	v13 =	vsel vm0, v60, v26;
	(xrf1) =	vsort.dscd.msk.f32 $0xffff, v31, v20;
	v20, v26, _ =	vpop (xrf1)  }
0x1a2: {  	v15 =	vbroadcast v15, $0xF;
	v25 =	vpop (erf);
	v26 =	vsel vm0, v26, v42  }
0x1a3: {  	s18 =	simm.s32 $0x4080;
	v30 =	vmul.f32 v25, v30;
	v14 =	vsel vm0, v61, v14;
	v20 =	vsel vm0, v20, v38;
	v31, v38, _ =	vpop (xrf1)  }
0x1a4: {  	v50 =	vor.u32 s18, v0;
	v36 =	vperm.xlane v54, v4;
	v41 =	vperm.xlane v53, v4;
	(xrf1) =	vsort.dscd.msk.f32 $0xffff, v13, v14;
	v42, v44, _ =	vpop (xrf1)  }
0x1a5: {  	[tilespmem:v46+s10+$0x0] =	vst.idx.msk $0xff, v27;
	(erf) = vrcp.f32 v15;
	(xrf1) =	vsort.dscd.msk.f32 $0xffff, v20, v26;
	v20 =	vperm.xlane v48, v4;
	v26, v27, _ =	vpop (xrf1)  }
0x1a6: {  	v13 =	vsel vm0, v31, v33;
	v31 =	vsel vm0, v38, v34;
	v26 =	vsel vm0, v26, v36  }
0x1a7: {  	(xrf1) =	vsort.dscd.msk.f32 $0xffff, v13, v31;
	v15 =	vsel vm0, v42, v47;
	v48 =	vsel vm0, v44, v39  }
0x1a8: {  	v31 =	vperm.xlane v49, v4;
	v51, v49, _ =	vpop (xrf1);
	v27 =	vsel vm0, v27, v41;
	(xrf1) =	vsort.dscd.msk.f32 $0xffff, v15, v48  }
0x1a9: {  	s20 =	simm.s32 $0x4180;
	v21 =	vnsel vm0, $0x0, v21;
	v22 =	vnsel vm0, $0x0, v22;
	s18 =	simm.s32 $0x4100;
	[tilespmem:v46+s11+$0x0] =	vst.idx.msk $0xff, v18;
	s21 =	simm.s32 $0x4200;
	(xrf1) =	vsort.dscd.msk.f32 $0xffff, v26, v27;
	v26 =	vpop (erf)  }
0x1aa: {  	v25 =	vor.u32 s18, v0;
	[tilespmem:v50+s10+$0x0] =	vst.idx.msk $0xff, v30;
	v10 =	vor.u32 s21, v0;
	v9 =	vor.u32 s20, v0;
	v54, v53, _ =	vpop (xrf1)  }
0x1ab: {  	s23 =	simm.s32 $0x4300;
	[tilespmem:v50+s11+$0x0] =	vst.idx.msk $0xff, v16;
	v34 =	vsel vm0, v51, v20;
	v31 =	vsel vm0, v49, v31;
	v37 =	vnsel vm0, $0x0, v26;
	v18, v26, _ =	vpop (xrf1)  }
0x1ac: {  	s22 =	simm.s32 $0x4280;
	v30 =	vperm.xlane v45, v4;
	v11 =	vor.u32 s23, v0;
	v16 =	vperm.xlane v29, v4;
	(xrf1) =	vsort.dscd.msk.f32 $0xffff, v34, v31;
	v56, v55, _ =	vpop (xrf1)  }
0x1ad: {  	v12 =	vor.u32 s22, v0;
	v32 =	vperm.xlane v63, v4;
	v31 =	vperm.xlane v52, v4;
	(xrf2) =	vadd.scan.msk.f32 $0xffff, v37;
	v29, v57, _ =	vpop (xrf1)  }
0x1ae: {  	v58 =	vperm.xlane v62, v4;
	v27 =	vnsel vm0, $0x0, v19;
	v19 =	vperm.xlane v40, v4;
	v60, v59, _ =	vpop (xrf1)  }
0x1af: {  	v30 =	vsel vm0, v54, v30;
	v31 =	vsel vm0, v53, v31;
	v62 =	vperm.xlane v29, v4;
	v29 =	vpop (erf)  }
0x1b0: {  	s24 =	simm.s32 $0x4400;
	v16 =	vsel vm0, v18, v16;
	v26 =	vsel vm0, v26, v19;
	(xrf2) =	vadd.scan.msk.f32 $0xffff, v27;
	v32 =	vsel vm0, v56, v32;
	v18, v61, _ =	vpop (xrf1)  }
0x1b1: {  	s25 =	simm.s32 $0x4480;
	v14 =	vor.u32 s24, v0;
	v35 =	vsel vm0, v55, v58;
	v38 =	vperm.xlane v57, v4;
	v48, v49, _ =	vpop (xrf1);
	(xrf1) =	vsort.dscd.msk.f32 $0xffff, v30, v31  }
0x1b2: {  	s26 =	simm.s32 $0x4500;
	v13 =	vor.u32 s25, v0;
	v33 =	vperm.xlane v60, v4;
	v24 =	vmul.f32 v29, v24;
	(xrf1) =	vsort.dscd.msk.f32 $0xffff, v16, v26  }
0x1b3: {  	s28 =	simm.s32 $0x4580;
	v15 =	vor.u32 s26, v0;
	v63 =	vperm.xlane v59, v4;
	v50 =	vperm.xlane v18, v4;
	v30, v31, _ =	vpop (xrf1);
	(xrf1) =	vsort.dscd.msk.f32 $0xffff, v32, v35  }
0x1b4: {  	s29 =	simm.s32 $0x4600;
	v20 =	vor.u32 s28, v0;
	v36 =	vperm.xlane v61, v4;
	v26 =	vperm.xlane v48, v4;
	v29, v51, _ =	vpop (xrf1)  }
0x1b5: {  	s30 =	simm.s32 $0x4680;
	v19 =	vor.u32 s29, v0;
	v52 =	vperm.xlane v49, v4;
	v39 =	vperm.xlane v30, v4;
	v30, v53, _ =	vpop (xrf1)  }
0x1b6: {  	s31 =	simm.s32 $0x4700;
	v18 =	vor.u32 s30, v0;
	[tilespmem:v25+s10+$0x0] =	vst.idx.msk $0xff, v24;
	v40 =	vperm.xlane v31, v4;
	v32 =	vperm.xlane v29, v4;
	v24, v54, _ =	vpop (xrf1)  }
0x1b7: {  	v16 =	vor.u32 s31, v0;
	[tilespmem:v25+s11+$0x0] =	vst.idx.msk $0xff, v17;
	v31 =	vperm.xlane v51, v4;
	v30 =	vperm.xlane v30, v4;
	v17, _, _ =	vpop (xrf2)  }
0x1b8: {  	s16 =	simm.s32 $0xA00;
	v29 =	vperm.xlane v53, v4;
	(xrf2) =	vadd.scan.msk.f32 $0xffff, v21;
	v24 =	vsel vm0, v24, v62;
	v25 =	vsel vm0, v54, v38;
	v55, v56, _ =	vpop (xrf1)  }
0x1b9: {  	v57 =	vbroadcast v17, $0xF;
	(xrf1) =	vsort.dscd.msk.f32 $0xffff, v24, v25;
	v24 =	vld [tilespmem:s16+$0x1B0];
	v25 =	vsel vm0, v55, v33;
	v58 =	vsel vm0, v56, v63;
	v59, v60, _ =	vpop (xrf1)  }
0x1ba: {  	v17 =	vnsel vm0, $0x0, v23;
	v23 =	vld [tilespmem:s16+$0x190];
	v61 =	vsel vm0, v59, v50;
	v36 =	vsel vm0, v60, v36;
	(xrf1) =	vsort.dscd.msk.f32 $0xffff, v25, v58;
	v63, v62, _ =	vpop (xrf1)  }
0x1bb: {  	s17 =	simm.s32 $0x10;
	s18 =	simm.s32 $0x18;
	v25 =	vld [tilespmem:s16+$0x1A0];
	(erf) = vrcp.f32 v57;
	v33 =	vsel vm0, v63, v26;
	v34 =	vsel vm0, v62, v52;
	(xrf1) =	vsort.dscd.msk.f32 $0xffff, v61, v36;
	v26, _, _ =	vpop (xrf2)  }
.LBB2_2:
0x1bc: {  	_ =	sdelay $0x1  }
0x1bd: {  	v41 =	vld [tilespmem:s16+$0xFFFFFE30];
	(xrf1) =	vsort.dscd.msk.f32 $0xffff, v33, v34;
	v26 =	vbroadcast v26, $0xF  }
0x1be: {  	v42 =	vld [tilespmem:s16+$0x180];
	(xrf2) =	vadd.scan.msk.f32 $0xffff, v22;
	v33, v34, _ =	vpop (xrf1)  }
0x1bf: {  	v52 =	vld [tilespmem:s16+$0xFFFFFEB0];
	(erf) = vrcp.f32 v26;
	v38 =	vsel vm0, v33, v39;
	v50, v51, _ =	vpop (xrf1);
	(xrf1) =	vsort.dscd.msk.f32 $0xffff, v24, v3  }
0x1c0: {  	v53 =	vld [tilespmem:s16+$0xFFFFFF30];
	v39 =	vsel vm0, v34, v40;
	v34 =	vsel vm0, v51, v31;
	v24, v31, _ =	vpop (xrf1);
	(xrf1) =	vsort.dscd.msk.f32 $0xffff, v23, v1  }
0x1c1: {  	v35 =	vsel vm0, v24, v30;
	v24 =	vld [tilespmem:s16+$0xFFFFFFB0];
	(xrf1) =	vsort.dscd.msk.f32 $0xffff, v25, v2;
	v23, _, _ =	vpop (xrf2)  }
0x1c2: {  	(xrf1) =	vsort.dscd.msk.f32 $0xffff, v41, v3;
	v30 =	vbroadcast v23, $0xF;
	v23 =	vld [tilespmem:s16+$0x30]  }
0x1c3: {  	s19 =	sadd.s32 $0x4380, s19;
	v54 =	vld [tilespmem:s16+$0xB0];
	(xrf1) =	vsort.dscd.msk.f32 $0xffff, v42, v0  }
0x1c4: {  	v26 =	vld [tilespmem:s16+$0x130];
	v36 =	vsel vm0, v31, v29;
	v29 =	vor.u32 s19, v0;
	(xrf1) =	vsort.dscd.msk.f32 $0xffff, v52, v3  }
0x1c5: {  	v55 =	vld [tilespmem:s16+$0xFFFFFE10];
	v25 =	vpop (erf);
	(xrf1) =	vsort.dscd.msk.f32 $0xffff, v53, v3  }
0x1c6: {  	v56 =	vld [tilespmem:s16+$0xFFFFFE20];
	(xrf1) =	vsort.dscd.msk.f32 $0xffff, v24, v3  }
0x1c7: {  	v57 =	vld [tilespmem:s16+$0xFFFFFE90];
	v5 =	vmul.f32 v25, v37;
	v31, v25, _ =	vpop (xrf1);
	(xrf1) =	vsort.dscd.msk.f32 $0xffff, v23, v3  }
0x1c8: {  	v43 =	vld [tilespmem:s16+$0xFFFFFEA0];
	v59 =	vpop (erf);
	(xrf1) =	vsort.dscd.msk.f32 $0xffff, v54, v3  }
0x1c9: {  	v58 =	vld [tilespmem:s16+$0xFFFFFF10];
	[tilespmem:v29+s10+$0x0] =	vst.idx.msk $0xff, v5;
	v23, _, _ =	vpop (xrf2);
	(xrf1) =	vsort.dscd.msk.f32 $0xffff, v26, v3  }
0x1ca: {  	[tilespmem:v29+s11+$0x0] =	vst.idx.msk $0xff, v28;
	v28, v24, _ =	vpop (xrf1);
	(xrf1) =	vsort.dscd.msk.f32 $0xffff, v55, v1  }
0x1cb: {  	v44 =	vld [tilespmem:s16+$0xFFFFFF20];
	v33 =	vsel vm0, v50, v32;
	v32 =	vbroadcast v23, $0xF;
	v26, v23, _ =	vpop (xrf1);
	(xrf1) =	vsort.dscd.msk.f32 $0xffff, v56, v2  }
0x1cc: {  	v29, v37, _ =	vpop (xrf1);
	(xrf1) =	vsort.dscd.msk.f32 $0xffff, v57, v1  }
0x1cd: {  	v40 =	vld [tilespmem:s16+$0xFFFFFF90];
	v60, v47, _ =	vpop (xrf1);
	(xrf1) =	vsort.dscd.msk.f32 $0xffff, v43, v2  }
0x1ce: {  	v6 =	vperm.xlane v47, v4;
	v61, v48, _ =	vpop (xrf1);
	v43 =	vperm.xlane v60, v4;
	(xrf1) =	vsort.dscd.msk.f32 $0xffff, v58, v1  }
0x1cf: {  	v45 =	vld [tilespmem:s16+$0xFFFFFFA0];
	v41 =	vperm.xlane v61, v4;
	v62, v50, _ =	vpop (xrf1);
	v55 =	vperm.xlane v48, v4  }
0x1d0: {  	v46 =	vld [tilespmem:s16+$0x10];
	v63 =	vsel vm0, v50, v6;
	v54, v56, _ =	vpop (xrf1);
	(xrf1) =	vsort.dscd.msk.f32 $0xffff, v44, v2;
	v43 =	vsel vm0, v62, v43  }
0x1d1: {  	v42 =	vld [tilespmem:s16+$0x20];
	v27 =	vmul.f32 v59, v27;
	v5, v53, _ =	vpop (xrf1);
	(xrf1) =	vsort.dscd.msk.f32 $0xffff, v43, v63  }
0x1d2: {  	v49 =	vld [tilespmem:s16+$0x90];
	v41 =	vsel vm0, v5, v41;
	v57 =	vsel vm0, v53, v55;
	v58, v52, _ =	vpop (xrf1);
	(xrf1) =	vsort.dscd.msk.f32 $0xffff, v40, v1  }
0x1d3: {  	[tilespmem:v9+s10+$0x0] =	vst.idx.msk $0xff, v27;
	v27 =	vld [tilespmem:s16+$0xA0];
	v47 =	vperm.xlane v54, v4;
	v59, v54, _ =	vpop (xrf1);
	(xrf1) =	vsort.dscd.msk.f32 $0xffff, v41, v57  }
0x1d4: {  	v51 =	vld [tilespmem:s16+$0x110];
	v61, v60, _ =	vpop (xrf1);
	(xrf1) =	vsort.dscd.msk.f32 $0xffff, v45, v2  }
0x1d5: {  	v50 =	vperm.xlane v56, v4;
	v43 =	vld [tilespmem:s16+$0x120];
	(xrf1) =	vsort.dscd.msk.f32 $0xffff, v46, v1;
	v62, v56, _ =	vpop (xrf1)  }
0x1d6: {  	v40 =	vld [tilespmem:s16+$0xFFFFFE80];
	v48 =	vperm.xlane v58, v4;
	v52 =	vperm.xlane v52, v4;
	(xrf1) =	vsort.dscd.msk.f32 $0xffff, v42, v2;
	v63, v58, _ =	vpop (xrf1)  }
0x1d7: {  	v53 =	vperm.xlane v54, v4;
	v54 =	vperm.xlane v60, v4;
	(xrf1) =	vsort.dscd.msk.f32 $0xffff, v49, v1;
	v49, v60, _ =	vpop (xrf1)  }
0x1d8: {  	v41 =	vld [tilespmem:s16+$0xFFFFFF00];
	v46 =	vperm.xlane v62, v4;
	v42 =	vperm.xlane v63, v4;
	v62, v63, _ =	vpop (xrf1);
	(xrf1) =	vsort.dscd.msk.f32 $0xffff, v27, v2  }
0x1d9: {  	v55 =	vld [tilespmem:s16+$0xFFFFFF80];
	v5, v6, _ =	vpop (xrf1);
	(xrf1) =	vsort.dscd.msk.f32 $0xffff, v51, v1  }
0x1da: {  	v27 =	vld [tilespmem:s16+$0xFFFFFE00];
	v5 =	vsel vm0, v5, v47;
	v6 =	vsel vm0, v6, v50;
	v47, v50, _ =	vpop (xrf1);
	(xrf1) =	vsort.dscd.msk.f32 $0xffff, v43, v2  }
0x1db: {  	v57 =	vld [tilespmem:s16+$0x0];
	v43 =	vperm.xlane v47, v4;
	v47 =	vperm.xlane v50, v4;
	(xrf1) =	vsort.dscd.msk.f32 $0xffff, v40, v0;
	v40, v50, _ =	vpop (xrf1)  }
0x1dc: {  	v40 =	vsel vm0, v40, v48;
	v48 =	vsel vm0, v50, v52;
	v52, v50, _ =	vpop (xrf1)  }
0x1dd: {  	(xrf1) =	vsort.dscd.msk.f32 $0xffff, v41, v0  }
0x1de: {  	v41 =	vperm.xlane v52, v4;
	v51, v52, _ =	vpop (xrf1);
	(xrf1) =	vsort.dscd.msk.f32 $0xffff, v55, v0  }
0x1df: {  	(xrf1) =	vsort.dscd.msk.f32 $0xffff, v27, v0  }
0x1e0: {  	(xrf1) =	vsort.dscd.msk.f32 $0xffff, v57, v0;
	v57 =	vld [tilespmem:$0x1FFE0];
	_ =	sdelay $0x3  }
0x1e1: {  	v44 =	vperm.xlane v59, v4;
	v59 =	vld [tilespmem:s16+$0x80]  }
0x1e2: {  	v45 =	vperm.xlane v61, v4;
	v61 =	vld [tilespmem:s16+$0x100];
	[tilespmem:v9+s11+$0x0] =	vst.idx.msk $0xff, v57;
	v57 =	vmov v37;
	_ =	sdelay $0x1  }
0x1e3: {  	v56 =	vperm.xlane v56, v4;
	v58 =	vperm.xlane v58, v4  }
0x1e4: {  	v44 =	vsel vm0, v51, v44;
	v51 =	vsel vm0, v52, v53;
	v27, v52, _ =	vpop (xrf1);
	v9 =	vmov v20  }
0x1e5: {  	v20 =	vperm.xlane v27, v4;
	v27 =	vperm.xlane v52, v4;
	[tilespmem:$0x1FFE0] =	vst v57;
	v37, v57, _ =	vpop (xrf1);
	(xrf1) =	vsort.dscd.msk.f32 $0xffff, v59, v0  }
0x1e6: {  	v49 =	vperm.xlane v49, v4;
	v60 =	vperm.xlane v60, v4;
	(xrf1) =	vsort.dscd.msk.f32 $0xffff, v61, v0;
	v61, v59, _ =	vpop (xrf1)  }
0x1e7: {  	v20 =	vsel vm0, v61, v20;
	v27 =	vsel vm0, v59, v27;
	(xrf1) =	vsort.dscd.msk.f32 $0xffff, v5, v6;
	v5, v6, _ =	vpop (xrf1)  }
0x1e8: {  	v52 =	vperm.xlane v57, v4;
	v5 =	vsel vm0, v5, v45;
	v57, v45, _ =	vpop (xrf1);
	(xrf1) =	vsort.dscd.msk.f32 $0xffff, v20, v27  }
0x1e9: {  	v55 =	vsel vm0, v6, v54;
	v20 =	vperm.xlane v57, v4;
	(xrf1) =	vsort.dscd.msk.f32 $0xffff, v40, v48;
	v61, v59, _ =	vpop (xrf1)  }
0x1ea: {  	v27 =	vperm.xlane v45, v4;
	v45 =	vsel vm0, v59, v56;
	(xrf1) =	vsort.dscd.msk.f32 $0xffff, v44, v51;
	v59, v57, _ =	vpop (xrf1)  }
0x1eb: {  	v62 =	vperm.xlane v62, v4;
	v63 =	vperm.xlane v63, v4;
	(xrf1) =	vsort.dscd.msk.f32 $0xffff, v5, v55;
	v5, v6, _ =	vpop (xrf1)  }
0x1ec: {  	v40 =	vsel vm0, v61, v46;
	v46 =	vperm.xlane v57, v4;
	v56 =	vsel vm0, v6, v58;
	v57, v58, _ =	vpop (xrf1)  }
0x1ed: {  	v50 =	vperm.xlane v50, v4;
	v61 =	vsel vm0, v5, v42;
	(xrf1) =	vsort.dscd.msk.f32 $0xffff, v40, v45;
	v5, v6, _ =	vpop (xrf1)  }
0x1ee: {  	v44 =	vperm.xlane v59, v4;
	(xrf1) =	vsort.dscd.msk.f32 $0xffff, v61, v56;
	v6 =	vsel vm0, v6, v60;
	v60, v59, _ =	vpop (xrf1)  }
0x1ef: {  	v37 =	vperm.xlane v37, v4;
	(xrf1) =	vsort.dscd.msk.f32 $0xffff, v38, v39;
	v61 =	vsel vm0, v60, v43  }
0x1f0: {  	v40 =	vperm.xlane v57, v4;
	v42 =	vperm.xlane v58, v4;
	v5 =	vsel vm0, v5, v49;
	v55, v54, _ =	vpop (xrf1)  }
0x1f1: {  	v53 =	vsel vm0, v59, v47;
	v56 =	vsel vm0, v55, v41;
	v48, v47, _ =	vpop (xrf1);
	(xrf1) =	vsort.dscd.msk.f32 $0xffff, v5, v6  }
0x1f2: {  	v57 =	vsel vm0, v54, v50;
	v5 =	vsel vm0, v48, v37;
	v59, v58, _ =	vpop (xrf1);
	(xrf1) =	vsort.dscd.msk.f32 $0xffff, v61, v53  }
0x1f3: {  	v60 =	vsel vm0, v59, v62;
	v45 =	vsel vm0, v58, v63;
	(xrf1) =	vsort.dscd.msk.f32 $0xffff, v56, v57;
	v62, v61, _ =	vpop (xrf1)  }
0x1f4: {  	v47 =	vsel vm0, v47, v52;
	(xrf1) =	vsort.dscd.msk.f32 $0xffff, v60, v45;
	v50, v49, _ =	vpop (xrf1)  }
0x1f5: {  	v63 =	vsel vm0, v62, v20;
	v27 =	vsel vm0, v61, v27;
	(xrf1) =	vsort.dscd.msk.f32 $0xffff, v5, v47;
	v5, v6, _ =	vpop (xrf1)  }
0x1f6: {  	v51 =	vsel vm0, v50, v44;
	v52 =	vsel vm0, v49, v46;
	v53, v54, _ =	vpop (xrf1);
	(xrf1) =	vsort.dscd.msk.f32 $0xffff, v63, v27  }
0x1f7: {  	(xrf1) =	vsort.dscd.msk.f32 $0xffff, v51, v52;
	v55, v20, _ =	vpop (xrf1)  }
0x1f8: {  	v5 =	vsel vm0, v5, v40;
	v6 =	vsel vm0, v6, v42;
	v27, v56, _ =	vpop (xrf1);
	(xrf0) =	vmax.scan.msk.f32 $0xffff, v55  }
0x1f9: {  	v57 =	vperm.xlane v27, v4;
	v27, v58, _ =	vpop (xrf1);
	(xrf1) =	vsort.dscd.msk.f32 $0xffff, v5, v6  }
0x1fa: {  	v5 =	vperm.xlane v27, v4;
	v27, v59, _ =	vpop (xrf1)  }
0x1fb: {  	(xrf1) =	vsort.dscd.msk.f32 $0xffff, v33, v34;
	v33 =	vperm.xlane v27, v4;
	v27, v60, _ =	vpop (xrf1)  }
0x1fc: {  	(xrf1) =	vsort.dscd.msk.f32 $0xffff, v35, v36;
	v35 =	vperm.xlane v27, v4;
	v27, v61, _ =	vpop (xrf1)  }
0x1fd: {  	v39 =	vperm.xlane v53, v4;
	v43 =	vperm.xlane v27, v4;
	v27, v45, _ =	vpop (xrf1)  }
0x1fe: {  	v40 =	vperm.xlane v54, v4;
	v6 =	vperm.xlane v58, v4;
	v62, _, _ =	vpop (xrf0)  }
0x1ff: {  	v38 =	vperm.xlane v56, v4;
	v50, v52, _ =	vpop (xrf1);
	(xrf0) =	vmax.scan.msk.f32 $0xffff, v31;
	v63 =	vbroadcast v62, $0xF  }
0x200: {  	v34 =	vperm.xlane v59, v4;
	v36 =	vperm.xlane v60, v4;
	v54, v53, _ =	vpop (xrf1)  }
0x201: {  	v42 =	vperm.xlane v61, v4;
	v46 =	vperm.xlane v50, v4;
	v37 =	vsub.f32 v55, v63;
	v56, v55, _ =	vpop (xrf1)  }
0x202: {  	(xrf2) =	vadd.scan.msk.f32 $0xffff, v17;
	v47 =	vperm.xlane v52, v4;
	v41 =	vsel vm0, v54, v57;
	v38 =	vsel vm0, v53, v38;
	v59, v60, _ =	vpop (xrf1)  }
0x203: {  	v57 =	vsel vm0, v56, v5;
	v58 =	vsel vm0, v55, v6;
	(xrf1) =	vsort.dscd.msk.f32 $0xffff, v41, v38;
	v37 =	vmul.f32 $1.442695020e+00, v37;
	v5, v6, _ =	vpop (xrf1)  }
0x204: {  	(erf) = vrcp.f32 v30;
	v61 =	vsel vm0, v59, v39;
	v62 =	vsel vm0, v60, v40;
	(xrf1) =	vsort.dscd.msk.f32 $0xffff, v57, v58;
	v48, v49, _ =	vpop (xrf1)  }
0x205: {  	v63 =	vsel vm0, v5, v33;
	v44 =	vsel vm0, v6, v34;
	(xrf1) =	vsort.dscd.msk.f32 $0xffff, v61, v62;
	v30, _, _ =	vpop (xrf0);
	(erf) = vpow2.f32 v37  }
0x206: {  	v35 =	vsel vm0, v48, v35;
	v50 =	vsel vm0, v49, v36;
	(xrf1) =	vsort.dscd.msk.f32 $0xffff, v63, v44;
	v5, v6, _ =	vpop (xrf1);
	(erf) = vrcp.f32 v32  }
0x207: {  	v53 =	vbroadcast v30, $0xF;
	v51 =	vsel vm0, v5, v43;
	v52 =	vsel vm0, v6, v42;
	(xrf1) =	vsort.dscd.msk.f32 $0xffff, v35, v50;
	v5, v6, _ =	vpop (xrf1)  }
0x208: {  	(xrf1) =	vsort.dscd.msk.f32 $0xffff, v51, v52;
	v5 =	vsel vm0, v5, v46;
	v6 =	vsel vm0, v6, v47  }
0x209: {  	v44, v54, _ =	vpop (xrf1);
	(xrf1) =	vsort.dscd.msk.f32 $0xffff, v5, v6;
	v5 =	vsub.f32 v31, v53;
	_ =	sdelay $0x2  }
0x20a: {  	v6, _, _ =	vpop (xrf2)  }
0x20b: {  	v31 =	vmul.f32 $1.442695020e+00, v5;
	v5 =	vpop (erf)  }
0x20c: {  	v35 =	vbroadcast v6, $0xF;
	v6 =	vpop (erf)  }
0x20d: {  	v5 =	vmul.f32 v5, v21;
	v21 =	vpop (erf)  }
0x20e: {  	v37, v30, _ =	vpop (xrf1);
	(erf) = vpow2.f32 v31;
	v6 =	vnsel vm0, $0x0, v6;
	v31 =	vmul.f32 v21, v22;
	v21 =	vld [tilespmem:$0x1FFF0]  }
0x20f: {  	v55, v39, _ =	vpop (xrf1);
	(xrf2) =	vadd.scan.msk.f32 $0xffff, v6  }
0x210: {  	(xrf0) =	vmax.scan.msk.f32 $0xffff, v55;
	_ =	sdelay $0x1  }
0x211: {  	[tilespmem:v10+s10+$0x0] =	vst.idx.msk $0xff, v5;
	v22, v36, _ =	vpop (xrf1)  }
0x212: {  	[tilespmem:v10+s11+$0x0] =	vst.idx.msk $0xff, v21;
	v10 =	vmov v19;
	v19, v21, _ =	vpop (xrf1)  }
0x213: {  	[tilespmem:v12+s10+$0x0] =	vst.idx.msk $0xff, v31;
	(xrf0) =	vmax.scan.msk.f32 $0xffff, v19;
	v5, v34, _ =	vpop (xrf1)  }
0x214: {  	[tilespmem:v12+s11+$0x0] =	vst.idx.msk $0xff, v8;
	v12 =	vmov v18;
	v18, v33, _ =	vpop (xrf1)  }
0x215: {  	v58, _, _ =	vpop (xrf0)  }
0x216: {  	(xrf0) =	vmax.scan.msk.f32 $0xffff, v22;
	v41, v32, _ =	vpop (xrf1)  }
0x217: {  	(xrf0) =	vmax.scan.msk.f32 $0xffff, v5;
	v42, v31, _ =	vpop (xrf1)  }
0x218: {  	(xrf0) =	vmax.scan.msk.f32 $0xffff, v18;
	v60, _, _ =	vpop (xrf2)  }
0x219: {  	(xrf0) =	vmax.scan.msk.f32 $0xffff, v41;
	v59, _, _ =	vpop (xrf0)  }
0x21a: {  	v56 =	vmovc v45;
	v61 =	vbroadcast v60, $0xF;
	(xrf0) =	vmax.scan.msk.f32 $0xffff, v42;
	v45 =	vbroadcast v59, $0xF  }
0x21b: {  	v57 =	vpop (erf);
	v43 =	vbroadcast v58, $0xF;
	(xrf0) =	vmax.scan.msk.f32 $0xffff, v28  }
0x21c: {  	[tilespmem:$0x1FFF0] =	vst v56;
	v62, _, _ =	vpop (xrf0);
	(erf) = vrcp.f32 v61;
	(xrf0) =	vmax.scan.msk.f32 $0xffff, v26;
	v19 =	vsub.f32 v19, v45  }
0x21d: {  	v8 =	vmov v54;
	v40 =	vsub.f32 v55, v43;
	v63 =	vbroadcast v62, $0xF;
	v53, _, _ =	vpop (xrf0);
	(xrf0) =	vmax.scan.msk.f32 $0xffff, v29  }
0x21e: {  	v38 =	vnsel vm0, $0x0, v57;
	v54 =	vbroadcast v53, $0xF;
	v55, _, _ =	vpop (xrf0);
	(xrf0) =	vmax.scan.msk.f32 $0xffff, v27;
	v56 =	vmul.f32 $1.442695020e+00, v19  }
0x21f: {  	v40 =	vmul.f32 $1.442695020e+00, v40;
	v22 =	vsub.f32 v22, v63;
	v57 =	vbroadcast v55, $0xF;
	v58, _, _ =	vpop (xrf0)  }
0x220: {  	s19 =	sshll.u32 s17, $0x7;
	(xrf0) =	vmax.scan.msk.f32 $0xffff, v44;
	v5 =	vsub.f32 v5, v54;
	v45 =	vbroadcast v58, $0xF;
	v59, _, _ =	vpop (xrf0);
	(erf) = vpow2.f32 v56  }
0x221: {  	s22 =	sadd.s32 $0x380, s19;
	(xrf0) =	vmax.scan.msk.f32 $0xffff, v37;
	v48 =	vmul.f32 $1.442695020e+00, v22;
	v18 =	vsub.f32 v18, v57;
	v22 =	vbroadcast v59, $0xF;
	v60, _, _ =	vpop (xrf0)  }
0x222: {  	v57 =	vor.u32 s22, v0;
	v61 =	vmul.f32 $1.442695020e+00, v5;
	v19, _, _ =	vpop (xrf0);
	(erf) = vpow2.f32 v40  }
0x223: {  	v41 =	vsub.f32 v41, v45;
	v42 =	vsub.f32 v42, v22;
	v63, _, _ =	vpop (xrf0);
	(erf) = vpow2.f32 v48  }
0x224: {  	(xrf2) =	vadd.scan.msk.f32 $0xffff, v38;
	v62 =	vmul.f32 $1.442695020e+00, v18;
	v56, _, _ =	vpop (xrf0);
	(erf) = vpow2.f32 v61  }
0x225: {  	v41 =	vmul.f32 $1.442695020e+00, v41;
	v58 =	vpop (erf);
	v42 =	vmul.f32 $1.442695020e+00, v42  }
0x226: {  	v5, _, _ =	vpop (xrf0);
	(erf) = vpow2.f32 v62;
	v6 =	vmul.f32 v58, v6  }
0x227: {  	v18, _, _ =	vpop (xrf0);
	(erf) = vpow2.f32 v41  }
0x228: {  	(erf) = vpow2.f32 v42;
	[tilespmem:v57+s10+$0x0] =	vst.idx.msk $0xff, v6;
	v18 =	vbroadcast v18, $0xF  }
0x229: {  	v6 =	vbroadcast v63, $0xF;
	[tilespmem:v57+s11+$0x0] =	vst.idx.msk $0xff, v20;
	v20 =	vpop (erf)  }
0x22a: {  	v19 =	vbroadcast v19, $0xF;
	v18 =	vsub.f32 v37, v18;
	v52 =	vnsel vm0, $0x0, v20;
	v20 =	vld [tilespmem:s16+$0x1F0]  }
0x22b: {  	v59 =	vbroadcast v60, $0xF;
	v47 =	vbroadcast v56, $0xF;
	v6 =	vsub.f32 v29, v6;
	v29 =	vld [tilespmem:s16+$0x1D0];
	v60 =	vpop (erf)  }
0x22c: {  	v19 =	vsub.f32 v26, v19;
	v61 =	vld [tilespmem:s16+$0x1E0];
	v53 =	vnsel vm0, $0x0, v60;
	(xrf2) =	vadd.scan.msk.f32 $0xffff, v52;
	v26 =	vpop (erf)  }
0x22d: {  	v28 =	vsub.f32 v28, v59;
	v27 =	vsub.f32 v27, v47;
	v54 =	vnsel vm0, $0x0, v26;
	v26 =	vpop (erf);
	(xrf2) =	vadd.scan.msk.f32 $0xffff, v53  }
0x22e: {  	v57 =	vmul.f32 $1.442695020e+00, v18;
	v18, _, _ =	vpop (xrf2);
	(xrf2) =	vadd.scan.msk.f32 $0xffff, v54  }
0x22f: {  	v28 =	vmul.f32 $1.442695020e+00, v28;
	v62 =	vld [tilespmem:s16+$0x1C0];
	v51 =	vnsel vm0, $0x0, v26;
	v26 =	vpop (erf);
	(xrf1) =	vsort.dscd.msk.f32 $0xffff, v20, v3  }
0x230: {  	v19 =	vmul.f32 $1.442695020e+00, v19;
	v63 =	vmul.f32 $1.442695020e+00, v27;
	v50 =	vnsel vm0, $0x0, v26;
	v26 =	vpop (erf);
	(xrf1) =	vsort.dscd.msk.f32 $0xffff, v29, v1  }
0x231: {  	v6 =	vmul.f32 $1.442695020e+00, v6;
	v27 =	vpop (erf);
	(erf) = vpow2.f32 v28;
	(xrf1) =	vsort.dscd.msk.f32 $0xffff, v61, v2  }
0x232: {  	(erf) = vpow2.f32 v19  }
0x233: {  	(erf) = vpow2.f32 v6  }
0x234: {  	(xrf1) =	vsort.dscd.msk.f32 $0xffff, v62, v0;
	_ =	sdelay $0x1  }
0x235: {  	v6, _, _ =	vpop (xrf2);
	(xrf2) =	vadd.scan.msk.f32 $0xffff, v51;
	_ =	sdelay $0x1  }
0x236: {  	v47 =	vnsel vm0, $0x0, v27;
	v28 =	vbroadcast v6, $0xF;
	v27, _, _ =	vpop (xrf2)  }
0x237: {  	v5 =	vbroadcast v5, $0xF;
	v60, _, _ =	vpop (xrf2)  }
0x238: {  	(xrf2) =	vadd.scan.msk.f32 $0xffff, v50;
	v27 =	vbroadcast v27, $0xF;
	(erf) = vrcp.f32 v28;
	v6 =	vpop (erf)  }
0x239: {  	v5 =	vsub.f32 v44, v5;
	v49 =	vnsel vm0, $0x0, v26;
	v28 =	vnsel vm0, $0x0, v6;
	v6 =	vpop (erf)  }
0x23a: {  	v62 =	vbroadcast v60, $0xF;
	(erf) = vrcp.f32 v27;
	v29 =	vnsel vm0, $0x0, v6;
	v6 =	vpop (erf)  }
0x23b: {  	(xrf2) =	vadd.scan.msk.f32 $0xffff, v49;
	(erf) = vpow2.f32 v63;
	v63, v61, _ =	vpop (xrf1)  }
0x23c: {  	v5 =	vmul.f32 $1.442695020e+00, v5;
	v55 =	vperm.xlane v63, v4;
	v59, v60, _ =	vpop (xrf1)  }
0x23d: {  	v58 =	vbroadcast v18, $0xF;
	v27 =	vnsel vm0, $0x0, v6;
	v63 =	vperm.xlane v61, v4;
	v6, v56, _ =	vpop (xrf1)  }
0x23e: {  	v22 =	vor.u32 s19, v0;
	(xrf2) =	vadd.scan.msk.f32 $0xffff, v47;
	(erf) = vrcp.f32 v62;
	v59 =	vperm.xlane v59, v4;
	v62, _, _ =	vpop (xrf2)  }
0x23f: {  	s20 =	sadd.s32 $0x80, s19;
	v60 =	vperm.xlane v60, v4;
	v6 =	vsel vm0, v6, v55;
	v63 =	vsel vm0, v56, v63  }
0x240: {  	v48 =	vor.u32 s20, v0;
	(erf) = vpow2.f32 v5;
	v56 =	vbroadcast v62, $0xF;
	v55, v62, _ =	vpop (xrf1);
	(xrf1) =	vsort.dscd.msk.f32 $0xffff, v6, v63  }
0x241: {  	v61 =	vpop (erf);
	(erf) = vpow2.f32 v57;
	v5 =	vsel vm0, v55, v59;
	v60 =	vsel vm0, v62, v60  }
0x242: {  	(erf) = vrcp.f32 v56;
	v62 =	vmul.f32 v61, v52;
	v63, _, _ =	vpop (xrf2);
	(xrf1) =	vsort.dscd.msk.f32 $0xffff, v5, v60  }
0x243: {  	v6 =	vpop (erf);
	(erf) = vrcp.f32 v58;
	(xrf2) =	vadd.scan.msk.f32 $0xffff, v28  }
0x244: {  	s21 =	sadd.s32 $0x100, s19;
	v5 =	vbroadcast v63, $0xF;
	v6 =	vmul.f32 v6, v53;
	[tilespmem:v22+s10+$0x0] =	vst.idx.msk $0xff, v62  }
0x245: {  	v46 =	vor.u32 s21, v0;
	[tilespmem:v22+s11+$0x0] =	vst.idx.msk $0xff, v21;
	v22, _, _ =	vpop (xrf2)  }
0x246: {  	v58 =	vpop (erf);
	[tilespmem:v48+s10+$0x0] =	vst.idx.msk $0xff, v6;
	(erf) = vrcp.f32 v5;
	v59 =	vld [tilespmem:s16+$0xFFFFFE70];
	v60 =	vbroadcast v22, $0xF  }
0x247: {  	v5 =	vld [tilespmem:s16+$0xFFFFFE50];
	[tilespmem:v48+s11+$0x0] =	vst.idx.msk $0xff, v39;
	v22 =	vpop (erf)  }
0x248: {  	s23 =	sadd.s32 $0x180, s19;
	v39 =	vld [tilespmem:s16+$0xFFFFFEF0];
	v22 =	vmul.f32 v22, v54;
	v6, _, _ =	vpop (xrf2);
	(erf) = vrcp.f32 v60  }
0x249: {  	v45 =	vor.u32 s23, v0;
	v61 =	vld [tilespmem:s16+$0xFFFFFE60];
	v62 =	vpop (erf);
	v6 =	vbroadcast v6, $0xF  }
0x24a: {  	(xrf2) =	vadd.scan.msk.f32 $0xffff, v29;
	[tilespmem:v46+s10+$0x0] =	vst.idx.msk $0xff, v22;
	v63 =	vpop (erf);
	(erf) = vrcp.f32 v35  }
0x24b: {  	v54 =	vld [tilespmem:s16+$0xFFFFFED0];
	[tilespmem:v46+s11+$0x0] =	vst.idx.msk $0xff, v36;
	v56 =	vpop (erf);
	(erf) = vrcp.f32 v6;
	(xrf1) =	vsort.dscd.msk.f32 $0xffff, v59, v3  }
0x24c: {  	s26 =	sadd.s32 $0x200, s19;
	s28 =	sadd.s32 $0x280, s19;
	v46 =	vld [tilespmem:s16+$0xFFFFFF70];
	v57 =	vmul.f32 v56, v51;
	(xrf1) =	vsort.dscd.msk.f32 $0xffff, v5, v1;
	v5 =	vpop (erf)  }
0x24d: {  	v43 =	vor.u32 s26, v0;
	v41 =	vor.u32 s28, v0;
	v21 =	vnsel vm0, $0x0, v58;
	v52 =	vld [tilespmem:s16+$0xFFFFFE40];
	v58, _, _ =	vpop (xrf2);
	(xrf1) =	vsort.dscd.msk.f32 $0xffff, v39, v3  }
0x24e: {  	v22 =	vnsel vm0, $0x0, v62;
	v35 =	vld [tilespmem:s16+$0xFFFFFEE0];
	v5 =	vmul.f32 v5, v38;
	[tilespmem:v45+s10+$0x0] =	vst.idx.msk $0xff, v57;
	(xrf1) =	vsort.dscd.msk.f32 $0xffff, v61, v2;
	v59, v60, _ =	vpop (xrf1)  }
0x24f: {  	v6 =	vnsel vm0, $0x0, v63;
	v51 =	vld [tilespmem:s16+$0xFFFFFF50];
	[tilespmem:v45+s11+$0x0] =	vst.idx.msk $0xff, v34;
	v63 =	vpop (erf);
	v61 =	vperm.xlane v59, v4;
	v62 =	vperm.xlane v60, v4  }
0x250: {  	v48 =	vld [tilespmem:s16+$0xFFFFFFF0];
	v45 =	vmul.f32 v63, v50;
	(xrf1) =	vsort.dscd.msk.f32 $0xffff, v54, v1;
	[tilespmem:v14+s10+$0x0] =	vst.idx.msk $0xff, v5;
	v57, v34, _ =	vpop (xrf1)  }
0x251: {  	v38 =	vbroadcast v58, $0xF;
	(xrf1) =	vsort.dscd.msk.f32 $0xffff, v46, v3;
	v59 =	vpop (erf);
	v58 =	vsel vm0, v57, v61;
	v36 =	vsel vm0, v34, v62  }
0x252: {  	s30 =	sadd.s32 $0x300, s19;
	v39 =	vld [tilespmem:s16+$0xFFFFFF60];
	[tilespmem:v43+s10+$0x0] =	vst.idx.msk $0xff, v45;
	v61 =	vmul.f32 v59, v49;
	(xrf1) =	vsort.dscd.msk.f32 $0xffff, v58, v36  }
0x253: {  	v40 =	vor.u32 s30, v0;
	v5 =	vld [tilespmem:s16+$0xFFFFFFD0];
	[tilespmem:v43+s11+$0x0] =	vst.idx.msk $0xff, v33;
	v63 =	vpop (erf);
	(xrf1) =	vsort.dscd.msk.f32 $0xffff, v35, v2  }
0x254: {  	v60 =	vld [tilespmem:s16+$0xFFFFFFE0];
	v49 =	vpop (erf);
	(erf) = vrcp.f32 v38;
	[tilespmem:v41+s10+$0x0] =	vst.idx.msk $0xff, v61;
	(xrf1) =	vsort.dscd.msk.f32 $0xffff, v51, v1  }
0x255: {  	v46 =	vld [tilespmem:s16+$0x70];
	[tilespmem:v41+s11+$0x0] =	vst.idx.msk $0xff, v32;
	(xrf1) =	vsort.dscd.msk.f32 $0xffff, v48, v3  }
0x256: {  	v34 =	vmul.f32 v63, v17;
	v17 =	vmov v6;
	v53 =	vmul.f32 v49, v47;
	v6 =	vld [tilespmem:s16+$0xF0]  }
0x257: {  	[tilespmem:v14+s11+$0x0] =	vst.idx.msk $0xff, v25;
	v51 =	vld [tilespmem:s16+$0x50];
	(xrf1) =	vsort.dscd.msk.f32 $0xffff, v39, v2  }
0x258: {  	v25 =	vld [tilespmem:s16+$0x60];
	v62, _, _ =	vpop (xrf2);
	[tilespmem:v40+s10+$0x0] =	vst.idx.msk $0xff, v53;
	(xrf1) =	vsort.dscd.msk.f32 $0xffff, v5, v1  }
0x259: {  	[tilespmem:v40+s11+$0x0] =	vst.idx.msk $0xff, v31;
	(xrf1) =	vsort.dscd.msk.f32 $0xffff, v60, v2;
	v55, v54, _ =	vpop (xrf1)  }
0x25a: {  	v31 =	vld [tilespmem:s16+$0x170];
	v59, v58, _ =	vpop (xrf1);
	(xrf1) =	vsort.dscd.msk.f32 $0xffff, v46, v3  }
0x25b: {  	v5 =	vld [tilespmem:s16+$0xD0];
	v61, v60, _ =	vpop (xrf1);
	(xrf1) =	vsort.dscd.msk.f32 $0xffff, v6, v3  }
0x25c: {  	v57 =	vld [tilespmem:s16+$0xE0];
	v50, v46, _ =	vpop (xrf1);
	(xrf1) =	vsort.dscd.msk.f32 $0xffff, v51, v1  }
0x25d: {  	v56 =	vperm.xlane v54, v4;
	(xrf1) =	vsort.dscd.msk.f32 $0xffff, v25, v2;
	v25 =	vpop (erf)  }
0x25e: {  	[tilespmem:v11+s10+$0x0] =	vst.idx.msk $0xff, v34;
	v53, v51, _ =	vpop (xrf1)  }
0x25f: {  	v41 =	vld [tilespmem:s16+$0x150];
	v32 =	vperm.xlane v55, v4;
	(xrf1) =	vsort.dscd.msk.f32 $0xffff, v31, v3;
	v54, v55, _ =	vpop (xrf1)  }
0x260: {  	v63 =	vld [tilespmem:s16+$0x160];
	v25 =	vmul.f32 v25, v28;
	(xrf1) =	vsort.dscd.msk.f32 $0xffff, v5, v1;
	v39, v28, _ =	vpop (xrf1)  }
0x261: {  	v33 =	vbroadcast v62, $0xF;
	v35 =	vperm.xlane v59, v4;
	v34 =	vsel vm0, v46, v56;
	(xrf1) =	vsort.dscd.msk.f32 $0xffff, v57, v2;
	v56, v57, _ =	vpop (xrf1)  }
0x262: {  	v36 =	vld [tilespmem:s16+$0xFFFFFEC0];
	v40 =	vperm.xlane v58, v4;
	v62 =	vperm.xlane v60, v4;
	(xrf0) =	vmax.scan.msk.f32 $0xffff, v39;
	v59, v58, _ =	vpop (xrf1)  }
0x263: {  	v38 =	vld [tilespmem:s16+$0xFFFFFF40];
	v6 =	vperm.xlane v61, v4;
	[tilespmem:v13+s10+$0x0] =	vst.idx.msk $0xff, v25;
	v61, v60, _ =	vpop (xrf1)  }
0x264: {  	s29 =	sadd.s32 $0x4000, s19;
	s31 =	sadd.s32 $0x4300, s19;
	v45 =	vld [tilespmem:s16+$0xFFFFFFC0];
	v25 =	vsel vm0, v57, v62;
	(xrf1) =	vsort.dscd.msk.f32 $0xffff, v41, v1;
	v62 =	vperm.xlane v61, v4  }
0x265: {  	v42 =	vor.u32 s29, v0;
	v44 =	vor.u32 s31, v0;
	v46 =	vld [tilespmem:s16+$0x40];
	v6 =	vsel vm0, v56, v6;
	(xrf1) =	vsort.dscd.msk.f32 $0xffff, v63, v2;
	v57, v56, _ =	vpop (xrf1)  }
0x266: {  	v14 =	vmov v42;
	v41 =	vperm.xlane v59, v4;
	v42 =	vperm.xlane v58, v4;
	(xrf1) =	vsort.dscd.msk.f32 $0xffff, v52, v0;
	v59, v58, _ =	vpop (xrf1)  }
0x267: {  	v48 =	vld [tilespmem:s16+$0xC0];
	[tilespmem:v11+s11+$0x0] =	vst.idx.msk $0xff, v7;
	v11 =	vmov v16;
	v63 =	vperm.xlane v60, v4;
	(xrf1) =	vsort.dscd.msk.f32 $0xffff, v36, v0;
	v61, v60, _ =	vpop (xrf1)  }
0x268: {  	v16 =	vmov v44;
	v44 =	vld [tilespmem:s16+$0x140];
	v32 =	vsel vm0, v50, v32;
	(xrf1) =	vsort.dscd.msk.f32 $0xffff, v38, v0;
	v38 =	vsel vm0, v61, v62;
	v62, _, _ =	vpop (xrf0)  }
0x269: {  	v5 =	vperm.xlane v54, v4;
	v43 =	vsel vm0, v60, v63;
	(xrf1) =	vsort.dscd.msk.f32 $0xffff, v45, v0;
	v63 =	vbroadcast v62, $0xF  }
0x26a: {  	v7 =	vmov v30;
	v30 =	vperm.xlane v53, v4;
	v47 =	vperm.xlane v55, v4;
	v55, v54, _ =	vpop (xrf1);
	(xrf1) =	vsort.dscd.msk.f32 $0xffff, v46, v0  }
0x26b: {  	v31 =	vperm.xlane v51, v4;
	v5 =	vsel vm0, v57, v5;
	v50 =	vperm.xlane v58, v4;
	v57, v58, _ =	vpop (xrf1)  }
0x26c: {  	s24 =	sadd.s32 $0x4080, s19;
	v36 =	vperm.xlane v59, v4;
	v60, v59, _ =	vpop (xrf1);
	(xrf1) =	vsort.dscd.msk.f32 $0xffff, v48, v0;
	v39 =	vsub.f32 v39, v63  }
0x26d: {  	v37 =	vor.u32 s24, v0;
	v47 =	vsel vm0, v56, v47;
	v56 =	vperm.xlane v54, v4;
	v63, v62, _ =	vpop (xrf1);
	(xrf1) =	vsort.dscd.msk.f32 $0xffff, v44, v0  }
0x26e: {  	[tilespmem:v13+s11+$0x0] =	vst.idx.msk $0xff, v24;
	v24 =	vperm.xlane v55, v4;
	v39 =	vmul.f32 $1.442695020e+00, v39;
	(xrf1) =	vsort.dscd.msk.f32 $0xffff, v32, v34  }
0x26f: {  	v13 =	vmov v37;
	v46 =	vperm.xlane v57, v4;
	v37 =	vsel vm0, v62, v56;
	v32, v34, _ =	vpop (xrf1);
	(xrf1) =	vsort.dscd.msk.f32 $0xffff, v6, v25  }
0x270: {  	v24 =	vsel vm0, v63, v24;
	v34 =	vperm.xlane v34, v4;
	v6, v25, _ =	vpop (xrf1);
	(erf) = vpow2.f32 v39;
	(xrf1) =	vsort.dscd.msk.f32 $0xffff, v5, v47  }
0x271: {  	v61 =	vperm.xlane v58, v4;
	v45 =	vperm.xlane v60, v4;
	v5, v47, _ =	vpop (xrf1)  }
0x272: {  	v53 =	vperm.xlane v59, v4;
	v32 =	vperm.xlane v32, v4;
	(xrf1) =	vsort.dscd.msk.f32 $0xffff, v38, v43;
	v38, v43, _ =	vpop (xrf1)  }
0x273: {  	v5 =	vsel vm0, v5, v46;
	v54 =	vsel vm0, v47, v61;
	(xrf1) =	vsort.dscd.msk.f32 $0xffff, v24, v37;
	v24, v37, _ =	vpop (xrf1)  }
0x274: {  	v24 =	vsel vm0, v24, v32;
	v55 =	vsel vm0, v37, v34;
	v34, v37, _ =	vpop (xrf1);
	(xrf1) =	vsort.dscd.msk.f32 $0xffff, v5, v54  }
0x275: {  	v56 =	vsel vm0, v34, v35;
	v57 =	vsel vm0, v37, v40;
	v58, v59, _ =	vpop (xrf1);
	(xrf1) =	vsort.dscd.msk.f32 $0xffff, v24, v55  }
0x276: {  	v25 =	vperm.xlane v25, v4;
	(erf) = vrcp.f32 v33;
	v61 =	vsel vm0, v59, v31;
	(xrf1) =	vsort.dscd.msk.f32 $0xffff, v56, v57;
	v5, v31, _ =	vpop (xrf1)  }
0x277: {  	v60 =	vsel vm0, v58, v30;
	v62 =	vsel vm0, v5, v41;
	v63 =	vsel vm0, v31, v42;
	v41, v42, _ =	vpop (xrf1)  }
0x278: {  	v6 =	vperm.xlane v6, v4;
	(xrf1) =	vsort.dscd.msk.f32 $0xffff, v60, v61;
	v24, v30, _ =	vpop (xrf1)  }
0x279: {  	v32 =	vsel vm0, v41, v36;
	v33 =	vsel vm0, v42, v50;
	(xrf1) =	vsort.dscd.msk.f32 $0xffff, v62, v63;
	v5 =	vpop (erf)  }
0x27a: {  	v30 =	vsel vm0, v30, v53;
	(xrf1) =	vsort.dscd.msk.f32 $0xffff, v32, v33;
	v37 =	vnsel vm0, $0x0, v5;
	v5, v31, _ =	vpop (xrf1)  }
0x27b: {  	v43 =	vperm.xlane v43, v4;
	v5 =	vsel vm0, v5, v6;
	v6 =	vsel vm0, v31, v25;
	(xrf2) =	vadd.scan.msk.f32 $0xffff, v37;
	v25, v31, _ =	vpop (xrf1)  }
0x27c: {  	v38 =	vperm.xlane v38, v4;
	v24 =	vsel vm0, v24, v45;
	(xrf2) =	vadd.scan.msk.f32 $0xffff, v27;
	v44, v45, _ =	vpop (xrf1)  }
0x27d: {  	v31 =	vsel vm0, v31, v43;
	(xrf1) =	vsort.dscd.msk.f32 $0xffff, v24, v30;
	v30, v46, _ =	vpop (xrf1)  }
0x27e: {  	v25 =	vsel vm0, v25, v38;
	(xrf1) =	vsort.dscd.msk.f32 $0xffff, v5, v6;
	v5 =	vperm.xlane v30, v4;
	v30, v47, _ =	vpop (xrf1)  }
0x27f: {  	(xrf1) =	vsort.dscd.msk.f32 $0xffff, v25, v31;
	v25 =	vperm.xlane v30, v4;
	v30 =	vpop (erf)  }
0x280: {  	v24 =	vperm.xlane v44, v4;
	v33 =	vperm.xlane v45, v4;
	v49, v50, _ =	vpop (xrf1)  }
0x281: {  	s25 =	sadd.s32 $0x4100, s19;
	v6 =	vperm.xlane v46, v4;
	v51 =	vmul.f32 v30, v29;
	v30, v31, _ =	vpop (xrf1)  }
0x282: {  	s28 =	sadd.s32 $0x4280, s19;
	v26 =	vor.u32 s25, v0;
	v39 =	vperm.xlane v30, v4;
	v40 =	vperm.xlane v31, v4;
	v30, v31, _ =	vpop (xrf1)  }
0x283: {  	s23 =	sadd.s32 $0x4180, s19;
	v18 =	vor.u32 s28, v0;
	v48 =	vperm.xlane v47, v4;
	v52 =	vperm.xlane v49, v4;
	[tilespmem:v15+s10+$0x0] =	vst.idx.msk $0xff, v51;
	v29, v54, _ =	vpop (xrf1)  }
0x284: {  	p0 =	slt.u32 s18, $0x78;
	v20 =	vor.u32 s23, v0;
	v53 =	vperm.xlane v50, v4;
	v32 =	vperm.xlane v30, v4;
	[tilespmem:v15+s11+$0x0] =	vst.idx.msk $0xff, v23;
	v23, v55, _ =	vpop (xrf1)  }
.Ltmp0:
0x285: {  	v31 =	vperm.xlane v31, v4;
	v30 =	vperm.xlane v29, v4;
	v15 =	vmov v26;
	v26, _, _ =	vpop (xrf2);
	(pc) =	sbr.rel @p0 .LBB2_2-.Ltmp0, $4  }
0x286: {  	s16 =	sadd.s32 $0x400, s16;
	(xrf2) =	vadd.scan.msk.f32 $0xffff, v21;
	v29 =	vperm.xlane v54, v4;
	v56 =	vsel vm0, v23, v24;
	v24 =	vsel vm0, v55, v33;
	v23, v58, _ =	vpop (xrf1)  }
0x287: {  	s26 =	sadd.s32 $0x4200, s19;
	v57 =	vbroadcast v26, $0xF;
	(xrf1) =	vsort.dscd.msk.f32 $0xffff, v56, v24;
	v24 =	vld [tilespmem:s16+$0x1B0];
	v59 =	vsel vm0, v23, v5;
	v60 =	vsel vm0, v58, v6;
	v62, v61, _ =	vpop (xrf1)  }
0x288: {  	v19 =	vor.u32 s26, v0;
	v23 =	vld [tilespmem:s16+$0x190];
	v63 =	vsel vm0, v62, v25;
	v38 =	vsel vm0, v61, v48;
	(xrf1) =	vsort.dscd.msk.f32 $0xffff, v59, v60;
	v5, v6, _ =	vpop (xrf1)  }
0x289: {  	s17 =	smov.u32 s18;
	s18 =	sadd.s32 $0x8, s18;
	v26, _, _ =	vpop (xrf2);
	v25 =	vld [tilespmem:s16+$0x1A0];
	(erf) = vrcp.f32 v57;
	v33 =	vsel vm0, v5, v52;
	v34 =	vsel vm0, v6, v53;
	(xrf1) =	vsort.dscd.msk.f32 $0xffff, v63, v38  }
0x28a: {  	_ =	sdelay $0x1  }
0x28b: {  	v5 =	vld [tilespmem:s16+$0xFFFFFE30];
	(xrf2) =	vadd.scan.msk.f32 $0xffff, v22  }
0x28c: {  	(xrf1) =	vsort.dscd.msk.f32 $0xffff, v33, v34;
	v6 =	vld [tilespmem:s16+$0x180]  }
0x28d: {  	v60 =	vld [tilespmem:s16+$0xFFFFFEB0];
	(xrf1) =	vsort.dscd.msk.f32 $0xffff, v24, v3  }
0x28e: {  	v61 =	vld [tilespmem:s16+$0xFFFFFF30];
	(xrf1) =	vsort.dscd.msk.f32 $0xffff, v23, v1  }
0x28f: {  	v62 =	vld [tilespmem:s16+$0xFFFFFFB0];
	(xrf1) =	vsort.dscd.msk.f32 $0xffff, v25, v2  }
0x290: {  	v63 =	vld [tilespmem:s16+$0x30];
	v46, v47, _ =	vpop (xrf1);
	(xrf1) =	vsort.dscd.msk.f32 $0xffff, v5, v3  }
0x291: {  	v45, v44, _ =	vpop (xrf1);
	v5 =	vld [tilespmem:s16+$0xB0];
	(xrf1) =	vsort.dscd.msk.f32 $0xffff, v6, v0  }
0x292: {  	v48 =	vld [tilespmem:s16+$0xFFFFFE20];
	v42, v41, _ =	vpop (xrf1);
	(xrf1) =	vsort.dscd.msk.f32 $0xffff, v60, v3  }
0x293: {  	v26 =	vbroadcast v26, $0xF;
	v6 =	vld [tilespmem:s16+$0x130];
	v43, _, _ =	vpop (xrf2);
	(xrf1) =	vsort.dscd.msk.f32 $0xffff, v61, v3  }
0x294: {  	v50 =	vld [tilespmem:s16+$0xFFFFFE90];
	(xrf1) =	vsort.dscd.msk.f32 $0xffff, v62, v3;
	v38, v54, _ =	vpop (xrf1)  }
0x295: {  	(erf) = vrcp.f32 v26;
	v26 =	vld [tilespmem:s16+$0xFFFFFE10];
	v55, _, _ =	vpop (xrf2);
	(xrf1) =	vsort.dscd.msk.f32 $0xffff, v63, v3;
	[tilespmem:$0x1FFA0] =	vst v54  }
0x296: {  	(xrf1) =	vsort.dscd.msk.f32 $0xffff, v5, v3;
	v56, v5, _ =	vpop (xrf1);
	v51 =	vld [tilespmem:s16+$0xFFFFFEA0];
	[tilespmem:$0x1FF60] =	vst v55  }
0x297: {  	s18 =	sadd.s32 $0x4380, s19;
	v53 =	vld [tilespmem:s16+$0xFFFFFF10];
	[tilespmem:$0x1FF70] =	vst v56  }
0x298: {  	v52 =	vor.u32 s18, v0;
	(xrf1) =	vsort.dscd.msk.f32 $0xffff, v6, v3;
	v57, v6, _ =	vpop (xrf1);
	[tilespmem:$0x1FFB0] =	vst v5  }
0x299: {  	v49 =	vpop (erf);
	v5 =	vld [tilespmem:s16+$0xFFFFFF20];
	[tilespmem:$0x1FF80] =	vst v57  }
0x29a: {  	v58, v59, _ =	vpop (xrf1);
	[tilespmem:$0x1FFC0] =	vst v6  }
0x29b: {  	v37 =	vmul.f32 v49, v37;
	v6 =	vld [tilespmem:s16+$0xFFFFFF90];
	[tilespmem:$0x1FF90] =	vst v58  }
0x29c: {  	(xrf1) =	vsort.dscd.msk.f32 $0xffff, v26, v1;
	[tilespmem:$0x1FFD0] =	vst v59;
	v62, v63, _ =	vpop (xrf1)  }
0x29d: {  	(xrf1) =	vsort.dscd.msk.f32 $0xffff, v48, v2;
	[tilespmem:v52+s10+$0x0] =	vst.idx.msk $0xff, v37;
	v37 =	vperm.xlane v62, v4  }
0x29e: {  	(xrf1) =	vsort.dscd.msk.f32 $0xffff, v50, v1  }
0x29f: {  	v50 =	vperm.xlane v63, v4;
	v23, v56, _ =	vpop (xrf1);
	(xrf1) =	vsort.dscd.msk.f32 $0xffff, v51, v2  }
0x2a0: {  	v60 =	vld [tilespmem:s16+$0xFFFFFFA0];
	v33, v34, _ =	vpop (xrf1);
	v51 =	vperm.xlane v23, v4;
	v63 =	vperm.xlane v56, v4;
	(xrf1) =	vsort.dscd.msk.f32 $0xffff, v53, v1  }
0x2a1: {  	v54 =	vld [tilespmem:s16+$0x10];
	v35 =	vsel vm0, v34, v50;
	(xrf1) =	vsort.dscd.msk.f32 $0xffff, v5, v2;
	v5 =	vsel vm0, v33, v37;
	v37, v48, _ =	vpop (xrf1)  }
0x2a2: {  	v55 =	vld [tilespmem:s16+$0x20];
	v23, v58, _ =	vpop (xrf1);
	(xrf1) =	vsort.dscd.msk.f32 $0xffff, v5, v35  }
0x2a3: {  	v61 =	vpop (erf);
	v57 =	vld [tilespmem:s16+$0x90];
	(xrf1) =	vsort.dscd.msk.f32 $0xffff, v6, v1;
	v51 =	vsel vm0, v23, v51;
	v53 =	vsel vm0, v58, v63  }
0x2a4: {  	v36 =	vld [tilespmem:s16+$0x110];
	[tilespmem:v52+s11+$0x0] =	vst.idx.msk $0xff, v28;
	v28, v33, _ =	vpop (xrf1);
	(xrf1) =	vsort.dscd.msk.f32 $0xffff, v51, v53  }
0x2a5: {  	v52 =	vld [tilespmem:s16+$0xA0];
	v56, v58, _ =	vpop (xrf1);
	(xrf1) =	vsort.dscd.msk.f32 $0xffff, v60, v2  }
0x2a6: {  	v27 =	vmul.f32 v61, v27;
	v24 =	vld [tilespmem:s16+$0xFFFFFE80];
	(xrf1) =	vsort.dscd.msk.f32 $0xffff, v54, v1  }
0x2a7: {  	v5 =	vld [tilespmem:s16+$0x120];
	v49, v51, _ =	vpop (xrf1);
	(xrf1) =	vsort.dscd.msk.f32 $0xffff, v55, v2  }
0x2a8: {  	[tilespmem:v9+s10+$0x0] =	vst.idx.msk $0xff, v27;
	v35 =	vld [tilespmem:s16+$0xFFFFFF00];
	v54, v55, _ =	vpop (xrf1);
	(xrf1) =	vsort.dscd.msk.f32 $0xffff, v57, v1  }
0x2a9: {  	v57 =	vld [tilespmem:s16+$0xFFFFFF80];
	v59, v60, _ =	vpop (xrf1)  }
0x2aa: {  	(xrf1) =	vsort.dscd.msk.f32 $0xffff, v52, v2  }
0x2ab: {  	v52, v61, _ =	vpop (xrf1);
	v62 =	vld [tilespmem:s16+$0xFFFFFE00];
	(xrf1) =	vsort.dscd.msk.f32 $0xffff, v36, v1  }
0x2ac: {  	v50 =	vld [tilespmem:s16+$0x0];
	v63, v36, _ =	vpop (xrf1);
	(xrf1) =	vsort.dscd.msk.f32 $0xffff, v5, v2  }
0x2ad: {  	v48 =	vperm.xlane v48, v4;
	v5 =	vld [tilespmem:s16+$0x80];
	v23, v25, _ =	vpop (xrf1);
	(xrf1) =	vsort.dscd.msk.f32 $0xffff, v24, v0  }
0x2ae: {  	v37 =	vperm.xlane v37, v4;
	v24 =	vld [tilespmem:s16+$0x100];
	v53, v34, _ =	vpop (xrf1);
	(xrf1) =	vsort.dscd.msk.f32 $0xffff, v35, v0  }
0x2af: {  	v25 =	vsel vm0, v25, v48;
	v48 =	vperm.xlane v28, v4;
	(xrf1) =	vsort.dscd.msk.f32 $0xffff, v57, v0;
	v57, v26, _ =	vpop (xrf1)  }
0x2b0: {  	(xrf1) =	vsort.dscd.msk.f32 $0xffff, v62, v0;
	v62, v35, _ =	vpop (xrf1)  }
0x2b1: {  	(xrf1) =	vsort.dscd.msk.f32 $0xffff, v50, v0;
	v50, v27, _ =	vpop (xrf1)  }
0x2b2: {  	v23 =	vsel vm0, v23, v37;
	(xrf1) =	vsort.dscd.msk.f32 $0xffff, v5, v0;
	v5, v6, _ =	vpop (xrf1)  }
0x2b3: {  	v28 =	vsel vm0, v47, v40;
	(xrf1) =	vsort.dscd.msk.f32 $0xffff, v24, v0;
	v24, v37, _ =	vpop (xrf1);
	v6 =	vperm.xlane v6, v4  }
0x2b4: {  	v5 =	vperm.xlane v5, v4;
	(xrf1) =	vsort.dscd.msk.f32 $0xffff, v23, v25;
	v23 =	vsel vm0, v57, v48;
	v47, v48, _ =	vpop (xrf1)  }
0x2b5: {  	v33 =	vperm.xlane v33, v4;
	v6 =	vsel vm0, v48, v6  }
0x2b6: {  	v60 =	vperm.xlane v60, v4;
	v52 =	vperm.xlane v52, v4;
	v5 =	vsel vm0, v47, v5  }
0x2b7: {  	v36 =	vperm.xlane v36, v4;
	v53 =	vperm.xlane v53, v4  }
0x2b8: {  	v26 =	vsel vm0, v26, v33;
	v25 =	vsel vm0, v46, v39;
	v57 =	vperm.xlane v56, v4;
	v40, v46, _ =	vpop (xrf1)  }
0x2b9: {  	v56 =	vperm.xlane v58, v4;
	v48 =	vperm.xlane v51, v4;
	(xrf1) =	vsort.dscd.msk.f32 $0xffff, v5, v6;
	v5, v6, _ =	vpop (xrf1)  }
0x2ba: {  	v58 =	vperm.xlane v55, v4;
	v47 =	vperm.xlane v49, v4;
	v39 =	vsel vm0, v50, v57;
	v49, v50, _ =	vpop (xrf1)  }
0x2bb: {  	v27 =	vsel vm0, v27, v56;
	v57 =	vperm.xlane v54, v4;
	v46 =	vsel vm0, v46, v48;
	v54, v55, _ =	vpop (xrf1)  }
0x2bc: {  	v40 =	vsel vm0, v40, v47;
	(xrf1) =	vsort.dscd.msk.f32 $0xffff, v23, v26;
	v47 =	vperm.xlane v59, v4;
	v23, v26, _ =	vpop (xrf1)  }
0x2bd: {  	v33 =	vsel vm0, v49, v57;
	v48 =	vsel vm0, v50, v58;
	(xrf1) =	vsort.dscd.msk.f32 $0xffff, v39, v27;
	v49, v50, _ =	vpop (xrf1)  }
0x2be: {  	v56 =	vperm.xlane v61, v4;
	(xrf1) =	vsort.dscd.msk.f32 $0xffff, v40, v46;
	v26 =	vsel vm0, v26, v60;
	v27, v39, _ =	vpop (xrf1)  }
0x2bf: {  	v34 =	vperm.xlane v34, v4;
	v23 =	vsel vm0, v23, v47;
	(xrf1) =	vsort.dscd.msk.f32 $0xffff, v33, v48;
	v40, v46, _ =	vpop (xrf1)  }
0x2c0: {  	v61 =	vperm.xlane v62, v4;
	v57 =	vperm.xlane v63, v4;
	v39 =	vsel vm0, v39, v56;
	v63, v60, _ =	vpop (xrf1)  }
0x2c1: {  	(xrf1) =	vsort.dscd.msk.f32 $0xffff, v23, v26;
	v27 =	vsel vm0, v27, v52;
	v40 =	vsel vm0, v40, v53;
	v33, v48, _ =	vpop (xrf1)  }
0x2c2: {  	v35 =	vperm.xlane v35, v4;
	v34 =	vsel vm0, v46, v34;
	v23, v26, _ =	vpop (xrf1);
	(xrf1) =	vsort.dscd.msk.f32 $0xffff, v25, v28  }
0x2c3: {  	v37 =	vperm.xlane v37, v4;
	v62 =	vsel vm0, v63, v61;
	v25, v28, _ =	vpop (xrf1);
	(xrf1) =	vsort.dscd.msk.f32 $0xffff, v27, v39  }
0x2c4: {  	v35 =	vsel vm0, v60, v35;
	v23 =	vsel vm0, v23, v57;
	v27, v39, _ =	vpop (xrf1);
	(xrf1) =	vsort.dscd.msk.f32 $0xffff, v40, v34  }
0x2c5: {  	v24 =	vperm.xlane v24, v4;
	v26 =	vsel vm0, v26, v36;
	v34, v40, _ =	vpop (xrf1);
	(xrf1) =	vsort.dscd.msk.f32 $0xffff, v62, v35  }
0x2c6: {  	v6 =	vperm.xlane v6, v4;
	v63, v36, _ =	vpop (xrf1);
	(xrf1) =	vsort.dscd.msk.f32 $0xffff, v23, v26;
	v26 =	vsel vm0, v48, v37  }
0x2c7: {  	v5 =	vperm.xlane v5, v4;
	v24 =	vsel vm0, v33, v24;
	v23, v47, _ =	vpop (xrf1)  }
0x2c8: {  	v6 =	vsel vm0, v28, v6;
	(xrf0) =	vmax.scan.msk.f32 $0xffff, v23  }
0x2c9: {  	v5 =	vsel vm0, v25, v5  }
0x2ca: {  	v46 =	vperm.xlane v54, v4;
	(xrf1) =	vsort.dscd.msk.f32 $0xffff, v24, v26;
	v24, v26, _ =	vpop (xrf1)  }
0x2cb: {  	v32 =	vsel vm0, v45, v32;
	v48 =	vperm.xlane v55, v4;
	v51, v52, _ =	vpop (xrf1)  }
0x2cc: {  	v54 =	vperm.xlane v49, v4;
	v27 =	vsel vm0, v27, v46;
	(xrf1) =	vsort.dscd.msk.f32 $0xffff, v5, v6;
	v5, v6, _ =	vpop (xrf1)  }
0x2cd: {  	v31 =	vsel vm0, v44, v31;
	v30 =	vsel vm0, v42, v30;
	v53 =	vsel vm0, v39, v48;
	v58, v59, _ =	vpop (xrf1)  }
0x2ce: {  	v55 =	vperm.xlane v50, v4;
	v34 =	vsel vm0, v34, v54;
	(xrf1) =	vsort.dscd.msk.f32 $0xffff, v27, v53;
	v56, _, _ =	vpop (xrf0)  }
0x2cf: {  	v29 =	vsel vm0, v41, v29;
	v35 =	vperm.xlane v63, v4;
	v63, v62, _ =	vpop (xrf1);
	v60 =	vbroadcast v56, $0xF  }
0x2d0: {  	v36 =	vperm.xlane v36, v4;
	v61 =	vsel vm0, v40, v55;
	(xrf0) =	vmax.scan.msk.f32 $0xffff, v38;
	v24 =	vperm.xlane v24, v4;
	v40, v27, _ =	vpop (xrf1)  }
0x2d1: {  	v57 =	vbroadcast v43, $0xF;
	v26 =	vperm.xlane v26, v4;
	(xrf1) =	vsort.dscd.msk.f32 $0xffff, v34, v61;
	v23 =	vsub.f32 v23, v60;
	v34, v37, _ =	vpop (xrf1)  }
0x2d2: {  	v25 =	vperm.xlane v51, v4;
	v28 =	vperm.xlane v52, v4;
	(xrf1) =	vsort.dscd.msk.f32 $0xffff, v32, v31;
	v31, v32, _ =	vpop (xrf1)  }
0x2d3: {  	(xrf1) =	vsort.dscd.msk.f32 $0xffff, v30, v29;
	v23 =	vmul.f32 $1.442695020e+00, v23;
	v24 =	vsel vm0, v31, v24;
	v26 =	vsel vm0, v32, v26;
	v29, v30, _ =	vpop (xrf1)  }
0x2d4: {  	(erf) = vrcp.f32 v57;
	v25 =	vsel vm0, v29, v25;
	v28 =	vsel vm0, v30, v28;
	v46, v48, _ =	vpop (xrf1);
	(xrf1) =	vsort.dscd.msk.f32 $0xffff, v24, v26  }
0x2d5: {  	(erf) = vpow2.f32 v23;
	v49 =	vsel vm0, v46, v35;
	v50 =	vsel vm0, v48, v36;
	(xrf1) =	vsort.dscd.msk.f32 $0xffff, v25, v28  }
0x2d6: {  	(xrf1) =	vsort.dscd.msk.f32 $0xffff, v49, v50  }
0x2d7: {  	v5 =	vperm.xlane v5, v4;
	v6 =	vperm.xlane v6, v4  }
0x2d8: {  	v23, v24, _ =	vpop (xrf1)  }
0x2d9: {  	v5 =	vsel vm0, v23, v5;
	v6 =	vsel vm0, v24, v6  }
0x2da: {  	v51 =	vperm.xlane v58, v4;
	v52 =	vperm.xlane v59, v4;
	v58, _, _ =	vpop (xrf0);
	(xrf1) =	vsort.dscd.msk.f32 $0xffff, v5, v6  }
0x2db: {  	v54, v53, _ =	vpop (xrf1);
	v5 =	vperm.xlane v63, v4;
	v6 =	vperm.xlane v62, v4  }
0x2dc: {  	(xrf2) =	vadd.scan.msk.f32 $0xffff, v17;
	v56, v55, _ =	vpop (xrf1);
	v23 =	vsel vm0, v54, v51;
	v24 =	vsel vm0, v53, v52  }
0x2dd: {  	v30 =	vpop (erf);
	v5 =	vsel vm0, v56, v5;
	v6 =	vsel vm0, v55, v6;
	(xrf1) =	vsort.dscd.msk.f32 $0xffff, v23, v24  }
0x2de: {  	(xrf1) =	vsort.dscd.msk.f32 $0xffff, v5, v6;
	v6 =	vperm.xlane v34, v4;
	v57 =	vpop (erf)  }
0x2df: {  	v61 =	vperm.xlane v37, v4;
	v60, v59, _ =	vpop (xrf1);
	v24 =	vbroadcast v58, $0xF;
	v5 =	vnsel vm0, $0x0, v57  }
0x2e0: {  	v42 =	vld [tilespmem:$0x1FF60];
	v41, v29, _ =	vpop (xrf1);
	v6 =	vsel vm0, v60, v6;
	(xrf2) =	vadd.scan.msk.f32 $0xffff, v5  }
0x2e1: {  	v62 =	vsel vm0, v59, v61;
	v24 =	vsub.f32 v38, v24;
	v48, v28, _ =	vpop (xrf1)  }
0x2e2: {  	(xrf1) =	vsort.dscd.msk.f32 $0xffff, v6, v62;
	v63, v39, _ =	vpop (xrf1)  }
0x2e3: {  	v43 =	vmul.f32 $1.442695020e+00, v24;
	v6, v44, _ =	vpop (xrf1);
	(xrf0) =	vmax.scan.msk.f32 $0xffff, v63  }
0x2e4: {  	v49, v46, _ =	vpop (xrf1)  }
0x2e5: {  	v26 =	vbroadcast v42, $0xF;
	(xrf0) =	vmax.scan.msk.f32 $0xffff, v49;
	_ =	sdelay $0x1  }
0x2e6: {  	v45, _, _ =	vpop (xrf2);
	(erf) = vrcp.f32 v26  }
0x2e7: {  	(erf) = vpow2.f32 v43;
	v23, v43, _ =	vpop (xrf1)  }
0x2e8: {  	(xrf0) =	vmax.scan.msk.f32 $0xffff, v6;
	v51, _, _ =	vpop (xrf0)  }
0x2e9: {  	(xrf0) =	vmax.scan.msk.f32 $0xffff, v23;
	v50, _, _ =	vpop (xrf2)  }
0x2ea: {  	v52, _, _ =	vpop (xrf0)  }
0x2eb: {  	v26 =	vbroadcast v50, $0xF;
	v32 =	vbroadcast v52, $0xF;
	_ =	sdelay $0x1  }
0x2ec: {  	v33, v42, _ =	vpop (xrf1);
	(erf) = vrcp.f32 v26;
	v24 =	vsub.f32 v49, v32  }
0x2ed: {  	v53 =	vbroadcast v51, $0xF;
	v51 =	vld [tilespmem:$0x1FF70];
	(xrf0) =	vmax.scan.msk.f32 $0xffff, v33;
	v55, _, _ =	vpop (xrf0)  }
0x2ee: {  	v57, _, _ =	vpop (xrf0);
	v24 =	vmul.f32 $1.442695020e+00, v24  }
0x2ef: {  	v25 =	vsub.f32 v63, v53;
	v34 =	vbroadcast v55, $0xF;
	v26, v36, _ =	vpop (xrf1)  }
0x2f0: {  	s17 =	sshll.u32 s17, $0x7;
	v60 =	vld [tilespmem:$0x1FF80];
	(xrf0) =	vmax.scan.msk.f32 $0xffff, v26;
	v56, v37, _ =	vpop (xrf1);
	(erf) = vpow2.f32 v24  }
0x2f1: {  	s29 =	sadd.s32 $0x380, s17;
	v25 =	vmul.f32 $1.442695020e+00, v25;
	v6 =	vsub.f32 v6, v34;
	v61 =	vbroadcast v57, $0xF;
	(xrf0) =	vmax.scan.msk.f32 $0xffff, v56  }
0x2f2: {  	v59 =	vor.u32 s29, v0;
	v31 =	vpop (erf);
	(xrf0) =	vmax.scan.msk.f32 $0xffff, v51  }
0x2f3: {  	v49 =	vld [tilespmem:$0x1FF90];
	v58, _, _ =	vpop (xrf0);
	v6 =	vmul.f32 $1.442695020e+00, v6;
	v23 =	vsub.f32 v23, v61;
	(erf) = vpow2.f32 v25  }
0x2f4: {  	v54 =	vpop (erf);
	v24 =	vbroadcast v58, $0xF  }
0x2f5: {  	v32 =	vnsel vm0, $0x0, v54;
	(xrf0) =	vmax.scan.msk.f32 $0xffff, v60;
	v23 =	vmul.f32 $1.442695020e+00, v23;
	v63 =	vpop (erf)  }
0x2f6: {  	v24 =	vsub.f32 v33, v24;
	(erf) = vpow2.f32 v6;
	v62, _, _ =	vpop (xrf0);
	v5 =	vmul.f32 v63, v5  }
0x2f7: {  	(xrf2) =	vadd.scan.msk.f32 $0xffff, v32;
	(erf) = vpow2.f32 v23;
	v52 =	vbroadcast v62, $0xF;
	v6, _, _ =	vpop (xrf0)  }
0x2f8: {  	(xrf0) =	vmax.scan.msk.f32 $0xffff, v49;
	v24 =	vmul.f32 $1.442695020e+00, v24;
	[tilespmem:v59+s10+$0x0] =	vst.idx.msk $0xff, v5;
	v5 =	vbroadcast v6, $0xF;
	v6, _, _ =	vpop (xrf0)  }
0x2f9: {  	(xrf0) =	vmax.scan.msk.f32 $0xffff, v40;
	v26 =	vsub.f32 v26, v52;
	[tilespmem:v59+s11+$0x0] =	vst.idx.msk $0xff, v47;
	v6 =	vbroadcast v6, $0xF;
	v55 =	vpop (erf)  }
0x2fa: {  	(erf) = vpow2.f32 v24;
	(xrf0) =	vmax.scan.msk.f32 $0xffff, v41;
	v54 =	vld [tilespmem:s16+$0x1F0];
	v24 =	vnsel vm0, $0x0, v55  }
0x2fb: {  	v53, _, _ =	vpop (xrf0);
	v26 =	vmul.f32 $1.442695020e+00, v26;
	v5 =	vsub.f32 v56, v5;
	v56 =	vld [tilespmem:s16+$0x1D0];
	v6 =	vsub.f32 v51, v6;
	(xrf2) =	vadd.scan.msk.f32 $0xffff, v24  }
0x2fc: {  	v25 =	vbroadcast v53, $0xF;
	v57 =	vpop (erf)  }
0x2fd: {  	(xrf0) =	vmax.scan.msk.f32 $0xffff, v48;
	v58 =	vld [tilespmem:s16+$0x1E0];
	(erf) = vpow2.f32 v26;
	v5 =	vmul.f32 $1.442695020e+00, v5;
	v26 =	vnsel vm0, $0x0, v57  }
0x2fe: {  	v59, _, _ =	vpop (xrf0);
	v25 =	vsub.f32 v60, v25;
	v60 =	vld [tilespmem:s16+$0x1C0];
	(xrf2) =	vadd.scan.msk.f32 $0xffff, v26  }
0x2ff: {  	(erf) = vpow2.f32 v5;
	v5 =	vmul.f32 $1.442695020e+00, v6;
	(xrf1) =	vsort.dscd.msk.f32 $0xffff, v54, v3;
	v6 =	vpop (erf)  }
0x300: {  	v61, _, _ =	vpop (xrf0);
	v52 =	vbroadcast v59, $0xF;
	(xrf1) =	vsort.dscd.msk.f32 $0xffff, v56, v1;
	v6 =	vnsel vm0, $0x0, v6  }
0x301: {  	v62 =	vmul.f32 $1.442695020e+00, v25;
	v63, _, _ =	vpop (xrf0);
	(erf) = vpow2.f32 v5;
	(xrf2) =	vadd.scan.msk.f32 $0xffff, v6  }
0x302: {  	v53 =	vpop (erf);
	(xrf1) =	vsort.dscd.msk.f32 $0xffff, v58, v2  }
0x303: {  	v23 =	vsub.f32 v49, v52;
	v49, _, _ =	vpop (xrf2);
	(erf) = vpow2.f32 v62;
	v33 =	vnsel vm0, $0x0, v53;
	(xrf1) =	vsort.dscd.msk.f32 $0xffff, v60, v0  }
0x304: {  	v54 =	vpop (erf);
	(xrf2) =	vadd.scan.msk.f32 $0xffff, v33  }
0x305: {  	v56 =	vbroadcast v61, $0xF;
	v57, _, _ =	vpop (xrf2)  }
0x306: {  	v5, _, _ =	vpop (xrf0);
	v47 =	vbroadcast v57, $0xF  }
0x307: {  	v23 =	vmul.f32 $1.442695020e+00, v23;
	v38 =	vsub.f32 v40, v56;
	v55 =	vpop (erf)  }
0x308: {  	v25 =	vbroadcast v63, $0xF;
	v58 =	vpop (erf)  }
0x309: {  	v60 =	vmul.f32 $1.442695020e+00, v38;
	(erf) = vpow2.f32 v23;
	v59, _, _ =	vpop (xrf2)  }
0x30a: {  	v23 =	vbroadcast v59, $0xF;
	(erf) = vrcp.f32 v47;
	v47 =	vpop (erf)  }
0x30b: {  	v51 =	vnsel vm0, $0x0, v54;
	v61, _, _ =	vpop (xrf2)  }
0x30c: {  	v25 =	vsub.f32 v41, v25;
	v35 =	vnsel vm0, $0x0, v55;
	(xrf2) =	vadd.scan.msk.f32 $0xffff, v51;
	(erf) = vrcp.f32 v23;
	v41 =	vpop (erf)  }
0x30d: {  	v5 =	vbroadcast v5, $0xF;
	(xrf2) =	vadd.scan.msk.f32 $0xffff, v35;
	(erf) = vpow2.f32 v60;
	v62, v38, _ =	vpop (xrf1)  }
0x30e: {  	v50 =	vnsel vm0, $0x0, v58;
	v23 =	vbroadcast v61, $0xF;
	v60, _, _ =	vpop (xrf2);
	v38 =	vperm.xlane v38, v4  }
0x30f: {  	v25 =	vmul.f32 $1.442695020e+00, v25;
	v5 =	vsub.f32 v48, v5;
	(xrf2) =	vadd.scan.msk.f32 $0xffff, v50;
	v34 =	vperm.xlane v62, v4;
	v56, v63, _ =	vpop (xrf1)  }
0x310: {  	v48 =	vor.u32 s17, v0;
	(erf) = vrcp.f32 v23;
	v40 =	vperm.xlane v56, v4;
	v58, v57, _ =	vpop (xrf1)  }
0x311: {  	v52 =	vperm.xlane v63, v4;
	v23 =	vsel vm0, v58, v34;
	v59 =	vsel vm0, v57, v38;
	v62, v63, _ =	vpop (xrf1)  }
0x312: {  	v5 =	vmul.f32 $1.442695020e+00, v5;
	(xrf1) =	vsort.dscd.msk.f32 $0xffff, v23, v59;
	v38 =	vpop (erf)  }
0x313: {  	v61 =	vbroadcast v60, $0xF;
	v54 =	vsel vm0, v62, v40;
	(erf) = vpow2.f32 v25;
	v58 =	vpop (erf)  }
0x314: {  	s30 =	sadd.s32 $0x80, s17;
	v55 =	vsel vm0, v63, v52;
	(erf) = vpow2.f32 v5;
	v5 =	vmul.f32 v58, v24  }
0x315: {  	v56 =	vor.u32 s30, v0;
	v57 =	vbroadcast v49, $0xF;
	(xrf1) =	vsort.dscd.msk.f32 $0xffff, v54, v55;
	v60 =	vpop (erf)  }
0x316: {  	v59, _, _ =	vpop (xrf2);
	(erf) = vrcp.f32 v61;
	[tilespmem:v48+s10+$0x0] =	vst.idx.msk $0xff, v5;
	v5 =	vmul.f32 v60, v26  }
0x317: {  	v23 =	vbroadcast v59, $0xF;
	v61, _, _ =	vpop (xrf2)  }
0x318: {  	s31 =	sadd.s32 $0x100, s17;
	(erf) = vrcp.f32 v57;
	v40 =	vpop (erf);
	v24 =	vbroadcast v61, $0xF  }
0x319: {  	v62 =	vor.u32 s31, v0;
	(erf) = vrcp.f32 v23;
	v52, _, _ =	vpop (xrf2);
	[tilespmem:v48+s11+$0x0] =	vst.idx.msk $0xff, v46  }
0x31a: {  	v48 =	vbroadcast v45, $0xF;
	v63 =	vld [tilespmem:s16+$0xFFFFFE70];
	[tilespmem:v56+s10+$0x0] =	vst.idx.msk $0xff, v5;
	v5 =	vpop (erf);
	(erf) = vrcp.f32 v24  }
0x31b: {  	v49 =	vld [tilespmem:s16+$0xFFFFFE50];
	[tilespmem:v56+s11+$0x0] =	vst.idx.msk $0xff, v39;
	v5 =	vmul.f32 v5, v6;
	v6 =	vbroadcast v52, $0xF  }
0x31c: {  	s19 =	sadd.s32 $0x180, s17;
	v53 =	vld [tilespmem:s16+$0xFFFFFEF0]  }
0x31d: {  	v54 =	vor.u32 s19, v0;
	v39 =	vpop (erf);
	(erf) = vrcp.f32 v48  }
0x31e: {  	v55 =	vld [tilespmem:s16+$0xFFFFFE60];
	v34 =	vpop (erf);
	[tilespmem:v62+s10+$0x0] =	vst.idx.msk $0xff, v5;
	(erf) = vrcp.f32 v6  }
0x31f: {  	s20 =	sadd.s32 $0x200, s17;
	v5 =	vld [tilespmem:s16+$0xFFFFFED0];
	(xrf1) =	vsort.dscd.msk.f32 $0xffff, v63, v3;
	[tilespmem:v62+s11+$0x0] =	vst.idx.msk $0xff, v44;
	v6 =	vpop (erf)  }
0x320: {  	v23 =	vor.u32 s20, v0;
	(xrf1) =	vsort.dscd.msk.f32 $0xffff, v49, v1;
	v25 =	vld [tilespmem:s16+$0xFFFFFF70];
	v56, v57, _ =	vpop (xrf1);
	v6 =	vmul.f32 v6, v33  }
0x321: {  	s21 =	sadd.s32 $0x280, s17;
	(xrf1) =	vsort.dscd.msk.f32 $0xffff, v53, v3;
	v33 =	vpop (erf)  }
0x322: {  	v46 =	vor.u32 s21, v0;
	v58 =	vld [tilespmem:s16+$0xFFFFFEE0];
	v59 =	vperm.xlane v57, v4;
	v60 =	vpop (erf);
	[tilespmem:v54+s10+$0x0] =	vst.idx.msk $0xff, v6;
	v6 =	vperm.xlane v56, v4  }
0x323: {  	v61 =	vld [tilespmem:s16+$0xFFFFFF50];
	(xrf1) =	vsort.dscd.msk.f32 $0xffff, v55, v2;
	v62 =	vmul.f32 v60, v51;
	v63, v51, _ =	vpop (xrf1);
	[tilespmem:v54+s11+$0x0] =	vst.idx.msk $0xff, v43  }
0x324: {  	s22 =	sadd.s32 $0x300, s17;
	(xrf1) =	vsort.dscd.msk.f32 $0xffff, v5, v1;
	v53 =	vpop (erf);
	v52 =	vld [tilespmem:s16+$0xFFFFFFF0];
	v5 =	vsel vm0, v63, v6;
	v6 =	vsel vm0, v51, v59  }
0x325: {  	v55 =	vld [tilespmem:s16+$0xFFFFFF60];
	v54 =	vor.u32 s22, v0;
	(xrf1) =	vsort.dscd.msk.f32 $0xffff, v25, v3;
	[tilespmem:v23+s10+$0x0] =	vst.idx.msk $0xff, v62;
	v56 =	vmul.f32 v53, v35  }
0x326: {  	v57 =	vld [tilespmem:s16+$0xFFFFFFD0];
	v35 =	vpop (erf);
	(xrf1) =	vsort.dscd.msk.f32 $0xffff, v5, v6;
	[tilespmem:v23+s11+$0x0] =	vst.idx.msk $0xff, v42  }
0x327: {  	v5 =	vld [tilespmem:s16+$0xFFFFFFE0];
	(xrf1) =	vsort.dscd.msk.f32 $0xffff, v58, v2;
	[tilespmem:v46+s10+$0x0] =	vst.idx.msk $0xff, v56;
	v6 =	vpop (erf)  }
0x328: {  	v23 =	vld [tilespmem:s16+$0x70];
	(xrf1) =	vsort.dscd.msk.f32 $0xffff, v61, v1;
	[tilespmem:v46+s11+$0x0] =	vst.idx.msk $0xff, v36;
	v6 =	vmul.f32 v6, v50  }
0x329: {  	v24 =	vld [tilespmem:s16+$0xF0];
	(xrf1) =	vsort.dscd.msk.f32 $0xffff, v52, v3  }
0x32a: {  	v58 =	vld [tilespmem:s16+$0x50];
	(xrf1) =	vsort.dscd.msk.f32 $0xffff, v55, v2;
	[tilespmem:v54+s10+$0x0] =	vst.idx.msk $0xff, v6  }
0x32b: {  	v6 =	vld [tilespmem:s16+$0x60];
	(xrf1) =	vsort.dscd.msk.f32 $0xffff, v57, v1;
	[tilespmem:v54+s11+$0x0] =	vst.idx.msk $0xff, v37  }
0x32c: {  	(xrf1) =	vsort.dscd.msk.f32 $0xffff, v5, v2;
	v5 =	vld [tilespmem:s16+$0x170]  }
0x32d: {  	v59 =	vld [tilespmem:s16+$0xD0];
	(xrf1) =	vsort.dscd.msk.f32 $0xffff, v23, v3  }
0x32e: {  	v36 =	vld [tilespmem:s16+$0xE0];
	v60, v63, _ =	vpop (xrf1);
	(xrf1) =	vsort.dscd.msk.f32 $0xffff, v24, v3  }
0x32f: {  	v24, v43, _ =	vpop (xrf1);
	(xrf1) =	vsort.dscd.msk.f32 $0xffff, v58, v1  }
0x330: {  	v61 =	vld [tilespmem:s16+$0x150];
	v62, v45, _ =	vpop (xrf1);
	(xrf1) =	vsort.dscd.msk.f32 $0xffff, v6, v2  }
0x331: {  	v6 =	vld [tilespmem:s16+$0x160];
	v46, v48, _ =	vpop (xrf1);
	(xrf1) =	vsort.dscd.msk.f32 $0xffff, v5, v3  }
0x332: {  	v5 =	vld [tilespmem:s16+$0xFFFFFE40];
	v49, v50, _ =	vpop (xrf1);
	(xrf1) =	vsort.dscd.msk.f32 $0xffff, v59, v1  }
0x333: {  	v37 =	vnsel vm0, $0x0, v47;
	v25, v47, _ =	vpop (xrf1);
	(xrf1) =	vsort.dscd.msk.f32 $0xffff, v36, v2  }
0x334: {  	v51 =	vld [tilespmem:s16+$0xFFFFFEC0];
	(xrf2) =	vadd.scan.msk.f32 $0xffff, v37;
	v52, v36, _ =	vpop (xrf1)  }
0x335: {  	v53 =	vld [tilespmem:s16+$0xFFFFFF40];
	v54, v55, _ =	vpop (xrf1);
	(xrf1) =	vsort.dscd.msk.f32 $0xffff, v61, v1  }
0x336: {  	v26 =	vld [tilespmem:s16+$0xFFFFFFC0];
	v45 =	vperm.xlane v45, v4;
	v56, v57, _ =	vpop (xrf1);
	(xrf1) =	vsort.dscd.msk.f32 $0xffff, v6, v2  }
0x337: {  	v23 =	vld [tilespmem:s16+$0x40];
	v6 =	vperm.xlane v60, v4;
	(xrf1) =	vsort.dscd.msk.f32 $0xffff, v5, v0;
	v58, v59, _ =	vpop (xrf1)  }
0x338: {  	v44 =	vld [tilespmem:s16+$0xC0];
	v42 =	vperm.xlane v62, v4;
	(xrf0) =	vmax.scan.msk.f32 $0xffff, v52;
	v45 =	vsel vm0, v55, v45;
	v5 =	vperm.xlane v63, v4;
	v60, v61, _ =	vpop (xrf1)  }
0x339: {  	v6 =	vsel vm0, v46, v6;
	v46 =	vld [tilespmem:s16+$0x140];
	(xrf1) =	vsort.dscd.msk.f32 $0xffff, v51, v0;
	v55 =	vperm.xlane v58, v4;
	v51, v62, _ =	vpop (xrf1)  }
0x33a: {  	v5 =	vsel vm0, v48, v5;
	(xrf1) =	vsort.dscd.msk.f32 $0xffff, v53, v0;
	v48, v53, _ =	vpop (xrf1)  }
0x33b: {  	v25 =	vperm.xlane v25, v4;
	v42 =	vsel vm0, v54, v42;
	(xrf1) =	vsort.dscd.msk.f32 $0xffff, v26, v0;
	v26, v54, _ =	vpop (xrf1)  }
0x33c: {  	(xrf1) =	vsort.dscd.msk.f32 $0xffff, v23, v0;
	v23, v58, _ =	vpop (xrf1)  }
0x33d: {  	v59 =	vperm.xlane v59, v4;
	v25 =	vsel vm0, v60, v25;
	(xrf1) =	vsort.dscd.msk.f32 $0xffff, v44, v0;
	v44, v60, _ =	vpop (xrf1)  }
0x33e: {  	v47 =	vperm.xlane v47, v4;
	v48 =	vsel vm0, v48, v55;
	(xrf1) =	vsort.dscd.msk.f32 $0xffff, v46, v0;
	v63, v55, _ =	vpop (xrf1)  }
0x33f: {  	v53 =	vsel vm0, v53, v59;
	v26 =	vperm.xlane v26, v4;
	(xrf1) =	vsort.dscd.msk.f32 $0xffff, v6, v5;
	v5, v6, _ =	vpop (xrf1)  }
0x340: {  	v47 =	vsel vm0, v61, v47;
	v23 =	vperm.xlane v23, v4;
	(xrf1) =	vsort.dscd.msk.f32 $0xffff, v42, v45;
	v42, v45, _ =	vpop (xrf1)  }
0x341: {  	v43 =	vperm.xlane v43, v4;
	v54 =	vperm.xlane v54, v4;
	v26 =	vsel vm0, v63, v26;
	v63, v61, _ =	vpop (xrf1)  }
0x342: {  	v58 =	vperm.xlane v58, v4;
	(xrf1) =	vsort.dscd.msk.f32 $0xffff, v25, v47;
	v23 =	vsel vm0, v63, v23  }
0x343: {  	v59 =	vsel vm0, v55, v54;
	v5 =	vperm.xlane v5, v4;
	(xrf1) =	vsort.dscd.msk.f32 $0xffff, v48, v53;
	v48, v53, _ =	vpop (xrf1)  }
0x344: {  	v6 =	vperm.xlane v6, v4;
	v61 =	vsel vm0, v61, v58;
	(xrf1) =	vsort.dscd.msk.f32 $0xffff, v26, v59;
	v26, v47, _ =	vpop (xrf1)  }
0x345: {  	v24 =	vperm.xlane v24, v4;
	(xrf1) =	vsort.dscd.msk.f32 $0xffff, v23, v61;
	v23, v25, _ =	vpop (xrf1)  }
0x346: {  	v58, _, _ =	vpop (xrf0);
	v5 =	vsel vm0, v26, v5;
	v6 =	vsel vm0, v47, v6;
	v25 =	vsel vm0, v25, v43  }
0x347: {  	(xrf1) =	vsort.dscd.msk.f32 $0xffff, v5, v6;
	v6 =	vbroadcast v58, $0xF;
	v23 =	vsel vm0, v23, v24  }
0x348: {  	v63, _, _ =	vpop (xrf2);
	v5 =	vperm.xlane v49, v4;
	(xrf1) =	vsort.dscd.msk.f32 $0xffff, v23, v25;
	v23 =	vperm.xlane v50, v4  }
0x349: {  	v59 =	vperm.xlane v57, v4;
	v6 =	vsub.f32 v52, v6;
	v25, v43, _ =	vpop (xrf1)  }
0x34a: {  	v26 =	vbroadcast v63, $0xF;
	v5 =	vsel vm0, v25, v5;
	v23 =	vsel vm0, v43, v23  }
0x34b: {  	v24 =	vperm.xlane v56, v4;
	v6 =	vmul.f32 $1.442695020e+00, v6;
	v61, v63, _ =	vpop (xrf1);
	(xrf1) =	vsort.dscd.msk.f32 $0xffff, v5, v23  }
0x34c: {  	v47 =	vperm.xlane v51, v4;
	v51 =	vperm.xlane v62, v4;
	v58, v57, _ =	vpop (xrf1)  }
0x34d: {  	v24 =	vsel vm0, v61, v24;
	v59 =	vsel vm0, v63, v59;
	v25, v43, _ =	vpop (xrf1)  }
0x34e: {  	(erf) = vrcp.f32 v26;
	v52 =	vsel vm0, v58, v47;
	v55 =	vsel vm0, v57, v51;
	v5, v23, _ =	vpop (xrf1);
	(xrf1) =	vsort.dscd.msk.f32 $0xffff, v24, v59  }
0x34f: {  	v45 =	vperm.xlane v45, v4;
	(erf) = vpow2.f32 v6;
	v6, v62, _ =	vpop (xrf1);
	(xrf1) =	vsort.dscd.msk.f32 $0xffff, v52, v55  }
0x350: {  	v61 =	vperm.xlane v60, v4;
	v63 =	vperm.xlane v42, v4  }
0x351: {  	v44 =	vperm.xlane v44, v4;
	v58 =	vperm.xlane v53, v4;
	v23 =	vsel vm0, v23, v45;
	v56, v57, _ =	vpop (xrf1)  }
0x352: {  	v48 =	vperm.xlane v48, v4;
	v5 =	vsel vm0, v5, v63;
	v42, v47, _ =	vpop (xrf1)  }
0x353: {  	v25 =	vsel vm0, v25, v44;
	v43 =	vsel vm0, v43, v61;
	v24 =	vsel vm0, v62, v58;
	v60, v59, _ =	vpop (xrf1)  }
0x354: {  	v6 =	vsel vm0, v6, v48;
	(xrf1) =	vsort.dscd.msk.f32 $0xffff, v25, v43;
	v61, v26, _ =	vpop (xrf1)  }
0x355: {  	(xrf1) =	vsort.dscd.msk.f32 $0xffff, v5, v23;
	v5, v23, _ =	vpop (xrf1)  }
0x356: {  	v43, v51, _ =	vpop (xrf1)  }
0x357: {  	v62 =	vperm.xlane v56, v4;
	(xrf1) =	vsort.dscd.msk.f32 $0xffff, v6, v24;
	v6, v24, _ =	vpop (xrf1)  }
0x358: {  	v63 =	vperm.xlane v57, v4;
	v47 =	vperm.xlane v47, v4;
	v53, v54, _ =	vpop (xrf1)  }
0x359: {  	v44 =	vperm.xlane v60, v4;
	v58 =	vperm.xlane v59, v4;
	v59, v60, _ =	vpop (xrf1)  }
0x35a: {  	v41 =	vnsel vm0, $0x0, v41;
	v42 =	vperm.xlane v42, v4;
	v47 =	vsel vm0, v60, v47  }
0x35b: {  	(xrf2) =	vadd.scan.msk.f32 $0xffff, v41;
	v25 =	vperm.xlane v61, v4;
	v45 =	vsel vm0, v53, v62;
	v46 =	vsel vm0, v54, v63  }
0x35c: {  	v26 =	vperm.xlane v26, v4;
	(xrf1) =	vsort.dscd.msk.f32 $0xffff, v45, v46;
	v42 =	vsel vm0, v59, v42;
	v61, v62, _ =	vpop (xrf1)  }
0x35d: {  	(xrf1) =	vsort.dscd.msk.f32 $0xffff, v42, v47;
	v47, v63, _ =	vpop (xrf1)  }
0x35e: {  	v26 =	vsel vm0, v63, v26  }
0x35f: {  	v25 =	vsel vm0, v47, v25  }
0x360: {  	v49 =	vpop (erf);
	v45 =	vnsel vm0, $0x0, v38;
	v44 =	vsel vm0, v61, v44;
	v38 =	vsel vm0, v62, v58  }
0x361: {  	v57 =	vpop (erf);
	v23 =	vperm.xlane v23, v4;
	(xrf1) =	vsort.dscd.msk.f32 $0xffff, v44, v38  }
0x362: {  	v5 =	vperm.xlane v5, v4;
	(xrf1) =	vsort.dscd.msk.f32 $0xffff, v25, v26;
	v25, v26, _ =	vpop (xrf1)  }
0x363: {  	v46 =	vnsel vm0, $0x0, v57;
	v23 =	vsel vm0, v26, v23  }
0x364: {  	(xrf2) =	vadd.scan.msk.f32 $0xffff, v46;
	v5 =	vsel vm0, v25, v5  }
0x365: {  	v55, _, _ =	vpop (xrf2);
	v48 =	vnsel vm0, $0x0, v40;
	v50 =	vperm.xlane v43, v4;
	(xrf2) =	vadd.scan.msk.f32 $0xffff, v45  }
0x366: {  	v51 =	vperm.xlane v51, v4;
	v6 =	vperm.xlane v6, v4;
	(xrf2) =	vadd.scan.msk.f32 $0xffff, v48;
	v52, v53, _ =	vpop (xrf1)  }
0x367: {  	v56 =	vbroadcast v55, $0xF;
	v24 =	vperm.xlane v24, v4;
	(xrf1) =	vsort.dscd.msk.f32 $0xffff, v5, v23;
	v5, v23, _ =	vpop (xrf1)  }
0x368: {  	v25 =	vsel vm0, v52, v50;
	v26 =	vsel vm0, v53, v51;
	v5 =	vsel vm0, v5, v6  }
0x369: {  	v50 =	vnsel vm0, $0x0, v39;
	(xrf1) =	vsort.dscd.msk.f32 $0xffff, v25, v26  }
0x36a: {  	(erf) = vrcp.f32 v56;
	(xrf2) =	vadd.scan.msk.f32 $0xffff, v50;
	v6 =	vsel vm0, v23, v24  }
0x36b: {  	(xrf1) =	vsort.dscd.msk.f32 $0xffff, v5, v6;
	v5, v47, _ =	vpop (xrf1)  }
0x36c: {  	(xrf0) =	vmax.scan.msk.f32 $0xffff, v5;
	_ =	sdelay $0x1  }
0x36d: {  	v54, _, _ =	vpop (xrf2)  }
0x36e: {  	v55, _, _ =	vpop (xrf2)  }
0x36f: {  	v56, _, _ =	vpop (xrf2)  }
0x370: {  	v26, v44, _ =	vpop (xrf1)  }
0x371: {  	v58, _, _ =	vpop (xrf0)  }
0x372: {  	v23 =	vbroadcast v54, $0xF;
	v6 =	vpop (erf);
	(xrf0) =	vmax.scan.msk.f32 $0xffff, v26;
	v24 =	vbroadcast v58, $0xF  }
0x373: {  	v51, v38, _ =	vpop (xrf1)  }
0x374: {  	v57 =	vbroadcast v55, $0xF;
	(erf) = vrcp.f32 v23;
	v52, v39, _ =	vpop (xrf1);
	(xrf0) =	vmax.scan.msk.f32 $0xffff, v51;
	v5 =	vsub.f32 v5, v24  }
0x375: {  	v25 =	vbroadcast v56, $0xF;
	v59, _, _ =	vpop (xrf2);
	(xrf0) =	vmax.scan.msk.f32 $0xffff, v52  }
0x376: {  	(erf) = vrcp.f32 v57;
	v60, v42, _ =	vpop (xrf1);
	v5 =	vmul.f32 $1.442695020e+00, v5  }
0x377: {  	v23 =	vbroadcast v59, $0xF;
	v61, v40, _ =	vpop (xrf1)  }
0x378: {  	(erf) = vrcp.f32 v25;
	(xrf0) =	vmax.scan.msk.f32 $0xffff, v60;
	v62, _, _ =	vpop (xrf0)  }
0x379: {  	(erf) = vrcp.f32 v23;
	v63, v43, _ =	vpop (xrf1)  }
0x37a: {  	v23 =	vbroadcast v62, $0xF;
	(xrf0) =	vmax.scan.msk.f32 $0xffff, v61;
	(erf) = vpow2.f32 v5;
	v5, _, _ =	vpop (xrf0)  }
0x37b: {  	(xrf0) =	vmax.scan.msk.f32 $0xffff, v63;
	v57, _, _ =	vpop (xrf0);
	v5 =	vbroadcast v5, $0xF  }
0x37c: {  	v23 =	vsub.f32 v26, v23;
	v54 =	vbroadcast v57, $0xF  }
0x37d: {  	v26 =	vpop (erf);
	v5 =	vsub.f32 v51, v5  }
0x37e: {  	v23 =	vmul.f32 $1.442695020e+00, v23;
	v58, _, _ =	vpop (xrf0);
	v52 =	vsub.f32 v52, v54  }
0x37f: {  	v51 =	vpop (erf);
	v55 =	vbroadcast v58, $0xF;
	v5 =	vmul.f32 $1.442695020e+00, v5  }
0x380: {  	(erf) = vpow2.f32 v23;
	v59, _, _ =	vpop (xrf0);
	v52 =	vmul.f32 $1.442695020e+00, v52  }
0x381: {  	v53 =	vsub.f32 v60, v55;
	v60, _, _ =	vpop (xrf0);
	(erf) = vpow2.f32 v5  }
0x382: {  	v54 =	vpop (erf);
	(erf) = vpow2.f32 v52;
	v52 =	vbroadcast v60, $0xF;
	_ =	sdelay $0x1  }
0x383: {  	v25 =	vsub.f32 v63, v52;
	v52 =	vld [tilespmem:$0x1FFE0];
	_ =	sdelay $0x1  }
0x384: {  	v21 =	vmul.f32 v30, v21;
	_ =	sdelay $0x1  }
0x385: {  	v53 =	vmul.f32 $1.442695020e+00, v53;
	[tilespmem:v10+s10+$0x0] =	vst.idx.msk $0xff, v21  }
0x386: {  	v23 =	vbroadcast v59, $0xF;
	[tilespmem:v9+s11+$0x0] =	vst.idx.msk $0xff, v52  }
0x387: {  	v34 =	vnsel vm0, $0x0, v34;
	v5 =	vpop (erf);
	(erf) = vpow2.f32 v53;
	v53 =	vmul.f32 v31, v22;
	v56 =	vld [tilespmem:$0x1FFF0]  }
0x388: {  	(xrf2) =	vadd.scan.msk.f32 $0xffff, v34;
	v57 =	vmul.f32 v33, v32;
	v23 =	vsub.f32 v61, v23;
	v61 =	vpop (erf)  }
0x389: {  	v24 =	vnsel vm0, $0x0, v61;
	[tilespmem:v12+s10+$0x0] =	vst.idx.msk $0xff, v53  }
0x38a: {  	v23 =	vmul.f32 $1.442695020e+00, v23;
	(xrf2) =	vadd.scan.msk.f32 $0xffff, v24;
	[tilespmem:v14+s10+$0x0] =	vst.idx.msk $0xff, v57  }
0x38b: {  	v62 =	vmul.f32 $1.442695020e+00, v25;
	[tilespmem:v12+s11+$0x0] =	vst.idx.msk $0xff, v8  }
0x38c: {  	v60 =	vmul.f32 v35, v17;
	(erf) = vpow2.f32 v23;
	v63 =	vpop (erf);
	[tilespmem:v10+s11+$0x0] =	vst.idx.msk $0xff, v56  }
0x38d: {  	(erf) = vpow2.f32 v62;
	v9 =	vnsel vm0, $0x0, v63;
	v55 =	vpop (erf);
	v62 =	vld [tilespmem:$0x1FFA0]  }
0x38e: {  	(xrf2) =	vadd.scan.msk.f32 $0xffff, v9;
	v10 =	vnsel vm0, $0x0, v55;
	[tilespmem:v11+s10+$0x0] =	vst.idx.msk $0xff, v60  }
0x38f: {  	v58 =	vpop (erf);
	(xrf2) =	vadd.scan.msk.f32 $0xffff, v10;
	[tilespmem:v11+s11+$0x0] =	vst.idx.msk $0xff, v7;
	v7 =	vmul.f32 v49, v37  }
0x390: {  	v12 =	vnsel vm0, $0x0, v58  }
0x391: {  	(xrf2) =	vadd.scan.msk.f32 $0xffff, v12;
	[tilespmem:v13+s10+$0x0] =	vst.idx.msk $0xff, v7  }
0x392: {  	v59, _, _ =	vpop (xrf2);
	[tilespmem:v14+s11+$0x0] =	vst.idx.msk $0xff, v62  }
0x393: {  	v61 =	vpop (erf);
	v33 =	vld [tilespmem:$0x1FFB0]  }
0x394: {  	s23 =	sadd.s32 $0x4380, s17;
	v21 =	vnsel vm0, $0x0, v61;
	v63, _, _ =	vpop (xrf2)  }
0x395: {  	v6 =	vmul.f32 v6, v41;
	v31 =	vor.u32 s23, v0;
	v25 =	vpop (erf);
	(xrf2) =	vadd.scan.msk.f32 $0xffff, v21;
	v14 =	vbroadcast v63, $0xF  }
0x396: {  	v30 =	vnsel vm0, $0x0, v25  }
0x397: {  	v8 =	vbroadcast v59, $0xF;
	v32 =	vpop (erf);
	(xrf2) =	vadd.scan.msk.f32 $0xffff, v30;
	[tilespmem:v15+s10+$0x0] =	vst.idx.msk $0xff, v6;
	(erf) = vrcp.f32 v14  }
0x398: {  	v7 =	vnsel vm0, $0x0, v32;
	v35, _, _ =	vpop (xrf2);
	v6 =	vmul.f32 v26, v46;
	[tilespmem:v13+s11+$0x0] =	vst.idx.msk $0xff, v33  }
0x399: {  	(xrf2) =	vadd.scan.msk.f32 $0xffff, v7;
	(erf) = vrcp.f32 v8;
	v8 =	vbroadcast v35, $0xF;
	v41, _, _ =	vpop (xrf2);
	v13 =	vld [tilespmem:$0x1FFC0]  }
0x39a: {  	v37 =	vmul.f32 v51, v45;
	[tilespmem:v31+s10+$0x0] =	vst.idx.msk $0xff, v6;
	v6 =	vbroadcast v41, $0xF  }
0x39b: {  	(erf) = vrcp.f32 v8;
	v46, _, _ =	vpop (xrf2)  }
0x39c: {  	[tilespmem:v20+s10+$0x0] =	vst.idx.msk $0xff, v37;
	(erf) = vrcp.f32 v6;
	v6 =	vbroadcast v46, $0xF  }
0x39d: {  	s24 =	sadd.s32 $0x4000, s17;
	v45 =	vmul.f32 v54, v48;
	[tilespmem:v31+s11+$0x0] =	vst.idx.msk $0xff, v36  }
0x39e: {  	v5 =	vmul.f32 v5, v50;
	v48 =	vor.u32 s24, v0;
	[tilespmem:v15+s11+$0x0] =	vst.idx.msk $0xff, v13  }
0x39f: {  	v49, _, _ =	vpop (xrf2);
	v13 =	vld [tilespmem:$0x1FFD0];
	[tilespmem:v19+s10+$0x0] =	vst.idx.msk $0xff, v45  }
0x3a0: {  	v50 =	vbroadcast v49, $0xF;
	(erf) = vrcp.f32 v6;
	v6 =	vpop (erf);
	[tilespmem:v18+s10+$0x0] =	vst.idx.msk $0xff, v5  }
0x3a1: {  	v51, _, _ =	vpop (xrf2);
	[tilespmem:v19+s11+$0x0] =	vst.idx.msk $0xff, v27;
	v6 =	vmul.f32 v6, v24  }
0x3a2: {  	s25 =	sadd.s32 $0x4080, s17;
	v52 =	vbroadcast v51, $0xF;
	(erf) = vrcp.f32 v50;
	v5 =	vpop (erf);
	[tilespmem:v18+s11+$0x0] =	vst.idx.msk $0xff, v29  }
0x3a3: {  	v53 =	vor.u32 s25, v0;
	v54, _, _ =	vpop (xrf2);
	v5 =	vmul.f32 v5, v34;
	[tilespmem:v48+s10+$0x0] =	vst.idx.msk $0xff, v6  }
0x3a4: {  	s26 =	sadd.s32 $0x4100, s17;
	(erf) = vrcp.f32 v52;
	v6 =	vbroadcast v54, $0xF;
	[tilespmem:v48+s11+$0x0] =	vst.idx.msk $0xff, v47  }
0x3a5: {  	v55 =	vor.u32 s26, v0;
	v56 =	vpop (erf);
	[tilespmem:v16+s10+$0x0] =	vst.idx.msk $0xff, v5  }
0x3a6: {  	s28 =	sadd.s32 $0x4180, s17;
	v5 =	vmul.f32 v56, v9;
	[tilespmem:v20+s11+$0x0] =	vst.idx.msk $0xff, v13;
	(erf) = vrcp.f32 v6  }
0x3a7: {  	[tilespmem:v16+s11+$0x0] =	vst.idx.msk $0xff, v28;
	v6 =	vor.u32 s28, v0;
	v57 =	vpop (erf)  }
0x3a8: {  	s29 =	sadd.s32 $0x4200, s17;
	[tilespmem:v53+s10+$0x0] =	vst.idx.msk $0xff, v5;
	v5 =	vmul.f32 v57, v10  }
0x3a9: {  	v58 =	vor.u32 s29, v0;
	[tilespmem:v53+s11+$0x0] =	vst.idx.msk $0xff, v44;
	v59 =	vpop (erf)  }
0x3aa: {  	s30 =	sadd.s32 $0x4280, s17;
	[tilespmem:v55+s10+$0x0] =	vst.idx.msk $0xff, v5;
	v5 =	vmul.f32 v59, v12  }
0x3ab: {  	v60 =	vor.u32 s30, v0;
	[tilespmem:v55+s11+$0x0] =	vst.idx.msk $0xff, v38;
	v61 =	vpop (erf)  }
0x3ac: {  	s31 =	sadd.s32 $0x4300, s17;
	[tilespmem:v6+s10+$0x0] =	vst.idx.msk $0xff, v5;
	v5 =	vmul.f32 v61, v21  }
0x3ad: {  	v62 =	vpop (erf);
	[tilespmem:v6+s11+$0x0] =	vst.idx.msk $0xff, v39;
	v6 =	vor.u32 s31, v0  }
0x3ae: {  	[tilespmem:v58+s10+$0x0] =	vst.idx.msk $0xff, v5;
	v5 =	vmul.f32 v62, v30  }
0x3af: {  	[tilespmem:v58+s11+$0x0] =	vst.idx.msk $0xff, v42;
	v63 =	vpop (erf)  }
0x3b0: {  	[tilespmem:v60+s10+$0x0] =	vst.idx.msk $0xff, v5;
	v5 =	vmul.f32 v63, v7  }
0x3b1: {  	[tilespmem:v60+s11+$0x0] =	vst.idx.msk $0xff, v40  }
0x3b2: {  	[tilespmem:v6+s10+$0x0] =	vst.idx.msk $0xff, v5  }
0x3b3: {  	[tilespmem:v6+s11+$0x0] =	vst.idx.msk $0xff, v43  }
0x3b4: {  	[hbm4b:s4+s1] =	stream.linear.scatter [tilespmem:s10], [sflag:$0x1], $0x4000, $0x38;
	[tilespmem:$0x14000] =	vst v63  }
0x3b5: {  	_ = 	snop  }
0x3b6: {  	[hbm4b:s5+s1] =	stream.linear.scatter [tilespmem:s12], [sflag:$0x1], $0x4000, $0x38;
	[tilespmem:$0x14000] =	vst v63  }
0x3b7: {  	_ = 	snop  }
0x3b8: {  	[hbm4b:s6+s1] =	stream.linear.scatter [tilespmem:s11], [sflag:$0x1], $0x4000, $0x38;
	[tilespmem:$0x14000] =	vst v63  }
0x3b9: {  	_ = 	snop  }
0x3ba: {  	[hbm4b:s7+s1] =	stream.linear.scatter [tilespmem:s13], [sflag:$0x1], $0x4000, $0x38;
	[tilespmem:$0x14000] =	vst v63  }
0x3bb: {  	_ =	swait.ge [sflag:s14], $0x4000  }
0x3bc: {  	[sflag:s14] =	ssyncset.done $0x0  }
0x3bd: {  	[sflag:s14] =	ssyncadd.s32 $0xFFFFC000  }
0x3be: {  	_ =	swait.ge [sflag:s14], $0x4000  }
0x3bf: {  	[sflag:s14] =	ssyncset.done $0x0  }
0x3c0: {  	s15 =	sadd.s32 $0x1, s15;
	[sflag:s14] =	ssyncadd.s32 $0xFFFFC000  }
0x3c1: {  	p0 =	sne.s32 s15, s8;
	_ =	swait.ge [sflag:s14], $0x4000  }
.Ltmp1:
0x3c2: {  	[sflag:s14] =	ssyncset.done $0x0;
	(pc) =	sbr.rel @p0 .LBB2_1-.Ltmp1, $4  }
0x3c3: {  	[sflag:s14] =	ssyncadd.s32 $0xFFFFC000  }
0x3c4: {  	_ =	swait.ge [sflag:s14], $0x4000  }
0x3c5: {  	[sflag:s14] =	ssyncset.done $0x0  }
0x3c6: {  	[sflag:s14] =	ssyncadd.s32 $0xFFFFC000  }
0x3c7: {  	_ =	sfence.sel $0x180000  }
0x3c8: {  	[bflag:$0x0] =	sbarrier.arrive $0xFFFF  }
0x3c9: {  	p0 =	sne.s32 s2, $0x0;
	_ =	strace $0x9000004A  }
0x3ca: {  	s0 =	sadd.s32 @!p0 $0x100000, s0;
	[bflag:$0x2] =	sbarrier.arrive $0xFFFF  }
0x3cb: {  	[sflag:s0] =	ssyncadd.tile.s32 @!p0 $0x1;
	_ =	shalt  }
.Lfunc_end2:
_tile_overlayer_lowered:
.L_overlay_start_2:
0x3cc: {  	(tag) =	ssettag $0x2  }
0x3cd: {  	s0 =	rddreg [dreg:$0x0];
	s2 =	stileid.u32  }
0x3ce: {  	s1 =	rddreg [dreg:$0x1];
	p0 =	sne.s32 s2, $0x0  }
0x3cf: {  	s3 =	rddreg [dreg:$0x2];
	[bflag:$0x3] =	sbarrier.arrive $0xFFFF;
	s2 =	simm.s32 @!p0 $0x1C02  }
0x3d0: {  	[timem:s3], [sflag:s2] =	dma.local @!p0 [hbm:s0], s1  }
0x3d1: {  	s0 =	simm.s32 @!p0 $0x2  }
0x3d2: {  	_ =	swait.ge @!p0 [sflag:s0], s1  }
0x3d3: {  	s1 =	ssub.s32 @!p0 $0x0, s1;
	[sflag:s0] =	ssyncset.done @!p0 $0x0  }
0x3d4: {  	[sflag:s0] =	ssyncadd.s32 @!p0 s1  }
0x3d5: {  	[bflag:$0x3] =	sbarrier.arrive $0xFFFF  }
0x3d6: {  	_ =	shalt  }

</sc_bundles>
